<compile_context>
chip_gen: v7x
topology: tpu7x:2x2x1
jax: 0.10.2.dev20260603
libtpu: 0.0.44.dev20260713+nightly
codegen_flags: <defaults>
</compile_context>

<pallas_src>
import functools

import jax
import jax.numpy as jnp
from jax import lax
from jax.experimental import pallas as pl
from jax.experimental.pallas import tpu as pltpu
from jax.experimental.pallas import tpu_sc as plsc

NN = 10000
EE = 160000
DD = 256
AA = 128
NPAD = 10240
EPAD = 163840
KB = 64
ROWS_B = EPAD // KB
BT = ROWS_B // 16
BH = ROWS_B // 32
IC = 16
SLAB = NPAD // 16
KX = 40
XROWS = NPAD // KX
XBT = XROWS // 32
BN = 400
GRID = NN // BN

_sc_mesh = plsc.VectorSubcoreMesh(core_axis_name="c", subcore_axis_name="s")


@functools.partial(
    pl.kernel,
    mesh=_sc_mesh,
    out_type=[
        jax.ShapeDtypeStruct((NPAD, DD), jnp.float32),
        jax.ShapeDtypeStruct((2 * NPAD, 16), jnp.float32),
        jax.ShapeDtypeStruct((2 * NPAD, 16), jnp.float32),
    ],
    scratch_types=[
        pltpu.VMEM((XBT, KX), jnp.int32),
        pltpu.VMEM((KX, DD), jnp.float32),
        pltpu.VMEM((IC, KB), jnp.int32),
        pltpu.VMEM((KB, 16), jnp.float32),
        pltpu.VMEM((128, 16), jnp.float32),
        pltpu.VMEM_SHARED((NPAD, 16), jnp.float32),
        pltpu.SemaphoreType.DMA,
    ],
)
def _sc_prep(emb_hbm, x2d_hbm, dst0_hbm, dst1_hbm,
             x0_out, hist0_out, hist1_out,
             idxn, gb0, idxe, ones_v, zero_v, h_sp, sem0):
  c = lax.axis_index("c")
  s = lax.axis_index("s")
  w = c * 16 + s

  def fill(i, carry):
    ones_v[i, :] = jnp.ones((16,), jnp.float32)
    return carry
  lax.fori_loop(0, KB, fill, 0)

  def fillz(i, carry):
    zero_v[i, :] = jnp.zeros((16,), jnp.float32)
    return carry
  lax.fori_loop(0, 128, fillz, 0)

  pltpu.sync_copy(x2d_hbm.at[pl.ds(w * XBT, XBT)], idxn)
  for q in range(XBT):
    pltpu.async_copy(emb_hbm.at[idxn.at[q]], gb0, sem0).wait()
    pltpu.sync_copy(gb0, x0_out.at[pl.ds(w * (XBT * KX) + q * KX, KX)])

  for dst_hbm, hist_out in ((dst0_hbm, hist0_out), (dst1_hbm, hist1_out)):
    for q in range(SLAB // 128):
      pltpu.sync_copy(zero_v, h_sp.at[pl.ds(s * SLAB + q * 128, 128)])
    plsc.subcore_barrier()

    def hchunk(qq, carry):
      pltpu.sync_copy(dst_hbm.at[pl.ds(w * BH + qq * IC, IC)], idxe)

      def hbody(j, carry2):
        pltpu.sync_copy(ones_v, h_sp.at[idxe.at[j]], add=True)
        return carry2
      return lax.fori_loop(0, IC, hbody, carry)
    lax.fori_loop(0, BH // IC, hchunk, 0)
    plsc.subcore_barrier()
    pltpu.sync_copy(h_sp.at[pl.ds(s * SLAB, SLAB)],
                    hist_out.at[pl.ds(c * NPAD + s * SLAB, SLAB)])
    plsc.subcore_barrier()


@functools.partial(
    pl.kernel,
    mesh=_sc_mesh,
    out_type=[
        jax.ShapeDtypeStruct((2 * NPAD, AA), jnp.float32),
        jax.ShapeDtypeStruct((2 * NPAD, AA), jnp.float32),
    ],
    scratch_types=[
        pltpu.VMEM((IC, KB), jnp.int32),
        pltpu.VMEM((IC, KB), jnp.int32),
        pltpu.VMEM((KB, AA), jnp.float32),
        pltpu.VMEM((KB, AA), jnp.float32),
        pltpu.VMEM_SHARED((NPAD, AA), jnp.float32),
        pltpu.SemaphoreType.DMA,
        pltpu.SemaphoreType.DMA,
    ],
)
def _sc_scatter2(hp0_hbm, hp1_hbm, srcm0_hbm, dstm0_hbm, srcm1_hbm,
                 dstm1_hbm, s0_out, s1_out,
                 idxs, idxd, gb0, gb1, acc_sp, sem0, sem1):
  c = lax.axis_index("c")
  s = lax.axis_index("s")
  coff = c * NPAD
  for hp_hbm, srcm_hbm, dstm_hbm, s_out in (
      (hp0_hbm, srcm0_hbm, dstm0_hbm, s0_out),
      (hp1_hbm, srcm1_hbm, dstm1_hbm, s1_out)):
    pltpu.sync_copy(hp_hbm.at[pl.ds(coff + s * SLAB, SLAB)],
                    acc_sp.at[pl.ds(s * SLAB, SLAB)])
    plsc.subcore_barrier()

    def chunk(qq, carry):
      pltpu.sync_copy(
          srcm_hbm.at[pl.ds(c * ROWS_B + s * BT + qq * IC, IC)], idxs)
      pltpu.sync_copy(dstm_hbm.at[pl.ds(s * BT + qq * IC, IC)], idxd)

      def body(jj, carry2):
        j0 = 2 * jj
        d0 = pltpu.async_copy(hp_hbm.at[idxs.at[j0]], gb0, sem0)
        d1 = pltpu.async_copy(hp_hbm.at[idxs.at[j0 + 1]], gb1, sem1)
        d0.wait()
        pltpu.sync_copy(gb0, acc_sp.at[idxd.at[j0]], add=True)
        d1.wait()
        pltpu.sync_copy(gb1, acc_sp.at[idxd.at[j0 + 1]], add=True)
        return carry2
      return lax.fori_loop(0, IC // 2, body, carry)
    lax.fori_loop(0, BT // IC, chunk, 0)
    plsc.subcore_barrier()
    pltpu.sync_copy(acc_sp.at[pl.ds(s * SLAB, SLAB)],
                    s_out.at[pl.ds(coff + s * SLAB, SLAB)])
    plsc.subcore_barrier()


def _dis_block(dp_ref):
  deg = dp_ref[0, :, 0:1] + dp_ref[1, :, 0:1]
  return lax.rsqrt(1.0 + deg)


def _m1_body(x_ref, w1_ref, dp0_ref, dp1_ref, o0_ref, o1_ref):
  xb = jnp.maximum(x_ref[...], 0.0)
  h = jnp.dot(xb, w1_ref[...], preferred_element_type=jnp.float32)
  for dp_ref, o_ref in ((dp0_ref, o0_ref), (dp1_ref, o1_ref)):
    dis = _dis_block(dp_ref)
    o_ref[0, :, :] = h[:, :AA] * dis
    o_ref[1, :, :] = h[:, AA:] * dis


def _m1(x0, w1, dp0, dp1):
  return pl.pallas_call(
      _m1_body,
      grid=(GRID,),
      in_specs=[
          pl.BlockSpec((BN, DD), lambda i: (i, 0)),
          pl.BlockSpec((DD, DD), lambda i: (0, 0)),
          pl.BlockSpec((2, BN, 16), lambda i: (0, i, 0)),
          pl.BlockSpec((2, BN, 16), lambda i: (0, i, 0)),
      ],
      out_specs=[pl.BlockSpec((2, BN, AA), lambda i: (0, i, 0))] * 2,
      out_shape=[jax.ShapeDtypeStruct((2, NPAD, AA), jnp.float32)] * 2,
  )(x0, w1, dp0, dp1)


def _m2_body(s1_ref, w2_ref, b1_ref, dp_ref, o_ref):
  dis = _dis_block(dp_ref)
  a1 = jnp.concatenate([s1_ref[0], s1_ref[1]], axis=1) * dis + b1_ref[...]
  h = jnp.dot(jnp.maximum(a1, 0.0), w2_ref[...],
              preferred_element_type=jnp.float32)
  o_ref[0, :, :] = h[:, :AA] * dis
  o_ref[1, :, :] = h[:, AA:] * dis


def _m2(s1, w2, b1, dp):
  return pl.pallas_call(
      _m2_body,
      grid=(GRID,),
      in_specs=[
          pl.BlockSpec((2, BN, AA), lambda i: (0, i, 0)),
          pl.BlockSpec((DD, DD), lambda i: (0, 0)),
          pl.BlockSpec((1, DD), lambda i: (0, 0)),
          pl.BlockSpec((2, BN, 16), lambda i: (0, i, 0)),
      ],
      out_specs=pl.BlockSpec((2, BN, AA), lambda i: (0, i, 0)),
      out_shape=jax.ShapeDtypeStruct((2, NPAD, AA), jnp.float32),
  )(s1, w2, b1, dp)


def _score_body(s20_ref, s21_ref, dp0_ref, dp1_ref, b2_ref,
                wsem_ref, bsem_ref, qsem_ref, att_ref, acc_ref):
  i = pl.program_id(0)

  @pl.when(i == 0)
  def _():
    acc_ref[0, 0] = 0.0
    acc_ref[0, 1] = 0.0

  for g, (s2_ref, dp_ref) in enumerate(((s20_ref, dp0_ref),
                                        (s21_ref, dp1_ref))):
    dis = _dis_block(dp_ref)
    out = jnp.maximum(
        jnp.concatenate([s2_ref[0], s2_ref[1]], axis=1) * dis + b2_ref[...],
        0.0)
    hp = jnp.tanh(jnp.dot(out, wsem_ref[...],
                          preferred_element_type=jnp.float32) + bsem_ref[...])
    acc_ref[0, g] += jnp.sum(hp * qsem_ref[...])

  @pl.when(i == GRID - 1)
  def _():
    s0 = acc_ref[0, 0] / NN
    s1 = acc_ref[0, 1] / NN
    m = jnp.maximum(s0, s1)
    e0 = jnp.exp(s0 - m)
    e1 = jnp.exp(s1 - m)
    att_ref[0, 0] = e0 / (e0 + e1)
    att_ref[0, 1] = e1 / (e0 + e1)


def _score(s20, s21, dp0, dp1, b2, wsem, bsem, qsem):
  return pl.pallas_call(
      _score_body,
      grid=(GRID,),
      in_specs=[
          pl.BlockSpec((2, BN, AA), lambda i: (0, i, 0)),
          pl.BlockSpec((2, BN, AA), lambda i: (0, i, 0)),
          pl.BlockSpec((2, BN, 16), lambda i: (0, i, 0)),
          pl.BlockSpec((2, BN, 16), lambda i: (0, i, 0)),
          pl.BlockSpec((1, DD), lambda i: (0, 0)),
          pl.BlockSpec((DD, AA), lambda i: (0, 0)),
          pl.BlockSpec((1, AA), lambda i: (0, 0)),
          pl.BlockSpec((1, AA), lambda i: (0, 0)),
      ],
      out_specs=pl.BlockSpec(memory_space=pltpu.SMEM),
      out_shape=jax.ShapeDtypeStruct((1, 2), jnp.float32),
      scratch_shapes=[pltpu.SMEM((1, 2), jnp.float32)],
  )(s20, s21, dp0, dp1, b2, wsem, bsem, qsem)


def _final_body(att_ref, s20_ref, s21_ref, dp0_ref, dp1_ref, b2_ref, o_ref):
  outs = []
  for s2_ref, dp_ref in ((s20_ref, dp0_ref), (s21_ref, dp1_ref)):
    dis = _dis_block(dp_ref)
    outs.append(jnp.maximum(
        jnp.concatenate([s2_ref[0], s2_ref[1]], axis=1) * dis + b2_ref[...],
        0.0))
  o_ref[...] = outs[0] * att_ref[0, 0] + outs[1] * att_ref[0, 1]


def _final(att, s20, s21, dp0, dp1, b2):
  return pl.pallas_call(
      _final_body,
      grid=(GRID,),
      in_specs=[
          pl.BlockSpec(memory_space=pltpu.SMEM),
          pl.BlockSpec((2, BN, AA), lambda i: (0, i, 0)),
          pl.BlockSpec((2, BN, AA), lambda i: (0, i, 0)),
          pl.BlockSpec((2, BN, 16), lambda i: (0, i, 0)),
          pl.BlockSpec((2, BN, 16), lambda i: (0, i, 0)),
          pl.BlockSpec((1, DD), lambda i: (0, 0)),
      ],
      out_specs=pl.BlockSpec((BN, DD), lambda i: (i, 0)),
      out_shape=jax.ShapeDtypeStruct((NN, DD), jnp.float32),
  )(att, s20, s21, dp0, dp1, b2)


def _edge_arrays(ei):
  src = ei[0].astype(jnp.int32)
  dst = ei[1].astype(jnp.int32)
  pad_s = jnp.zeros((EPAD - EE,), jnp.int32)
  pad_d = jnp.full((EPAD - EE,), NN, jnp.int32)
  src_p = jnp.concatenate([src, pad_s]).reshape(ROWS_B, KB)
  dst_p = jnp.concatenate([dst, pad_d]).reshape(ROWS_B, KB)
  srcm = jnp.concatenate([src_p, src_p + NPAD], axis=0)
  return srcm, dst_p


def kernel(x, edge_index_0, edge_index_1, emb_table, W1, b1, W2, b2,
           Wsem, bsem, qsem):
  x_i = x.astype(jnp.int32)
  x2d = jnp.concatenate(
      [x_i, jnp.zeros((NPAD - NN,), jnp.int32)]).reshape(XROWS, KX)
  src0m, dst0m = _edge_arrays(edge_index_0)
  src1m, dst1m = _edge_arrays(edge_index_1)

  x0, hist0, hist1 = _sc_prep(emb_table, x2d, dst0m, dst1m)
  dp0 = hist0.reshape(2, NPAD, 16)
  dp1 = hist1.reshape(2, NPAD, 16)

  h1p0, h1p1 = _m1(x0, W1, dp0, dp1)

  s10f, s11f = _sc_scatter2(h1p0.reshape(2 * NPAD, AA),
                            h1p1.reshape(2 * NPAD, AA),
                            src0m, dst0m, src1m, dst1m)
  s10 = s10f.reshape(2, NPAD, AA)
  s11 = s11f.reshape(2, NPAD, AA)

  b1r = b1.reshape(1, DD)
  h2p0 = _m2(s10, W2, b1r, dp0)
  h2p1 = _m2(s11, W2, b1r, dp1)

  s20f, s21f = _sc_scatter2(h2p0.reshape(2 * NPAD, AA),
                            h2p1.reshape(2 * NPAD, AA),
                            src0m, dst0m, src1m, dst1m)
  s20 = s20f.reshape(2, NPAD, AA)
  s21 = s21f.reshape(2, NPAD, AA)

  b2r = b2.reshape(1, DD)
  att = _score(s20, s21, dp0, dp1, b2r, Wsem, bsem, qsem)
  h_emb = _final(att, s20, s21, dp0, dp1, b2r)
  return (h_emb, att)

# --- scband reference (transcript-rebuilt; emitter-appended) ---
"""Pipeline reference for scband-lhgi-3435973837187 (READ-ONLY COPY).

The authoritative reference and input builder live on the scoring server;
editing this copy changes nothing except your own understanding.
"""

import jax, jax.numpy as jnp
import numpy as np

N = 10000
E = 160000
D = 256
A = 128
P = 2


def _glorot(key, shape, gain=1.414):
    fan_in, fan_out = shape[0], shape[1]
    limit = gain * np.sqrt(6.0 / (fan_in + fan_out))
    return jax.random.uniform(key, shape, minval=-limit, maxval=limit, dtype=jnp.float32)


def setup_inputs(seed: int = 0) -> dict:
    key = jax.random.key(seed)
    ks = jax.random.split(key, 12)
    x = jax.random.randint(ks[0], (N,), 0, N, dtype=jnp.int64)
    edge_index_0 = jax.random.randint(ks[1], (2, E), 0, N, dtype=jnp.int64)
    edge_index_1 = jax.random.randint(ks[2], (2, E), 0, N, dtype=jnp.int64)
    emb_table = jax.random.normal(ks[3], (N + 1, D), dtype=jnp.float32) * 0.02
    W1 = jax.random.normal(ks[4], (D, D), dtype=jnp.float32) * (1.0 / np.sqrt(D))
    b1 = jnp.zeros((D,), dtype=jnp.float32)
    W2 = jax.random.normal(ks[5], (D, D), dtype=jnp.float32) * (1.0 / np.sqrt(D))
    b2 = jnp.zeros((D,), dtype=jnp.float32)
    Wsem = _glorot(ks[6], (D, A))
    bsem = _glorot(ks[7], (1, A))
    qsem = _glorot(ks[8], (1, A))
    return {"x": x, "edge_index_0": edge_index_0, "edge_index_1": edge_index_1,
            "emb_table": emb_table, "W1": W1, "b1": b1, "W2": W2, "b2": b2,
            "Wsem": Wsem, "bsem": bsem, "qsem": qsem}


def _gcn_conv(x, edge_index, W, b):
    num_nodes = x.shape[0]
    src = edge_index[0]
    dst = edge_index[1]
    loop = jnp.arange(num_nodes, dtype=src.dtype)
    src = jnp.concatenate([src, loop])
    dst = jnp.concatenate([dst, loop])
    deg = jnp.zeros((num_nodes,), dtype=x.dtype).at[dst].add(1.0)
    deg_inv_sqrt = jnp.where(deg > 0, deg ** -0.5, 0.0)
    norm = deg_inv_sqrt[src] * deg_inv_sqrt[dst]
    h = x @ W
    msg = h[src] * norm[:, None]
    out = jnp.zeros((num_nodes, W.shape[1]), dtype=x.dtype).at[dst].add(msg)
    return out + b


def reference(x, edge_index_0, edge_index_1, emb_table, W1, b1, W2, b2, Wsem, bsem, qsem):
    X0 = jax.nn.relu(jnp.take(emb_table, x, axis=0))
    outs = []
    for ei in (edge_index_0, edge_index_1):
        h = jax.nn.relu(_gcn_conv(X0, ei, W1, b1))
        h = jax.nn.relu(_gcn_conv(h, ei, W2, b2))
        outs.append(h)
    cat = jnp.concatenate(outs, axis=0)  # [P*N, D]
    hp = jnp.tanh(cat @ Wsem + bsem)
    scores = (hp @ qsem.T).reshape(P, -1)  # [P, N]
    s = scores.mean(axis=1, keepdims=True)  # [P, 1]
    att = jax.nn.softmax(s, axis=0)  # [P, 1]
    att_score_weight = att.T  # [1, P]
    inp = cat.reshape(P, -1, D)
    h_embedding = jnp.sum(inp * att[:, :, None], axis=0)  # [N, D]
    return (h_embedding, att_score_weight)

if __name__ == "__main__":
    import jax
    _d = setup_inputs()
    print(jax.jit(kernel)(*tuple(_d.values())))

</pallas_src>

<mosaic_0001>
#map = affine_map<(d0, d1) -> (0, 0)>
module attributes {stable_mosaic.version = 14 : i64} {
  func.func @_sc_scatter2(%arg0: i32, %arg1: i32, %arg2: memref<20480x128xf32, #tpu.memory_space<hbm>>, %arg3: memref<20480x128xf32, #tpu.memory_space<hbm>>, %arg4: memref<5120x64xi32, #tpu.memory_space<hbm>>, %arg5: memref<2560x64xi32, #tpu.memory_space<hbm>>, %arg6: memref<5120x64xi32, #tpu.memory_space<hbm>>, %arg7: memref<2560x64xi32, #tpu.memory_space<hbm>>, %arg8: memref<20480x128xf32, #tpu.memory_space<hbm>>, %arg9: memref<20480x128xf32, #tpu.memory_space<hbm>>, %arg10: memref<16x64xi32, #tpu.memory_space<vmem>>, %arg11: memref<16x64xi32, #tpu.memory_space<vmem>>, %arg12: memref<64x128xf32, #tpu.memory_space<vmem>>, %arg13: memref<64x128xf32, #tpu.memory_space<vmem>>, %arg14: memref<10240x128xf32, #tpu.memory_space<vmem_shared>>, %arg15: memref<!tpu.dma_semaphore, #tpu.memory_space<semaphore_mem>>, %arg16: memref<!tpu.dma_semaphore, #tpu.memory_space<semaphore_mem>>) attributes {dimension_semantics = [#tpu.dimension_semantics<core_parallel>, #tpu.dimension_semantics<subcore_parallel>], iteration_bounds = array<i64: 2, 16>, scalar_prefetch = 0 : i64, scratch_operands = 7 : i64, tpu.core_type = #tpu.core_type<sc_vector_subcore>, window_params = [{transform_indices = #map}, {transform_indices = #map}, {transform_indices = #map}, {transform_indices = #map}, {transform_indices = #map}, {transform_indices = #map}, {transform_indices = #map}, {transform_indices = #map}]} {
    %mul3A = arith.constant 10240 : i32
    %mul3A_0 = arith.muli %arg0, %mul3A : i32
    %mul3A_1 = arith.constant 640 : i32
    %mul3A_2 = arith.muli %arg1, %mul3A_1 : i32
    %add3A = arith.addi %mul3A_0, %mul3A_2 : i32
    %mul3A_3 = arith.constant 640 : i32
    %mul3A_4 = arith.muli %arg1, %mul3A_3 : i32
    "tpu.region"() ({
      %run_scoped3A = tpu.sem_alloc : memref<!tpu.dma_semaphore, #tpu.memory_space<semaphore_mem>>
      %dma_start3A = arith.constant 0 : i32
      %dma_start3A_36 = tpu.memref_slice %arg14[%mul3A_4, %dma_start3A] : memref<10240x128xf32, #tpu.memory_space<vmem_shared>> -> memref<640x128xf32, #tpu.memory_space<vmem_shared>>
      %dma_start3A_37 = arith.constant 0 : i32
      %dma_start3A_38 = tpu.memref_slice %arg2[%add3A, %dma_start3A_37] : memref<20480x128xf32, #tpu.memory_space<hbm>> -> memref<640x128xf32, #tpu.memory_space<hbm>>
      tpu.enqueue_dma source(%dma_start3A_38 : memref<640x128xf32, #tpu.memory_space<hbm>>) target(%dma_start3A_36 : memref<640x128xf32, #tpu.memory_space<vmem_shared>>) target_semaphore(%run_scoped3A : memref<!tpu.dma_semaphore, #tpu.memory_space<semaphore_mem>>)
      %dma_wait3A = arith.constant 0 : i32
      %dma_wait3A_39 = tpu.memref_slice %arg14[%mul3A_4, %dma_wait3A] : memref<10240x128xf32, #tpu.memory_space<vmem_shared>> -> memref<640x128xf32, #tpu.memory_space<vmem_shared>>
      %dma_wait3A_40 = arith.constant 0 : i32
      %dma_wait3A_41 = tpu.memref_slice %arg2[%add3A, %dma_wait3A_40] : memref<20480x128xf32, #tpu.memory_space<hbm>> -> memref<640x128xf32, #tpu.memory_space<hbm>>
      tpu.wait_dma2 semaphore(%run_scoped3A : memref<!tpu.dma_semaphore, #tpu.memory_space<semaphore_mem>>) src(%dma_wait3A_41 : memref<640x128xf32, #tpu.memory_space<hbm>>) dst(%dma_wait3A_39 : memref<640x128xf32, #tpu.memory_space<vmem_shared>>)
      tpu.yield
    }) : () -> ()
    %barrier3A = arith.constant 0 : index
    tpu.barrier barrier_id(%barrier3A)
    %scan3A = arith.constant 0 : i32
    %scan3A_5 = arith.constant 0 : i32
    %scan3A_6 = arith.constant 10 : i32
    %scan3A_7 = arith.addi %scan3A_5, %scan3A_6 : i32
    %scan3A_8 = arith.constant 1 : i32
    scf.for %scan3A_36 = %scan3A_5 to %scan3A_7 step %scan3A_8  : i32 {
      %mul3A_37 = arith.constant 2560 : i32
      %mul3A_38 = arith.muli %arg0, %mul3A_37 : i32
      %mul3A_39 = arith.constant 160 : i32
      %mul3A_40 = arith.muli %arg1, %mul3A_39 : i32
      %add3A_41 = arith.addi %mul3A_38, %mul3A_40 : i32
      %mul3A_42 = arith.constant 16 : i32
      %mul3A_43 = arith.muli %scan3A_36, %mul3A_42 : i32
      %add3A_44 = arith.addi %add3A_41, %mul3A_43 : i32
      "tpu.region"() ({
        %run_scoped3A = tpu.sem_alloc : memref<!tpu.dma_semaphore, #tpu.memory_space<semaphore_mem>>
        %dma_start3A = arith.constant 0 : i32
        %dma_start3A_55 = tpu.memref_slice %arg4[%add3A_44, %dma_start3A] : memref<5120x64xi32, #tpu.memory_space<hbm>> -> memref<16x64xi32, #tpu.memory_space<hbm>>
        %dma_start3A_56 = arith.constant 0 : i32
        %dma_start3A_57 = tpu.memref_slice %arg4[%add3A_44, %dma_start3A_56] : memref<5120x64xi32, #tpu.memory_space<hbm>> -> memref<16x64xi32, #tpu.memory_space<hbm>>
        tpu.enqueue_dma source(%dma_start3A_57 : memref<16x64xi32, #tpu.memory_space<hbm>>) target(%arg10 : memref<16x64xi32, #tpu.memory_space<vmem>>) target_semaphore(%run_scoped3A : memref<!tpu.dma_semaphore, #tpu.memory_space<semaphore_mem>>)
        %dma_wait3A = arith.constant 0 : i32
        %dma_wait3A_58 = tpu.memref_slice %arg4[%add3A_44, %dma_wait3A] : memref<5120x64xi32, #tpu.memory_space<hbm>> -> memref<16x64xi32, #tpu.memory_space<hbm>>
        %dma_wait3A_59 = arith.constant 0 : i32
        %dma_wait3A_60 = tpu.memref_slice %arg4[%add3A_44, %dma_wait3A_59] : memref<5120x64xi32, #tpu.memory_space<hbm>> -> memref<16x64xi32, #tpu.memory_space<hbm>>
        tpu.wait_dma2 semaphore(%run_scoped3A : memref<!tpu.dma_semaphore, #tpu.memory_space<semaphore_mem>>) src(%dma_wait3A_60 : memref<16x64xi32, #tpu.memory_space<hbm>>) dst(%arg10 : memref<16x64xi32, #tpu.memory_space<vmem>>)
        tpu.yield
      }) : () -> ()
      %mul3A_45 = arith.constant 160 : i32
      %mul3A_46 = arith.muli %arg1, %mul3A_45 : i32
      %mul3A_47 = arith.constant 16 : i32
      %mul3A_48 = arith.muli %scan3A_36, %mul3A_47 : i32
      %add3A_49 = arith.addi %mul3A_46, %mul3A_48 : i32
      "tpu.region"() ({
        %run_scoped3A = tpu.sem_alloc : memref<!tpu.dma_semaphore, #tpu.memory_space<semaphore_mem>>
        %dma_start3A = arith.constant 0 : i32
        %dma_start3A_55 = tpu.memref_slice %arg5[%add3A_49, %dma_start3A] : memref<2560x64xi32, #tpu.memory_space<hbm>> -> memref<16x64xi32, #tpu.memory_space<hbm>>
        %dma_start3A_56 = arith.constant 0 : i32
        %dma_start3A_57 = tpu.memref_slice %arg5[%add3A_49, %dma_start3A_56] : memref<2560x64xi32, #tpu.memory_space<hbm>> -> memref<16x64xi32, #tpu.memory_space<hbm>>
        tpu.enqueue_dma source(%dma_start3A_57 : memref<16x64xi32, #tpu.memory_space<hbm>>) target(%arg11 : memref<16x64xi32, #tpu.memory_space<vmem>>) target_semaphore(%run_scoped3A : memref<!tpu.dma_semaphore, #tpu.memory_space<semaphore_mem>>)
        %dma_wait3A = arith.constant 0 : i32
        %dma_wait3A_58 = tpu.memref_slice %arg5[%add3A_49, %dma_wait3A] : memref<2560x64xi32, #tpu.memory_space<hbm>> -> memref<16x64xi32, #tpu.memory_space<hbm>>
        %dma_wait3A_59 = arith.constant 0 : i32
        %dma_wait3A_60 = tpu.memref_slice %arg5[%add3A_49, %dma_wait3A_59] : memref<2560x64xi32, #tpu.memory_space<hbm>> -> memref<16x64xi32, #tpu.memory_space<hbm>>
        tpu.wait_dma2 semaphore(%run_scoped3A : memref<!tpu.dma_semaphore, #tpu.memory_space<semaphore_mem>>) src(%dma_wait3A_60 : memref<16x64xi32, #tpu.memory_space<hbm>>) dst(%arg11 : memref<16x64xi32, #tpu.memory_space<vmem>>)
        tpu.yield
      }) : () -> ()
      %scan3A_50 = arith.constant 0 : i32
      %scan3A_51 = arith.constant 8 : i32
      %scan3A_52 = arith.addi %scan3A_50, %scan3A_51 : i32
      %scan3A_53 = arith.constant 1 : i32
      scf.for %scan3A_55 = %scan3A_50 to %scan3A_52 step %scan3A_53  : i32 {
        %mul3A_56 = arith.constant 2 : i32
        %mul3A_57 = arith.muli %mul3A_56, %scan3A_55 : i32
        %dma_start3A = arith.constant 0 : i32
        %dma_start3A_58 = tpu.memref_slice %arg10[%mul3A_57, %dma_start3A] : memref<16x64xi32, #tpu.memory_space<vmem>> -> memref<1x64xi32, #tpu.memory_space<vmem>>
        %dma_start3A_59 = tpu.memref_squeeze %dma_start3A_58 : memref<1x64xi32, #tpu.memory_space<vmem>> -> memref<64xi32, #tpu.memory_space<vmem>>
        %dma_start3A_60 = arith.constant 0 : i32
        %dma_start3A_61 = arith.constant 0 : i32
        %dma_start3A_62 = tpu.memref_slice %arg2[%dma_start3A_60, %dma_start3A_61] : memref<20480x128xf32, #tpu.memory_space<hbm>> -> memref<20480x128xf32, #tpu.memory_space<hbm>>
        tpu.enqueue_indirect_dma source(%dma_start3A_62 : memref<20480x128xf32, #tpu.memory_space<hbm>>) target(%arg12 : memref<64x128xf32, #tpu.memory_space<vmem>>) offsets(%dma_start3A_59 : memref<64xi32, #tpu.memory_space<vmem>>) semaphore(%arg15 : memref<!tpu.dma_semaphore, #tpu.memory_space<semaphore_mem>>)
        %add3A_63 = arith.constant 1 : i32
        %add3A_64 = arith.addi %mul3A_57, %add3A_63 : i32
        %dma_start3A_65 = arith.constant 0 : i32
        %dma_start3A_66 = tpu.memref_slice %arg10[%add3A_64, %dma_start3A_65] : memref<16x64xi32, #tpu.memory_space<vmem>> -> memref<1x64xi32, #tpu.memory_space<vmem>>
        %dma_start3A_67 = tpu.memref_squeeze %dma_start3A_66 : memref<1x64xi32, #tpu.memory_space<vmem>> -> memref<64xi32, #tpu.memory_space<vmem>>
        %dma_start3A_68 = arith.constant 0 : i32
        %dma_start3A_69 = arith.constant 0 : i32
        %dma_start3A_70 = tpu.memref_slice %arg2[%dma_start3A_68, %dma_start3A_69] : memref<20480x128xf32, #tpu.memory_space<hbm>> -> memref<20480x128xf32, #tpu.memory_space<hbm>>
        tpu.enqueue_indirect_dma source(%dma_start3A_70 : memref<20480x128xf32, #tpu.memory_space<hbm>>) target(%arg13 : memref<64x128xf32, #tpu.memory_space<vmem>>) offsets(%dma_start3A_67 : memref<64xi32, #tpu.memory_space<vmem>>) semaphore(%arg16 : memref<!tpu.dma_semaphore, #tpu.memory_space<semaphore_mem>>)
        %dma_wait3A = arith.constant 0 : i32
        %dma_wait3A_71 = tpu.memref_slice %arg10[%mul3A_57, %dma_wait3A] : memref<16x64xi32, #tpu.memory_space<vmem>> -> memref<1x64xi32, #tpu.memory_space<vmem>>
        %dma_wait3A_72 = tpu.memref_squeeze %dma_wait3A_71 : memref<1x64xi32, #tpu.memory_space<vmem>> -> memref<64xi32, #tpu.memory_space<vmem>>
        %dma_wait3A_73 = arith.constant 0 : i32
        %dma_wait3A_74 = arith.constant 0 : i32
        %dma_wait3A_75 = tpu.memref_slice %arg2[%dma_wait3A_73, %dma_wait3A_74] : memref<20480x128xf32, #tpu.memory_space<hbm>> -> memref<20480x128xf32, #tpu.memory_space<hbm>>
        tpu.wait_indirect_dma semaphore(%arg15 : memref<!tpu.dma_semaphore, #tpu.memory_space<semaphore_mem>>) src(%dma_wait3A_75 : memref<20480x128xf32, #tpu.memory_space<hbm>>) dst(%arg12 : memref<64x128xf32, #tpu.memory_space<vmem>>)
        "tpu.region"() ({
          %run_scoped3A = tpu.sem_alloc : memref<!tpu.dma_semaphore, #tpu.memory_space<semaphore_mem>>
          %dma_start3A_84 = arith.constant 0 : i32
          %dma_start3A_85 = tpu.memref_slice %arg11[%mul3A_57, %dma_start3A_84] : memref<16x64xi32, #tpu.memory_space<vmem>> -> memref<1x64xi32, #tpu.memory_space<vmem>>
          %dma_start3A_86 = tpu.memref_squeeze %dma_start3A_85 : memref<1x64xi32, #tpu.memory_space<vmem>> -> memref<64xi32, #tpu.memory_space<vmem>>
          %dma_start3A_87 = arith.constant 0 : i32
          %dma_start3A_88 = arith.constant 0 : i32
          %dma_start3A_89 = tpu.memref_slice %arg14[%dma_start3A_87, %dma_start3A_88] : memref<10240x128xf32, #tpu.memory_space<vmem_shared>> -> memref<10240x128xf32, #tpu.memory_space<vmem_shared>>
          tpu.enqueue_indirect_dma source(%arg12 : memref<64x128xf32, #tpu.memory_space<vmem>>) target(%dma_start3A_89 : memref<10240x128xf32, #tpu.memory_space<vmem_shared>>) offsets(%dma_start3A_86 : memref<64xi32, #tpu.memory_space<vmem>>) semaphore(%run_scoped3A : memref<!tpu.dma_semaphore, #tpu.memory_space<semaphore_mem>>) {add = true}
          %dma_wait3A_90 = arith.constant 0 : i32
          %dma_wait3A_91 = tpu.memref_slice %arg11[%mul3A_57, %dma_wait3A_90] : memref<16x64xi32, #tpu.memory_space<vmem>> -> memref<1x64xi32, #tpu.memory_space<vmem>>
          %dma_wait3A_92 = tpu.memref_squeeze %dma_wait3A_91 : memref<1x64xi32, #tpu.memory_space<vmem>> -> memref<64xi32, #tpu.memory_space<vmem>>
          %dma_wait3A_93 = arith.constant 0 : i32
          %dma_wait3A_94 = arith.constant 0 : i32
          %dma_wait3A_95 = tpu.memref_slice %arg14[%dma_wait3A_93, %dma_wait3A_94] : memref<10240x128xf32, #tpu.memory_space<vmem_shared>> -> memref<10240x128xf32, #tpu.memory_space<vmem_shared>>
          tpu.wait_indirect_dma semaphore(%run_scoped3A : memref<!tpu.dma_semaphore, #tpu.memory_space<semaphore_mem>>) src(%arg12 : memref<64x128xf32, #tpu.memory_space<vmem>>) dst(%dma_wait3A_95 : memref<10240x128xf32, #tpu.memory_space<vmem_shared>>)
          tpu.yield
        }) : () -> ()
        %dma_wait3A_76 = arith.constant 0 : i32
        %dma_wait3A_77 = tpu.memref_slice %arg10[%add3A_64, %dma_wait3A_76] : memref<16x64xi32, #tpu.memory_space<vmem>> -> memref<1x64xi32, #tpu.memory_space<vmem>>
        %dma_wait3A_78 = tpu.memref_squeeze %dma_wait3A_77 : memref<1x64xi32, #tpu.memory_space<vmem>> -> memref<64xi32, #tpu.memory_space<vmem>>
        %dma_wait3A_79 = arith.constant 0 : i32
        %dma_wait3A_80 = arith.constant 0 : i32
        %dma_wait3A_81 = tpu.memref_slice %arg2[%dma_wait3A_79, %dma_wait3A_80] : memref<20480x128xf32, #tpu.memory_space<hbm>> -> memref<20480x128xf32, #tpu.memory_space<hbm>>
        tpu.wait_indirect_dma semaphore(%arg16 : memref<!tpu.dma_semaphore, #tpu.memory_space<semaphore_mem>>) src(%dma_wait3A_81 : memref<20480x128xf32, #tpu.memory_space<hbm>>) dst(%arg13 : memref<64x128xf32, #tpu.memory_space<vmem>>)
        %add3A_82 = arith.constant 1 : i32
        %add3A_83 = arith.addi %mul3A_57, %add3A_82 : i32
        "tpu.region"() ({
          %run_scoped3A = tpu.sem_alloc : memref<!tpu.dma_semaphore, #tpu.memory_space<semaphore_mem>>
          %dma_start3A_84 = arith.constant 0 : i32
          %dma_start3A_85 = tpu.memref_slice %arg11[%add3A_83, %dma_start3A_84] : memref<16x64xi32, #tpu.memory_space<vmem>> -> memref<1x64xi32, #tpu.memory_space<vmem>>
          %dma_start3A_86 = tpu.memref_squeeze %dma_start3A_85 : memref<1x64xi32, #tpu.memory_space<vmem>> -> memref<64xi32, #tpu.memory_space<vmem>>
          %dma_start3A_87 = arith.constant 0 : i32
          %dma_start3A_88 = arith.constant 0 : i32
          %dma_start3A_89 = tpu.memref_slice %arg14[%dma_start3A_87, %dma_start3A_88] : memref<10240x128xf32, #tpu.memory_space<vmem_shared>> -> memref<10240x128xf32, #tpu.memory_space<vmem_shared>>
          tpu.enqueue_indirect_dma source(%arg13 : memref<64x128xf32, #tpu.memory_space<vmem>>) target(%dma_start3A_89 : memref<10240x128xf32, #tpu.memory_space<vmem_shared>>) offsets(%dma_start3A_86 : memref<64xi32, #tpu.memory_space<vmem>>) semaphore(%run_scoped3A : memref<!tpu.dma_semaphore, #tpu.memory_space<semaphore_mem>>) {add = true}
          %dma_wait3A_90 = arith.constant 0 : i32
          %dma_wait3A_91 = tpu.memref_slice %arg11[%add3A_83, %dma_wait3A_90] : memref<16x64xi32, #tpu.memory_space<vmem>> -> memref<1x64xi32, #tpu.memory_space<vmem>>
          %dma_wait3A_92 = tpu.memref_squeeze %dma_wait3A_91 : memref<1x64xi32, #tpu.memory_space<vmem>> -> memref<64xi32, #tpu.memory_space<vmem>>
          %dma_wait3A_93 = arith.constant 0 : i32
          %dma_wait3A_94 = arith.constant 0 : i32
          %dma_wait3A_95 = tpu.memref_slice %arg14[%dma_wait3A_93, %dma_wait3A_94] : memref<10240x128xf32, #tpu.memory_space<vmem_shared>> -> memref<10240x128xf32, #tpu.memory_space<vmem_shared>>
          tpu.wait_indirect_dma semaphore(%run_scoped3A : memref<!tpu.dma_semaphore, #tpu.memory_space<semaphore_mem>>) src(%arg13 : memref<64x128xf32, #tpu.memory_space<vmem>>) dst(%dma_wait3A_95 : memref<10240x128xf32, #tpu.memory_space<vmem_shared>>)
          tpu.yield
        }) : () -> ()
      }
      %scan3A_54 = arith.constant 8 : i32
    }
    %scan3A_9 = arith.constant 10 : i32
    %barrier3A_10 = arith.constant 0 : index
    tpu.barrier barrier_id(%barrier3A_10)
    %mul3A_11 = arith.constant 640 : i32
    %mul3A_12 = arith.muli %arg1, %mul3A_11 : i32
    %mul3A_13 = arith.constant 640 : i32
    %mul3A_14 = arith.muli %arg1, %mul3A_13 : i32
    %add3A_15 = arith.addi %mul3A_0, %mul3A_14 : i32
    "tpu.region"() ({
      %run_scoped3A = tpu.sem_alloc : memref<!tpu.dma_semaphore, #tpu.memory_space<semaphore_mem>>
      %dma_start3A = arith.constant 0 : i32
      %dma_start3A_36 = tpu.memref_slice %arg8[%add3A_15, %dma_start3A] : memref<20480x128xf32, #tpu.memory_space<hbm>> -> memref<640x128xf32, #tpu.memory_space<hbm>>
      %dma_start3A_37 = arith.constant 0 : i32
      %dma_start3A_38 = tpu.memref_slice %arg14[%mul3A_12, %dma_start3A_37] : memref<10240x128xf32, #tpu.memory_space<vmem_shared>> -> memref<640x128xf32, #tpu.memory_space<vmem_shared>>
      tpu.enqueue_dma source(%dma_start3A_38 : memref<640x128xf32, #tpu.memory_space<vmem_shared>>) target(%dma_start3A_36 : memref<640x128xf32, #tpu.memory_space<hbm>>) target_semaphore(%run_scoped3A : memref<!tpu.dma_semaphore, #tpu.memory_space<semaphore_mem>>)
      %dma_wait3A = arith.constant 0 : i32
      %dma_wait3A_39 = tpu.memref_slice %arg8[%add3A_15, %dma_wait3A] : memref<20480x128xf32, #tpu.memory_space<hbm>> -> memref<640x128xf32, #tpu.memory_space<hbm>>
      %dma_wait3A_40 = arith.constant 0 : i32
      %dma_wait3A_41 = tpu.memref_slice %arg14[%mul3A_12, %dma_wait3A_40] : memref<10240x128xf32, #tpu.memory_space<vmem_shared>> -> memref<640x128xf32, #tpu.memory_space<vmem_shared>>
      tpu.wait_dma2 semaphore(%run_scoped3A : memref<!tpu.dma_semaphore, #tpu.memory_space<semaphore_mem>>) src(%dma_wait3A_41 : memref<640x128xf32, #tpu.memory_space<vmem_shared>>) dst(%dma_wait3A_39 : memref<640x128xf32, #tpu.memory_space<hbm>>)
      tpu.yield
    }) : () -> ()
    %barrier3A_16 = arith.constant 0 : index
    tpu.barrier barrier_id(%barrier3A_16)
    %mul3A_17 = arith.constant 640 : i32
    %mul3A_18 = arith.muli %arg1, %mul3A_17 : i32
    %add3A_19 = arith.addi %mul3A_0, %mul3A_18 : i32
    %mul3A_20 = arith.constant 640 : i32
    %mul3A_21 = arith.muli %arg1, %mul3A_20 : i32
    "tpu.region"() ({
      %run_scoped3A = tpu.sem_alloc : memref<!tpu.dma_semaphore, #tpu.memory_space<semaphore_mem>>
      %dma_start3A = arith.constant 0 : i32
      %dma_start3A_36 = tpu.memref_slice %arg14[%mul3A_21, %dma_start3A] : memref<10240x128xf32, #tpu.memory_space<vmem_shared>> -> memref<640x128xf32, #tpu.memory_space<vmem_shared>>
      %dma_start3A_37 = arith.constant 0 : i32
      %dma_start3A_38 = tpu.memref_slice %arg3[%add3A_19, %dma_start3A_37] : memref<20480x128xf32, #tpu.memory_space<hbm>> -> memref<640x128xf32, #tpu.memory_space<hbm>>
      tpu.enqueue_dma source(%dma_start3A_38 : memref<640x128xf32, #tpu.memory_space<hbm>>) target(%dma_start3A_36 : memref<640x128xf32, #tpu.memory_space<vmem_shared>>) target_semaphore(%run_scoped3A : memref<!tpu.dma_semaphore, #tpu.memory_space<semaphore_mem>>)
      %dma_wait3A = arith.constant 0 : i32
      %dma_wait3A_39 = tpu.memref_slice %arg14[%mul3A_21, %dma_wait3A] : memref<10240x128xf32, #tpu.memory_space<vmem_shared>> -> memref<640x128xf32, #tpu.memory_space<vmem_shared>>
      %dma_wait3A_40 = arith.constant 0 : i32
      %dma_wait3A_41 = tpu.memref_slice %arg3[%add3A_19, %dma_wait3A_40] : memref<20480x128xf32, #tpu.memory_space<hbm>> -> memref<640x128xf32, #tpu.memory_space<hbm>>
      tpu.wait_dma2 semaphore(%run_scoped3A : memref<!tpu.dma_semaphore, #tpu.memory_space<semaphore_mem>>) src(%dma_wait3A_41 : memref<640x128xf32, #tpu.memory_space<hbm>>) dst(%dma_wait3A_39 : memref<640x128xf32, #tpu.memory_space<vmem_shared>>)
      tpu.yield
    }) : () -> ()
    %barrier3A_22 = arith.constant 0 : index
    tpu.barrier barrier_id(%barrier3A_22)
    %scan3A_23 = arith.constant 0 : i32
    %scan3A_24 = arith.constant 0 : i32
    %scan3A_25 = arith.constant 10 : i32
    %scan3A_26 = arith.addi %scan3A_24, %scan3A_25 : i32
    %scan3A_27 = arith.constant 1 : i32
    scf.for %scan3A_36 = %scan3A_24 to %scan3A_26 step %scan3A_27  : i32 {
      %mul3A_37 = arith.constant 2560 : i32
      %mul3A_38 = arith.muli %arg0, %mul3A_37 : i32
      %mul3A_39 = arith.constant 160 : i32
      %mul3A_40 = arith.muli %arg1, %mul3A_39 : i32
      %add3A_41 = arith.addi %mul3A_38, %mul3A_40 : i32
      %mul3A_42 = arith.constant 16 : i32
      %mul3A_43 = arith.muli %scan3A_36, %mul3A_42 : i32
      %add3A_44 = arith.addi %add3A_41, %mul3A_43 : i32
      "tpu.region"() ({
        %run_scoped3A = tpu.sem_alloc : memref<!tpu.dma_semaphore, #tpu.memory_space<semaphore_mem>>
        %dma_start3A = arith.constant 0 : i32
        %dma_start3A_55 = tpu.memref_slice %arg6[%add3A_44, %dma_start3A] : memref<5120x64xi32, #tpu.memory_space<hbm>> -> memref<16x64xi32, #tpu.memory_space<hbm>>
        %dma_start3A_56 = arith.constant 0 : i32
        %dma_start3A_57 = tpu.memref_slice %arg6[%add3A_44, %dma_start3A_56] : memref<5120x64xi32, #tpu.memory_space<hbm>> -> memref<16x64xi32, #tpu.memory_space<hbm>>
        tpu.enqueue_dma source(%dma_start3A_57 : memref<16x64xi32, #tpu.memory_space<hbm>>) target(%arg10 : memref<16x64xi32, #tpu.memory_space<vmem>>) target_semaphore(%run_scoped3A : memref<!tpu.dma_semaphore, #tpu.memory_space<semaphore_mem>>)
        %dma_wait3A = arith.constant 0 : i32
        %dma_wait3A_58 = tpu.memref_slice %arg6[%add3A_44, %dma_wait3A] : memref<5120x64xi32, #tpu.memory_space<hbm>> -> memref<16x64xi32, #tpu.memory_space<hbm>>
        %dma_wait3A_59 = arith.constant 0 : i32
        %dma_wait3A_60 = tpu.memref_slice %arg6[%add3A_44, %dma_wait3A_59] : memref<5120x64xi32, #tpu.memory_space<hbm>> -> memref<16x64xi32, #tpu.memory_space<hbm>>
        tpu.wait_dma2 semaphore(%run_scoped3A : memref<!tpu.dma_semaphore, #tpu.memory_space<semaphore_mem>>) src(%dma_wait3A_60 : memref<16x64xi32, #tpu.memory_space<hbm>>) dst(%arg10 : memref<16x64xi32, #tpu.memory_space<vmem>>)
        tpu.yield
      }) : () -> ()
      %mul3A_45 = arith.constant 160 : i32
      %mul3A_46 = arith.muli %arg1, %mul3A_45 : i32
      %mul3A_47 = arith.constant 16 : i32
      %mul3A_48 = arith.muli %scan3A_36, %mul3A_47 : i32
      %add3A_49 = arith.addi %mul3A_46, %mul3A_48 : i32
      "tpu.region"() ({
        %run_scoped3A = tpu.sem_alloc : memref<!tpu.dma_semaphore, #tpu.memory_space<semaphore_mem>>
        %dma_start3A = arith.constant 0 : i32
        %dma_start3A_55 = tpu.memref_slice %arg7[%add3A_49, %dma_start3A] : memref<2560x64xi32, #tpu.memory_space<hbm>> -> memref<16x64xi32, #tpu.memory_space<hbm>>
        %dma_start3A_56 = arith.constant 0 : i32
        %dma_start3A_57 = tpu.memref_slice %arg7[%add3A_49, %dma_start3A_56] : memref<2560x64xi32, #tpu.memory_space<hbm>> -> memref<16x64xi32, #tpu.memory_space<hbm>>
        tpu.enqueue_dma source(%dma_start3A_57 : memref<16x64xi32, #tpu.memory_space<hbm>>) target(%arg11 : memref<16x64xi32, #tpu.memory_space<vmem>>) target_semaphore(%run_scoped3A : memref<!tpu.dma_semaphore, #tpu.memory_space<semaphore_mem>>)
        %dma_wait3A = arith.constant 0 : i32
        %dma_wait3A_58 = tpu.memref_slice %arg7[%add3A_49, %dma_wait3A] : memref<2560x64xi32, #tpu.memory_space<hbm>> -> memref<16x64xi32, #tpu.memory_space<hbm>>
        %dma_wait3A_59 = arith.constant 0 : i32
        %dma_wait3A_60 = tpu.memref_slice %arg7[%add3A_49, %dma_wait3A_59] : memref<2560x64xi32, #tpu.memory_space<hbm>> -> memref<16x64xi32, #tpu.memory_space<hbm>>
        tpu.wait_dma2 semaphore(%run_scoped3A : memref<!tpu.dma_semaphore, #tpu.memory_space<semaphore_mem>>) src(%dma_wait3A_60 : memref<16x64xi32, #tpu.memory_space<hbm>>) dst(%arg11 : memref<16x64xi32, #tpu.memory_space<vmem>>)
        tpu.yield
      }) : () -> ()
      %scan3A_50 = arith.constant 0 : i32
      %scan3A_51 = arith.constant 8 : i32
      %scan3A_52 = arith.addi %scan3A_50, %scan3A_51 : i32
      %scan3A_53 = arith.constant 1 : i32
      scf.for %scan3A_55 = %scan3A_50 to %scan3A_52 step %scan3A_53  : i32 {
        %mul3A_56 = arith.constant 2 : i32
        %mul3A_57 = arith.muli %mul3A_56, %scan3A_55 : i32
        %dma_start3A = arith.constant 0 : i32
        %dma_start3A_58 = tpu.memref_slice %arg10[%mul3A_57, %dma_start3A] : memref<16x64xi32, #tpu.memory_space<vmem>> -> memref<1x64xi32, #tpu.memory_space<vmem>>
        %dma_start3A_59 = tpu.memref_squeeze %dma_start3A_58 : memref<1x64xi32, #tpu.memory_space<vmem>> -> memref<64xi32, #tpu.memory_space<vmem>>
        %dma_start3A_60 = arith.constant 0 : i32
        %dma_start3A_61 = arith.constant 0 : i32
        %dma_start3A_62 = tpu.memref_slice %arg3[%dma_start3A_60, %dma_start3A_61] : memref<20480x128xf32, #tpu.memory_space<hbm>> -> memref<20480x128xf32, #tpu.memory_space<hbm>>
        tpu.enqueue_indirect_dma source(%dma_start3A_62 : memref<20480x128xf32, #tpu.memory_space<hbm>>) target(%arg12 : memref<64x128xf32, #tpu.memory_space<vmem>>) offsets(%dma_start3A_59 : memref<64xi32, #tpu.memory_space<vmem>>) semaphore(%arg15 : memref<!tpu.dma_semaphore, #tpu.memory_space<semaphore_mem>>)
        %add3A_63 = arith.constant 1 : i32
        %add3A_64 = arith.addi %mul3A_57, %add3A_63 : i32
        %dma_start3A_65 = arith.constant 0 : i32
        %dma_start3A_66 = tpu.memref_slice %arg10[%add3A_64, %dma_start3A_65] : memref<16x64xi32, #tpu.memory_space<vmem>> -> memref<1x64xi32, #tpu.memory_space<vmem>>
        %dma_start3A_67 = tpu.memref_squeeze %dma_start3A_66 : memref<1x64xi32, #tpu.memory_space<vmem>> -> memref<64xi32, #tpu.memory_space<vmem>>
        %dma_start3A_68 = arith.constant 0 : i32
        %dma_start3A_69 = arith.constant 0 : i32
        %dma_start3A_70 = tpu.memref_slice %arg3[%dma_start3A_68, %dma_start3A_69] : memref<20480x128xf32, #tpu.memory_space<hbm>> -> memref<20480x128xf32, #tpu.memory_space<hbm>>
        tpu.enqueue_indirect_dma source(%dma_start3A_70 : memref<20480x128xf32, #tpu.memory_space<hbm>>) target(%arg13 : memref<64x128xf32, #tpu.memory_space<vmem>>) offsets(%dma_start3A_67 : memref<64xi32, #tpu.memory_space<vmem>>) semaphore(%arg16 : memref<!tpu.dma_semaphore, #tpu.memory_space<semaphore_mem>>)
        %dma_wait3A = arith.constant 0 : i32
        %dma_wait3A_71 = tpu.memref_slice %arg10[%mul3A_57, %dma_wait3A] : memref<16x64xi32, #tpu.memory_space<vmem>> -> memref<1x64xi32, #tpu.memory_space<vmem>>
        %dma_wait3A_72 = tpu.memref_squeeze %dma_wait3A_71 : memref<1x64xi32, #tpu.memory_space<vmem>> -> memref<64xi32, #tpu.memory_space<vmem>>
        %dma_wait3A_73 = arith.constant 0 : i32
        %dma_wait3A_74 = arith.constant 0 : i32
        %dma_wait3A_75 = tpu.memref_slice %arg3[%dma_wait3A_73, %dma_wait3A_74] : memref<20480x128xf32, #tpu.memory_space<hbm>> -> memref<20480x128xf32, #tpu.memory_space<hbm>>
        tpu.wait_indirect_dma semaphore(%arg15 : memref<!tpu.dma_semaphore, #tpu.memory_space<semaphore_mem>>) src(%dma_wait3A_75 : memref<20480x128xf32, #tpu.memory_space<hbm>>) dst(%arg12 : memref<64x128xf32, #tpu.memory_space<vmem>>)
        "tpu.region"() ({
          %run_scoped3A = tpu.sem_alloc : memref<!tpu.dma_semaphore, #tpu.memory_space<semaphore_mem>>
          %dma_start3A_84 = arith.constant 0 : i32
          %dma_start3A_85 = tpu.memref_slice %arg11[%mul3A_57, %dma_start3A_84] : memref<16x64xi32, #tpu.memory_space<vmem>> -> memref<1x64xi32, #tpu.memory_space<vmem>>
          %dma_start3A_86 = tpu.memref_squeeze %dma_start3A_85 : memref<1x64xi32, #tpu.memory_space<vmem>> -> memref<64xi32, #tpu.memory_space<vmem>>
          %dma_start3A_87 = arith.constant 0 : i32
          %dma_start3A_88 = arith.constant 0 : i32
          %dma_start3A_89 = tpu.memref_slice %arg14[%dma_start3A_87, %dma_start3A_88] : memref<10240x128xf32, #tpu.memory_space<vmem_shared>> -> memref<10240x128xf32, #tpu.memory_space<vmem_shared>>
          tpu.enqueue_indirect_dma source(%arg12 : memref<64x128xf32, #tpu.memory_space<vmem>>) target(%dma_start3A_89 : memref<10240x128xf32, #tpu.memory_space<vmem_shared>>) offsets(%dma_start3A_86 : memref<64xi32, #tpu.memory_space<vmem>>) semaphore(%run_scoped3A : memref<!tpu.dma_semaphore, #tpu.memory_space<semaphore_mem>>) {add = true}
          %dma_wait3A_90 = arith.constant 0 : i32
          %dma_wait3A_91 = tpu.memref_slice %arg11[%mul3A_57, %dma_wait3A_90] : memref<16x64xi32, #tpu.memory_space<vmem>> -> memref<1x64xi32, #tpu.memory_space<vmem>>
          %dma_wait3A_92 = tpu.memref_squeeze %dma_wait3A_91 : memref<1x64xi32, #tpu.memory_space<vmem>> -> memref<64xi32, #tpu.memory_space<vmem>>
          %dma_wait3A_93 = arith.constant 0 : i32
          %dma_wait3A_94 = arith.constant 0 : i32
          %dma_wait3A_95 = tpu.memref_slice %arg14[%dma_wait3A_93, %dma_wait3A_94] : memref<10240x128xf32, #tpu.memory_space<vmem_shared>> -> memref<10240x128xf32, #tpu.memory_space<vmem_shared>>
          tpu.wait_indirect_dma semaphore(%run_scoped3A : memref<!tpu.dma_semaphore, #tpu.memory_space<semaphore_mem>>) src(%arg12 : memref<64x128xf32, #tpu.memory_space<vmem>>) dst(%dma_wait3A_95 : memref<10240x128xf32, #tpu.memory_space<vmem_shared>>)
          tpu.yield
        }) : () -> ()
        %dma_wait3A_76 = arith.constant 0 : i32
        %dma_wait3A_77 = tpu.memref_slice %arg10[%add3A_64, %dma_wait3A_76] : memref<16x64xi32, #tpu.memory_space<vmem>> -> memref<1x64xi32, #tpu.memory_space<vmem>>
        %dma_wait3A_78 = tpu.memref_squeeze %dma_wait3A_77 : memref<1x64xi32, #tpu.memory_space<vmem>> -> memref<64xi32, #tpu.memory_space<vmem>>
        %dma_wait3A_79 = arith.constant 0 : i32
        %dma_wait3A_80 = arith.constant 0 : i32
        %dma_wait3A_81 = tpu.memref_slice %arg3[%dma_wait3A_79, %dma_wait3A_80] : memref<20480x128xf32, #tpu.memory_space<hbm>> -> memref<20480x128xf32, #tpu.memory_space<hbm>>
        tpu.wait_indirect_dma semaphore(%arg16 : memref<!tpu.dma_semaphore, #tpu.memory_space<semaphore_mem>>) src(%dma_wait3A_81 : memref<20480x128xf32, #tpu.memory_space<hbm>>) dst(%arg13 : memref<64x128xf32, #tpu.memory_space<vmem>>)
        %add3A_82 = arith.constant 1 : i32
        %add3A_83 = arith.addi %mul3A_57, %add3A_82 : i32
        "tpu.region"() ({
          %run_scoped3A = tpu.sem_alloc : memref<!tpu.dma_semaphore, #tpu.memory_space<semaphore_mem>>
          %dma_start3A_84 = arith.constant 0 : i32
          %dma_start3A_85 = tpu.memref_slice %arg11[%add3A_83, %dma_start3A_84] : memref<16x64xi32, #tpu.memory_space<vmem>> -> memref<1x64xi32, #tpu.memory_space<vmem>>
          %dma_start3A_86 = tpu.memref_squeeze %dma_start3A_85 : memref<1x64xi32, #tpu.memory_space<vmem>> -> memref<64xi32, #tpu.memory_space<vmem>>
          %dma_start3A_87 = arith.constant 0 : i32
          %dma_start3A_88 = arith.constant 0 : i32
          %dma_start3A_89 = tpu.memref_slice %arg14[%dma_start3A_87, %dma_start3A_88] : memref<10240x128xf32, #tpu.memory_space<vmem_shared>> -> memref<10240x128xf32, #tpu.memory_space<vmem_shared>>
          tpu.enqueue_indirect_dma source(%arg13 : memref<64x128xf32, #tpu.memory_space<vmem>>) target(%dma_start3A_89 : memref<10240x128xf32, #tpu.memory_space<vmem_shared>>) offsets(%dma_start3A_86 : memref<64xi32, #tpu.memory_space<vmem>>) semaphore(%run_scoped3A : memref<!tpu.dma_semaphore, #tpu.memory_space<semaphore_mem>>) {add = true}
          %dma_wait3A_90 = arith.constant 0 : i32
          %dma_wait3A_91 = tpu.memref_slice %arg11[%add3A_83, %dma_wait3A_90] : memref<16x64xi32, #tpu.memory_space<vmem>> -> memref<1x64xi32, #tpu.memory_space<vmem>>
          %dma_wait3A_92 = tpu.memref_squeeze %dma_wait3A_91 : memref<1x64xi32, #tpu.memory_space<vmem>> -> memref<64xi32, #tpu.memory_space<vmem>>
          %dma_wait3A_93 = arith.constant 0 : i32
          %dma_wait3A_94 = arith.constant 0 : i32
          %dma_wait3A_95 = tpu.memref_slice %arg14[%dma_wait3A_93, %dma_wait3A_94] : memref<10240x128xf32, #tpu.memory_space<vmem_shared>> -> memref<10240x128xf32, #tpu.memory_space<vmem_shared>>
          tpu.wait_indirect_dma semaphore(%run_scoped3A : memref<!tpu.dma_semaphore, #tpu.memory_space<semaphore_mem>>) src(%arg13 : memref<64x128xf32, #tpu.memory_space<vmem>>) dst(%dma_wait3A_95 : memref<10240x128xf32, #tpu.memory_space<vmem_shared>>)
          tpu.yield
        }) : () -> ()
      }
      %scan3A_54 = arith.constant 8 : i32
    }
    %scan3A_28 = arith.constant 10 : i32
    %barrier3A_29 = arith.constant 0 : index
    tpu.barrier barrier_id(%barrier3A_29)
    %mul3A_30 = arith.constant 640 : i32
    %mul3A_31 = arith.muli %arg1, %mul3A_30 : i32
    %mul3A_32 = arith.constant 640 : i32
    %mul3A_33 = arith.muli %arg1, %mul3A_32 : i32
    %add3A_34 = arith.addi %mul3A_0, %mul3A_33 : i32
    "tpu.region"() ({
      %run_scoped3A = tpu.sem_alloc : memref<!tpu.dma_semaphore, #tpu.memory_space<semaphore_mem>>
      %dma_start3A = arith.constant 0 : i32
      %dma_start3A_36 = tpu.memref_slice %arg9[%add3A_34, %dma_start3A] : memref<20480x128xf32, #tpu.memory_space<hbm>> -> memref<640x128xf32, #tpu.memory_space<hbm>>
      %dma_start3A_37 = arith.constant 0 : i32
      %dma_start3A_38 = tpu.memref_slice %arg14[%mul3A_31, %dma_start3A_37] : memref<10240x128xf32, #tpu.memory_space<vmem_shared>> -> memref<640x128xf32, #tpu.memory_space<vmem_shared>>
      tpu.enqueue_dma source(%dma_start3A_38 : memref<640x128xf32, #tpu.memory_space<vmem_shared>>) target(%dma_start3A_36 : memref<640x128xf32, #tpu.memory_space<hbm>>) target_semaphore(%run_scoped3A : memref<!tpu.dma_semaphore, #tpu.memory_space<semaphore_mem>>)
      %dma_wait3A = arith.constant 0 : i32
      %dma_wait3A_39 = tpu.memref_slice %arg9[%add3A_34, %dma_wait3A] : memref<20480x128xf32, #tpu.memory_space<hbm>> -> memref<640x128xf32, #tpu.memory_space<hbm>>
      %dma_wait3A_40 = arith.constant 0 : i32
      %dma_wait3A_41 = tpu.memref_slice %arg14[%mul3A_31, %dma_wait3A_40] : memref<10240x128xf32, #tpu.memory_space<vmem_shared>> -> memref<640x128xf32, #tpu.memory_space<vmem_shared>>
      tpu.wait_dma2 semaphore(%run_scoped3A : memref<!tpu.dma_semaphore, #tpu.memory_space<semaphore_mem>>) src(%dma_wait3A_41 : memref<640x128xf32, #tpu.memory_space<vmem_shared>>) dst(%dma_wait3A_39 : memref<640x128xf32, #tpu.memory_space<hbm>>)
      tpu.yield
    }) : () -> ()
    %barrier3A_35 = arith.constant 0 : index
    tpu.barrier barrier_id(%barrier3A_35)
    return
  }
}

#map = affine_map<(d0, d1) -> (0, 0)>
module attributes {stable_mosaic.version = 14 : i64} {
  func.func @_sc_prep(%arg0: i32, %arg1: i32, %arg2: memref<10001x256xf32, #tpu.memory_space<hbm>>, %arg3: memref<256x40xi32, #tpu.memory_space<hbm>>, %arg4: memref<2560x64xi32, #tpu.memory_space<hbm>>, %arg5: memref<2560x64xi32, #tpu.memory_space<hbm>>, %arg6: memref<10240x256xf32, #tpu.memory_space<hbm>>, %arg7: memref<20480x16xf32, #tpu.memory_space<hbm>>, %arg8: memref<20480x16xf32, #tpu.memory_space<hbm>>, %arg9: memref<8x40xi32, #tpu.memory_space<vmem>>, %arg10: memref<40x256xf32, #tpu.memory_space<vmem>>, %arg11: memref<16x64xi32, #tpu.memory_space<vmem>>, %arg12: memref<64x16xf32, #tpu.memory_space<vmem>>, %arg13: memref<128x16xf32, #tpu.memory_space<vmem>>, %arg14: memref<10240x16xf32, #tpu.memory_space<vmem_shared>>, %arg15: memref<!tpu.dma_semaphore, #tpu.memory_space<semaphore_mem>>) attributes {dimension_semantics = [#tpu.dimension_semantics<core_parallel>, #tpu.dimension_semantics<subcore_parallel>], iteration_bounds = array<i64: 2, 16>, scalar_prefetch = 0 : i64, scratch_operands = 7 : i64, tpu.core_type = #tpu.core_type<sc_vector_subcore>, window_params = [{transform_indices = #map}, {transform_indices = #map}, {transform_indices = #map}, {transform_indices = #map}, {transform_indices = #map}, {transform_indices = #map}, {transform_indices = #map}]} {
    %mul3A = arith.constant 16 : i32
    %mul3A_0 = arith.muli %arg0, %mul3A : i32
    %add3A = arith.addi %mul3A_0, %arg1 : i32
    %scan3A = arith.constant 0 : i32
    %scan3A_1 = arith.constant 0 : i32
    %scan3A_2 = arith.constant 64 : i32
    %scan3A_3 = arith.addi %scan3A_1, %scan3A_2 : i32
    %scan3A_4 = arith.constant 1 : i32
    scf.for %scan3A_227 = %scan3A_1 to %scan3A_3 step %scan3A_4  : i32 {
      %broadcast_in_dim3A = arith.constant 1.000000e+00 : f32
      %broadcast_in_dim3A_228 = vector.broadcast %broadcast_in_dim3A : f32 to vector<16xf32>
      %swap3A = arith.index_cast %scan3A_227 : i32 to index
      %swap3A_229 = arith.constant 0 : index
      %swap3A_230 = tpu.vector_load %arg12[%swap3A, %swap3A_229] {strides = array<i32>} : memref<64x16xf32, #tpu.memory_space<vmem>>, vector<1x16xf32>,
      %swap3A_231 = vector.shape_cast %swap3A_230 : vector<1x16xf32> to vector<16xf32>
      %swap3A_232 = vector.shape_cast %broadcast_in_dim3A_228 : vector<16xf32> to vector<1x16xf32>
      tpu.vector_store %arg12[%swap3A, %swap3A_229], %swap3A_232 {strides = array<i32>} : memref<64x16xf32, #tpu.memory_space<vmem>>, vector<1x16xf32>,
    }
    %scan3A_5 = arith.constant 64 : i32
    %scan3A_6 = arith.constant 0 : i32
    %scan3A_7 = arith.constant 0 : i32
    %scan3A_8 = arith.constant 128 : i32
    %scan3A_9 = arith.addi %scan3A_7, %scan3A_8 : i32
    %scan3A_10 = arith.constant 1 : i32
    scf.for %scan3A_227 = %scan3A_7 to %scan3A_9 step %scan3A_10  : i32 {
      %broadcast_in_dim3A = arith.constant 0.000000e+00 : f32
      %broadcast_in_dim3A_228 = vector.broadcast %broadcast_in_dim3A : f32 to vector<16xf32>
      %swap3A = arith.index_cast %scan3A_227 : i32 to index
      %swap3A_229 = arith.constant 0 : index
      %swap3A_230 = tpu.vector_load %arg13[%swap3A, %swap3A_229] {strides = array<i32>} : memref<128x16xf32, #tpu.memory_space<vmem>>, vector<1x16xf32>,
      %swap3A_231 = vector.shape_cast %swap3A_230 : vector<1x16xf32> to vector<16xf32>
      %swap3A_232 = vector.shape_cast %broadcast_in_dim3A_228 : vector<16xf32> to vector<1x16xf32>
      tpu.vector_store %arg13[%swap3A, %swap3A_229], %swap3A_232 {strides = array<i32>} : memref<128x16xf32, #tpu.memory_space<vmem>>, vector<1x16xf32>,
    }
    %scan3A_11 = arith.constant 128 : i32
    %mul3A_12 = arith.constant 8 : i32
    %mul3A_13 = arith.muli %add3A, %mul3A_12 : i32
    "tpu.region"() ({
      %run_scoped3A = tpu.sem_alloc : memref<!tpu.dma_semaphore, #tpu.memory_space<semaphore_mem>>
      %dma_start3A_227 = arith.constant 0 : i32
      %dma_start3A_228 = tpu.memref_slice %arg3[%mul3A_13, %dma_start3A_227] : memref<256x40xi32, #tpu.memory_space<hbm>> -> memref<8x40xi32, #tpu.memory_space<hbm>>
      %dma_start3A_229 = arith.constant 0 : i32
      %dma_start3A_230 = tpu.memref_slice %arg3[%mul3A_13, %dma_start3A_229] : memref<256x40xi32, #tpu.memory_space<hbm>> -> memref<8x40xi32, #tpu.memory_space<hbm>>
      tpu.enqueue_dma source(%dma_start3A_230 : memref<8x40xi32, #tpu.memory_space<hbm>>) target(%arg9 : memref<8x40xi32, #tpu.memory_space<vmem>>) target_semaphore(%run_scoped3A : memref<!tpu.dma_semaphore, #tpu.memory_space<semaphore_mem>>)
      %dma_wait3A_231 = arith.constant 0 : i32
      %dma_wait3A_232 = tpu.memref_slice %arg3[%mul3A_13, %dma_wait3A_231] : memref<256x40xi32, #tpu.memory_space<hbm>> -> memref<8x40xi32, #tpu.memory_space<hbm>>
      %dma_wait3A_233 = arith.constant 0 : i32
      %dma_wait3A_234 = tpu.memref_slice %arg3[%mul3A_13, %dma_wait3A_233] : memref<256x40xi32, #tpu.memory_space<hbm>> -> memref<8x40xi32, #tpu.memory_space<hbm>>
      tpu.wait_dma2 semaphore(%run_scoped3A : memref<!tpu.dma_semaphore, #tpu.memory_space<semaphore_mem>>) src(%dma_wait3A_234 : memref<8x40xi32, #tpu.memory_space<hbm>>) dst(%arg9 : memref<8x40xi32, #tpu.memory_space<vmem>>)
      tpu.yield
    }) : () -> ()
    %dma_start3A = arith.constant 0 : i32
    %dma_start3A_14 = arith.constant 0 : i32
    %dma_start3A_15 = tpu.memref_slice %arg9[%dma_start3A, %dma_start3A_14] : memref<8x40xi32, #tpu.memory_space<vmem>> -> memref<1x40xi32, #tpu.memory_space<vmem>>
    %dma_start3A_16 = tpu.memref_squeeze %dma_start3A_15 : memref<1x40xi32, #tpu.memory_space<vmem>> -> memref<40xi32, #tpu.memory_space<vmem>>
    %dma_start3A_17 = arith.constant 0 : i32
    %dma_start3A_18 = arith.constant 0 : i32
    %dma_start3A_19 = tpu.memref_slice %arg2[%dma_start3A_17, %dma_start3A_18] : memref<10001x256xf32, #tpu.memory_space<hbm>> -> memref<10001x256xf32, #tpu.memory_space<hbm>>
    tpu.enqueue_indirect_dma source(%dma_start3A_19 : memref<10001x256xf32, #tpu.memory_space<hbm>>) target(%arg10 : memref<40x256xf32, #tpu.memory_space<vmem>>) offsets(%dma_start3A_16 : memref<40xi32, #tpu.memory_space<vmem>>) semaphore(%arg15 : memref<!tpu.dma_semaphore, #tpu.memory_space<semaphore_mem>>)
    %dma_wait3A = arith.constant 0 : i32
    %dma_wait3A_20 = arith.constant 0 : i32
    %dma_wait3A_21 = tpu.memref_slice %arg9[%dma_wait3A, %dma_wait3A_20] : memref<8x40xi32, #tpu.memory_space<vmem>> -> memref<1x40xi32, #tpu.memory_space<vmem>>
    %dma_wait3A_22 = tpu.memref_squeeze %dma_wait3A_21 : memref<1x40xi32, #tpu.memory_space<vmem>> -> memref<40xi32, #tpu.memory_space<vmem>>
    %dma_wait3A_23 = arith.constant 0 : i32
    %dma_wait3A_24 = arith.constant 0 : i32
    %dma_wait3A_25 = tpu.memref_slice %arg2[%dma_wait3A_23, %dma_wait3A_24] : memref<10001x256xf32, #tpu.memory_space<hbm>> -> memref<10001x256xf32, #tpu.memory_space<hbm>>
    tpu.wait_indirect_dma semaphore(%arg15 : memref<!tpu.dma_semaphore, #tpu.memory_space<semaphore_mem>>) src(%dma_wait3A_25 : memref<10001x256xf32, #tpu.memory_space<hbm>>) dst(%arg10 : memref<40x256xf32, #tpu.memory_space<vmem>>)
    %mul3A_26 = arith.constant 320 : i32
    %mul3A_27 = arith.muli %add3A, %mul3A_26 : i32
    %add3A_28 = arith.constant 0 : i32
    %add3A_29 = arith.addi %mul3A_27, %add3A_28 : i32
    "tpu.region"() ({
      %run_scoped3A = tpu.sem_alloc : memref<!tpu.dma_semaphore, #tpu.memory_space<semaphore_mem>>
      %dma_start3A_227 = arith.constant 0 : i32
      %dma_start3A_228 = tpu.memref_slice %arg6[%add3A_29, %dma_start3A_227] : memref<10240x256xf32, #tpu.memory_space<hbm>> -> memref<40x256xf32, #tpu.memory_space<hbm>>
      %dma_start3A_229 = arith.constant 0 : i32
      %dma_start3A_230 = tpu.memref_slice %arg6[%add3A_29, %dma_start3A_229] : memref<10240x256xf32, #tpu.memory_space<hbm>> -> memref<40x256xf32, #tpu.memory_space<hbm>>
      tpu.enqueue_dma source(%arg10 : memref<40x256xf32, #tpu.memory_space<vmem>>) target(%dma_start3A_230 : memref<40x256xf32, #tpu.memory_space<hbm>>) target_semaphore(%run_scoped3A : memref<!tpu.dma_semaphore, #tpu.memory_space<semaphore_mem>>)
      %dma_wait3A_231 = arith.constant 0 : i32
      %dma_wait3A_232 = tpu.memref_slice %arg6[%add3A_29, %dma_wait3A_231] : memref<10240x256xf32, #tpu.memory_space<hbm>> -> memref<40x256xf32, #tpu.memory_space<hbm>>
      %dma_wait3A_233 = arith.constant 0 : i32
      %dma_wait3A_234 = tpu.memref_slice %arg6[%add3A_29, %dma_wait3A_233] : memref<10240x256xf32, #tpu.memory_space<hbm>> -> memref<40x256xf32, #tpu.memory_space<hbm>>
      tpu.wait_dma2 semaphore(%run_scoped3A : memref<!tpu.dma_semaphore, #tpu.memory_space<semaphore_mem>>) src(%arg10 : memref<40x256xf32, #tpu.memory_space<vmem>>) dst(%dma_wait3A_234 : memref<40x256xf32, #tpu.memory_space<hbm>>)
      tpu.yield
    }) : () -> ()
    %dma_start3A_30 = arith.constant 1 : i32
    %dma_start3A_31 = arith.constant 0 : i32
    %dma_start3A_32 = tpu.memref_slice %arg9[%dma_start3A_30, %dma_start3A_31] : memref<8x40xi32, #tpu.memory_space<vmem>> -> memref<1x40xi32, #tpu.memory_space<vmem>>
    %dma_start3A_33 = tpu.memref_squeeze %dma_start3A_32 : memref<1x40xi32, #tpu.memory_space<vmem>> -> memref<40xi32, #tpu.memory_space<vmem>>
    %dma_start3A_34 = arith.constant 0 : i32
    %dma_start3A_35 = arith.constant 0 : i32
    %dma_start3A_36 = tpu.memref_slice %arg2[%dma_start3A_34, %dma_start3A_35] : memref<10001x256xf32, #tpu.memory_space<hbm>> -> memref<10001x256xf32, #tpu.memory_space<hbm>>
    tpu.enqueue_indirect_dma source(%dma_start3A_36 : memref<10001x256xf32, #tpu.memory_space<hbm>>) target(%arg10 : memref<40x256xf32, #tpu.memory_space<vmem>>) offsets(%dma_start3A_33 : memref<40xi32, #tpu.memory_space<vmem>>) semaphore(%arg15 : memref<!tpu.dma_semaphore, #tpu.memory_space<semaphore_mem>>)
    %dma_wait3A_37 = arith.constant 1 : i32
    %dma_wait3A_38 = arith.constant 0 : i32
    %dma_wait3A_39 = tpu.memref_slice %arg9[%dma_wait3A_37, %dma_wait3A_38] : memref<8x40xi32, #tpu.memory_space<vmem>> -> memref<1x40xi32, #tpu.memory_space<vmem>>
    %dma_wait3A_40 = tpu.memref_squeeze %dma_wait3A_39 : memref<1x40xi32, #tpu.memory_space<vmem>> -> memref<40xi32, #tpu.memory_space<vmem>>
    %dma_wait3A_41 = arith.constant 0 : i32
    %dma_wait3A_42 = arith.constant 0 : i32
    %dma_wait3A_43 = tpu.memref_slice %arg2[%dma_wait3A_41, %dma_wait3A_42] : memref<10001x256xf32, #tpu.memory_space<hbm>> -> memref<10001x256xf32, #tpu.memory_space<hbm>>
    tpu.wait_indirect_dma semaphore(%arg15 : memref<!tpu.dma_semaphore, #tpu.memory_space<semaphore_mem>>) src(%dma_wait3A_43 : memref<10001x256xf32, #tpu.memory_space<hbm>>) dst(%arg10 : memref<40x256xf32, #tpu.memory_space<vmem>>)
    %mul3A_44 = arith.constant 320 : i32
    %mul3A_45 = arith.muli %add3A, %mul3A_44 : i32
    %add3A_46 = arith.constant 40 : i32
    %add3A_47 = arith.addi %mul3A_45, %add3A_46 : i32
    "tpu.region"() ({
      %run_scoped3A = tpu.sem_alloc : memref<!tpu.dma_semaphore, #tpu.memory_space<semaphore_mem>>
      %dma_start3A_227 = arith.constant 0 : i32
      %dma_start3A_228 = tpu.memref_slice %arg6[%add3A_47, %dma_start3A_227] : memref<10240x256xf32, #tpu.memory_space<hbm>> -> memref<40x256xf32, #tpu.memory_space<hbm>>
      %dma_start3A_229 = arith.constant 0 : i32
      %dma_start3A_230 = tpu.memref_slice %arg6[%add3A_47, %dma_start3A_229] : memref<10240x256xf32, #tpu.memory_space<hbm>> -> memref<40x256xf32, #tpu.memory_space<hbm>>
      tpu.enqueue_dma source(%arg10 : memref<40x256xf32, #tpu.memory_space<vmem>>) target(%dma_start3A_230 : memref<40x256xf32, #tpu.memory_space<hbm>>) target_semaphore(%run_scoped3A : memref<!tpu.dma_semaphore, #tpu.memory_space<semaphore_mem>>)
      %dma_wait3A_231 = arith.constant 0 : i32
      %dma_wait3A_232 = tpu.memref_slice %arg6[%add3A_47, %dma_wait3A_231] : memref<10240x256xf32, #tpu.memory_space<hbm>> -> memref<40x256xf32, #tpu.memory_space<hbm>>
      %dma_wait3A_233 = arith.constant 0 : i32
      %dma_wait3A_234 = tpu.memref_slice %arg6[%add3A_47, %dma_wait3A_233] : memref<10240x256xf32, #tpu.memory_space<hbm>> -> memref<40x256xf32, #tpu.memory_space<hbm>>
      tpu.wait_dma2 semaphore(%run_scoped3A : memref<!tpu.dma_semaphore, #tpu.memory_space<semaphore_mem>>) src(%arg10 : memref<40x256xf32, #tpu.memory_space<vmem>>) dst(%dma_wait3A_234 : memref<40x256xf32, #tpu.memory_space<hbm>>)
      tpu.yield
    }) : () -> ()
    %dma_start3A_48 = arith.constant 2 : i32
    %dma_start3A_49 = arith.constant 0 : i32
    %dma_start3A_50 = tpu.memref_slice %arg9[%dma_start3A_48, %dma_start3A_49] : memref<8x40xi32, #tpu.memory_space<vmem>> -> memref<1x40xi32, #tpu.memory_space<vmem>>
    %dma_start3A_51 = tpu.memref_squeeze %dma_start3A_50 : memref<1x40xi32, #tpu.memory_space<vmem>> -> memref<40xi32, #tpu.memory_space<vmem>>
    %dma_start3A_52 = arith.constant 0 : i32
    %dma_start3A_53 = arith.constant 0 : i32
    %dma_start3A_54 = tpu.memref_slice %arg2[%dma_start3A_52, %dma_start3A_53] : memref<10001x256xf32, #tpu.memory_space<hbm>> -> memref<10001x256xf32, #tpu.memory_space<hbm>>
    tpu.enqueue_indirect_dma source(%dma_start3A_54 : memref<10001x256xf32, #tpu.memory_space<hbm>>) target(%arg10 : memref<40x256xf32, #tpu.memory_space<vmem>>) offsets(%dma_start3A_51 : memref<40xi32, #tpu.memory_space<vmem>>) semaphore(%arg15 : memref<!tpu.dma_semaphore, #tpu.memory_space<semaphore_mem>>)
    %dma_wait3A_55 = arith.constant 2 : i32
    %dma_wait3A_56 = arith.constant 0 : i32
    %dma_wait3A_57 = tpu.memref_slice %arg9[%dma_wait3A_55, %dma_wait3A_56] : memref<8x40xi32, #tpu.memory_space<vmem>> -> memref<1x40xi32, #tpu.memory_space<vmem>>
    %dma_wait3A_58 = tpu.memref_squeeze %dma_wait3A_57 : memref<1x40xi32, #tpu.memory_space<vmem>> -> memref<40xi32, #tpu.memory_space<vmem>>
    %dma_wait3A_59 = arith.constant 0 : i32
    %dma_wait3A_60 = arith.constant 0 : i32
    %dma_wait3A_61 = tpu.memref_slice %arg2[%dma_wait3A_59, %dma_wait3A_60] : memref<10001x256xf32, #tpu.memory_space<hbm>> -> memref<10001x256xf32, #tpu.memory_space<hbm>>
    tpu.wait_indirect_dma semaphore(%arg15 : memref<!tpu.dma_semaphore, #tpu.memory_space<semaphore_mem>>) src(%dma_wait3A_61 : memref<10001x256xf32, #tpu.memory_space<hbm>>) dst(%arg10 : memref<40x256xf32, #tpu.memory_space<vmem>>)
    %mul3A_62 = arith.constant 320 : i32
    %mul3A_63 = arith.muli %add3A, %mul3A_62 : i32
    %add3A_64 = arith.constant 80 : i32
    %add3A_65 = arith.addi %mul3A_63, %add3A_64 : i32
    "tpu.region"() ({
      %run_scoped3A = tpu.sem_alloc : memref<!tpu.dma_semaphore, #tpu.memory_space<semaphore_mem>>
      %dma_start3A_227 = arith.constant 0 : i32
      %dma_start3A_228 = tpu.memref_slice %arg6[%add3A_65, %dma_start3A_227] : memref<10240x256xf32, #tpu.memory_space<hbm>> -> memref<40x256xf32, #tpu.memory_space<hbm>>
      %dma_start3A_229 = arith.constant 0 : i32
      %dma_start3A_230 = tpu.memref_slice %arg6[%add3A_65, %dma_start3A_229] : memref<10240x256xf32, #tpu.memory_space<hbm>> -> memref<40x256xf32, #tpu.memory_space<hbm>>
      tpu.enqueue_dma source(%arg10 : memref<40x256xf32, #tpu.memory_space<vmem>>) target(%dma_start3A_230 : memref<40x256xf32, #tpu.memory_space<hbm>>) target_semaphore(%run_scoped3A : memref<!tpu.dma_semaphore, #tpu.memory_space<semaphore_mem>>)
      %dma_wait3A_231 = arith.constant 0 : i32
      %dma_wait3A_232 = tpu.memref_slice %arg6[%add3A_65, %dma_wait3A_231] : memref<10240x256xf32, #tpu.memory_space<hbm>> -> memref<40x256xf32, #tpu.memory_space<hbm>>
      %dma_wait3A_233 = arith.constant 0 : i32
      %dma_wait3A_234 = tpu.memref_slice %arg6[%add3A_65, %dma_wait3A_233] : memref<10240x256xf32, #tpu.memory_space<hbm>> -> memref<40x256xf32, #tpu.memory_space<hbm>>
      tpu.wait_dma2 semaphore(%run_scoped3A : memref<!tpu.dma_semaphore, #tpu.memory_space<semaphore_mem>>) src(%arg10 : memref<40x256xf32, #tpu.memory_space<vmem>>) dst(%dma_wait3A_234 : memref<40x256xf32, #tpu.memory_space<hbm>>)
      tpu.yield
    }) : () -> ()
    %dma_start3A_66 = arith.constant 3 : i32
    %dma_start3A_67 = arith.constant 0 : i32
    %dma_start3A_68 = tpu.memref_slice %arg9[%dma_start3A_66, %dma_start3A_67] : memref<8x40xi32, #tpu.memory_space<vmem>> -> memref<1x40xi32, #tpu.memory_space<vmem>>
    %dma_start3A_69 = tpu.memref_squeeze %dma_start3A_68 : memref<1x40xi32, #tpu.memory_space<vmem>> -> memref<40xi32, #tpu.memory_space<vmem>>
    %dma_start3A_70 = arith.constant 0 : i32
    %dma_start3A_71 = arith.constant 0 : i32
    %dma_start3A_72 = tpu.memref_slice %arg2[%dma_start3A_70, %dma_start3A_71] : memref<10001x256xf32, #tpu.memory_space<hbm>> -> memref<10001x256xf32, #tpu.memory_space<hbm>>
    tpu.enqueue_indirect_dma source(%dma_start3A_72 : memref<10001x256xf32, #tpu.memory_space<hbm>>) target(%arg10 : memref<40x256xf32, #tpu.memory_space<vmem>>) offsets(%dma_start3A_69 : memref<40xi32, #tpu.memory_space<vmem>>) semaphore(%arg15 : memref<!tpu.dma_semaphore, #tpu.memory_space<semaphore_mem>>)
    %dma_wait3A_73 = arith.constant 3 : i32
    %dma_wait3A_74 = arith.constant 0 : i32
    %dma_wait3A_75 = tpu.memref_slice %arg9[%dma_wait3A_73, %dma_wait3A_74] : memref<8x40xi32, #tpu.memory_space<vmem>> -> memref<1x40xi32, #tpu.memory_space<vmem>>
    %dma_wait3A_76 = tpu.memref_squeeze %dma_wait3A_75 : memref<1x40xi32, #tpu.memory_space<vmem>> -> memref<40xi32, #tpu.memory_space<vmem>>
    %dma_wait3A_77 = arith.constant 0 : i32
    %dma_wait3A_78 = arith.constant 0 : i32
    %dma_wait3A_79 = tpu.memref_slice %arg2[%dma_wait3A_77, %dma_wait3A_78] : memref<10001x256xf32, #tpu.memory_space<hbm>> -> memref<10001x256xf32, #tpu.memory_space<hbm>>
    tpu.wait_indirect_dma semaphore(%arg15 : memref<!tpu.dma_semaphore, #tpu.memory_space<semaphore_mem>>) src(%dma_wait3A_79 : memref<10001x256xf32, #tpu.memory_space<hbm>>) dst(%arg10 : memref<40x256xf32, #tpu.memory_space<vmem>>)
    %mul3A_80 = arith.constant 320 : i32
    %mul3A_81 = arith.muli %add3A, %mul3A_80 : i32
    %add3A_82 = arith.constant 120 : i32
    %add3A_83 = arith.addi %mul3A_81, %add3A_82 : i32
    "tpu.region"() ({
      %run_scoped3A = tpu.sem_alloc : memref<!tpu.dma_semaphore, #tpu.memory_space<semaphore_mem>>
      %dma_start3A_227 = arith.constant 0 : i32
      %dma_start3A_228 = tpu.memref_slice %arg6[%add3A_83, %dma_start3A_227] : memref<10240x256xf32, #tpu.memory_space<hbm>> -> memref<40x256xf32, #tpu.memory_space<hbm>>
      %dma_start3A_229 = arith.constant 0 : i32
      %dma_start3A_230 = tpu.memref_slice %arg6[%add3A_83, %dma_start3A_229] : memref<10240x256xf32, #tpu.memory_space<hbm>> -> memref<40x256xf32, #tpu.memory_space<hbm>>
      tpu.enqueue_dma source(%arg10 : memref<40x256xf32, #tpu.memory_space<vmem>>) target(%dma_start3A_230 : memref<40x256xf32, #tpu.memory_space<hbm>>) target_semaphore(%run_scoped3A : memref<!tpu.dma_semaphore, #tpu.memory_space<semaphore_mem>>)
      %dma_wait3A_231 = arith.constant 0 : i32
      %dma_wait3A_232 = tpu.memref_slice %arg6[%add3A_83, %dma_wait3A_231] : memref<10240x256xf32, #tpu.memory_space<hbm>> -> memref<40x256xf32, #tpu.memory_space<hbm>>
      %dma_wait3A_233 = arith.constant 0 : i32
      %dma_wait3A_234 = tpu.memref_slice %arg6[%add3A_83, %dma_wait3A_233] : memref<10240x256xf32, #tpu.memory_space<hbm>> -> memref<40x256xf32, #tpu.memory_space<hbm>>
      tpu.wait_dma2 semaphore(%run_scoped3A : memref<!tpu.dma_semaphore, #tpu.memory_space<semaphore_mem>>) src(%arg10 : memref<40x256xf32, #tpu.memory_space<vmem>>) dst(%dma_wait3A_234 : memref<40x256xf32, #tpu.memory_space<hbm>>)
      tpu.yield
    }) : () -> ()
    %dma_start3A_84 = arith.constant 4 : i32
    %dma_start3A_85 = arith.constant 0 : i32
    %dma_start3A_86 = tpu.memref_slice %arg9[%dma_start3A_84, %dma_start3A_85] : memref<8x40xi32, #tpu.memory_space<vmem>> -> memref<1x40xi32, #tpu.memory_space<vmem>>
    %dma_start3A_87 = tpu.memref_squeeze %dma_start3A_86 : memref<1x40xi32, #tpu.memory_space<vmem>> -> memref<40xi32, #tpu.memory_space<vmem>>
    %dma_start3A_88 = arith.constant 0 : i32
    %dma_start3A_89 = arith.constant 0 : i32
    %dma_start3A_90 = tpu.memref_slice %arg2[%dma_start3A_88, %dma_start3A_89] : memref<10001x256xf32, #tpu.memory_space<hbm>> -> memref<10001x256xf32, #tpu.memory_space<hbm>>
    tpu.enqueue_indirect_dma source(%dma_start3A_90 : memref<10001x256xf32, #tpu.memory_space<hbm>>) target(%arg10 : memref<40x256xf32, #tpu.memory_space<vmem>>) offsets(%dma_start3A_87 : memref<40xi32, #tpu.memory_space<vmem>>) semaphore(%arg15 : memref<!tpu.dma_semaphore, #tpu.memory_space<semaphore_mem>>)
    %dma_wait3A_91 = arith.constant 4 : i32
    %dma_wait3A_92 = arith.constant 0 : i32
    %dma_wait3A_93 = tpu.memref_slice %arg9[%dma_wait3A_91, %dma_wait3A_92] : memref<8x40xi32, #tpu.memory_space<vmem>> -> memref<1x40xi32, #tpu.memory_space<vmem>>
    %dma_wait3A_94 = tpu.memref_squeeze %dma_wait3A_93 : memref<1x40xi32, #tpu.memory_space<vmem>> -> memref<40xi32, #tpu.memory_space<vmem>>
    %dma_wait3A_95 = arith.constant 0 : i32
    %dma_wait3A_96 = arith.constant 0 : i32
    %dma_wait3A_97 = tpu.memref_slice %arg2[%dma_wait3A_95, %dma_wait3A_96] : memref<10001x256xf32, #tpu.memory_space<hbm>> -> memref<10001x256xf32, #tpu.memory_space<hbm>>
    tpu.wait_indirect_dma semaphore(%arg15 : memref<!tpu.dma_semaphore, #tpu.memory_space<semaphore_mem>>) src(%dma_wait3A_97 : memref<10001x256xf32, #tpu.memory_space<hbm>>) dst(%arg10 : memref<40x256xf32, #tpu.memory_space<vmem>>)
    %mul3A_98 = arith.constant 320 : i32
    %mul3A_99 = arith.muli %add3A, %mul3A_98 : i32
    %add3A_100 = arith.constant 160 : i32
    %add3A_101 = arith.addi %mul3A_99, %add3A_100 : i32
    "tpu.region"() ({
      %run_scoped3A = tpu.sem_alloc : memref<!tpu.dma_semaphore, #tpu.memory_space<semaphore_mem>>
      %dma_start3A_227 = arith.constant 0 : i32
      %dma_start3A_228 = tpu.memref_slice %arg6[%add3A_101, %dma_start3A_227] : memref<10240x256xf32, #tpu.memory_space<hbm>> -> memref<40x256xf32, #tpu.memory_space<hbm>>
      %dma_start3A_229 = arith.constant 0 : i32
      %dma_start3A_230 = tpu.memref_slice %arg6[%add3A_101, %dma_start3A_229] : memref<10240x256xf32, #tpu.memory_space<hbm>> -> memref<40x256xf32, #tpu.memory_space<hbm>>
      tpu.enqueue_dma source(%arg10 : memref<40x256xf32, #tpu.memory_space<vmem>>) target(%dma_start3A_230 : memref<40x256xf32, #tpu.memory_space<hbm>>) target_semaphore(%run_scoped3A : memref<!tpu.dma_semaphore, #tpu.memory_space<semaphore_mem>>)
      %dma_wait3A_231 = arith.constant 0 : i32
      %dma_wait3A_232 = tpu.memref_slice %arg6[%add3A_101, %dma_wait3A_231] : memref<10240x256xf32, #tpu.memory_space<hbm>> -> memref<40x256xf32, #tpu.memory_space<hbm>>
      %dma_wait3A_233 = arith.constant 0 : i32
      %dma_wait3A_234 = tpu.memref_slice %arg6[%add3A_101, %dma_wait3A_233] : memref<10240x256xf32, #tpu.memory_space<hbm>> -> memref<40x256xf32, #tpu.memory_space<hbm>>
      tpu.wait_dma2 semaphore(%run_scoped3A : memref<!tpu.dma_semaphore, #tpu.memory_space<semaphore_mem>>) src(%arg10 : memref<40x256xf32, #tpu.memory_space<vmem>>) dst(%dma_wait3A_234 : memref<40x256xf32, #tpu.memory_space<hbm>>)
      tpu.yield
    }) : () -> ()
    %dma_start3A_102 = arith.constant 5 : i32
    %dma_start3A_103 = arith.constant 0 : i32
    %dma_start3A_104 = tpu.memref_slice %arg9[%dma_start3A_102, %dma_start3A_103] : memref<8x40xi32, #tpu.memory_space<vmem>> -> memref<1x40xi32, #tpu.memory_space<vmem>>
    %dma_start3A_105 = tpu.memref_squeeze %dma_start3A_104 : memref<1x40xi32, #tpu.memory_space<vmem>> -> memref<40xi32, #tpu.memory_space<vmem>>
    %dma_start3A_106 = arith.constant 0 : i32
    %dma_start3A_107 = arith.constant 0 : i32
    %dma_start3A_108 = tpu.memref_slice %arg2[%dma_start3A_106, %dma_start3A_107] : memref<10001x256xf32, #tpu.memory_space<hbm>> -> memref<10001x256xf32, #tpu.memory_space<hbm>>
    tpu.enqueue_indirect_dma source(%dma_start3A_108 : memref<10001x256xf32, #tpu.memory_space<hbm>>) target(%arg10 : memref<40x256xf32, #tpu.memory_space<vmem>>) offsets(%dma_start3A_105 : memref<40xi32, #tpu.memory_space<vmem>>) semaphore(%arg15 : memref<!tpu.dma_semaphore, #tpu.memory_space<semaphore_mem>>)
    %dma_wait3A_109 = arith.constant 5 : i32
    %dma_wait3A_110 = arith.constant 0 : i32
    %dma_wait3A_111 = tpu.memref_slice %arg9[%dma_wait3A_109, %dma_wait3A_110] : memref<8x40xi32, #tpu.memory_space<vmem>> -> memref<1x40xi32, #tpu.memory_space<vmem>>
    %dma_wait3A_112 = tpu.memref_squeeze %dma_wait3A_111 : memref<1x40xi32, #tpu.memory_space<vmem>> -> memref<40xi32, #tpu.memory_space<vmem>>
    %dma_wait3A_113 = arith.constant 0 : i32
    %dma_wait3A_114 = arith.constant 0 : i32
    %dma_wait3A_115 = tpu.memref_slice %arg2[%dma_wait3A_113, %dma_wait3A_114] : memref<10001x256xf32, #tpu.memory_space<hbm>> -> memref<10001x256xf32, #tpu.memory_space<hbm>>
    tpu.wait_indirect_dma semaphore(%arg15 : memref<!tpu.dma_semaphore, #tpu.memory_space<semaphore_mem>>) src(%dma_wait3A_115 : memref<10001x256xf32, #tpu.memory_space<hbm>>) dst(%arg10 : memref<40x256xf32, #tpu.memory_space<vmem>>)
    %mul3A_116 = arith.constant 320 : i32
    %mul3A_117 = arith.muli %add3A, %mul3A_116 : i32
    %add3A_118 = arith.constant 200 : i32
    %add3A_119 = arith.addi %mul3A_117, %add3A_118 : i32
    "tpu.region"() ({
      %run_scoped3A = tpu.sem_alloc : memref<!tpu.dma_semaphore, #tpu.memory_space<semaphore_mem>>
      %dma_start3A_227 = arith.constant 0 : i32
      %dma_start3A_228 = tpu.memref_slice %arg6[%add3A_119, %dma_start3A_227] : memref<10240x256xf32, #tpu.memory_space<hbm>> -> memref<40x256xf32, #tpu.memory_space<hbm>>
      %dma_start3A_229 = arith.constant 0 : i32
      %dma_start3A_230 = tpu.memref_slice %arg6[%add3A_119, %dma_start3A_229] : memref<10240x256xf32, #tpu.memory_space<hbm>> -> memref<40x256xf32, #tpu.memory_space<hbm>>
      tpu.enqueue_dma source(%arg10 : memref<40x256xf32, #tpu.memory_space<vmem>>) target(%dma_start3A_230 : memref<40x256xf32, #tpu.memory_space<hbm>>) target_semaphore(%run_scoped3A : memref<!tpu.dma_semaphore, #tpu.memory_space<semaphore_mem>>)
      %dma_wait3A_231 = arith.constant 0 : i32
      %dma_wait3A_232 = tpu.memref_slice %arg6[%add3A_119, %dma_wait3A_231] : memref<10240x256xf32, #tpu.memory_space<hbm>> -> memref<40x256xf32, #tpu.memory_space<hbm>>
      %dma_wait3A_233 = arith.constant 0 : i32
      %dma_wait3A_234 = tpu.memref_slice %arg6[%add3A_119, %dma_wait3A_233] : memref<10240x256xf32, #tpu.memory_space<hbm>> -> memref<40x256xf32, #tpu.memory_space<hbm>>
      tpu.wait_dma2 semaphore(%run_scoped3A : memref<!tpu.dma_semaphore, #tpu.memory_space<semaphore_mem>>) src(%arg10 : memref<40x256xf32, #tpu.memory_space<vmem>>) dst(%dma_wait3A_234 : memref<40x256xf32, #tpu.memory_space<hbm>>)
      tpu.yield
    }) : () -> ()
    %dma_start3A_120 = arith.constant 6 : i32
    %dma_start3A_121 = arith.constant 0 : i32
    %dma_start3A_122 = tpu.memref_slice %arg9[%dma_start3A_120, %dma_start3A_121] : memref<8x40xi32, #tpu.memory_space<vmem>> -> memref<1x40xi32, #tpu.memory_space<vmem>>
    %dma_start3A_123 = tpu.memref_squeeze %dma_start3A_122 : memref<1x40xi32, #tpu.memory_space<vmem>> -> memref<40xi32, #tpu.memory_space<vmem>>
    %dma_start3A_124 = arith.constant 0 : i32
    %dma_start3A_125 = arith.constant 0 : i32
    %dma_start3A_126 = tpu.memref_slice %arg2[%dma_start3A_124, %dma_start3A_125] : memref<10001x256xf32, #tpu.memory_space<hbm>> -> memref<10001x256xf32, #tpu.memory_space<hbm>>
    tpu.enqueue_indirect_dma source(%dma_start3A_126 : memref<10001x256xf32, #tpu.memory_space<hbm>>) target(%arg10 : memref<40x256xf32, #tpu.memory_space<vmem>>) offsets(%dma_start3A_123 : memref<40xi32, #tpu.memory_space<vmem>>) semaphore(%arg15 : memref<!tpu.dma_semaphore, #tpu.memory_space<semaphore_mem>>)
    %dma_wait3A_127 = arith.constant 6 : i32
    %dma_wait3A_128 = arith.constant 0 : i32
    %dma_wait3A_129 = tpu.memref_slice %arg9[%dma_wait3A_127, %dma_wait3A_128] : memref<8x40xi32, #tpu.memory_space<vmem>> -> memref<1x40xi32, #tpu.memory_space<vmem>>
    %dma_wait3A_130 = tpu.memref_squeeze %dma_wait3A_129 : memref<1x40xi32, #tpu.memory_space<vmem>> -> memref<40xi32, #tpu.memory_space<vmem>>
    %dma_wait3A_131 = arith.constant 0 : i32
    %dma_wait3A_132 = arith.constant 0 : i32
    %dma_wait3A_133 = tpu.memref_slice %arg2[%dma_wait3A_131, %dma_wait3A_132] : memref<10001x256xf32, #tpu.memory_space<hbm>> -> memref<10001x256xf32, #tpu.memory_space<hbm>>
    tpu.wait_indirect_dma semaphore(%arg15 : memref<!tpu.dma_semaphore, #tpu.memory_space<semaphore_mem>>) src(%dma_wait3A_133 : memref<10001x256xf32, #tpu.memory_space<hbm>>) dst(%arg10 : memref<40x256xf32, #tpu.memory_space<vmem>>)
    %mul3A_134 = arith.constant 320 : i32
    %mul3A_135 = arith.muli %add3A, %mul3A_134 : i32
    %add3A_136 = arith.constant 240 : i32
    %add3A_137 = arith.addi %mul3A_135, %add3A_136 : i32
    "tpu.region"() ({
      %run_scoped3A = tpu.sem_alloc : memref<!tpu.dma_semaphore, #tpu.memory_space<semaphore_mem>>
      %dma_start3A_227 = arith.constant 0 : i32
      %dma_start3A_228 = tpu.memref_slice %arg6[%add3A_137, %dma_start3A_227] : memref<10240x256xf32, #tpu.memory_space<hbm>> -> memref<40x256xf32, #tpu.memory_space<hbm>>
      %dma_start3A_229 = arith.constant 0 : i32
      %dma_start3A_230 = tpu.memref_slice %arg6[%add3A_137, %dma_start3A_229] : memref<10240x256xf32, #tpu.memory_space<hbm>> -> memref<40x256xf32, #tpu.memory_space<hbm>>
      tpu.enqueue_dma source(%arg10 : memref<40x256xf32, #tpu.memory_space<vmem>>) target(%dma_start3A_230 : memref<40x256xf32, #tpu.memory_space<hbm>>) target_semaphore(%run_scoped3A : memref<!tpu.dma_semaphore, #tpu.memory_space<semaphore_mem>>)
      %dma_wait3A_231 = arith.constant 0 : i32
      %dma_wait3A_232 = tpu.memref_slice %arg6[%add3A_137, %dma_wait3A_231] : memref<10240x256xf32, #tpu.memory_space<hbm>> -> memref<40x256xf32, #tpu.memory_space<hbm>>
      %dma_wait3A_233 = arith.constant 0 : i32
      %dma_wait3A_234 = tpu.memref_slice %arg6[%add3A_137, %dma_wait3A_233] : memref<10240x256xf32, #tpu.memory_space<hbm>> -> memref<40x256xf32, #tpu.memory_space<hbm>>
      tpu.wait_dma2 semaphore(%run_scoped3A : memref<!tpu.dma_semaphore, #tpu.memory_space<semaphore_mem>>) src(%arg10 : memref<40x256xf32, #tpu.memory_space<vmem>>) dst(%dma_wait3A_234 : memref<40x256xf32, #tpu.memory_space<hbm>>)
      tpu.yield
    }) : () -> ()
    %dma_start3A_138 = arith.constant 7 : i32
    %dma_start3A_139 = arith.constant 0 : i32
    %dma_start3A_140 = tpu.memref_slice %arg9[%dma_start3A_138, %dma_start3A_139] : memref<8x40xi32, #tpu.memory_space<vmem>> -> memref<1x40xi32, #tpu.memory_space<vmem>>
    %dma_start3A_141 = tpu.memref_squeeze %dma_start3A_140 : memref<1x40xi32, #tpu.memory_space<vmem>> -> memref<40xi32, #tpu.memory_space<vmem>>
    %dma_start3A_142 = arith.constant 0 : i32
    %dma_start3A_143 = arith.constant 0 : i32
    %dma_start3A_144 = tpu.memref_slice %arg2[%dma_start3A_142, %dma_start3A_143] : memref<10001x256xf32, #tpu.memory_space<hbm>> -> memref<10001x256xf32, #tpu.memory_space<hbm>>
    tpu.enqueue_indirect_dma source(%dma_start3A_144 : memref<10001x256xf32, #tpu.memory_space<hbm>>) target(%arg10 : memref<40x256xf32, #tpu.memory_space<vmem>>) offsets(%dma_start3A_141 : memref<40xi32, #tpu.memory_space<vmem>>) semaphore(%arg15 : memref<!tpu.dma_semaphore, #tpu.memory_space<semaphore_mem>>)
    %dma_wait3A_145 = arith.constant 7 : i32
    %dma_wait3A_146 = arith.constant 0 : i32
    %dma_wait3A_147 = tpu.memref_slice %arg9[%dma_wait3A_145, %dma_wait3A_146] : memref<8x40xi32, #tpu.memory_space<vmem>> -> memref<1x40xi32, #tpu.memory_space<vmem>>
    %dma_wait3A_148 = tpu.memref_squeeze %dma_wait3A_147 : memref<1x40xi32, #tpu.memory_space<vmem>> -> memref<40xi32, #tpu.memory_space<vmem>>
    %dma_wait3A_149 = arith.constant 0 : i32
    %dma_wait3A_150 = arith.constant 0 : i32
    %dma_wait3A_151 = tpu.memref_slice %arg2[%dma_wait3A_149, %dma_wait3A_150] : memref<10001x256xf32, #tpu.memory_space<hbm>> -> memref<10001x256xf32, #tpu.memory_space<hbm>>
    tpu.wait_indirect_dma semaphore(%arg15 : memref<!tpu.dma_semaphore, #tpu.memory_space<semaphore_mem>>) src(%dma_wait3A_151 : memref<10001x256xf32, #tpu.memory_space<hbm>>) dst(%arg10 : memref<40x256xf32, #tpu.memory_space<vmem>>)
    %mul3A_152 = arith.constant 320 : i32
    %mul3A_153 = arith.muli %add3A, %mul3A_152 : i32
    %add3A_154 = arith.constant 280 : i32
    %add3A_155 = arith.addi %mul3A_153, %add3A_154 : i32
    "tpu.region"() ({
      %run_scoped3A = tpu.sem_alloc : memref<!tpu.dma_semaphore, #tpu.memory_space<semaphore_mem>>
      %dma_start3A_227 = arith.constant 0 : i32
      %dma_start3A_228 = tpu.memref_slice %arg6[%add3A_155, %dma_start3A_227] : memref<10240x256xf32, #tpu.memory_space<hbm>> -> memref<40x256xf32, #tpu.memory_space<hbm>>
      %dma_start3A_229 = arith.constant 0 : i32
      %dma_start3A_230 = tpu.memref_slice %arg6[%add3A_155, %dma_start3A_229] : memref<10240x256xf32, #tpu.memory_space<hbm>> -> memref<40x256xf32, #tpu.memory_space<hbm>>
      tpu.enqueue_dma source(%arg10 : memref<40x256xf32, #tpu.memory_space<vmem>>) target(%dma_start3A_230 : memref<40x256xf32, #tpu.memory_space<hbm>>) target_semaphore(%run_scoped3A : memref<!tpu.dma_semaphore, #tpu.memory_space<semaphore_mem>>)
      %dma_wait3A_231 = arith.constant 0 : i32
      %dma_wait3A_232 = tpu.memref_slice %arg6[%add3A_155, %dma_wait3A_231] : memref<10240x256xf32, #tpu.memory_space<hbm>> -> memref<40x256xf32, #tpu.memory_space<hbm>>
      %dma_wait3A_233 = arith.constant 0 : i32
      %dma_wait3A_234 = tpu.memref_slice %arg6[%add3A_155, %dma_wait3A_233] : memref<10240x256xf32, #tpu.memory_space<hbm>> -> memref<40x256xf32, #tpu.memory_space<hbm>>
      tpu.wait_dma2 semaphore(%run_scoped3A : memref<!tpu.dma_semaphore, #tpu.memory_space<semaphore_mem>>) src(%arg10 : memref<40x256xf32, #tpu.memory_space<vmem>>) dst(%dma_wait3A_234 : memref<40x256xf32, #tpu.memory_space<hbm>>)
      tpu.yield
    }) : () -> ()
    %mul3A_156 = arith.constant 640 : i32
    %mul3A_157 = arith.muli %arg1, %mul3A_156 : i32
    %add3A_158 = arith.constant 0 : i32
    %add3A_159 = arith.addi %mul3A_157, %add3A_158 : i32
    "tpu.region"() ({
      %run_scoped3A = tpu.sem_alloc : memref<!tpu.dma_semaphore, #tpu.memory_space<semaphore_mem>>
      %dma_start3A_227 = arith.constant 0 : i32
      %dma_start3A_228 = tpu.memref_slice %arg14[%add3A_159, %dma_start3A_227] : memref<10240x16xf32, #tpu.memory_space<vmem_shared>> -> memref<128x16xf32, #tpu.memory_space<vmem_shared>>
      %dma_start3A_229 = arith.constant 0 : i32
      %dma_start3A_230 = tpu.memref_slice %arg14[%add3A_159, %dma_start3A_229] : memref<10240x16xf32, #tpu.memory_space<vmem_shared>> -> memref<128x16xf32, #tpu.memory_space<vmem_shared>>
      tpu.enqueue_dma source(%arg13 : memref<128x16xf32, #tpu.memory_space<vmem>>) target(%dma_start3A_230 : memref<128x16xf32, #tpu.memory_space<vmem_shared>>) target_semaphore(%run_scoped3A : memref<!tpu.dma_semaphore, #tpu.memory_space<semaphore_mem>>)
      %dma_wait3A_231 = arith.constant 0 : i32
      %dma_wait3A_232 = tpu.memref_slice %arg14[%add3A_159, %dma_wait3A_231] : memref<10240x16xf32, #tpu.memory_space<vmem_shared>> -> memref<128x16xf32, #tpu.memory_space<vmem_shared>>
      %dma_wait3A_233 = arith.constant 0 : i32
      %dma_wait3A_234 = tpu.memref_slice %arg14[%add3A_159, %dma_wait3A_233] : memref<10240x16xf32, #tpu.memory_space<vmem_shared>> -> memref<128x16xf32, #tpu.memory_space<vmem_shared>>
      tpu.wait_dma2 semaphore(%run_scoped3A : memref<!tpu.dma_semaphore, #tpu.memory_space<semaphore_mem>>) src(%arg13 : memref<128x16xf32, #tpu.memory_space<vmem>>) dst(%dma_wait3A_234 : memref<128x16xf32, #tpu.memory_space<vmem_shared>>)
      tpu.yield
    }) : () -> ()
    %mul3A_160 = arith.constant 640 : i32
    %mul3A_161 = arith.muli %arg1, %mul3A_160 : i32
    %add3A_162 = arith.constant 128 : i32
    %add3A_163 = arith.addi %mul3A_161, %add3A_162 : i32
    "tpu.region"() ({
      %run_scoped3A = tpu.sem_alloc : memref<!tpu.dma_semaphore, #tpu.memory_space<semaphore_mem>>
      %dma_start3A_227 = arith.constant 0 : i32
      %dma_start3A_228 = tpu.memref_slice %arg14[%add3A_163, %dma_start3A_227] : memref<10240x16xf32, #tpu.memory_space<vmem_shared>> -> memref<128x16xf32, #tpu.memory_space<vmem_shared>>
      %dma_start3A_229 = arith.constant 0 : i32
      %dma_start3A_230 = tpu.memref_slice %arg14[%add3A_163, %dma_start3A_229] : memref<10240x16xf32, #tpu.memory_space<vmem_shared>> -> memref<128x16xf32, #tpu.memory_space<vmem_shared>>
      tpu.enqueue_dma source(%arg13 : memref<128x16xf32, #tpu.memory_space<vmem>>) target(%dma_start3A_230 : memref<128x16xf32, #tpu.memory_space<vmem_shared>>) target_semaphore(%run_scoped3A : memref<!tpu.dma_semaphore, #tpu.memory_space<semaphore_mem>>)
      %dma_wait3A_231 = arith.constant 0 : i32
      %dma_wait3A_232 = tpu.memref_slice %arg14[%add3A_163, %dma_wait3A_231] : memref<10240x16xf32, #tpu.memory_space<vmem_shared>> -> memref<128x16xf32, #tpu.memory_space<vmem_shared>>
      %dma_wait3A_233 = arith.constant 0 : i32
      %dma_wait3A_234 = tpu.memref_slice %arg14[%add3A_163, %dma_wait3A_233] : memref<10240x16xf32, #tpu.memory_space<vmem_shared>> -> memref<128x16xf32, #tpu.memory_space<vmem_shared>>
      tpu.wait_dma2 semaphore(%run_scoped3A : memref<!tpu.dma_semaphore, #tpu.memory_space<semaphore_mem>>) src(%arg13 : memref<128x16xf32, #tpu.memory_space<vmem>>) dst(%dma_wait3A_234 : memref<128x16xf32, #tpu.memory_space<vmem_shared>>)
      tpu.yield
    }) : () -> ()
    %mul3A_164 = arith.constant 640 : i32
    %mul3A_165 = arith.muli %arg1, %mul3A_164 : i32
    %add3A_166 = arith.constant 256 : i32
    %add3A_167 = arith.addi %mul3A_165, %add3A_166 : i32
    "tpu.region"() ({
      %run_scoped3A = tpu.sem_alloc : memref<!tpu.dma_semaphore, #tpu.memory_space<semaphore_mem>>
      %dma_start3A_227 = arith.constant 0 : i32
      %dma_start3A_228 = tpu.memref_slice %arg14[%add3A_167, %dma_start3A_227] : memref<10240x16xf32, #tpu.memory_space<vmem_shared>> -> memref<128x16xf32, #tpu.memory_space<vmem_shared>>
      %dma_start3A_229 = arith.constant 0 : i32
      %dma_start3A_230 = tpu.memref_slice %arg14[%add3A_167, %dma_start3A_229] : memref<10240x16xf32, #tpu.memory_space<vmem_shared>> -> memref<128x16xf32, #tpu.memory_space<vmem_shared>>
      tpu.enqueue_dma source(%arg13 : memref<128x16xf32, #tpu.memory_space<vmem>>) target(%dma_start3A_230 : memref<128x16xf32, #tpu.memory_space<vmem_shared>>) target_semaphore(%run_scoped3A : memref<!tpu.dma_semaphore, #tpu.memory_space<semaphore_mem>>)
      %dma_wait3A_231 = arith.constant 0 : i32
      %dma_wait3A_232 = tpu.memref_slice %arg14[%add3A_167, %dma_wait3A_231] : memref<10240x16xf32, #tpu.memory_space<vmem_shared>> -> memref<128x16xf32, #tpu.memory_space<vmem_shared>>
      %dma_wait3A_233 = arith.constant 0 : i32
      %dma_wait3A_234 = tpu.memref_slice %arg14[%add3A_167, %dma_wait3A_233] : memref<10240x16xf32, #tpu.memory_space<vmem_shared>> -> memref<128x16xf32, #tpu.memory_space<vmem_shared>>
      tpu.wait_dma2 semaphore(%run_scoped3A : memref<!tpu.dma_semaphore, #tpu.memory_space<semaphore_mem>>) src(%arg13 : memref<128x16xf32, #tpu.memory_space<vmem>>) dst(%dma_wait3A_234 : memref<128x16xf32, #tpu.memory_space<vmem_shared>>)
      tpu.yield
    }) : () -> ()
    %mul3A_168 = arith.constant 640 : i32
    %mul3A_169 = arith.muli %arg1, %mul3A_168 : i32
    %add3A_170 = arith.constant 384 : i32
    %add3A_171 = arith.addi %mul3A_169, %add3A_170 : i32
    "tpu.region"() ({
      %run_scoped3A = tpu.sem_alloc : memref<!tpu.dma_semaphore, #tpu.memory_space<semaphore_mem>>
      %dma_start3A_227 = arith.constant 0 : i32
      %dma_start3A_228 = tpu.memref_slice %arg14[%add3A_171, %dma_start3A_227] : memref<10240x16xf32, #tpu.memory_space<vmem_shared>> -> memref<128x16xf32, #tpu.memory_space<vmem_shared>>
      %dma_start3A_229 = arith.constant 0 : i32
      %dma_start3A_230 = tpu.memref_slice %arg14[%add3A_171, %dma_start3A_229] : memref<10240x16xf32, #tpu.memory_space<vmem_shared>> -> memref<128x16xf32, #tpu.memory_space<vmem_shared>>
      tpu.enqueue_dma source(%arg13 : memref<128x16xf32, #tpu.memory_space<vmem>>) target(%dma_start3A_230 : memref<128x16xf32, #tpu.memory_space<vmem_shared>>) target_semaphore(%run_scoped3A : memref<!tpu.dma_semaphore, #tpu.memory_space<semaphore_mem>>)
      %dma_wait3A_231 = arith.constant 0 : i32
      %dma_wait3A_232 = tpu.memref_slice %arg14[%add3A_171, %dma_wait3A_231] : memref<10240x16xf32, #tpu.memory_space<vmem_shared>> -> memref<128x16xf32, #tpu.memory_space<vmem_shared>>
      %dma_wait3A_233 = arith.constant 0 : i32
      %dma_wait3A_234 = tpu.memref_slice %arg14[%add3A_171, %dma_wait3A_233] : memref<10240x16xf32, #tpu.memory_space<vmem_shared>> -> memref<128x16xf32, #tpu.memory_space<vmem_shared>>
      tpu.wait_dma2 semaphore(%run_scoped3A : memref<!tpu.dma_semaphore, #tpu.memory_space<semaphore_mem>>) src(%arg13 : memref<128x16xf32, #tpu.memory_space<vmem>>) dst(%dma_wait3A_234 : memref<128x16xf32, #tpu.memory_space<vmem_shared>>)
      tpu.yield
    }) : () -> ()
    %mul3A_172 = arith.constant 640 : i32
    %mul3A_173 = arith.muli %arg1, %mul3A_172 : i32
    %add3A_174 = arith.constant 512 : i32
    %add3A_175 = arith.addi %mul3A_173, %add3A_174 : i32
    "tpu.region"() ({
      %run_scoped3A = tpu.sem_alloc : memref<!tpu.dma_semaphore, #tpu.memory_space<semaphore_mem>>
      %dma_start3A_227 = arith.constant 0 : i32
      %dma_start3A_228 = tpu.memref_slice %arg14[%add3A_175, %dma_start3A_227] : memref<10240x16xf32, #tpu.memory_space<vmem_shared>> -> memref<128x16xf32, #tpu.memory_space<vmem_shared>>
      %dma_start3A_229 = arith.constant 0 : i32
      %dma_start3A_230 = tpu.memref_slice %arg14[%add3A_175, %dma_start3A_229] : memref<10240x16xf32, #tpu.memory_space<vmem_shared>> -> memref<128x16xf32, #tpu.memory_space<vmem_shared>>
      tpu.enqueue_dma source(%arg13 : memref<128x16xf32, #tpu.memory_space<vmem>>) target(%dma_start3A_230 : memref<128x16xf32, #tpu.memory_space<vmem_shared>>) target_semaphore(%run_scoped3A : memref<!tpu.dma_semaphore, #tpu.memory_space<semaphore_mem>>)
      %dma_wait3A_231 = arith.constant 0 : i32
      %dma_wait3A_232 = tpu.memref_slice %arg14[%add3A_175, %dma_wait3A_231] : memref<10240x16xf32, #tpu.memory_space<vmem_shared>> -> memref<128x16xf32, #tpu.memory_space<vmem_shared>>
      %dma_wait3A_233 = arith.constant 0 : i32
      %dma_wait3A_234 = tpu.memref_slice %arg14[%add3A_175, %dma_wait3A_233] : memref<10240x16xf32, #tpu.memory_space<vmem_shared>> -> memref<128x16xf32, #tpu.memory_space<vmem_shared>>
      tpu.wait_dma2 semaphore(%run_scoped3A : memref<!tpu.dma_semaphore, #tpu.memory_space<semaphore_mem>>) src(%arg13 : memref<128x16xf32, #tpu.memory_space<vmem>>) dst(%dma_wait3A_234 : memref<128x16xf32, #tpu.memory_space<vmem_shared>>)
      tpu.yield
    }) : () -> ()
    %barrier3A = arith.constant 0 : index
    tpu.barrier barrier_id(%barrier3A)
    %scan3A_176 = arith.constant 0 : i32
    %scan3A_177 = arith.constant 0 : i32
    %scan3A_178 = arith.constant 5 : i32
    %scan3A_179 = arith.addi %scan3A_177, %scan3A_178 : i32
    %scan3A_180 = arith.constant 1 : i32
    scf.for %scan3A_227 = %scan3A_177 to %scan3A_179 step %scan3A_180  : i32 {
      %mul3A_228 = arith.constant 80 : i32
      %mul3A_229 = arith.muli %add3A, %mul3A_228 : i32
      %mul3A_230 = arith.constant 16 : i32
      %mul3A_231 = arith.muli %scan3A_227, %mul3A_230 : i32
      %add3A_232 = arith.addi %mul3A_229, %mul3A_231 : i32
      "tpu.region"() ({
        %run_scoped3A = tpu.sem_alloc : memref<!tpu.dma_semaphore, #tpu.memory_space<semaphore_mem>>
        %dma_start3A_238 = arith.constant 0 : i32
        %dma_start3A_239 = tpu.memref_slice %arg4[%add3A_232, %dma_start3A_238] : memref<2560x64xi32, #tpu.memory_space<hbm>> -> memref<16x64xi32, #tpu.memory_space<hbm>>
        %dma_start3A_240 = arith.constant 0 : i32
        %dma_start3A_241 = tpu.memref_slice %arg4[%add3A_232, %dma_start3A_240] : memref<2560x64xi32, #tpu.memory_space<hbm>> -> memref<16x64xi32, #tpu.memory_space<hbm>>
        tpu.enqueue_dma source(%dma_start3A_241 : memref<16x64xi32, #tpu.memory_space<hbm>>) target(%arg11 : memref<16x64xi32, #tpu.memory_space<vmem>>) target_semaphore(%run_scoped3A : memref<!tpu.dma_semaphore, #tpu.memory_space<semaphore_mem>>)
        %dma_wait3A_242 = arith.constant 0 : i32
        %dma_wait3A_243 = tpu.memref_slice %arg4[%add3A_232, %dma_wait3A_242] : memref<2560x64xi32, #tpu.memory_space<hbm>> -> memref<16x64xi32, #tpu.memory_space<hbm>>
        %dma_wait3A_244 = arith.constant 0 : i32
        %dma_wait3A_245 = tpu.memref_slice %arg4[%add3A_232, %dma_wait3A_244] : memref<2560x64xi32, #tpu.memory_space<hbm>> -> memref<16x64xi32, #tpu.memory_space<hbm>>
        tpu.wait_dma2 semaphore(%run_scoped3A : memref<!tpu.dma_semaphore, #tpu.memory_space<semaphore_mem>>) src(%dma_wait3A_245 : memref<16x64xi32, #tpu.memory_space<hbm>>) dst(%arg11 : memref<16x64xi32, #tpu.memory_space<vmem>>)
        tpu.yield
      }) : () -> ()
      %scan3A_233 = arith.constant 0 : i32
      %scan3A_234 = arith.constant 16 : i32
      %scan3A_235 = arith.addi %scan3A_233, %scan3A_234 : i32
      %scan3A_236 = arith.constant 1 : i32
      scf.for %scan3A_238 = %scan3A_233 to %scan3A_235 step %scan3A_236  : i32 {
        "tpu.region"() ({
          %run_scoped3A = tpu.sem_alloc : memref<!tpu.dma_semaphore, #tpu.memory_space<semaphore_mem>>
          %dma_start3A_239 = arith.constant 0 : i32
          %dma_start3A_240 = tpu.memref_slice %arg11[%scan3A_238, %dma_start3A_239] : memref<16x64xi32, #tpu.memory_space<vmem>> -> memref<1x64xi32, #tpu.memory_space<vmem>>
          %dma_start3A_241 = tpu.memref_squeeze %dma_start3A_240 : memref<1x64xi32, #tpu.memory_space<vmem>> -> memref<64xi32, #tpu.memory_space<vmem>>
          %dma_start3A_242 = arith.constant 0 : i32
          %dma_start3A_243 = arith.constant 0 : i32
          %dma_start3A_244 = tpu.memref_slice %arg14[%dma_start3A_242, %dma_start3A_243] : memref<10240x16xf32, #tpu.memory_space<vmem_shared>> -> memref<10240x16xf32, #tpu.memory_space<vmem_shared>>
          tpu.enqueue_indirect_dma source(%arg12 : memref<64x16xf32, #tpu.memory_space<vmem>>) target(%dma_start3A_244 : memref<10240x16xf32, #tpu.memory_space<vmem_shared>>) offsets(%dma_start3A_241 : memref<64xi32, #tpu.memory_space<vmem>>) semaphore(%run_scoped3A : memref<!tpu.dma_semaphore, #tpu.memory_space<semaphore_mem>>) {add = true}
          %dma_wait3A_245 = arith.constant 0 : i32
          %dma_wait3A_246 = tpu.memref_slice %arg11[%scan3A_238, %dma_wait3A_245] : memref<16x64xi32, #tpu.memory_space<vmem>> -> memref<1x64xi32, #tpu.memory_space<vmem>>
          %dma_wait3A_247 = tpu.memref_squeeze %dma_wait3A_246 : memref<1x64xi32, #tpu.memory_space<vmem>> -> memref<64xi32, #tpu.memory_space<vmem>>
          %dma_wait3A_248 = arith.constant 0 : i32
          %dma_wait3A_249 = arith.constant 0 : i32
          %dma_wait3A_250 = tpu.memref_slice %arg14[%dma_wait3A_248, %dma_wait3A_249] : memref<10240x16xf32, #tpu.memory_space<vmem_shared>> -> memref<10240x16xf32, #tpu.memory_space<vmem_shared>>
          tpu.wait_indirect_dma semaphore(%run_scoped3A : memref<!tpu.dma_semaphore, #tpu.memory_space<semaphore_mem>>) src(%arg12 : memref<64x16xf32, #tpu.memory_space<vmem>>) dst(%dma_wait3A_250 : memref<10240x16xf32, #tpu.memory_space<vmem_shared>>)
          tpu.yield
        }) : () -> ()
      }
      %scan3A_237 = arith.constant 16 : i32
    }
    %scan3A_181 = arith.constant 5 : i32
    %barrier3A_182 = arith.constant 0 : index
    tpu.barrier barrier_id(%barrier3A_182)
    %mul3A_183 = arith.constant 640 : i32
    %mul3A_184 = arith.muli %arg1, %mul3A_183 : i32
    %mul3A_185 = arith.constant 10240 : i32
    %mul3A_186 = arith.muli %arg0, %mul3A_185 : i32
    %mul3A_187 = arith.constant 640 : i32
    %mul3A_188 = arith.muli %arg1, %mul3A_187 : i32
    %add3A_189 = arith.addi %mul3A_186, %mul3A_188 : i32
    "tpu.region"() ({
      %run_scoped3A = tpu.sem_alloc : memref<!tpu.dma_semaphore, #tpu.memory_space<semaphore_mem>>
      %dma_start3A_227 = arith.constant 0 : i32
      %dma_start3A_228 = tpu.memref_slice %arg7[%add3A_189, %dma_start3A_227] : memref<20480x16xf32, #tpu.memory_space<hbm>> -> memref<640x16xf32, #tpu.memory_space<hbm>>
      %dma_start3A_229 = arith.constant 0 : i32
      %dma_start3A_230 = tpu.memref_slice %arg14[%mul3A_184, %dma_start3A_229] : memref<10240x16xf32, #tpu.memory_space<vmem_shared>> -> memref<640x16xf32, #tpu.memory_space<vmem_shared>>
      tpu.enqueue_dma source(%dma_start3A_230 : memref<640x16xf32, #tpu.memory_space<vmem_shared>>) target(%dma_start3A_228 : memref<640x16xf32, #tpu.memory_space<hbm>>) target_semaphore(%run_scoped3A : memref<!tpu.dma_semaphore, #tpu.memory_space<semaphore_mem>>)
      %dma_wait3A_231 = arith.constant 0 : i32
      %dma_wait3A_232 = tpu.memref_slice %arg7[%add3A_189, %dma_wait3A_231] : memref<20480x16xf32, #tpu.memory_space<hbm>> -> memref<640x16xf32, #tpu.memory_space<hbm>>
      %dma_wait3A_233 = arith.constant 0 : i32
      %dma_wait3A_234 = tpu.memref_slice %arg14[%mul3A_184, %dma_wait3A_233] : memref<10240x16xf32, #tpu.memory_space<vmem_shared>> -> memref<640x16xf32, #tpu.memory_space<vmem_shared>>
      tpu.wait_dma2 semaphore(%run_scoped3A : memref<!tpu.dma_semaphore, #tpu.memory_space<semaphore_mem>>) src(%dma_wait3A_234 : memref<640x16xf32, #tpu.memory_space<vmem_shared>>) dst(%dma_wait3A_232 : memref<640x16xf32, #tpu.memory_space<hbm>>)
      tpu.yield
    }) : () -> ()
    %barrier3A_190 = arith.constant 0 : index
    tpu.barrier barrier_id(%barrier3A_190)
    %mul3A_191 = arith.constant 640 : i32
    %mul3A_192 = arith.muli %arg1, %mul3A_191 : i32
    %add3A_193 = arith.constant 0 : i32
    %add3A_194 = arith.addi %mul3A_192, %add3A_193 : i32
    "tpu.region"() ({
      %run_scoped3A = tpu.sem_alloc : memref<!tpu.dma_semaphore, #tpu.memory_space<semaphore_mem>>
      %dma_start3A_227 = arith.constant 0 : i32
      %dma_start3A_228 = tpu.memref_slice %arg14[%add3A_194, %dma_start3A_227] : memref<10240x16xf32, #tpu.memory_space<vmem_shared>> -> memref<128x16xf32, #tpu.memory_space<vmem_shared>>
      %dma_start3A_229 = arith.constant 0 : i32
      %dma_start3A_230 = tpu.memref_slice %arg14[%add3A_194, %dma_start3A_229] : memref<10240x16xf32, #tpu.memory_space<vmem_shared>> -> memref<128x16xf32, #tpu.memory_space<vmem_shared>>
      tpu.enqueue_dma source(%arg13 : memref<128x16xf32, #tpu.memory_space<vmem>>) target(%dma_start3A_230 : memref<128x16xf32, #tpu.memory_space<vmem_shared>>) target_semaphore(%run_scoped3A : memref<!tpu.dma_semaphore, #tpu.memory_space<semaphore_mem>>)
      %dma_wait3A_231 = arith.constant 0 : i32
      %dma_wait3A_232 = tpu.memref_slice %arg14[%add3A_194, %dma_wait3A_231] : memref<10240x16xf32, #tpu.memory_space<vmem_shared>> -> memref<128x16xf32, #tpu.memory_space<vmem_shared>>
      %dma_wait3A_233 = arith.constant 0 : i32
      %dma_wait3A_234 = tpu.memref_slice %arg14[%add3A_194, %dma_wait3A_233] : memref<10240x16xf32, #tpu.memory_space<vmem_shared>> -> memref<128x16xf32, #tpu.memory_space<vmem_shared>>
      tpu.wait_dma2 semaphore(%run_scoped3A : memref<!tpu.dma_semaphore, #tpu.memory_space<semaphore_mem>>) src(%arg13 : memref<128x16xf32, #tpu.memory_space<vmem>>) dst(%dma_wait3A_234 : memref<128x16xf32, #tpu.memory_space<vmem_shared>>)
      tpu.yield
    }) : () -> ()
    %mul3A_195 = arith.constant 640 : i32
    %mul3A_196 = arith.muli %arg1, %mul3A_195 : i32
    %add3A_197 = arith.constant 128 : i32
    %add3A_198 = arith.addi %mul3A_196, %add3A_197 : i32
    "tpu.region"() ({
      %run_scoped3A = tpu.sem_alloc : memref<!tpu.dma_semaphore, #tpu.memory_space<semaphore_mem>>
      %dma_start3A_227 = arith.constant 0 : i32
      %dma_start3A_228 = tpu.memref_slice %arg14[%add3A_198, %dma_start3A_227] : memref<10240x16xf32, #tpu.memory_space<vmem_shared>> -> memref<128x16xf32, #tpu.memory_space<vmem_shared>>
      %dma_start3A_229 = arith.constant 0 : i32
      %dma_start3A_230 = tpu.memref_slice %arg14[%add3A_198, %dma_start3A_229] : memref<10240x16xf32, #tpu.memory_space<vmem_shared>> -> memref<128x16xf32, #tpu.memory_space<vmem_shared>>
      tpu.enqueue_dma source(%arg13 : memref<128x16xf32, #tpu.memory_space<vmem>>) target(%dma_start3A_230 : memref<128x16xf32, #tpu.memory_space<vmem_shared>>) target_semaphore(%run_scoped3A : memref<!tpu.dma_semaphore, #tpu.memory_space<semaphore_mem>>)
      %dma_wait3A_231 = arith.constant 0 : i32
      %dma_wait3A_232 = tpu.memref_slice %arg14[%add3A_198, %dma_wait3A_231] : memref<10240x16xf32, #tpu.memory_space<vmem_shared>> -> memref<128x16xf32, #tpu.memory_space<vmem_shared>>
      %dma_wait3A_233 = arith.constant 0 : i32
      %dma_wait3A_234 = tpu.memref_slice %arg14[%add3A_198, %dma_wait3A_233] : memref<10240x16xf32, #tpu.memory_space<vmem_shared>> -> memref<128x16xf32, #tpu.memory_space<vmem_shared>>
      tpu.wait_dma2 semaphore(%run_scoped3A : memref<!tpu.dma_semaphore, #tpu.memory_space<semaphore_mem>>) src(%arg13 : memref<128x16xf32, #tpu.memory_space<vmem>>) dst(%dma_wait3A_234 : memref<128x16xf32, #tpu.memory_space<vmem_shared>>)
      tpu.yield
    }) : () -> ()
    %mul3A_199 = arith.constant 640 : i32
    %mul3A_200 = arith.muli %arg1, %mul3A_199 : i32
    %add3A_201 = arith.constant 256 : i32
    %add3A_202 = arith.addi %mul3A_200, %add3A_201 : i32
    "tpu.region"() ({
      %run_scoped3A = tpu.sem_alloc : memref<!tpu.dma_semaphore, #tpu.memory_space<semaphore_mem>>
      %dma_start3A_227 = arith.constant 0 : i32
      %dma_start3A_228 = tpu.memref_slice %arg14[%add3A_202, %dma_start3A_227] : memref<10240x16xf32, #tpu.memory_space<vmem_shared>> -> memref<128x16xf32, #tpu.memory_space<vmem_shared>>
      %dma_start3A_229 = arith.constant 0 : i32
      %dma_start3A_230 = tpu.memref_slice %arg14[%add3A_202, %dma_start3A_229] : memref<10240x16xf32, #tpu.memory_space<vmem_shared>> -> memref<128x16xf32, #tpu.memory_space<vmem_shared>>
      tpu.enqueue_dma source(%arg13 : memref<128x16xf32, #tpu.memory_space<vmem>>) target(%dma_start3A_230 : memref<128x16xf32, #tpu.memory_space<vmem_shared>>) target_semaphore(%run_scoped3A : memref<!tpu.dma_semaphore, #tpu.memory_space<semaphore_mem>>)
      %dma_wait3A_231 = arith.constant 0 : i32
      %dma_wait3A_232 = tpu.memref_slice %arg14[%add3A_202, %dma_wait3A_231] : memref<10240x16xf32, #tpu.memory_space<vmem_shared>> -> memref<128x16xf32, #tpu.memory_space<vmem_shared>>
      %dma_wait3A_233 = arith.constant 0 : i32
      %dma_wait3A_234 = tpu.memref_slice %arg14[%add3A_202, %dma_wait3A_233] : memref<10240x16xf32, #tpu.memory_space<vmem_shared>> -> memref<128x16xf32, #tpu.memory_space<vmem_shared>>
      tpu.wait_dma2 semaphore(%run_scoped3A : memref<!tpu.dma_semaphore, #tpu.memory_space<semaphore_mem>>) src(%arg13 : memref<128x16xf32, #tpu.memory_space<vmem>>) dst(%dma_wait3A_234 : memref<128x16xf32, #tpu.memory_space<vmem_shared>>)
      tpu.yield
    }) : () -> ()
    %mul3A_203 = arith.constant 640 : i32
    %mul3A_204 = arith.muli %arg1, %mul3A_203 : i32
    %add3A_205 = arith.constant 384 : i32
    %add3A_206 = arith.addi %mul3A_204, %add3A_205 : i32
    "tpu.region"() ({
      %run_scoped3A = tpu.sem_alloc : memref<!tpu.dma_semaphore, #tpu.memory_space<semaphore_mem>>
      %dma_start3A_227 = arith.constant 0 : i32
      %dma_start3A_228 = tpu.memref_slice %arg14[%add3A_206, %dma_start3A_227] : memref<10240x16xf32, #tpu.memory_space<vmem_shared>> -> memref<128x16xf32, #tpu.memory_space<vmem_shared>>
      %dma_start3A_229 = arith.constant 0 : i32
      %dma_start3A_230 = tpu.memref_slice %arg14[%add3A_206, %dma_start3A_229] : memref<10240x16xf32, #tpu.memory_space<vmem_shared>> -> memref<128x16xf32, #tpu.memory_space<vmem_shared>>
      tpu.enqueue_dma source(%arg13 : memref<128x16xf32, #tpu.memory_space<vmem>>) target(%dma_start3A_230 : memref<128x16xf32, #tpu.memory_space<vmem_shared>>) target_semaphore(%run_scoped3A : memref<!tpu.dma_semaphore, #tpu.memory_space<semaphore_mem>>)
      %dma_wait3A_231 = arith.constant 0 : i32
      %dma_wait3A_232 = tpu.memref_slice %arg14[%add3A_206, %dma_wait3A_231] : memref<10240x16xf32, #tpu.memory_space<vmem_shared>> -> memref<128x16xf32, #tpu.memory_space<vmem_shared>>
      %dma_wait3A_233 = arith.constant 0 : i32
      %dma_wait3A_234 = tpu.memref_slice %arg14[%add3A_206, %dma_wait3A_233] : memref<10240x16xf32, #tpu.memory_space<vmem_shared>> -> memref<128x16xf32, #tpu.memory_space<vmem_shared>>
      tpu.wait_dma2 semaphore(%run_scoped3A : memref<!tpu.dma_semaphore, #tpu.memory_space<semaphore_mem>>) src(%arg13 : memref<128x16xf32, #tpu.memory_space<vmem>>) dst(%dma_wait3A_234 : memref<128x16xf32, #tpu.memory_space<vmem_shared>>)
      tpu.yield
    }) : () -> ()
    %mul3A_207 = arith.constant 640 : i32
    %mul3A_208 = arith.muli %arg1, %mul3A_207 : i32
    %add3A_209 = arith.constant 512 : i32
    %add3A_210 = arith.addi %mul3A_208, %add3A_209 : i32
    "tpu.region"() ({
      %run_scoped3A = tpu.sem_alloc : memref<!tpu.dma_semaphore, #tpu.memory_space<semaphore_mem>>
      %dma_start3A_227 = arith.constant 0 : i32
      %dma_start3A_228 = tpu.memref_slice %arg14[%add3A_210, %dma_start3A_227] : memref<10240x16xf32, #tpu.memory_space<vmem_shared>> -> memref<128x16xf32, #tpu.memory_space<vmem_shared>>
      %dma_start3A_229 = arith.constant 0 : i32
      %dma_start3A_230 = tpu.memref_slice %arg14[%add3A_210, %dma_start3A_229] : memref<10240x16xf32, #tpu.memory_space<vmem_shared>> -> memref<128x16xf32, #tpu.memory_space<vmem_shared>>
      tpu.enqueue_dma source(%arg13 : memref<128x16xf32, #tpu.memory_space<vmem>>) target(%dma_start3A_230 : memref<128x16xf32, #tpu.memory_space<vmem_shared>>) target_semaphore(%run_scoped3A : memref<!tpu.dma_semaphore, #tpu.memory_space<semaphore_mem>>)
      %dma_wait3A_231 = arith.constant 0 : i32
      %dma_wait3A_232 = tpu.memref_slice %arg14[%add3A_210, %dma_wait3A_231] : memref<10240x16xf32, #tpu.memory_space<vmem_shared>> -> memref<128x16xf32, #tpu.memory_space<vmem_shared>>
      %dma_wait3A_233 = arith.constant 0 : i32
      %dma_wait3A_234 = tpu.memref_slice %arg14[%add3A_210, %dma_wait3A_233] : memref<10240x16xf32, #tpu.memory_space<vmem_shared>> -> memref<128x16xf32, #tpu.memory_space<vmem_shared>>
      tpu.wait_dma2 semaphore(%run_scoped3A : memref<!tpu.dma_semaphore, #tpu.memory_space<semaphore_mem>>) src(%arg13 : memref<128x16xf32, #tpu.memory_space<vmem>>) dst(%dma_wait3A_234 : memref<128x16xf32, #tpu.memory_space<vmem_shared>>)
      tpu.yield
    }) : () -> ()
    %barrier3A_211 = arith.constant 0 : index
    tpu.barrier barrier_id(%barrier3A_211)
    %scan3A_212 = arith.constant 0 : i32
    %scan3A_213 = arith.constant 0 : i32
    %scan3A_214 = arith.constant 5 : i32
    %scan3A_215 = arith.addi %scan3A_213, %scan3A_214 : i32
    %scan3A_216 = arith.constant 1 : i32
    scf.for %scan3A_227 = %scan3A_213 to %scan3A_215 step %scan3A_216  : i32 {
      %mul3A_228 = arith.constant 80 : i32
      %mul3A_229 = arith.muli %add3A, %mul3A_228 : i32
      %mul3A_230 = arith.constant 16 : i32
      %mul3A_231 = arith.muli %scan3A_227, %mul3A_230 : i32
      %add3A_232 = arith.addi %mul3A_229, %mul3A_231 : i32
      "tpu.region"() ({
        %run_scoped3A = tpu.sem_alloc : memref<!tpu.dma_semaphore, #tpu.memory_space<semaphore_mem>>
        %dma_start3A_238 = arith.constant 0 : i32
        %dma_start3A_239 = tpu.memref_slice %arg5[%add3A_232, %dma_start3A_238] : memref<2560x64xi32, #tpu.memory_space<hbm>> -> memref<16x64xi32, #tpu.memory_space<hbm>>
        %dma_start3A_240 = arith.constant 0 : i32
        %dma_start3A_241 = tpu.memref_slice %arg5[%add3A_232, %dma_start3A_240] : memref<2560x64xi32, #tpu.memory_space<hbm>> -> memref<16x64xi32, #tpu.memory_space<hbm>>
        tpu.enqueue_dma source(%dma_start3A_241 : memref<16x64xi32, #tpu.memory_space<hbm>>) target(%arg11 : memref<16x64xi32, #tpu.memory_space<vmem>>) target_semaphore(%run_scoped3A : memref<!tpu.dma_semaphore, #tpu.memory_space<semaphore_mem>>)
        %dma_wait3A_242 = arith.constant 0 : i32
        %dma_wait3A_243 = tpu.memref_slice %arg5[%add3A_232, %dma_wait3A_242] : memref<2560x64xi32, #tpu.memory_space<hbm>> -> memref<16x64xi32, #tpu.memory_space<hbm>>
        %dma_wait3A_244 = arith.constant 0 : i32
        %dma_wait3A_245 = tpu.memref_slice %arg5[%add3A_232, %dma_wait3A_244] : memref<2560x64xi32, #tpu.memory_space<hbm>> -> memref<16x64xi32, #tpu.memory_space<hbm>>
        tpu.wait_dma2 semaphore(%run_scoped3A : memref<!tpu.dma_semaphore, #tpu.memory_space<semaphore_mem>>) src(%dma_wait3A_245 : memref<16x64xi32, #tpu.memory_space<hbm>>) dst(%arg11 : memref<16x64xi32, #tpu.memory_space<vmem>>)
        tpu.yield
      }) : () -> ()
      %scan3A_233 = arith.constant 0 : i32
      %scan3A_234 = arith.constant 16 : i32
      %scan3A_235 = arith.addi %scan3A_233, %scan3A_234 : i32
      %scan3A_236 = arith.constant 1 : i32
      scf.for %scan3A_238 = %scan3A_233 to %scan3A_235 step %scan3A_236  : i32 {
        "tpu.region"() ({
          %run_scoped3A = tpu.sem_alloc : memref<!tpu.dma_semaphore, #tpu.memory_space<semaphore_mem>>
          %dma_start3A_239 = arith.constant 0 : i32
          %dma_start3A_240 = tpu.memref_slice %arg11[%scan3A_238, %dma_start3A_239] : memref<16x64xi32, #tpu.memory_space<vmem>> -> memref<1x64xi32, #tpu.memory_space<vmem>>
          %dma_start3A_241 = tpu.memref_squeeze %dma_start3A_240 : memref<1x64xi32, #tpu.memory_space<vmem>> -> memref<64xi32, #tpu.memory_space<vmem>>
          %dma_start3A_242 = arith.constant 0 : i32
          %dma_start3A_243 = arith.constant 0 : i32
          %dma_start3A_244 = tpu.memref_slice %arg14[%dma_start3A_242, %dma_start3A_243] : memref<10240x16xf32, #tpu.memory_space<vmem_shared>> -> memref<10240x16xf32, #tpu.memory_space<vmem_shared>>
          tpu.enqueue_indirect_dma source(%arg12 : memref<64x16xf32, #tpu.memory_space<vmem>>) target(%dma_start3A_244 : memref<10240x16xf32, #tpu.memory_space<vmem_shared>>) offsets(%dma_start3A_241 : memref<64xi32, #tpu.memory_space<vmem>>) semaphore(%run_scoped3A : memref<!tpu.dma_semaphore, #tpu.memory_space<semaphore_mem>>) {add = true}
          %dma_wait3A_245 = arith.constant 0 : i32
          %dma_wait3A_246 = tpu.memref_slice %arg11[%scan3A_238, %dma_wait3A_245] : memref<16x64xi32, #tpu.memory_space<vmem>> -> memref<1x64xi32, #tpu.memory_space<vmem>>
          %dma_wait3A_247 = tpu.memref_squeeze %dma_wait3A_246 : memref<1x64xi32, #tpu.memory_space<vmem>> -> memref<64xi32, #tpu.memory_space<vmem>>
          %dma_wait3A_248 = arith.constant 0 : i32
          %dma_wait3A_249 = arith.constant 0 : i32
          %dma_wait3A_250 = tpu.memref_slice %arg14[%dma_wait3A_248, %dma_wait3A_249] : memref<10240x16xf32, #tpu.memory_space<vmem_shared>> -> memref<10240x16xf32, #tpu.memory_space<vmem_shared>>
          tpu.wait_indirect_dma semaphore(%run_scoped3A : memref<!tpu.dma_semaphore, #tpu.memory_space<semaphore_mem>>) src(%arg12 : memref<64x16xf32, #tpu.memory_space<vmem>>) dst(%dma_wait3A_250 : memref<10240x16xf32, #tpu.memory_space<vmem_shared>>)
          tpu.yield
        }) : () -> ()
      }
      %scan3A_237 = arith.constant 16 : i32
    }
    %scan3A_217 = arith.constant 5 : i32
    %barrier3A_218 = arith.constant 0 : index
    tpu.barrier barrier_id(%barrier3A_218)
    %mul3A_219 = arith.constant 640 : i32
    %mul3A_220 = arith.muli %arg1, %mul3A_219 : i32
    %mul3A_221 = arith.constant 10240 : i32
    %mul3A_222 = arith.muli %arg0, %mul3A_221 : i32
    %mul3A_223 = arith.constant 640 : i32
    %mul3A_224 = arith.muli %arg1, %mul3A_223 : i32
    %add3A_225 = arith.addi %mul3A_222, %mul3A_224 : i32
    "tpu.region"() ({
      %run_scoped3A = tpu.sem_alloc : memref<!tpu.dma_semaphore, #tpu.memory_space<semaphore_mem>>
      %dma_start3A_227 = arith.constant 0 : i32
      %dma_start3A_228 = tpu.memref_slice %arg8[%add3A_225, %dma_start3A_227] : memref<20480x16xf32, #tpu.memory_space<hbm>> -> memref<640x16xf32, #tpu.memory_space<hbm>>
      %dma_start3A_229 = arith.constant 0 : i32
      %dma_start3A_230 = tpu.memref_slice %arg14[%mul3A_220, %dma_start3A_229] : memref<10240x16xf32, #tpu.memory_space<vmem_shared>> -> memref<640x16xf32, #tpu.memory_space<vmem_shared>>
      tpu.enqueue_dma source(%dma_start3A_230 : memref<640x16xf32, #tpu.memory_space<vmem_shared>>) target(%dma_start3A_228 : memref<640x16xf32, #tpu.memory_space<hbm>>) target_semaphore(%run_scoped3A : memref<!tpu.dma_semaphore, #tpu.memory_space<semaphore_mem>>)
      %dma_wait3A_231 = arith.constant 0 : i32
      %dma_wait3A_232 = tpu.memref_slice %arg8[%add3A_225, %dma_wait3A_231] : memref<20480x16xf32, #tpu.memory_space<hbm>> -> memref<640x16xf32, #tpu.memory_space<hbm>>
      %dma_wait3A_233 = arith.constant 0 : i32
      %dma_wait3A_234 = tpu.memref_slice %arg14[%mul3A_220, %dma_wait3A_233] : memref<10240x16xf32, #tpu.memory_space<vmem_shared>> -> memref<640x16xf32, #tpu.memory_space<vmem_shared>>
      tpu.wait_dma2 semaphore(%run_scoped3A : memref<!tpu.dma_semaphore, #tpu.memory_space<semaphore_mem>>) src(%dma_wait3A_234 : memref<640x16xf32, #tpu.memory_space<vmem_shared>>) dst(%dma_wait3A_232 : memref<640x16xf32, #tpu.memory_space<hbm>>)
      tpu.yield
    }) : () -> ()
    %barrier3A_226 = arith.constant 0 : index
    tpu.barrier barrier_id(%barrier3A_226)
    return
  }
}

#map = affine_map<(d0, d1) -> (0, 0)>
module attributes {stable_mosaic.version = 14 : i64} {
  func.func @_sc_scatter2(%arg0: i32, %arg1: i32, %arg2: memref<20480x128xf32, #tpu.memory_space<hbm>>, %arg3: memref<20480x128xf32, #tpu.memory_space<hbm>>, %arg4: memref<5120x64xi32, #tpu.memory_space<hbm>>, %arg5: memref<2560x64xi32, #tpu.memory_space<hbm>>, %arg6: memref<5120x64xi32, #tpu.memory_space<hbm>>, %arg7: memref<2560x64xi32, #tpu.memory_space<hbm>>, %arg8: memref<20480x128xf32, #tpu.memory_space<hbm>>, %arg9: memref<20480x128xf32, #tpu.memory_space<hbm>>, %arg10: memref<16x64xi32, #tpu.memory_space<vmem>>, %arg11: memref<16x64xi32, #tpu.memory_space<vmem>>, %arg12: memref<64x128xf32, #tpu.memory_space<vmem>>, %arg13: memref<64x128xf32, #tpu.memory_space<vmem>>, %arg14: memref<10240x128xf32, #tpu.memory_space<vmem_shared>>, %arg15: memref<!tpu.dma_semaphore, #tpu.memory_space<semaphore_mem>>, %arg16: memref<!tpu.dma_semaphore, #tpu.memory_space<semaphore_mem>>) attributes {dimension_semantics = [#tpu.dimension_semantics<core_parallel>, #tpu.dimension_semantics<subcore_parallel>], iteration_bounds = array<i64: 2, 16>, scalar_prefetch = 0 : i64, scratch_operands = 7 : i64, tpu.core_type = #tpu.core_type<sc_vector_subcore>, window_params = [{transform_indices = #map}, {transform_indices = #map}, {transform_indices = #map}, {transform_indices = #map}, {transform_indices = #map}, {transform_indices = #map}, {transform_indices = #map}, {transform_indices = #map}]} {
    %mul3A = arith.constant 10240 : i32
    %mul3A_0 = arith.muli %arg0, %mul3A : i32
    %mul3A_1 = arith.constant 640 : i32
    %mul3A_2 = arith.muli %arg1, %mul3A_1 : i32
    %add3A = arith.addi %mul3A_0, %mul3A_2 : i32
    %mul3A_3 = arith.constant 640 : i32
    %mul3A_4 = arith.muli %arg1, %mul3A_3 : i32
    "tpu.region"() ({
      %run_scoped3A = tpu.sem_alloc : memref<!tpu.dma_semaphore, #tpu.memory_space<semaphore_mem>>
      %dma_start3A = arith.constant 0 : i32
      %dma_start3A_36 = tpu.memref_slice %arg14[%mul3A_4, %dma_start3A] : memref<10240x128xf32, #tpu.memory_space<vmem_shared>> -> memref<640x128xf32, #tpu.memory_space<vmem_shared>>
      %dma_start3A_37 = arith.constant 0 : i32
      %dma_start3A_38 = tpu.memref_slice %arg2[%add3A, %dma_start3A_37] : memref<20480x128xf32, #tpu.memory_space<hbm>> -> memref<640x128xf32, #tpu.memory_space<hbm>>
      tpu.enqueue_dma source(%dma_start3A_38 : memref<640x128xf32, #tpu.memory_space<hbm>>) target(%dma_start3A_36 : memref<640x128xf32, #tpu.memory_space<vmem_shared>>) target_semaphore(%run_scoped3A : memref<!tpu.dma_semaphore, #tpu.memory_space<semaphore_mem>>)
      %dma_wait3A = arith.constant 0 : i32
      %dma_wait3A_39 = tpu.memref_slice %arg14[%mul3A_4, %dma_wait3A] : memref<10240x128xf32, #tpu.memory_space<vmem_shared>> -> memref<640x128xf32, #tpu.memory_space<vmem_shared>>
      %dma_wait3A_40 = arith.constant 0 : i32
      %dma_wait3A_41 = tpu.memref_slice %arg2[%add3A, %dma_wait3A_40] : memref<20480x128xf32, #tpu.memory_space<hbm>> -> memref<640x128xf32, #tpu.memory_space<hbm>>
      tpu.wait_dma2 semaphore(%run_scoped3A : memref<!tpu.dma_semaphore, #tpu.memory_space<semaphore_mem>>) src(%dma_wait3A_41 : memref<640x128xf32, #tpu.memory_space<hbm>>) dst(%dma_wait3A_39 : memref<640x128xf32, #tpu.memory_space<vmem_shared>>)
      tpu.yield
    }) : () -> ()
    %barrier3A = arith.constant 0 : index
    tpu.barrier barrier_id(%barrier3A)
    %scan3A = arith.constant 0 : i32
    %scan3A_5 = arith.constant 0 : i32
    %scan3A_6 = arith.constant 10 : i32
    %scan3A_7 = arith.addi %scan3A_5, %scan3A_6 : i32
    %scan3A_8 = arith.constant 1 : i32
    scf.for %scan3A_36 = %scan3A_5 to %scan3A_7 step %scan3A_8  : i32 {
      %mul3A_37 = arith.constant 2560 : i32
      %mul3A_38 = arith.muli %arg0, %mul3A_37 : i32
      %mul3A_39 = arith.constant 160 : i32
      %mul3A_40 = arith.muli %arg1, %mul3A_39 : i32
      %add3A_41 = arith.addi %mul3A_38, %mul3A_40 : i32
      %mul3A_42 = arith.constant 16 : i32
      %mul3A_43 = arith.muli %scan3A_36, %mul3A_42 : i32
      %add3A_44 = arith.addi %add3A_41, %mul3A_43 : i32
      "tpu.region"() ({
        %run_scoped3A = tpu.sem_alloc : memref<!tpu.dma_semaphore, #tpu.memory_space<semaphore_mem>>
        %dma_start3A = arith.constant 0 : i32
        %dma_start3A_55 = tpu.memref_slice %arg4[%add3A_44, %dma_start3A] : memref<5120x64xi32, #tpu.memory_space<hbm>> -> memref<16x64xi32, #tpu.memory_space<hbm>>
        %dma_start3A_56 = arith.constant 0 : i32
        %dma_start3A_57 = tpu.memref_slice %arg4[%add3A_44, %dma_start3A_56] : memref<5120x64xi32, #tpu.memory_space<hbm>> -> memref<16x64xi32, #tpu.memory_space<hbm>>
        tpu.enqueue_dma source(%dma_start3A_57 : memref<16x64xi32, #tpu.memory_space<hbm>>) target(%arg10 : memref<16x64xi32, #tpu.memory_space<vmem>>) target_semaphore(%run_scoped3A : memref<!tpu.dma_semaphore, #tpu.memory_space<semaphore_mem>>)
        %dma_wait3A = arith.constant 0 : i32
        %dma_wait3A_58 = tpu.memref_slice %arg4[%add3A_44, %dma_wait3A] : memref<5120x64xi32, #tpu.memory_space<hbm>> -> memref<16x64xi32, #tpu.memory_space<hbm>>
        %dma_wait3A_59 = arith.constant 0 : i32
        %dma_wait3A_60 = tpu.memref_slice %arg4[%add3A_44, %dma_wait3A_59] : memref<5120x64xi32, #tpu.memory_space<hbm>> -> memref<16x64xi32, #tpu.memory_space<hbm>>
        tpu.wait_dma2 semaphore(%run_scoped3A : memref<!tpu.dma_semaphore, #tpu.memory_space<semaphore_mem>>) src(%dma_wait3A_60 : memref<16x64xi32, #tpu.memory_space<hbm>>) dst(%arg10 : memref<16x64xi32, #tpu.memory_space<vmem>>)
        tpu.yield
      }) : () -> ()
      %mul3A_45 = arith.constant 160 : i32
      %mul3A_46 = arith.muli %arg1, %mul3A_45 : i32
      %mul3A_47 = arith.constant 16 : i32
      %mul3A_48 = arith.muli %scan3A_36, %mul3A_47 : i32
      %add3A_49 = arith.addi %mul3A_46, %mul3A_48 : i32
      "tpu.region"() ({
        %run_scoped3A = tpu.sem_alloc : memref<!tpu.dma_semaphore, #tpu.memory_space<semaphore_mem>>
        %dma_start3A = arith.constant 0 : i32
        %dma_start3A_55 = tpu.memref_slice %arg5[%add3A_49, %dma_start3A] : memref<2560x64xi32, #tpu.memory_space<hbm>> -> memref<16x64xi32, #tpu.memory_space<hbm>>
        %dma_start3A_56 = arith.constant 0 : i32
        %dma_start3A_57 = tpu.memref_slice %arg5[%add3A_49, %dma_start3A_56] : memref<2560x64xi32, #tpu.memory_space<hbm>> -> memref<16x64xi32, #tpu.memory_space<hbm>>
        tpu.enqueue_dma source(%dma_start3A_57 : memref<16x64xi32, #tpu.memory_space<hbm>>) target(%arg11 : memref<16x64xi32, #tpu.memory_space<vmem>>) target_semaphore(%run_scoped3A : memref<!tpu.dma_semaphore, #tpu.memory_space<semaphore_mem>>)
        %dma_wait3A = arith.constant 0 : i32
        %dma_wait3A_58 = tpu.memref_slice %arg5[%add3A_49, %dma_wait3A] : memref<2560x64xi32, #tpu.memory_space<hbm>> -> memref<16x64xi32, #tpu.memory_space<hbm>>
        %dma_wait3A_59 = arith.constant 0 : i32
        %dma_wait3A_60 = tpu.memref_slice %arg5[%add3A_49, %dma_wait3A_59] : memref<2560x64xi32, #tpu.memory_space<hbm>> -> memref<16x64xi32, #tpu.memory_space<hbm>>
        tpu.wait_dma2 semaphore(%run_scoped3A : memref<!tpu.dma_semaphore, #tpu.memory_space<semaphore_mem>>) src(%dma_wait3A_60 : memref<16x64xi32, #tpu.memory_space<hbm>>) dst(%arg11 : memref<16x64xi32, #tpu.memory_space<vmem>>)
        tpu.yield
      }) : () -> ()
      %scan3A_50 = arith.constant 0 : i32
      %scan3A_51 = arith.constant 8 : i32
      %scan3A_52 = arith.addi %scan3A_50, %scan3A_51 : i32
      %scan3A_53 = arith.constant 1 : i32
      scf.for %scan3A_55 = %scan3A_50 to %scan3A_52 step %scan3A_53  : i32 {
        %mul3A_56 = arith.constant 2 : i32
        %mul3A_57 = arith.muli %mul3A_56, %scan3A_55 : i32
        %dma_start3A = arith.constant 0 : i32
        %dma_start3A_58 = tpu.memref_slice %arg10[%mul3A_57, %dma_start3A] : memref<16x64xi32, #tpu.memory_space<vmem>> -> memref<1x64xi32, #tpu.memory_space<vmem>>
        %dma_start3A_59 = tpu.memref_squeeze %dma_start3A_58 : memref<1x64xi32, #tpu.memory_space<vmem>> -> memref<64xi32, #tpu.memory_space<vmem>>
        %dma_start3A_60 = arith.constant 0 : i32
        %dma_start3A_61 = arith.constant 0 : i32
        %dma_start3A_62 = tpu.memref_slice %arg2[%dma_start3A_60, %dma_start3A_61] : memref<20480x128xf32, #tpu.memory_space<hbm>> -> memref<20480x128xf32, #tpu.memory_space<hbm>>
        tpu.enqueue_indirect_dma source(%dma_start3A_62 : memref<20480x128xf32, #tpu.memory_space<hbm>>) target(%arg12 : memref<64x128xf32, #tpu.memory_space<vmem>>) offsets(%dma_start3A_59 : memref<64xi32, #tpu.memory_space<vmem>>) semaphore(%arg15 : memref<!tpu.dma_semaphore, #tpu.memory_space<semaphore_mem>>)
        %add3A_63 = arith.constant 1 : i32
        %add3A_64 = arith.addi %mul3A_57, %add3A_63 : i32
        %dma_start3A_65 = arith.constant 0 : i32
        %dma_start3A_66 = tpu.memref_slice %arg10[%add3A_64, %dma_start3A_65] : memref<16x64xi32, #tpu.memory_space<vmem>> -> memref<1x64xi32, #tpu.memory_space<vmem>>
        %dma_start3A_67 = tpu.memref_squeeze %dma_start3A_66 : memref<1x64xi32, #tpu.memory_space<vmem>> -> memref<64xi32, #tpu.memory_space<vmem>>
        %dma_start3A_68 = arith.constant 0 : i32
        %dma_start3A_69 = arith.constant 0 : i32
        %dma_start3A_70 = tpu.memref_slice %arg2[%dma_start3A_68, %dma_start3A_69] : memref<20480x128xf32, #tpu.memory_space<hbm>> -> memref<20480x128xf32, #tpu.memory_space<hbm>>
        tpu.enqueue_indirect_dma source(%dma_start3A_70 : memref<20480x128xf32, #tpu.memory_space<hbm>>) target(%arg13 : memref<64x128xf32, #tpu.memory_space<vmem>>) offsets(%dma_start3A_67 : memref<64xi32, #tpu.memory_space<vmem>>) semaphore(%arg16 : memref<!tpu.dma_semaphore, #tpu.memory_space<semaphore_mem>>)
        %dma_wait3A = arith.constant 0 : i32
        %dma_wait3A_71 = tpu.memref_slice %arg10[%mul3A_57, %dma_wait3A] : memref<16x64xi32, #tpu.memory_space<vmem>> -> memref<1x64xi32, #tpu.memory_space<vmem>>
        %dma_wait3A_72 = tpu.memref_squeeze %dma_wait3A_71 : memref<1x64xi32, #tpu.memory_space<vmem>> -> memref<64xi32, #tpu.memory_space<vmem>>
        %dma_wait3A_73 = arith.constant 0 : i32
        %dma_wait3A_74 = arith.constant 0 : i32
        %dma_wait3A_75 = tpu.memref_slice %arg2[%dma_wait3A_73, %dma_wait3A_74] : memref<20480x128xf32, #tpu.memory_space<hbm>> -> memref<20480x128xf32, #tpu.memory_space<hbm>>
        tpu.wait_indirect_dma semaphore(%arg15 : memref<!tpu.dma_semaphore, #tpu.memory_space<semaphore_mem>>) src(%dma_wait3A_75 : memref<20480x128xf32, #tpu.memory_space<hbm>>) dst(%arg12 : memref<64x128xf32, #tpu.memory_space<vmem>>)
        "tpu.region"() ({
          %run_scoped3A = tpu.sem_alloc : memref<!tpu.dma_semaphore, #tpu.memory_space<semaphore_mem>>
          %dma_start3A_84 = arith.constant 0 : i32
          %dma_start3A_85 = tpu.memref_slice %arg11[%mul3A_57, %dma_start3A_84] : memref<16x64xi32, #tpu.memory_space<vmem>> -> memref<1x64xi32, #tpu.memory_space<vmem>>
          %dma_start3A_86 = tpu.memref_squeeze %dma_start3A_85 : memref<1x64xi32, #tpu.memory_space<vmem>> -> memref<64xi32, #tpu.memory_space<vmem>>
          %dma_start3A_87 = arith.constant 0 : i32
          %dma_start3A_88 = arith.constant 0 : i32
          %dma_start3A_89 = tpu.memref_slice %arg14[%dma_start3A_87, %dma_start3A_88] : memref<10240x128xf32, #tpu.memory_space<vmem_shared>> -> memref<10240x128xf32, #tpu.memory_space<vmem_shared>>
          tpu.enqueue_indirect_dma source(%arg12 : memref<64x128xf32, #tpu.memory_space<vmem>>) target(%dma_start3A_89 : memref<10240x128xf32, #tpu.memory_space<vmem_shared>>) offsets(%dma_start3A_86 : memref<64xi32, #tpu.memory_space<vmem>>) semaphore(%run_scoped3A : memref<!tpu.dma_semaphore, #tpu.memory_space<semaphore_mem>>) {add = true}
          %dma_wait3A_90 = arith.constant 0 : i32
          %dma_wait3A_91 = tpu.memref_slice %arg11[%mul3A_57, %dma_wait3A_90] : memref<16x64xi32, #tpu.memory_space<vmem>> -> memref<1x64xi32, #tpu.memory_space<vmem>>
          %dma_wait3A_92 = tpu.memref_squeeze %dma_wait3A_91 : memref<1x64xi32, #tpu.memory_space<vmem>> -> memref<64xi32, #tpu.memory_space<vmem>>
          %dma_wait3A_93 = arith.constant 0 : i32
          %dma_wait3A_94 = arith.constant 0 : i32
          %dma_wait3A_95 = tpu.memref_slice %arg14[%dma_wait3A_93, %dma_wait3A_94] : memref<10240x128xf32, #tpu.memory_space<vmem_shared>> -> memref<10240x128xf32, #tpu.memory_space<vmem_shared>>
          tpu.wait_indirect_dma semaphore(%run_scoped3A : memref<!tpu.dma_semaphore, #tpu.memory_space<semaphore_mem>>) src(%arg12 : memref<64x128xf32, #tpu.memory_space<vmem>>) dst(%dma_wait3A_95 : memref<10240x128xf32, #tpu.memory_space<vmem_shared>>)
          tpu.yield
        }) : () -> ()
        %dma_wait3A_76 = arith.constant 0 : i32
        %dma_wait3A_77 = tpu.memref_slice %arg10[%add3A_64, %dma_wait3A_76] : memref<16x64xi32, #tpu.memory_space<vmem>> -> memref<1x64xi32, #tpu.memory_space<vmem>>
        %dma_wait3A_78 = tpu.memref_squeeze %dma_wait3A_77 : memref<1x64xi32, #tpu.memory_space<vmem>> -> memref<64xi32, #tpu.memory_space<vmem>>
        %dma_wait3A_79 = arith.constant 0 : i32
        %dma_wait3A_80 = arith.constant 0 : i32
        %dma_wait3A_81 = tpu.memref_slice %arg2[%dma_wait3A_79, %dma_wait3A_80] : memref<20480x128xf32, #tpu.memory_space<hbm>> -> memref<20480x128xf32, #tpu.memory_space<hbm>>
        tpu.wait_indirect_dma semaphore(%arg16 : memref<!tpu.dma_semaphore, #tpu.memory_space<semaphore_mem>>) src(%dma_wait3A_81 : memref<20480x128xf32, #tpu.memory_space<hbm>>) dst(%arg13 : memref<64x128xf32, #tpu.memory_space<vmem>>)
        %add3A_82 = arith.constant 1 : i32
        %add3A_83 = arith.addi %mul3A_57, %add3A_82 : i32
        "tpu.region"() ({
          %run_scoped3A = tpu.sem_alloc : memref<!tpu.dma_semaphore, #tpu.memory_space<semaphore_mem>>
          %dma_start3A_84 = arith.constant 0 : i32
          %dma_start3A_85 = tpu.memref_slice %arg11[%add3A_83, %dma_start3A_84] : memref<16x64xi32, #tpu.memory_space<vmem>> -> memref<1x64xi32, #tpu.memory_space<vmem>>
          %dma_start3A_86 = tpu.memref_squeeze %dma_start3A_85 : memref<1x64xi32, #tpu.memory_space<vmem>> -> memref<64xi32, #tpu.memory_space<vmem>>
          %dma_start3A_87 = arith.constant 0 : i32
          %dma_start3A_88 = arith.constant 0 : i32
          %dma_start3A_89 = tpu.memref_slice %arg14[%dma_start3A_87, %dma_start3A_88] : memref<10240x128xf32, #tpu.memory_space<vmem_shared>> -> memref<10240x128xf32, #tpu.memory_space<vmem_shared>>
          tpu.enqueue_indirect_dma source(%arg13 : memref<64x128xf32, #tpu.memory_space<vmem>>) target(%dma_start3A_89 : memref<10240x128xf32, #tpu.memory_space<vmem_shared>>) offsets(%dma_start3A_86 : memref<64xi32, #tpu.memory_space<vmem>>) semaphore(%run_scoped3A : memref<!tpu.dma_semaphore, #tpu.memory_space<semaphore_mem>>) {add = true}
          %dma_wait3A_90 = arith.constant 0 : i32
          %dma_wait3A_91 = tpu.memref_slice %arg11[%add3A_83, %dma_wait3A_90] : memref<16x64xi32, #tpu.memory_space<vmem>> -> memref<1x64xi32, #tpu.memory_space<vmem>>
          %dma_wait3A_92 = tpu.memref_squeeze %dma_wait3A_91 : memref<1x64xi32, #tpu.memory_space<vmem>> -> memref<64xi32, #tpu.memory_space<vmem>>
          %dma_wait3A_93 = arith.constant 0 : i32
          %dma_wait3A_94 = arith.constant 0 : i32
          %dma_wait3A_95 = tpu.memref_slice %arg14[%dma_wait3A_93, %dma_wait3A_94] : memref<10240x128xf32, #tpu.memory_space<vmem_shared>> -> memref<10240x128xf32, #tpu.memory_space<vmem_shared>>
          tpu.wait_indirect_dma semaphore(%run_scoped3A : memref<!tpu.dma_semaphore, #tpu.memory_space<semaphore_mem>>) src(%arg13 : memref<64x128xf32, #tpu.memory_space<vmem>>) dst(%dma_wait3A_95 : memref<10240x128xf32, #tpu.memory_space<vmem_shared>>)
          tpu.yield
        }) : () -> ()
      }
      %scan3A_54 = arith.constant 8 : i32
    }
    %scan3A_9 = arith.constant 10 : i32
    %barrier3A_10 = arith.constant 0 : index
    tpu.barrier barrier_id(%barrier3A_10)
    %mul3A_11 = arith.constant 640 : i32
    %mul3A_12 = arith.muli %arg1, %mul3A_11 : i32
    %mul3A_13 = arith.constant 640 : i32
    %mul3A_14 = arith.muli %arg1, %mul3A_13 : i32
    %add3A_15 = arith.addi %mul3A_0, %mul3A_14 : i32
    "tpu.region"() ({
      %run_scoped3A = tpu.sem_alloc : memref<!tpu.dma_semaphore, #tpu.memory_space<semaphore_mem>>
      %dma_start3A = arith.constant 0 : i32
      %dma_start3A_36 = tpu.memref_slice %arg8[%add3A_15, %dma_start3A] : memref<20480x128xf32, #tpu.memory_space<hbm>> -> memref<640x128xf32, #tpu.memory_space<hbm>>
      %dma_start3A_37 = arith.constant 0 : i32
      %dma_start3A_38 = tpu.memref_slice %arg14[%mul3A_12, %dma_start3A_37] : memref<10240x128xf32, #tpu.memory_space<vmem_shared>> -> memref<640x128xf32, #tpu.memory_space<vmem_shared>>
      tpu.enqueue_dma source(%dma_start3A_38 : memref<640x128xf32, #tpu.memory_space<vmem_shared>>) target(%dma_start3A_36 : memref<640x128xf32, #tpu.memory_space<hbm>>) target_semaphore(%run_scoped3A : memref<!tpu.dma_semaphore, #tpu.memory_space<semaphore_mem>>)
      %dma_wait3A = arith.constant 0 : i32
      %dma_wait3A_39 = tpu.memref_slice %arg8[%add3A_15, %dma_wait3A] : memref<20480x128xf32, #tpu.memory_space<hbm>> -> memref<640x128xf32, #tpu.memory_space<hbm>>
      %dma_wait3A_40 = arith.constant 0 : i32
      %dma_wait3A_41 = tpu.memref_slice %arg14[%mul3A_12, %dma_wait3A_40] : memref<10240x128xf32, #tpu.memory_space<vmem_shared>> -> memref<640x128xf32, #tpu.memory_space<vmem_shared>>
      tpu.wait_dma2 semaphore(%run_scoped3A : memref<!tpu.dma_semaphore, #tpu.memory_space<semaphore_mem>>) src(%dma_wait3A_41 : memref<640x128xf32, #tpu.memory_space<vmem_shared>>) dst(%dma_wait3A_39 : memref<640x128xf32, #tpu.memory_space<hbm>>)
      tpu.yield
    }) : () -> ()
    %barrier3A_16 = arith.constant 0 : index
    tpu.barrier barrier_id(%barrier3A_16)
    %mul3A_17 = arith.constant 640 : i32
    %mul3A_18 = arith.muli %arg1, %mul3A_17 : i32
    %add3A_19 = arith.addi %mul3A_0, %mul3A_18 : i32
    %mul3A_20 = arith.constant 640 : i32
    %mul3A_21 = arith.muli %arg1, %mul3A_20 : i32
    "tpu.region"() ({
      %run_scoped3A = tpu.sem_alloc : memref<!tpu.dma_semaphore, #tpu.memory_space<semaphore_mem>>
      %dma_start3A = arith.constant 0 : i32
      %dma_start3A_36 = tpu.memref_slice %arg14[%mul3A_21, %dma_start3A] : memref<10240x128xf32, #tpu.memory_space<vmem_shared>> -> memref<640x128xf32, #tpu.memory_space<vmem_shared>>
      %dma_start3A_37 = arith.constant 0 : i32
      %dma_start3A_38 = tpu.memref_slice %arg3[%add3A_19, %dma_start3A_37] : memref<20480x128xf32, #tpu.memory_space<hbm>> -> memref<640x128xf32, #tpu.memory_space<hbm>>
      tpu.enqueue_dma source(%dma_start3A_38 : memref<640x128xf32, #tpu.memory_space<hbm>>) target(%dma_start3A_36 : memref<640x128xf32, #tpu.memory_space<vmem_shared>>) target_semaphore(%run_scoped3A : memref<!tpu.dma_semaphore, #tpu.memory_space<semaphore_mem>>)
      %dma_wait3A = arith.constant 0 : i32
      %dma_wait3A_39 = tpu.memref_slice %arg14[%mul3A_21, %dma_wait3A] : memref<10240x128xf32, #tpu.memory_space<vmem_shared>> -> memref<640x128xf32, #tpu.memory_space<vmem_shared>>
      %dma_wait3A_40 = arith.constant 0 : i32
      %dma_wait3A_41 = tpu.memref_slice %arg3[%add3A_19, %dma_wait3A_40] : memref<20480x128xf32, #tpu.memory_space<hbm>> -> memref<640x128xf32, #tpu.memory_space<hbm>>
      tpu.wait_dma2 semaphore(%run_scoped3A : memref<!tpu.dma_semaphore, #tpu.memory_space<semaphore_mem>>) src(%dma_wait3A_41 : memref<640x128xf32, #tpu.memory_space<hbm>>) dst(%dma_wait3A_39 : memref<640x128xf32, #tpu.memory_space<vmem_shared>>)
      tpu.yield
    }) : () -> ()
    %barrier3A_22 = arith.constant 0 : index
    tpu.barrier barrier_id(%barrier3A_22)
    %scan3A_23 = arith.constant 0 : i32
    %scan3A_24 = arith.constant 0 : i32
    %scan3A_25 = arith.constant 10 : i32
    %scan3A_26 = arith.addi %scan3A_24, %scan3A_25 : i32
    %scan3A_27 = arith.constant 1 : i32
    scf.for %scan3A_36 = %scan3A_24 to %scan3A_26 step %scan3A_27  : i32 {
      %mul3A_37 = arith.constant 2560 : i32
      %mul3A_38 = arith.muli %arg0, %mul3A_37 : i32
      %mul3A_39 = arith.constant 160 : i32
      %mul3A_40 = arith.muli %arg1, %mul3A_39 : i32
      %add3A_41 = arith.addi %mul3A_38, %mul3A_40 : i32
      %mul3A_42 = arith.constant 16 : i32
      %mul3A_43 = arith.muli %scan3A_36, %mul3A_42 : i32
      %add3A_44 = arith.addi %add3A_41, %mul3A_43 : i32
      "tpu.region"() ({
        %run_scoped3A = tpu.sem_alloc : memref<!tpu.dma_semaphore, #tpu.memory_space<semaphore_mem>>
        %dma_start3A = arith.constant 0 : i32
        %dma_start3A_55 = tpu.memref_slice %arg6[%add3A_44, %dma_start3A] : memref<5120x64xi32, #tpu.memory_space<hbm>> -> memref<16x64xi32, #tpu.memory_space<hbm>>
        %dma_start3A_56 = arith.constant 0 : i32
        %dma_start3A_57 = tpu.memref_slice %arg6[%add3A_44, %dma_start3A_56] : memref<5120x64xi32, #tpu.memory_space<hbm>> -> memref<16x64xi32, #tpu.memory_space<hbm>>
        tpu.enqueue_dma source(%dma_start3A_57 : memref<16x64xi32, #tpu.memory_space<hbm>>) target(%arg10 : memref<16x64xi32, #tpu.memory_space<vmem>>) target_semaphore(%run_scoped3A : memref<!tpu.dma_semaphore, #tpu.memory_space<semaphore_mem>>)
        %dma_wait3A = arith.constant 0 : i32
        %dma_wait3A_58 = tpu.memref_slice %arg6[%add3A_44, %dma_wait3A] : memref<5120x64xi32, #tpu.memory_space<hbm>> -> memref<16x64xi32, #tpu.memory_space<hbm>>
        %dma_wait3A_59 = arith.constant 0 : i32
        %dma_wait3A_60 = tpu.memref_slice %arg6[%add3A_44, %dma_wait3A_59] : memref<5120x64xi32, #tpu.memory_space<hbm>> -> memref<16x64xi32, #tpu.memory_space<hbm>>
        tpu.wait_dma2 semaphore(%run_scoped3A : memref<!tpu.dma_semaphore, #tpu.memory_space<semaphore_mem>>) src(%dma_wait3A_60 : memref<16x64xi32, #tpu.memory_space<hbm>>) dst(%arg10 : memref<16x64xi32, #tpu.memory_space<vmem>>)
        tpu.yield
      }) : () -> ()
      %mul3A_45 = arith.constant 160 : i32
      %mul3A_46 = arith.muli %arg1, %mul3A_45 : i32
      %mul3A_47 = arith.constant 16 : i32
      %mul3A_48 = arith.muli %scan3A_36, %mul3A_47 : i32
      %add3A_49 = arith.addi %mul3A_46, %mul3A_48 : i32
      "tpu.region"() ({
        %run_scoped3A = tpu.sem_alloc : memref<!tpu.dma_semaphore, #tpu.memory_space<semaphore_mem>>
        %dma_start3A = arith.constant 0 : i32
        %dma_start3A_55 = tpu.memref_slice %arg7[%add3A_49, %dma_start3A] : memref<2560x64xi32, #tpu.memory_space<hbm>> -> memref<16x64xi32, #tpu.memory_space<hbm>>
        %dma_start3A_56 = arith.constant 0 : i32
        %dma_start3A_57 = tpu.memref_slice %arg7[%add3A_49, %dma_start3A_56] : memref<2560x64xi32, #tpu.memory_space<hbm>> -> memref<16x64xi32, #tpu.memory_space<hbm>>
        tpu.enqueue_dma source(%dma_start3A_57 : memref<16x64xi32, #tpu.memory_space<hbm>>) target(%arg11 : memref<16x64xi32, #tpu.memory_space<vmem>>) target_semaphore(%run_scoped3A : memref<!tpu.dma_semaphore, #tpu.memory_space<semaphore_mem>>)
        %dma_wait3A = arith.constant 0 : i32
        %dma_wait3A_58 = tpu.memref_slice %arg7[%add3A_49, %dma_wait3A] : memref<2560x64xi32, #tpu.memory_space<hbm>> -> memref<16x64xi32, #tpu.memory_space<hbm>>
        %dma_wait3A_59 = arith.constant 0 : i32
        %dma_wait3A_60 = tpu.memref_slice %arg7[%add3A_49, %dma_wait3A_59] : memref<2560x64xi32, #tpu.memory_space<hbm>> -> memref<16x64xi32, #tpu.memory_space<hbm>>
        tpu.wait_dma2 semaphore(%run_scoped3A : memref<!tpu.dma_semaphore, #tpu.memory_space<semaphore_mem>>) src(%dma_wait3A_60 : memref<16x64xi32, #tpu.memory_space<hbm>>) dst(%arg11 : memref<16x64xi32, #tpu.memory_space<vmem>>)
        tpu.yield
      }) : () -> ()
      %scan3A_50 = arith.constant 0 : i32
      %scan3A_51 = arith.constant 8 : i32
      %scan3A_52 = arith.addi %scan3A_50, %scan3A_51 : i32
      %scan3A_53 = arith.constant 1 : i32
      scf.for %scan3A_55 = %scan3A_50 to %scan3A_52 step %scan3A_53  : i32 {
        %mul3A_56 = arith.constant 2 : i32
        %mul3A_57 = arith.muli %mul3A_56, %scan3A_55 : i32
        %dma_start3A = arith.constant 0 : i32
        %dma_start3A_58 = tpu.memref_slice %arg10[%mul3A_57, %dma_start3A] : memref<16x64xi32, #tpu.memory_space<vmem>> -> memref<1x64xi32, #tpu.memory_space<vmem>>
        %dma_start3A_59 = tpu.memref_squeeze %dma_start3A_58 : memref<1x64xi32, #tpu.memory_space<vmem>> -> memref<64xi32, #tpu.memory_space<vmem>>
        %dma_start3A_60 = arith.constant 0 : i32
        %dma_start3A_61 = arith.constant 0 : i32
        %dma_start3A_62 = tpu.memref_slice %arg3[%dma_start3A_60, %dma_start3A_61] : memref<20480x128xf32, #tpu.memory_space<hbm>> -> memref<20480x128xf32, #tpu.memory_space<hbm>>
        tpu.enqueue_indirect_dma source(%dma_start3A_62 : memref<20480x128xf32, #tpu.memory_space<hbm>>) target(%arg12 : memref<64x128xf32, #tpu.memory_space<vmem>>) offsets(%dma_start3A_59 : memref<64xi32, #tpu.memory_space<vmem>>) semaphore(%arg15 : memref<!tpu.dma_semaphore, #tpu.memory_space<semaphore_mem>>)
        %add3A_63 = arith.constant 1 : i32
        %add3A_64 = arith.addi %mul3A_57, %add3A_63 : i32
        %dma_start3A_65 = arith.constant 0 : i32
        %dma_start3A_66 = tpu.memref_slice %arg10[%add3A_64, %dma_start3A_65] : memref<16x64xi32, #tpu.memory_space<vmem>> -> memref<1x64xi32, #tpu.memory_space<vmem>>
        %dma_start3A_67 = tpu.memref_squeeze %dma_start3A_66 : memref<1x64xi32, #tpu.memory_space<vmem>> -> memref<64xi32, #tpu.memory_space<vmem>>
        %dma_start3A_68 = arith.constant 0 : i32
        %dma_start3A_69 = arith.constant 0 : i32
        %dma_start3A_70 = tpu.memref_slice %arg3[%dma_start3A_68, %dma_start3A_69] : memref<20480x128xf32, #tpu.memory_space<hbm>> -> memref<20480x128xf32, #tpu.memory_space<hbm>>
        tpu.enqueue_indirect_dma source(%dma_start3A_70 : memref<20480x128xf32, #tpu.memory_space<hbm>>) target(%arg13 : memref<64x128xf32, #tpu.memory_space<vmem>>) offsets(%dma_start3A_67 : memref<64xi32, #tpu.memory_space<vmem>>) semaphore(%arg16 : memref<!tpu.dma_semaphore, #tpu.memory_space<semaphore_mem>>)
        %dma_wait3A = arith.constant 0 : i32
        %dma_wait3A_71 = tpu.memref_slice %arg10[%mul3A_57, %dma_wait3A] : memref<16x64xi32, #tpu.memory_space<vmem>> -> memref<1x64xi32, #tpu.memory_space<vmem>>
        %dma_wait3A_72 = tpu.memref_squeeze %dma_wait3A_71 : memref<1x64xi32, #tpu.memory_space<vmem>> -> memref<64xi32, #tpu.memory_space<vmem>>
        %dma_wait3A_73 = arith.constant 0 : i32
        %dma_wait3A_74 = arith.constant 0 : i32
        %dma_wait3A_75 = tpu.memref_slice %arg3[%dma_wait3A_73, %dma_wait3A_74] : memref<20480x128xf32, #tpu.memory_space<hbm>> -> memref<20480x128xf32, #tpu.memory_space<hbm>>
        tpu.wait_indirect_dma semaphore(%arg15 : memref<!tpu.dma_semaphore, #tpu.memory_space<semaphore_mem>>) src(%dma_wait3A_75 : memref<20480x128xf32, #tpu.memory_space<hbm>>) dst(%arg12 : memref<64x128xf32, #tpu.memory_space<vmem>>)
        "tpu.region"() ({
          %run_scoped3A = tpu.sem_alloc : memref<!tpu.dma_semaphore, #tpu.memory_space<semaphore_mem>>
          %dma_start3A_84 = arith.constant 0 : i32
          %dma_start3A_85 = tpu.memref_slice %arg11[%mul3A_57, %dma_start3A_84] : memref<16x64xi32, #tpu.memory_space<vmem>> -> memref<1x64xi32, #tpu.memory_space<vmem>>
          %dma_start3A_86 = tpu.memref_squeeze %dma_start3A_85 : memref<1x64xi32, #tpu.memory_space<vmem>> -> memref<64xi32, #tpu.memory_space<vmem>>
          %dma_start3A_87 = arith.constant 0 : i32
          %dma_start3A_88 = arith.constant 0 : i32
          %dma_start3A_89 = tpu.memref_slice %arg14[%dma_start3A_87, %dma_start3A_88] : memref<10240x128xf32, #tpu.memory_space<vmem_shared>> -> memref<10240x128xf32, #tpu.memory_space<vmem_shared>>
          tpu.enqueue_indirect_dma source(%arg12 : memref<64x128xf32, #tpu.memory_space<vmem>>) target(%dma_start3A_89 : memref<10240x128xf32, #tpu.memory_space<vmem_shared>>) offsets(%dma_start3A_86 : memref<64xi32, #tpu.memory_space<vmem>>) semaphore(%run_scoped3A : memref<!tpu.dma_semaphore, #tpu.memory_space<semaphore_mem>>) {add = true}
          %dma_wait3A_90 = arith.constant 0 : i32
          %dma_wait3A_91 = tpu.memref_slice %arg11[%mul3A_57, %dma_wait3A_90] : memref<16x64xi32, #tpu.memory_space<vmem>> -> memref<1x64xi32, #tpu.memory_space<vmem>>
          %dma_wait3A_92 = tpu.memref_squeeze %dma_wait3A_91 : memref<1x64xi32, #tpu.memory_space<vmem>> -> memref<64xi32, #tpu.memory_space<vmem>>
          %dma_wait3A_93 = arith.constant 0 : i32
          %dma_wait3A_94 = arith.constant 0 : i32
          %dma_wait3A_95 = tpu.memref_slice %arg14[%dma_wait3A_93, %dma_wait3A_94] : memref<10240x128xf32, #tpu.memory_space<vmem_shared>> -> memref<10240x128xf32, #tpu.memory_space<vmem_shared>>
          tpu.wait_indirect_dma semaphore(%run_scoped3A : memref<!tpu.dma_semaphore, #tpu.memory_space<semaphore_mem>>) src(%arg12 : memref<64x128xf32, #tpu.memory_space<vmem>>) dst(%dma_wait3A_95 : memref<10240x128xf32, #tpu.memory_space<vmem_shared>>)
          tpu.yield
        }) : () -> ()
        %dma_wait3A_76 = arith.constant 0 : i32
        %dma_wait3A_77 = tpu.memref_slice %arg10[%add3A_64, %dma_wait3A_76] : memref<16x64xi32, #tpu.memory_space<vmem>> -> memref<1x64xi32, #tpu.memory_space<vmem>>
        %dma_wait3A_78 = tpu.memref_squeeze %dma_wait3A_77 : memref<1x64xi32, #tpu.memory_space<vmem>> -> memref<64xi32, #tpu.memory_space<vmem>>
        %dma_wait3A_79 = arith.constant 0 : i32
        %dma_wait3A_80 = arith.constant 0 : i32
        %dma_wait3A_81 = tpu.memref_slice %arg3[%dma_wait3A_79, %dma_wait3A_80] : memref<20480x128xf32, #tpu.memory_space<hbm>> -> memref<20480x128xf32, #tpu.memory_space<hbm>>
        tpu.wait_indirect_dma semaphore(%arg16 : memref<!tpu.dma_semaphore, #tpu.memory_space<semaphore_mem>>) src(%dma_wait3A_81 : memref<20480x128xf32, #tpu.memory_space<hbm>>) dst(%arg13 : memref<64x128xf32, #tpu.memory_space<vmem>>)
        %add3A_82 = arith.constant 1 : i32
        %add3A_83 = arith.addi %mul3A_57, %add3A_82 : i32
        "tpu.region"() ({
          %run_scoped3A = tpu.sem_alloc : memref<!tpu.dma_semaphore, #tpu.memory_space<semaphore_mem>>
          %dma_start3A_84 = arith.constant 0 : i32
          %dma_start3A_85 = tpu.memref_slice %arg11[%add3A_83, %dma_start3A_84] : memref<16x64xi32, #tpu.memory_space<vmem>> -> memref<1x64xi32, #tpu.memory_space<vmem>>
          %dma_start3A_86 = tpu.memref_squeeze %dma_start3A_85 : memref<1x64xi32, #tpu.memory_space<vmem>> -> memref<64xi32, #tpu.memory_space<vmem>>
          %dma_start3A_87 = arith.constant 0 : i32
          %dma_start3A_88 = arith.constant 0 : i32
          %dma_start3A_89 = tpu.memref_slice %arg14[%dma_start3A_87, %dma_start3A_88] : memref<10240x128xf32, #tpu.memory_space<vmem_shared>> -> memref<10240x128xf32, #tpu.memory_space<vmem_shared>>
          tpu.enqueue_indirect_dma source(%arg13 : memref<64x128xf32, #tpu.memory_space<vmem>>) target(%dma_start3A_89 : memref<10240x128xf32, #tpu.memory_space<vmem_shared>>) offsets(%dma_start3A_86 : memref<64xi32, #tpu.memory_space<vmem>>) semaphore(%run_scoped3A : memref<!tpu.dma_semaphore, #tpu.memory_space<semaphore_mem>>) {add = true}
          %dma_wait3A_90 = arith.constant 0 : i32
          %dma_wait3A_91 = tpu.memref_slice %arg11[%add3A_83, %dma_wait3A_90] : memref<16x64xi32, #tpu.memory_space<vmem>> -> memref<1x64xi32, #tpu.memory_space<vmem>>
          %dma_wait3A_92 = tpu.memref_squeeze %dma_wait3A_91 : memref<1x64xi32, #tpu.memory_space<vmem>> -> memref<64xi32, #tpu.memory_space<vmem>>
          %dma_wait3A_93 = arith.constant 0 : i32
          %dma_wait3A_94 = arith.constant 0 : i32
          %dma_wait3A_95 = tpu.memref_slice %arg14[%dma_wait3A_93, %dma_wait3A_94] : memref<10240x128xf32, #tpu.memory_space<vmem_shared>> -> memref<10240x128xf32, #tpu.memory_space<vmem_shared>>
          tpu.wait_indirect_dma semaphore(%run_scoped3A : memref<!tpu.dma_semaphore, #tpu.memory_space<semaphore_mem>>) src(%arg13 : memref<64x128xf32, #tpu.memory_space<vmem>>) dst(%dma_wait3A_95 : memref<10240x128xf32, #tpu.memory_space<vmem_shared>>)
          tpu.yield
        }) : () -> ()
      }
      %scan3A_54 = arith.constant 8 : i32
    }
    %scan3A_28 = arith.constant 10 : i32
    %barrier3A_29 = arith.constant 0 : index
    tpu.barrier barrier_id(%barrier3A_29)
    %mul3A_30 = arith.constant 640 : i32
    %mul3A_31 = arith.muli %arg1, %mul3A_30 : i32
    %mul3A_32 = arith.constant 640 : i32
    %mul3A_33 = arith.muli %arg1, %mul3A_32 : i32
    %add3A_34 = arith.addi %mul3A_0, %mul3A_33 : i32
    "tpu.region"() ({
      %run_scoped3A = tpu.sem_alloc : memref<!tpu.dma_semaphore, #tpu.memory_space<semaphore_mem>>
      %dma_start3A = arith.constant 0 : i32
      %dma_start3A_36 = tpu.memref_slice %arg9[%add3A_34, %dma_start3A] : memref<20480x128xf32, #tpu.memory_space<hbm>> -> memref<640x128xf32, #tpu.memory_space<hbm>>
      %dma_start3A_37 = arith.constant 0 : i32
      %dma_start3A_38 = tpu.memref_slice %arg14[%mul3A_31, %dma_start3A_37] : memref<10240x128xf32, #tpu.memory_space<vmem_shared>> -> memref<640x128xf32, #tpu.memory_space<vmem_shared>>
      tpu.enqueue_dma source(%dma_start3A_38 : memref<640x128xf32, #tpu.memory_space<vmem_shared>>) target(%dma_start3A_36 : memref<640x128xf32, #tpu.memory_space<hbm>>) target_semaphore(%run_scoped3A : memref<!tpu.dma_semaphore, #tpu.memory_space<semaphore_mem>>)
      %dma_wait3A = arith.constant 0 : i32
      %dma_wait3A_39 = tpu.memref_slice %arg9[%add3A_34, %dma_wait3A] : memref<20480x128xf32, #tpu.memory_space<hbm>> -> memref<640x128xf32, #tpu.memory_space<hbm>>
      %dma_wait3A_40 = arith.constant 0 : i32
      %dma_wait3A_41 = tpu.memref_slice %arg14[%mul3A_31, %dma_wait3A_40] : memref<10240x128xf32, #tpu.memory_space<vmem_shared>> -> memref<640x128xf32, #tpu.memory_space<vmem_shared>>
      tpu.wait_dma2 semaphore(%run_scoped3A : memref<!tpu.dma_semaphore, #tpu.memory_space<semaphore_mem>>) src(%dma_wait3A_41 : memref<640x128xf32, #tpu.memory_space<vmem_shared>>) dst(%dma_wait3A_39 : memref<640x128xf32, #tpu.memory_space<hbm>>)
      tpu.yield
    }) : () -> ()
    %barrier3A_35 = arith.constant 0 : index
    tpu.barrier barrier_id(%barrier3A_35)
    return
  }
}

module attributes {stable_mosaic.version = 14 : i64} {
  func.func @_m1_body(%arg0: i32, %arg1: memref<400x256xf32, #tpu.memory_space<vmem>>, %arg2: memref<256x256xf32, #tpu.memory_space<vmem>>, %arg3: memref<2x400x16xf32, #tpu.memory_space<vmem>>, %arg4: memref<2x400x16xf32, #tpu.memory_space<vmem>>, %arg5: memref<2x400x128xf32, #tpu.memory_space<vmem>>, %arg6: memref<2x400x128xf32, #tpu.memory_space<vmem>>) attributes {dimension_semantics = [#tpu.dimension_semantics<arbitrary>], iteration_bounds = array<i64: 25>, scalar_prefetch = 0 : i64, scratch_operands = 0 : i64, tpu.core_type = #tpu.core_type<tc>, window_params = [{transform_indices = @transform_0, window_bounds = array<i64: 400, 256>}, {pipeline_mode = #tpu.pipeline_mode<synchronous>, transform_indices = @transform_1, window_bounds = array<i64: 256, 256>}, {transform_indices = @transform_2, window_bounds = array<i64: 2, 400, 16>}, {transform_indices = @transform_3, window_bounds = array<i64: 2, 400, 16>}, {transform_indices = @transform_4, window_bounds = array<i64: 2, 400, 128>}, {transform_indices = @transform_5, window_bounds = array<i64: 2, 400, 128>}]} {
    %get3A = arith.constant 0 : index
    %get3A_0 = arith.constant 0 : index
    %get3A_1 = vector.load %arg1[%get3A, %get3A_0] : memref<400x256xf32, #tpu.memory_space<vmem>>, vector<400x256xf32>
    %max3A = arith.constant 0.000000e+00 : f32
    %max3A_2 = vector.broadcast %max3A : f32 to vector<400x256xf32>
    %max3A_3 = arith.maximumf %get3A_1, %max3A_2 : vector<400x256xf32>
    %get3A_4 = arith.constant 0 : index
    %get3A_5 = arith.constant 0 : index
    %get3A_6 = vector.load %arg2[%get3A_4, %get3A_5] : memref<256x256xf32, #tpu.memory_space<vmem>>, vector<256x256xf32>
    %dot_general3A = arith.constant dense<0.000000e+00> : vector<400x256xf32>
    %dot_general3A_7 = tpu.matmul %max3A_3, %get3A_6, %dot_general3A {dimension_numbers = #tpu.dot_dimension_numbers<[1], [0], [0], [1], [0, 0, 1, 1], [], []>, transpose_lhs_hint = false} : vector<400x256xf32>, vector<256x256xf32>, vector<400x256xf32> -> vector<400x256xf32>
    %get3A_8 = arith.constant 0 : index
    %get3A_9 = arith.constant 0 : index
    %get3A_10 = arith.constant 0 : index
    %get3A_11 = vector.load %arg3[%get3A_8, %get3A_9, %get3A_10] : memref<2x400x16xf32, #tpu.memory_space<vmem>>, vector<1x400x1xf32>
    %get3A_12 = vector.shape_cast %get3A_11 : vector<1x400x1xf32> to vector<400x1xf32>
    %get3A_13 = arith.constant 1 : index
    %get3A_14 = arith.constant 0 : index
    %get3A_15 = arith.constant 0 : index
    %get3A_16 = vector.load %arg3[%get3A_13, %get3A_14, %get3A_15] : memref<2x400x16xf32, #tpu.memory_space<vmem>>, vector<1x400x1xf32>
    %get3A_17 = vector.shape_cast %get3A_16 : vector<1x400x1xf32> to vector<400x1xf32>
    %add3A = arith.addf %get3A_12, %get3A_17 : vector<400x1xf32>
    %add3A_18 = arith.constant 1.000000e+00 : f32
    %add3A_19 = vector.broadcast %add3A_18 : f32 to vector<400x1xf32>
    %add3A_20 = arith.addf %add3A_19, %add3A : vector<400x1xf32>
    %rsqrt3A = math.rsqrt %add3A_20 : vector<400x1xf32>
    %slice3A = vector.extract_strided_slice %dot_general3A_7 {offsets = [0, 0], sizes = [400, 128], strides = [1, 1]} : vector<400x256xf32> to vector<400x128xf32>
    %mul3A = vector.broadcast %rsqrt3A : vector<400x1xf32> to vector<400x128xf32>
    %mul3A_21 = arith.mulf %slice3A, %mul3A : vector<400x128xf32>
    %swap3A = arith.constant 0 : index
    %swap3A_22 = arith.constant 0 : index
    %swap3A_23 = arith.constant 0 : index
    %swap3A_24 = vector.load %arg5[%swap3A, %swap3A_22, %swap3A_23] : memref<2x400x128xf32, #tpu.memory_space<vmem>>, vector<1x400x128xf32>
    %swap3A_25 = vector.shape_cast %swap3A_24 : vector<1x400x128xf32> to vector<400x128xf32>
    %swap3A_26 = vector.shape_cast %mul3A_21 : vector<400x128xf32> to vector<1x400x128xf32>
    tpu.vector_store %arg5[%swap3A, %swap3A_22, %swap3A_23], %swap3A_26 {strides = array<i32>} : memref<2x400x128xf32, #tpu.memory_space<vmem>>, vector<1x400x128xf32>,
    %slice3A_27 = vector.extract_strided_slice %dot_general3A_7 {offsets = [0, 128], sizes = [400, 128], strides = [1, 1]} : vector<400x256xf32> to vector<400x128xf32>
    %mul3A_28 = vector.broadcast %rsqrt3A : vector<400x1xf32> to vector<400x128xf32>
    %mul3A_29 = arith.mulf %slice3A_27, %mul3A_28 : vector<400x128xf32>
    %swap3A_30 = arith.constant 1 : index
    %swap3A_31 = arith.constant 0 : index
    %swap3A_32 = arith.constant 0 : index
    %swap3A_33 = vector.load %arg5[%swap3A_30, %swap3A_31, %swap3A_32] : memref<2x400x128xf32, #tpu.memory_space<vmem>>, vector<1x400x128xf32>
    %swap3A_34 = vector.shape_cast %swap3A_33 : vector<1x400x128xf32> to vector<400x128xf32>
    %swap3A_35 = vector.shape_cast %mul3A_29 : vector<400x128xf32> to vector<1x400x128xf32>
    tpu.vector_store %arg5[%swap3A_30, %swap3A_31, %swap3A_32], %swap3A_35 {strides = array<i32>} : memref<2x400x128xf32, #tpu.memory_space<vmem>>, vector<1x400x128xf32>,
    %get3A_36 = arith.constant 0 : index
    %get3A_37 = arith.constant 0 : index
    %get3A_38 = arith.constant 0 : index
    %get3A_39 = vector.load %arg4[%get3A_36, %get3A_37, %get3A_38] : memref<2x400x16xf32, #tpu.memory_space<vmem>>, vector<1x400x1xf32>
    %get3A_40 = vector.shape_cast %get3A_39 : vector<1x400x1xf32> to vector<400x1xf32>
    %get3A_41 = arith.constant 1 : index
    %get3A_42 = arith.constant 0 : index
    %get3A_43 = arith.constant 0 : index
    %get3A_44 = vector.load %arg4[%get3A_41, %get3A_42, %get3A_43] : memref<2x400x16xf32, #tpu.memory_space<vmem>>, vector<1x400x1xf32>
    %get3A_45 = vector.shape_cast %get3A_44 : vector<1x400x1xf32> to vector<400x1xf32>
    %add3A_46 = arith.addf %get3A_40, %get3A_45 : vector<400x1xf32>
    %add3A_47 = arith.constant 1.000000e+00 : f32
    %add3A_48 = vector.broadcast %add3A_47 : f32 to vector<400x1xf32>
    %add3A_49 = arith.addf %add3A_48, %add3A_46 : vector<400x1xf32>
    %rsqrt3A_50 = math.rsqrt %add3A_49 : vector<400x1xf32>
    %slice3A_51 = vector.extract_strided_slice %dot_general3A_7 {offsets = [0, 0], sizes = [400, 128], strides = [1, 1]} : vector<400x256xf32> to vector<400x128xf32>
    %mul3A_52 = vector.broadcast %rsqrt3A_50 : vector<400x1xf32> to vector<400x128xf32>
    %mul3A_53 = arith.mulf %slice3A_51, %mul3A_52 : vector<400x128xf32>
    %swap3A_54 = arith.constant 0 : index
    %swap3A_55 = arith.constant 0 : index
    %swap3A_56 = arith.constant 0 : index
    %swap3A_57 = vector.load %arg6[%swap3A_54, %swap3A_55, %swap3A_56] : memref<2x400x128xf32, #tpu.memory_space<vmem>>, vector<1x400x128xf32>
    %swap3A_58 = vector.shape_cast %swap3A_57 : vector<1x400x128xf32> to vector<400x128xf32>
    %swap3A_59 = vector.shape_cast %mul3A_53 : vector<400x128xf32> to vector<1x400x128xf32>
    tpu.vector_store %arg6[%swap3A_54, %swap3A_55, %swap3A_56], %swap3A_59 {strides = array<i32>} : memref<2x400x128xf32, #tpu.memory_space<vmem>>, vector<1x400x128xf32>,
    %slice3A_60 = vector.extract_strided_slice %dot_general3A_7 {offsets = [0, 128], sizes = [400, 128], strides = [1, 1]} : vector<400x256xf32> to vector<400x128xf32>
    %mul3A_61 = vector.broadcast %rsqrt3A_50 : vector<400x1xf32> to vector<400x128xf32>
    %mul3A_62 = arith.mulf %slice3A_60, %mul3A_61 : vector<400x128xf32>
    %swap3A_63 = arith.constant 1 : index
    %swap3A_64 = arith.constant 0 : index
    %swap3A_65 = arith.constant 0 : index
    %swap3A_66 = vector.load %arg6[%swap3A_63, %swap3A_64, %swap3A_65] : memref<2x400x128xf32, #tpu.memory_space<vmem>>, vector<1x400x128xf32>
    %swap3A_67 = vector.shape_cast %swap3A_66 : vector<1x400x128xf32> to vector<400x128xf32>
    %swap3A_68 = vector.shape_cast %mul3A_62 : vector<400x128xf32> to vector<1x400x128xf32>
    tpu.vector_store %arg6[%swap3A_63, %swap3A_64, %swap3A_65], %swap3A_68 {strides = array<i32>} : memref<2x400x128xf32, #tpu.memory_space<vmem>>, vector<1x400x128xf32>,
    return
  }
  func.func @transform_0(%arg0: i32) -> (i32, i32) {
    %c0_i32 = arith.constant 0 : i32
    %c0_i32_0 = arith.constant 0 : i32
    return %arg0, %c0_i32 : i32, i32
  }
  func.func @transform_1(%arg0: i32) -> (i32, i32) {
    %c0_i32 = arith.constant 0 : i32
    %c0_i32_0 = arith.constant 0 : i32
    %c0_i32_1 = arith.constant 0 : i32
    return %c0_i32, %c0_i32_0 : i32, i32
  }
  func.func @transform_2(%arg0: i32) -> (i32, i32, i32) {
    %c0_i32 = arith.constant 0 : i32
    %c0_i32_0 = arith.constant 0 : i32
    %c0_i32_1 = arith.constant 0 : i32
    return %c0_i32, %arg0, %c0_i32_0 : i32, i32, i32
  }
  func.func @transform_3(%arg0: i32) -> (i32, i32, i32) {
    %c0_i32 = arith.constant 0 : i32
    %c0_i32_0 = arith.constant 0 : i32
    %c0_i32_1 = arith.constant 0 : i32
    return %c0_i32, %arg0, %c0_i32_0 : i32, i32, i32
  }
  func.func @transform_4(%arg0: i32) -> (i32, i32, i32) {
    %c0_i32 = arith.constant 0 : i32
    %c0_i32_0 = arith.constant 0 : i32
    %c0_i32_1 = arith.constant 0 : i32
    return %c0_i32, %arg0, %c0_i32_0 : i32, i32, i32
  }
  func.func @transform_5(%arg0: i32) -> (i32, i32, i32) {
    %c0_i32 = arith.constant 0 : i32
    %c0_i32_0 = arith.constant 0 : i32
    %c0_i32_1 = arith.constant 0 : i32
    return %c0_i32, %arg0, %c0_i32_0 : i32, i32, i32
  }
}

module attributes {stable_mosaic.version = 14 : i64} {
  func.func @_m2_body(%arg0: i32, %arg1: memref<2x400x128xf32, #tpu.memory_space<vmem>>, %arg2: memref<256x256xf32, #tpu.memory_space<vmem>>, %arg3: memref<1x256xf32, #tpu.memory_space<vmem>>, %arg4: memref<2x400x16xf32, #tpu.memory_space<vmem>>, %arg5: memref<2x400x128xf32, #tpu.memory_space<vmem>>) attributes {dimension_semantics = [#tpu.dimension_semantics<arbitrary>], iteration_bounds = array<i64: 25>, scalar_prefetch = 0 : i64, scratch_operands = 0 : i64, tpu.core_type = #tpu.core_type<tc>, window_params = [{transform_indices = @transform_0, window_bounds = array<i64: 2, 400, 128>}, {pipeline_mode = #tpu.pipeline_mode<synchronous>, transform_indices = @transform_1, window_bounds = array<i64: 256, 256>}, {pipeline_mode = #tpu.pipeline_mode<synchronous>, transform_indices = @transform_2, window_bounds = array<i64: 1, 256>}, {transform_indices = @transform_3, window_bounds = array<i64: 2, 400, 16>}, {transform_indices = @transform_4, window_bounds = array<i64: 2, 400, 128>}]} {
    %get3A = arith.constant 0 : index
    %get3A_0 = arith.constant 0 : index
    %get3A_1 = arith.constant 0 : index
    %get3A_2 = vector.load %arg4[%get3A, %get3A_0, %get3A_1] : memref<2x400x16xf32, #tpu.memory_space<vmem>>, vector<1x400x1xf32>
    %get3A_3 = vector.shape_cast %get3A_2 : vector<1x400x1xf32> to vector<400x1xf32>
    %get3A_4 = arith.constant 1 : index
    %get3A_5 = arith.constant 0 : index
    %get3A_6 = arith.constant 0 : index
    %get3A_7 = vector.load %arg4[%get3A_4, %get3A_5, %get3A_6] : memref<2x400x16xf32, #tpu.memory_space<vmem>>, vector<1x400x1xf32>
    %get3A_8 = vector.shape_cast %get3A_7 : vector<1x400x1xf32> to vector<400x1xf32>
    %add3A = arith.addf %get3A_3, %get3A_8 : vector<400x1xf32>
    %add3A_9 = arith.constant 1.000000e+00 : f32
    %add3A_10 = vector.broadcast %add3A_9 : f32 to vector<400x1xf32>
    %add3A_11 = arith.addf %add3A_10, %add3A : vector<400x1xf32>
    %rsqrt3A = math.rsqrt %add3A_11 : vector<400x1xf32>
    %get3A_12 = arith.constant 0 : index
    %get3A_13 = arith.constant 0 : index
    %get3A_14 = arith.constant 0 : index
    %get3A_15 = vector.load %arg1[%get3A_12, %get3A_13, %get3A_14] : memref<2x400x128xf32, #tpu.memory_space<vmem>>, vector<1x400x128xf32>
    %get3A_16 = vector.shape_cast %get3A_15 : vector<1x400x128xf32> to vector<400x128xf32>
    %get3A_17 = arith.constant 1 : index
    %get3A_18 = arith.constant 0 : index
    %get3A_19 = arith.constant 0 : index
    %get3A_20 = vector.load %arg1[%get3A_17, %get3A_18, %get3A_19] : memref<2x400x128xf32, #tpu.memory_space<vmem>>, vector<1x400x128xf32>
    %get3A_21 = vector.shape_cast %get3A_20 : vector<1x400x128xf32> to vector<400x128xf32>
    %concatenate3A = tpu.concatenate %get3A_16, %get3A_21 in 1 : vector<400x128xf32>, vector<400x128xf32> -> vector<400x256xf32>
    %mul3A = vector.broadcast %rsqrt3A : vector<400x1xf32> to vector<400x256xf32>
    %mul3A_22 = arith.mulf %concatenate3A, %mul3A : vector<400x256xf32>
    %get3A_23 = arith.constant 0 : index
    %get3A_24 = arith.constant 0 : index
    %get3A_25 = vector.load %arg3[%get3A_23, %get3A_24] : memref<1x256xf32, #tpu.memory_space<vmem>>, vector<1x256xf32>
    %add3A_26 = vector.broadcast %get3A_25 : vector<1x256xf32> to vector<400x256xf32>
    %add3A_27 = arith.addf %mul3A_22, %add3A_26 : vector<400x256xf32>
    %max3A = arith.constant 0.000000e+00 : f32
    %max3A_28 = vector.broadcast %max3A : f32 to vector<400x256xf32>
    %max3A_29 = arith.maximumf %add3A_27, %max3A_28 : vector<400x256xf32>
    %get3A_30 = arith.constant 0 : index
    %get3A_31 = arith.constant 0 : index
    %get3A_32 = vector.load %arg2[%get3A_30, %get3A_31] : memref<256x256xf32, #tpu.memory_space<vmem>>, vector<256x256xf32>
    %dot_general3A = arith.constant dense<0.000000e+00> : vector<400x256xf32>
    %dot_general3A_33 = tpu.matmul %max3A_29, %get3A_32, %dot_general3A {dimension_numbers = #tpu.dot_dimension_numbers<[1], [0], [0], [1], [0, 0, 1, 1], [], []>, transpose_lhs_hint = false} : vector<400x256xf32>, vector<256x256xf32>, vector<400x256xf32> -> vector<400x256xf32>
    %slice3A = vector.extract_strided_slice %dot_general3A_33 {offsets = [0, 0], sizes = [400, 128], strides = [1, 1]} : vector<400x256xf32> to vector<400x128xf32>
    %mul3A_34 = vector.broadcast %rsqrt3A : vector<400x1xf32> to vector<400x128xf32>
    %mul3A_35 = arith.mulf %slice3A, %mul3A_34 : vector<400x128xf32>
    %swap3A = arith.constant 0 : index
    %swap3A_36 = arith.constant 0 : index
    %swap3A_37 = arith.constant 0 : index
    %swap3A_38 = vector.load %arg5[%swap3A, %swap3A_36, %swap3A_37] : memref<2x400x128xf32, #tpu.memory_space<vmem>>, vector<1x400x128xf32>
    %swap3A_39 = vector.shape_cast %swap3A_38 : vector<1x400x128xf32> to vector<400x128xf32>
    %swap3A_40 = vector.shape_cast %mul3A_35 : vector<400x128xf32> to vector<1x400x128xf32>
    tpu.vector_store %arg5[%swap3A, %swap3A_36, %swap3A_37], %swap3A_40 {strides = array<i32>} : memref<2x400x128xf32, #tpu.memory_space<vmem>>, vector<1x400x128xf32>,
    %slice3A_41 = vector.extract_strided_slice %dot_general3A_33 {offsets = [0, 128], sizes = [400, 128], strides = [1, 1]} : vector<400x256xf32> to vector<400x128xf32>
    %mul3A_42 = vector.broadcast %rsqrt3A : vector<400x1xf32> to vector<400x128xf32>
    %mul3A_43 = arith.mulf %slice3A_41, %mul3A_42 : vector<400x128xf32>
    %swap3A_44 = arith.constant 1 : index
    %swap3A_45 = arith.constant 0 : index
    %swap3A_46 = arith.constant 0 : index
    %swap3A_47 = vector.load %arg5[%swap3A_44, %swap3A_45, %swap3A_46] : memref<2x400x128xf32, #tpu.memory_space<vmem>>, vector<1x400x128xf32>
    %swap3A_48 = vector.shape_cast %swap3A_47 : vector<1x400x128xf32> to vector<400x128xf32>
    %swap3A_49 = vector.shape_cast %mul3A_43 : vector<400x128xf32> to vector<1x400x128xf32>
    tpu.vector_store %arg5[%swap3A_44, %swap3A_45, %swap3A_46], %swap3A_49 {strides = array<i32>} : memref<2x400x128xf32, #tpu.memory_space<vmem>>, vector<1x400x128xf32>,
    return
  }
  func.func @transform_0(%arg0: i32) -> (i32, i32, i32) {
    %c0_i32 = arith.constant 0 : i32
    %c0_i32_0 = arith.constant 0 : i32
    %c0_i32_1 = arith.constant 0 : i32
    return %c0_i32, %arg0, %c0_i32_0 : i32, i32, i32
  }
  func.func @transform_1(%arg0: i32) -> (i32, i32) {
    %c0_i32 = arith.constant 0 : i32
    %c0_i32_0 = arith.constant 0 : i32
    %c0_i32_1 = arith.constant 0 : i32
    return %c0_i32, %c0_i32_0 : i32, i32
  }
  func.func @transform_2(%arg0: i32) -> (i32, i32) {
    %c0_i32 = arith.constant 0 : i32
    %c0_i32_0 = arith.constant 0 : i32
    %c0_i32_1 = arith.constant 0 : i32
    return %c0_i32, %c0_i32_0 : i32, i32
  }
  func.func @transform_3(%arg0: i32) -> (i32, i32, i32) {
    %c0_i32 = arith.constant 0 : i32
    %c0_i32_0 = arith.constant 0 : i32
    %c0_i32_1 = arith.constant 0 : i32
    return %c0_i32, %arg0, %c0_i32_0 : i32, i32, i32
  }
  func.func @transform_4(%arg0: i32) -> (i32, i32, i32) {
    %c0_i32 = arith.constant 0 : i32
    %c0_i32_0 = arith.constant 0 : i32
    %c0_i32_1 = arith.constant 0 : i32
    return %c0_i32, %arg0, %c0_i32_0 : i32, i32, i32
  }
}

module attributes {stable_mosaic.version = 14 : i64} {
  func.func @_score_body(%arg0: i32, %arg1: memref<2x400x128xf32, #tpu.memory_space<vmem>>, %arg2: memref<2x400x128xf32, #tpu.memory_space<vmem>>, %arg3: memref<2x400x16xf32, #tpu.memory_space<vmem>>, %arg4: memref<2x400x16xf32, #tpu.memory_space<vmem>>, %arg5: memref<1x256xf32, #tpu.memory_space<vmem>>, %arg6: memref<256x128xf32, #tpu.memory_space<vmem>>, %arg7: memref<1x128xf32, #tpu.memory_space<vmem>>, %arg8: memref<1x128xf32, #tpu.memory_space<vmem>>, %arg9: memref<1x2xf32, #tpu.memory_space<smem>>, %arg10: memref<1x2xf32, #tpu.memory_space<smem>>) attributes {dimension_semantics = [#tpu.dimension_semantics<arbitrary>], iteration_bounds = array<i64: 25>, scalar_prefetch = 0 : i64, scratch_operands = 1 : i64, tpu.core_type = #tpu.core_type<tc>, window_params = [{transform_indices = @transform_0, window_bounds = array<i64: 2, 400, 128>}, {transform_indices = @transform_1, window_bounds = array<i64: 2, 400, 128>}, {transform_indices = @transform_2, window_bounds = array<i64: 2, 400, 16>}, {transform_indices = @transform_3, window_bounds = array<i64: 2, 400, 16>}, {pipeline_mode = #tpu.pipeline_mode<synchronous>, transform_indices = @transform_4, window_bounds = array<i64: 1, 256>}, {pipeline_mode = #tpu.pipeline_mode<synchronous>, transform_indices = @transform_5, window_bounds = array<i64: 256, 128>}, {pipeline_mode = #tpu.pipeline_mode<synchronous>, transform_indices = @transform_6, window_bounds = array<i64: 1, 128>}, {pipeline_mode = #tpu.pipeline_mode<synchronous>, transform_indices = @transform_7, window_bounds = array<i64: 1, 128>}, {transform_indices = @transform_8, window_bounds = array<i64: 1, 2>}]} {
    %eq3A = arith.constant 0 : i32
    %eq3A_0 = arith.cmpi eq, %arg0, %eq3A : i32
    %convert_element_type3A = arith.extui %eq3A_0 : i1 to i32
    %cond3A = arith.constant 0 : i32
    %cond3A_1 = arith.cmpi ne, %convert_element_type3A, %cond3A : i32
    scf.if %cond3A_1 {
      %swap3A_125 = arith.constant 0.000000e+00 : f32
      %swap3A_126 = arith.constant 0 : index
      %swap3A_127 = arith.constant 0 : index
      %swap3A_128 = memref.load %arg10[%swap3A_126, %swap3A_127] : memref<1x2xf32, #tpu.memory_space<smem>>
      memref.store %swap3A_125, %arg10[%swap3A_126, %swap3A_127] : memref<1x2xf32, #tpu.memory_space<smem>>
      %swap3A_129 = arith.constant 0.000000e+00 : f32
      %swap3A_130 = arith.constant 0 : index
      %swap3A_131 = arith.constant 1 : index
      %swap3A_132 = memref.load %arg10[%swap3A_130, %swap3A_131] : memref<1x2xf32, #tpu.memory_space<smem>>
      memref.store %swap3A_129, %arg10[%swap3A_130, %swap3A_131] : memref<1x2xf32, #tpu.memory_space<smem>>
    } else {
    }
    %get3A = arith.constant 0 : index
    %get3A_2 = arith.constant 0 : index
    %get3A_3 = arith.constant 0 : index
    %get3A_4 = vector.load %arg3[%get3A, %get3A_2, %get3A_3] : memref<2x400x16xf32, #tpu.memory_space<vmem>>, vector<1x400x1xf32>
    %get3A_5 = vector.shape_cast %get3A_4 : vector<1x400x1xf32> to vector<400x1xf32>
    %get3A_6 = arith.constant 1 : index
    %get3A_7 = arith.constant 0 : index
    %get3A_8 = arith.constant 0 : index
    %get3A_9 = vector.load %arg3[%get3A_6, %get3A_7, %get3A_8] : memref<2x400x16xf32, #tpu.memory_space<vmem>>, vector<1x400x1xf32>
    %get3A_10 = vector.shape_cast %get3A_9 : vector<1x400x1xf32> to vector<400x1xf32>
    %add3A = arith.addf %get3A_5, %get3A_10 : vector<400x1xf32>
    %add3A_11 = arith.constant 1.000000e+00 : f32
    %add3A_12 = vector.broadcast %add3A_11 : f32 to vector<400x1xf32>
    %add3A_13 = arith.addf %add3A_12, %add3A : vector<400x1xf32>
    %rsqrt3A = math.rsqrt %add3A_13 : vector<400x1xf32>
    %get3A_14 = arith.constant 0 : index
    %get3A_15 = arith.constant 0 : index
    %get3A_16 = arith.constant 0 : index
    %get3A_17 = vector.load %arg1[%get3A_14, %get3A_15, %get3A_16] : memref<2x400x128xf32, #tpu.memory_space<vmem>>, vector<1x400x128xf32>
    %get3A_18 = vector.shape_cast %get3A_17 : vector<1x400x128xf32> to vector<400x128xf32>
    %get3A_19 = arith.constant 1 : index
    %get3A_20 = arith.constant 0 : index
    %get3A_21 = arith.constant 0 : index
    %get3A_22 = vector.load %arg1[%get3A_19, %get3A_20, %get3A_21] : memref<2x400x128xf32, #tpu.memory_space<vmem>>, vector<1x400x128xf32>
    %get3A_23 = vector.shape_cast %get3A_22 : vector<1x400x128xf32> to vector<400x128xf32>
    %concatenate3A = tpu.concatenate %get3A_18, %get3A_23 in 1 : vector<400x128xf32>, vector<400x128xf32> -> vector<400x256xf32>
    %mul3A = vector.broadcast %rsqrt3A : vector<400x1xf32> to vector<400x256xf32>
    %mul3A_24 = arith.mulf %concatenate3A, %mul3A : vector<400x256xf32>
    %get3A_25 = arith.constant 0 : index
    %get3A_26 = arith.constant 0 : index
    %get3A_27 = vector.load %arg5[%get3A_25, %get3A_26] : memref<1x256xf32, #tpu.memory_space<vmem>>, vector<1x256xf32>
    %add3A_28 = vector.broadcast %get3A_27 : vector<1x256xf32> to vector<400x256xf32>
    %add3A_29 = arith.addf %mul3A_24, %add3A_28 : vector<400x256xf32>
    %max3A = arith.constant 0.000000e+00 : f32
    %max3A_30 = vector.broadcast %max3A : f32 to vector<400x256xf32>
    %max3A_31 = arith.maximumf %add3A_29, %max3A_30 : vector<400x256xf32>
    %get3A_32 = arith.constant 0 : index
    %get3A_33 = arith.constant 0 : index
    %get3A_34 = vector.load %arg6[%get3A_32, %get3A_33] : memref<256x128xf32, #tpu.memory_space<vmem>>, vector<256x128xf32>
    %dot_general3A = arith.constant dense<0.000000e+00> : vector<400x128xf32>
    %dot_general3A_35 = tpu.matmul %max3A_31, %get3A_34, %dot_general3A {dimension_numbers = #tpu.dot_dimension_numbers<[1], [0], [0], [1], [0, 0, 1, 1], [], []>, transpose_lhs_hint = false} : vector<400x256xf32>, vector<256x128xf32>, vector<400x128xf32> -> vector<400x128xf32>
    %get3A_36 = arith.constant 0 : index
    %get3A_37 = arith.constant 0 : index
    %get3A_38 = vector.load %arg7[%get3A_36, %get3A_37] : memref<1x128xf32, #tpu.memory_space<vmem>>, vector<1x128xf32>
    %add3A_39 = vector.broadcast %get3A_38 : vector<1x128xf32> to vector<400x128xf32>
    %add3A_40 = arith.addf %dot_general3A_35, %add3A_39 : vector<400x128xf32>
    %tanh3A = math.tanh %add3A_40 : vector<400x128xf32>
    %get3A_41 = arith.constant 0 : index
    %get3A_42 = arith.constant 0 : index
    %get3A_43 = memref.load %arg10[%get3A_41, %get3A_42] : memref<1x2xf32, #tpu.memory_space<smem>>
    %get3A_44 = arith.constant 0 : index
    %get3A_45 = arith.constant 0 : index
    %get3A_46 = vector.load %arg8[%get3A_44, %get3A_45] : memref<1x128xf32, #tpu.memory_space<vmem>>, vector<1x128xf32>
    %mul3A_47 = vector.broadcast %get3A_46 : vector<1x128xf32> to vector<400x128xf32>
    %mul3A_48 = arith.mulf %tanh3A, %mul3A_47 : vector<400x128xf32>
    %reduce_sum3A = vector.shape_cast %mul3A_48 : vector<400x128xf32> to vector<1x400x128xf32>
    %reduce_sum3A_49 = arith.constant dense<0.000000e+00> : vector<1xf32>
    %reduce_sum3A_50 = vector.multi_reduction <add>, %reduce_sum3A, %reduce_sum3A_49 [1, 2] : vector<1x400x128xf32> to vector<1xf32>
    %reduce_sum3A_51 = vector.shape_cast %reduce_sum3A_50 : vector<1xf32> to vector<1x1x1xf32>
    %reduce_sum3A_52 = vector.extract %reduce_sum3A_51[0, 0, 0] : f32 from vector<1x1x1xf32>
    %add3A_53 = arith.addf %get3A_43, %reduce_sum3A_52 : f32
    %swap3A = arith.constant 0 : index
    %swap3A_54 = arith.constant 0 : index
    %swap3A_55 = memref.load %arg10[%swap3A, %swap3A_54] : memref<1x2xf32, #tpu.memory_space<smem>>
    memref.store %add3A_53, %arg10[%swap3A, %swap3A_54] : memref<1x2xf32, #tpu.memory_space<smem>>
    %get3A_56 = arith.constant 0 : index
    %get3A_57 = arith.constant 0 : index
    %get3A_58 = arith.constant 0 : index
    %get3A_59 = vector.load %arg4[%get3A_56, %get3A_57, %get3A_58] : memref<2x400x16xf32, #tpu.memory_space<vmem>>, vector<1x400x1xf32>
    %get3A_60 = vector.shape_cast %get3A_59 : vector<1x400x1xf32> to vector<400x1xf32>
    %get3A_61 = arith.constant 1 : index
    %get3A_62 = arith.constant 0 : index
    %get3A_63 = arith.constant 0 : index
    %get3A_64 = vector.load %arg4[%get3A_61, %get3A_62, %get3A_63] : memref<2x400x16xf32, #tpu.memory_space<vmem>>, vector<1x400x1xf32>
    %get3A_65 = vector.shape_cast %get3A_64 : vector<1x400x1xf32> to vector<400x1xf32>
    %add3A_66 = arith.addf %get3A_60, %get3A_65 : vector<400x1xf32>
    %add3A_67 = arith.constant 1.000000e+00 : f32
    %add3A_68 = vector.broadcast %add3A_67 : f32 to vector<400x1xf32>
    %add3A_69 = arith.addf %add3A_68, %add3A_66 : vector<400x1xf32>
    %rsqrt3A_70 = math.rsqrt %add3A_69 : vector<400x1xf32>
    %get3A_71 = arith.constant 0 : index
    %get3A_72 = arith.constant 0 : index
    %get3A_73 = arith.constant 0 : index
    %get3A_74 = vector.load %arg2[%get3A_71, %get3A_72, %get3A_73] : memref<2x400x128xf32, #tpu.memory_space<vmem>>, vector<1x400x128xf32>
    %get3A_75 = vector.shape_cast %get3A_74 : vector<1x400x128xf32> to vector<400x128xf32>
    %get3A_76 = arith.constant 1 : index
    %get3A_77 = arith.constant 0 : index
    %get3A_78 = arith.constant 0 : index
    %get3A_79 = vector.load %arg2[%get3A_76, %get3A_77, %get3A_78] : memref<2x400x128xf32, #tpu.memory_space<vmem>>, vector<1x400x128xf32>
    %get3A_80 = vector.shape_cast %get3A_79 : vector<1x400x128xf32> to vector<400x128xf32>
    %concatenate3A_81 = tpu.concatenate %get3A_75, %get3A_80 in 1 : vector<400x128xf32>, vector<400x128xf32> -> vector<400x256xf32>
    %mul3A_82 = vector.broadcast %rsqrt3A_70 : vector<400x1xf32> to vector<400x256xf32>
    %mul3A_83 = arith.mulf %concatenate3A_81, %mul3A_82 : vector<400x256xf32>
    %get3A_84 = arith.constant 0 : index
    %get3A_85 = arith.constant 0 : index
    %get3A_86 = vector.load %arg5[%get3A_84, %get3A_85] : memref<1x256xf32, #tpu.memory_space<vmem>>, vector<1x256xf32>
    %add3A_87 = vector.broadcast %get3A_86 : vector<1x256xf32> to vector<400x256xf32>
    %add3A_88 = arith.addf %mul3A_83, %add3A_87 : vector<400x256xf32>
    %max3A_89 = arith.constant 0.000000e+00 : f32
    %max3A_90 = vector.broadcast %max3A_89 : f32 to vector<400x256xf32>
    %max3A_91 = arith.maximumf %add3A_88, %max3A_90 : vector<400x256xf32>
    %get3A_92 = arith.constant 0 : index
    %get3A_93 = arith.constant 0 : index
    %get3A_94 = vector.load %arg6[%get3A_92, %get3A_93] : memref<256x128xf32, #tpu.memory_space<vmem>>, vector<256x128xf32>
    %dot_general3A_95 = arith.constant dense<0.000000e+00> : vector<400x128xf32>
    %dot_general3A_96 = tpu.matmul %max3A_91, %get3A_94, %dot_general3A_95 {dimension_numbers = #tpu.dot_dimension_numbers<[1], [0], [0], [1], [0, 0, 1, 1], [], []>, transpose_lhs_hint = false} : vector<400x256xf32>, vector<256x128xf32>, vector<400x128xf32> -> vector<400x128xf32>
    %get3A_97 = arith.constant 0 : index
    %get3A_98 = arith.constant 0 : index
    %get3A_99 = vector.load %arg7[%get3A_97, %get3A_98] : memref<1x128xf32, #tpu.memory_space<vmem>>, vector<1x128xf32>
    %add3A_100 = vector.broadcast %get3A_99 : vector<1x128xf32> to vector<400x128xf32>
    %add3A_101 = arith.addf %dot_general3A_96, %add3A_100 : vector<400x128xf32>
    %tanh3A_102 = math.tanh %add3A_101 : vector<400x128xf32>
    %get3A_103 = arith.constant 0 : index
    %get3A_104 = arith.constant 1 : index
    %get3A_105 = memref.load %arg10[%get3A_103, %get3A_104] : memref<1x2xf32, #tpu.memory_space<smem>>
    %get3A_106 = arith.constant 0 : index
    %get3A_107 = arith.constant 0 : index
    %get3A_108 = vector.load %arg8[%get3A_106, %get3A_107] : memref<1x128xf32, #tpu.memory_space<vmem>>, vector<1x128xf32>
    %mul3A_109 = vector.broadcast %get3A_108 : vector<1x128xf32> to vector<400x128xf32>
    %mul3A_110 = arith.mulf %tanh3A_102, %mul3A_109 : vector<400x128xf32>
    %reduce_sum3A_111 = vector.shape_cast %mul3A_110 : vector<400x128xf32> to vector<1x400x128xf32>
    %reduce_sum3A_112 = arith.constant dense<0.000000e+00> : vector<1xf32>
    %reduce_sum3A_113 = vector.multi_reduction <add>, %reduce_sum3A_111, %reduce_sum3A_112 [1, 2] : vector<1x400x128xf32> to vector<1xf32>
    %reduce_sum3A_114 = vector.shape_cast %reduce_sum3A_113 : vector<1xf32> to vector<1x1x1xf32>
    %reduce_sum3A_115 = vector.extract %reduce_sum3A_114[0, 0, 0] : f32 from vector<1x1x1xf32>
    %add3A_116 = arith.addf %get3A_105, %reduce_sum3A_115 : f32
    %swap3A_117 = arith.constant 0 : index
    %swap3A_118 = arith.constant 1 : index
    %swap3A_119 = memref.load %arg10[%swap3A_117, %swap3A_118] : memref<1x2xf32, #tpu.memory_space<smem>>
    memref.store %add3A_116, %arg10[%swap3A_117, %swap3A_118] : memref<1x2xf32, #tpu.memory_space<smem>>
    %eq3A_120 = arith.constant 24 : i32
    %eq3A_121 = arith.cmpi eq, %arg0, %eq3A_120 : i32
    %convert_element_type3A_122 = arith.extui %eq3A_121 : i1 to i32
    %cond3A_123 = arith.constant 0 : i32
    %cond3A_124 = arith.cmpi ne, %convert_element_type3A_122, %cond3A_123 : i32
    scf.if %cond3A_124 {
      %get3A_125 = arith.constant 0 : index
      %get3A_126 = arith.constant 0 : index
      %get3A_127 = memref.load %arg10[%get3A_125, %get3A_126] : memref<1x2xf32, #tpu.memory_space<smem>>
      %div3A = arith.constant 1.000000e+04 : f32
      %div3A_128 = arith.divf %get3A_127, %div3A : f32
      %get3A_129 = arith.constant 0 : index
      %get3A_130 = arith.constant 1 : index
      %get3A_131 = memref.load %arg10[%get3A_129, %get3A_130] : memref<1x2xf32, #tpu.memory_space<smem>>
      %div3A_132 = arith.constant 1.000000e+04 : f32
      %div3A_133 = arith.divf %get3A_131, %div3A_132 : f32
      %max3A_134 = arith.maximumf %div3A_128, %div3A_133 : f32
      %sub3A = arith.subf %div3A_128, %max3A_134 : f32
      %exp3A = math.exp %sub3A : f32
      %sub3A_135 = arith.subf %div3A_133, %max3A_134 : f32
      %exp3A_136 = math.exp %sub3A_135 : f32
      %add3A_137 = arith.addf %exp3A, %exp3A_136 : f32
      %div3A_138 = arith.divf %exp3A, %add3A_137 : f32
      %swap3A_139 = arith.constant 0 : index
      %swap3A_140 = arith.constant 0 : index
      %swap3A_141 = memref.load %arg9[%swap3A_139, %swap3A_140] : memref<1x2xf32, #tpu.memory_space<smem>>
      memref.store %div3A_138, %arg9[%swap3A_139, %swap3A_140] : memref<1x2xf32, #tpu.memory_space<smem>>
      %add3A_142 = arith.addf %exp3A, %exp3A_136 : f32
      %div3A_143 = arith.divf %exp3A_136, %add3A_142 : f32
      %swap3A_144 = arith.constant 0 : index
      %swap3A_145 = arith.constant 1 : index
      %swap3A_146 = memref.load %arg9[%swap3A_144, %swap3A_145] : memref<1x2xf32, #tpu.memory_space<smem>>
      memref.store %div3A_143, %arg9[%swap3A_144, %swap3A_145] : memref<1x2xf32, #tpu.memory_space<smem>>
    } else {
    }
    return
  }
  func.func @transform_0(%arg0: i32) -> (i32, i32, i32) {
    %c0_i32 = arith.constant 0 : i32
    %c0_i32_0 = arith.constant 0 : i32
    %c0_i32_1 = arith.constant 0 : i32
    return %c0_i32, %arg0, %c0_i32_0 : i32, i32, i32
  }
  func.func @transform_1(%arg0: i32) -> (i32, i32, i32) {
    %c0_i32 = arith.constant 0 : i32
    %c0_i32_0 = arith.constant 0 : i32
    %c0_i32_1 = arith.constant 0 : i32
    return %c0_i32, %arg0, %c0_i32_0 : i32, i32, i32
  }
  func.func @transform_2(%arg0: i32) -> (i32, i32, i32) {
    %c0_i32 = arith.constant 0 : i32
    %c0_i32_0 = arith.constant 0 : i32
    %c0_i32_1 = arith.constant 0 : i32
    return %c0_i32, %arg0, %c0_i32_0 : i32, i32, i32
  }
  func.func @transform_3(%arg0: i32) -> (i32, i32, i32) {
    %c0_i32 = arith.constant 0 : i32
    %c0_i32_0 = arith.constant 0 : i32
    %c0_i32_1 = arith.constant 0 : i32
    return %c0_i32, %arg0, %c0_i32_0 : i32, i32, i32
  }
  func.func @transform_4(%arg0: i32) -> (i32, i32) {
    %c0_i32 = arith.constant 0 : i32
    %c0_i32_0 = arith.constant 0 : i32
    %c0_i32_1 = arith.constant 0 : i32
    return %c0_i32, %c0_i32_0 : i32, i32
  }
  func.func @transform_5(%arg0: i32) -> (i32, i32) {
    %c0_i32 = arith.constant 0 : i32
    %c0_i32_0 = arith.constant 0 : i32
    %c0_i32_1 = arith.constant 0 : i32
    return %c0_i32, %c0_i32_0 : i32, i32
  }
  func.func @transform_6(%arg0: i32) -> (i32, i32) {
    %c0_i32 = arith.constant 0 : i32
    %c0_i32_0 = arith.constant 0 : i32
    %c0_i32_1 = arith.constant 0 : i32
    return %c0_i32, %c0_i32_0 : i32, i32
  }
  func.func @transform_7(%arg0: i32) -> (i32, i32) {
    %c0_i32 = arith.constant 0 : i32
    %c0_i32_0 = arith.constant 0 : i32
    %c0_i32_1 = arith.constant 0 : i32
    return %c0_i32, %c0_i32_0 : i32, i32
  }
  func.func @transform_8(%arg0: i32) -> (i32, i32) {
    %c0_i32 = arith.constant 0 : i32
    %c0_i32_0 = arith.constant 0 : i32
    %c0_i32_1 = arith.constant 0 : i32
    return %c0_i32, %c0_i32_0 : i32, i32
  }
}

module attributes {stable_mosaic.version = 14 : i64} {
  func.func @_final_body(%arg0: i32, %arg1: memref<1x2xf32, #tpu.memory_space<smem>>, %arg2: memref<2x400x128xf32, #tpu.memory_space<vmem>>, %arg3: memref<2x400x128xf32, #tpu.memory_space<vmem>>, %arg4: memref<2x400x16xf32, #tpu.memory_space<vmem>>, %arg5: memref<2x400x16xf32, #tpu.memory_space<vmem>>, %arg6: memref<1x256xf32, #tpu.memory_space<vmem>>, %arg7: memref<400x256xf32, #tpu.memory_space<vmem>>) attributes {dimension_semantics = [#tpu.dimension_semantics<arbitrary>], iteration_bounds = array<i64: 25>, scalar_prefetch = 0 : i64, scratch_operands = 0 : i64, tpu.core_type = #tpu.core_type<tc>, window_params = [{transform_indices = @transform_0, window_bounds = array<i64: 1, 2>}, {transform_indices = @transform_1, window_bounds = array<i64: 2, 400, 128>}, {transform_indices = @transform_2, window_bounds = array<i64: 2, 400, 128>}, {transform_indices = @transform_3, window_bounds = array<i64: 2, 400, 16>}, {transform_indices = @transform_4, window_bounds = array<i64: 2, 400, 16>}, {pipeline_mode = #tpu.pipeline_mode<synchronous>, transform_indices = @transform_5, window_bounds = array<i64: 1, 256>}, {transform_indices = @transform_6, window_bounds = array<i64: 400, 256>}]} {
    %get3A = arith.constant 0 : index
    %get3A_0 = arith.constant 0 : index
    %get3A_1 = arith.constant 0 : index
    %get3A_2 = vector.load %arg4[%get3A, %get3A_0, %get3A_1] : memref<2x400x16xf32, #tpu.memory_space<vmem>>, vector<1x400x1xf32>
    %get3A_3 = vector.shape_cast %get3A_2 : vector<1x400x1xf32> to vector<400x1xf32>
    %get3A_4 = arith.constant 1 : index
    %get3A_5 = arith.constant 0 : index
    %get3A_6 = arith.constant 0 : index
    %get3A_7 = vector.load %arg4[%get3A_4, %get3A_5, %get3A_6] : memref<2x400x16xf32, #tpu.memory_space<vmem>>, vector<1x400x1xf32>
    %get3A_8 = vector.shape_cast %get3A_7 : vector<1x400x1xf32> to vector<400x1xf32>
    %add3A = arith.addf %get3A_3, %get3A_8 : vector<400x1xf32>
    %add3A_9 = arith.constant 1.000000e+00 : f32
    %add3A_10 = vector.broadcast %add3A_9 : f32 to vector<400x1xf32>
    %add3A_11 = arith.addf %add3A_10, %add3A : vector<400x1xf32>
    %rsqrt3A = math.rsqrt %add3A_11 : vector<400x1xf32>
    %get3A_12 = arith.constant 0 : index
    %get3A_13 = arith.constant 0 : index
    %get3A_14 = arith.constant 0 : index
    %get3A_15 = vector.load %arg2[%get3A_12, %get3A_13, %get3A_14] : memref<2x400x128xf32, #tpu.memory_space<vmem>>, vector<1x400x128xf32>
    %get3A_16 = vector.shape_cast %get3A_15 : vector<1x400x128xf32> to vector<400x128xf32>
    %get3A_17 = arith.constant 1 : index
    %get3A_18 = arith.constant 0 : index
    %get3A_19 = arith.constant 0 : index
    %get3A_20 = vector.load %arg2[%get3A_17, %get3A_18, %get3A_19] : memref<2x400x128xf32, #tpu.memory_space<vmem>>, vector<1x400x128xf32>
    %get3A_21 = vector.shape_cast %get3A_20 : vector<1x400x128xf32> to vector<400x128xf32>
    %concatenate3A = tpu.concatenate %get3A_16, %get3A_21 in 1 : vector<400x128xf32>, vector<400x128xf32> -> vector<400x256xf32>
    %mul3A = vector.broadcast %rsqrt3A : vector<400x1xf32> to vector<400x256xf32>
    %mul3A_22 = arith.mulf %concatenate3A, %mul3A : vector<400x256xf32>
    %get3A_23 = arith.constant 0 : index
    %get3A_24 = arith.constant 0 : index
    %get3A_25 = vector.load %arg6[%get3A_23, %get3A_24] : memref<1x256xf32, #tpu.memory_space<vmem>>, vector<1x256xf32>
    %add3A_26 = vector.broadcast %get3A_25 : vector<1x256xf32> to vector<400x256xf32>
    %add3A_27 = arith.addf %mul3A_22, %add3A_26 : vector<400x256xf32>
    %max3A = arith.constant 0.000000e+00 : f32
    %max3A_28 = vector.broadcast %max3A : f32 to vector<400x256xf32>
    %max3A_29 = arith.maximumf %add3A_27, %max3A_28 : vector<400x256xf32>
    %get3A_30 = arith.constant 0 : index
    %get3A_31 = arith.constant 0 : index
    %get3A_32 = arith.constant 0 : index
    %get3A_33 = vector.load %arg5[%get3A_30, %get3A_31, %get3A_32] : memref<2x400x16xf32, #tpu.memory_space<vmem>>, vector<1x400x1xf32>
    %get3A_34 = vector.shape_cast %get3A_33 : vector<1x400x1xf32> to vector<400x1xf32>
    %get3A_35 = arith.constant 1 : index
    %get3A_36 = arith.constant 0 : index
    %get3A_37 = arith.constant 0 : index
    %get3A_38 = vector.load %arg5[%get3A_35, %get3A_36, %get3A_37] : memref<2x400x16xf32, #tpu.memory_space<vmem>>, vector<1x400x1xf32>
    %get3A_39 = vector.shape_cast %get3A_38 : vector<1x400x1xf32> to vector<400x1xf32>
    %add3A_40 = arith.addf %get3A_34, %get3A_39 : vector<400x1xf32>
    %add3A_41 = arith.constant 1.000000e+00 : f32
    %add3A_42 = vector.broadcast %add3A_41 : f32 to vector<400x1xf32>
    %add3A_43 = arith.addf %add3A_42, %add3A_40 : vector<400x1xf32>
    %rsqrt3A_44 = math.rsqrt %add3A_43 : vector<400x1xf32>
    %get3A_45 = arith.constant 0 : index
    %get3A_46 = arith.constant 0 : index
    %get3A_47 = arith.constant 0 : index
    %get3A_48 = vector.load %arg3[%get3A_45, %get3A_46, %get3A_47] : memref<2x400x128xf32, #tpu.memory_space<vmem>>, vector<1x400x128xf32>
    %get3A_49 = vector.shape_cast %get3A_48 : vector<1x400x128xf32> to vector<400x128xf32>
    %get3A_50 = arith.constant 1 : index
    %get3A_51 = arith.constant 0 : index
    %get3A_52 = arith.constant 0 : index
    %get3A_53 = vector.load %arg3[%get3A_50, %get3A_51, %get3A_52] : memref<2x400x128xf32, #tpu.memory_space<vmem>>, vector<1x400x128xf32>
    %get3A_54 = vector.shape_cast %get3A_53 : vector<1x400x128xf32> to vector<400x128xf32>
    %concatenate3A_55 = tpu.concatenate %get3A_49, %get3A_54 in 1 : vector<400x128xf32>, vector<400x128xf32> -> vector<400x256xf32>
    %mul3A_56 = vector.broadcast %rsqrt3A_44 : vector<400x1xf32> to vector<400x256xf32>
    %mul3A_57 = arith.mulf %concatenate3A_55, %mul3A_56 : vector<400x256xf32>
    %get3A_58 = arith.constant 0 : index
    %get3A_59 = arith.constant 0 : index
    %get3A_60 = vector.load %arg6[%get3A_58, %get3A_59] : memref<1x256xf32, #tpu.memory_space<vmem>>, vector<1x256xf32>
    %add3A_61 = vector.broadcast %get3A_60 : vector<1x256xf32> to vector<400x256xf32>
    %add3A_62 = arith.addf %mul3A_57, %add3A_61 : vector<400x256xf32>
    %max3A_63 = arith.constant 0.000000e+00 : f32
    %max3A_64 = vector.broadcast %max3A_63 : f32 to vector<400x256xf32>
    %max3A_65 = arith.maximumf %add3A_62, %max3A_64 : vector<400x256xf32>
    %get3A_66 = arith.constant 0 : index
    %get3A_67 = arith.constant 0 : index
    %get3A_68 = memref.load %arg1[%get3A_66, %get3A_67] : memref<1x2xf32, #tpu.memory_space<smem>>
    %mul3A_69 = vector.broadcast %get3A_68 : f32 to vector<400x256xf32>
    %mul3A_70 = arith.mulf %max3A_29, %mul3A_69 : vector<400x256xf32>
    %get3A_71 = arith.constant 0 : index
    %get3A_72 = arith.constant 1 : index
    %get3A_73 = memref.load %arg1[%get3A_71, %get3A_72] : memref<1x2xf32, #tpu.memory_space<smem>>
    %mul3A_74 = vector.broadcast %get3A_73 : f32 to vector<400x256xf32>
    %mul3A_75 = arith.mulf %max3A_65, %mul3A_74 : vector<400x256xf32>
    %add3A_76 = arith.addf %mul3A_70, %mul3A_75 : vector<400x256xf32>
    %swap3A = arith.constant 0 : index
    %swap3A_77 = arith.constant 0 : index
    %swap3A_78 = vector.load %arg7[%swap3A, %swap3A_77] : memref<400x256xf32, #tpu.memory_space<vmem>>, vector<400x256xf32>
    tpu.vector_store %arg7[%swap3A, %swap3A_77], %add3A_76 {strides = array<i32>} : memref<400x256xf32, #tpu.memory_space<vmem>>, vector<400x256xf32>,
    return
  }
  func.func @transform_0(%arg0: i32) -> (i32, i32) {
    %c0_i32 = arith.constant 0 : i32
    %c0_i32_0 = arith.constant 0 : i32
    %c0_i32_1 = arith.constant 0 : i32
    return %c0_i32, %c0_i32_0 : i32, i32
  }
  func.func @transform_1(%arg0: i32) -> (i32, i32, i32) {
    %c0_i32 = arith.constant 0 : i32
    %c0_i32_0 = arith.constant 0 : i32
    %c0_i32_1 = arith.constant 0 : i32
    return %c0_i32, %arg0, %c0_i32_0 : i32, i32, i32
  }
  func.func @transform_2(%arg0: i32) -> (i32, i32, i32) {
    %c0_i32 = arith.constant 0 : i32
    %c0_i32_0 = arith.constant 0 : i32
    %c0_i32_1 = arith.constant 0 : i32
    return %c0_i32, %arg0, %c0_i32_0 : i32, i32, i32
  }
  func.func @transform_3(%arg0: i32) -> (i32, i32, i32) {
    %c0_i32 = arith.constant 0 : i32
    %c0_i32_0 = arith.constant 0 : i32
    %c0_i32_1 = arith.constant 0 : i32
    return %c0_i32, %arg0, %c0_i32_0 : i32, i32, i32
  }
  func.func @transform_4(%arg0: i32) -> (i32, i32, i32) {
    %c0_i32 = arith.constant 0 : i32
    %c0_i32_0 = arith.constant 0 : i32
    %c0_i32_1 = arith.constant 0 : i32
    return %c0_i32, %arg0, %c0_i32_0 : i32, i32, i32
  }
  func.func @transform_5(%arg0: i32) -> (i32, i32) {
    %c0_i32 = arith.constant 0 : i32
    %c0_i32_0 = arith.constant 0 : i32
    %c0_i32_1 = arith.constant 0 : i32
    return %c0_i32, %c0_i32_0 : i32, i32
  }
  func.func @transform_6(%arg0: i32) -> (i32, i32) {
    %c0_i32 = arith.constant 0 : i32
    %c0_i32_0 = arith.constant 0 : i32
    return %arg0, %c0_i32 : i32, i32
  }
}

</mosaic_0001>

<sc_bundles>
// kernel: kernel.10.cloned.1.call-start
scs
__scs_entry_jumppad:
0x0: {  	(pc) =	sbr.rel $0x88, $3  }
0x1: {  	(tag) =	ssettag $0x0;
	lr =	simm.s32 $0x1  }
0x2: {  	[smem:$0x3F96] =	sst lr;
	_ =	strace $0xD0000000  }
0x3: {  	_ = 	snop  }
0x4: {  	_ = 	snop  }
0x5: {  	_ = 	snop  }
0x6: {  	_ = 	snop  }
0x7: {  	_ = 	snop  }
__scs_overlays_trampoline_lowered:
0x8: {  	[smem:$0x3FA5] =	sst s0  }
0x9: {  	[smem:$0x3FA6] =	sst s1  }
0xa: {  	[smem:$0x3FA7] =	sst s2  }
0xb: {  	[smem:$0x3FA8] =	sst s3  }
0xc: {  	[smem:$0x3FA9] =	sst s4  }
0xd: {  	[smem:$0x3FAA] =	sst s5  }
0xe: {  	[smem:$0x3FAB] =	sst s6  }
0xf: {  	[smem:$0x3FAC] =	sst s7  }
0x10: {  	[smem:$0x3FAD] =	sst s8  }
0x11: {  	[smem:$0x3FAE] =	sst s9;
	s0 =	simm.s32 @!p0 $0x0  }
0x12: {  	s1 =	sld [smem:$0x3F94];
	s0 =	simm.s32 @p0 $0x1  }
0x13: {  	[smem:$0x3FAF] =	sst s0;
	s0 =	simm.s32 @!p1 $0x0  }
0x14: {  	s2 =	sld [smem:$0x3F93];
	s0 =	simm.s32 @p1 $0x1  }
0x15: {  	[smem:$0x3FB0] =	sst s0;
	s0 =	simm.s32 @!p2 $0x0  }
0x16: {  	s3 =	sld [smem:$0x3FDB];
	s0 =	simm.s32 @p2 $0x1  }
0x17: {  	s4 =	simm.s32 $0x1BF5;
	[smem:$0x3FB2] =	sst s0  }
0x18: {  	s0 =	sld [smem:$0x3F95];
	_ =	swait.ge [sflag:s4], $0x0  }
0x19: {  	s7 =	sld [smem:$0x3F96]  }
0x1a: {  	s8 =	sadd.s32 $0xFFFFE003, lr  }
0x1b: {  	s9 =	sadd.s32 $0xFFFFFEF7, lr;
	s5 =	simm.s32 $0xFFFFFFFF;
	p2 =	slt.u32 s8, $0xFFFFF086  }
0x1c: {  	p1 =	slt.u32 s9, $0xF7A;
	s5 =	simm.s32 @!p2 $0x0  }
0x1d: {  	s5 =	simm.s32 @p1 $0x1;
	p0 =	seq.s32 s7, s2  }
0x1e: {  	s7 =	smul.u32 @!p0 $0xF7A, s2;
	p2 =	seq.s32 @!p0 s5, $0x0  }
0x1f: {  	s9 =	smul.u32 $0xF7A, s1;
	s8 =	simm.s32 @!p0 $0x1BF5;
	p2 =	por !p2, p0  }
0x20: {  	[sflag:s8] =	ssyncset.s32 @!p0 $0xFFFFF086;
	s6 =	sadd.s32 @!p0 s3, s7;
	s7 =	simm.s32 @!p0 $0x108  }
0x21: {  	s3 =	sadd.s32 s3, s9;
	s6 =	sadd.s32 @!p0 $0x88, s6;
	s7 =	simm.s32 @p2 $0x1082  }
0x22: {  	[simem:s7], [sflag:s8] =	dma.local @!p0 [hbm:s6], $0xF7A  }
0x23: {  	s9 =	sor.u32 $0xD0000000, s2;
	s6 =	simm.s32 $0x108;
	_ =	swait.ge @!p0 [sflag:s8], $0x0  }
0x24: {  	s3 =	sadd.s32 $0x88, s3;
	s6 =	simm.s32 @!p1 $0x1082;
	[sflag:s4] =	ssyncset.s32 $0xFFFFF086  }
0x25: {  	[simem:s6], [sflag:s4] =	dma.local [hbm:s3], $0xF7A  }
0x26: {  	[smem:$0x3F96] =	sst s1;
	(tag) =	ssettag s2;
	_ =	strace s9  }
0x27: {  	s1 =	sld [smem:$0x3FA6]  }
0x28: {  	s2 =	sld [smem:$0x3FA7]  }
0x29: {  	s4 =	sld [smem:$0x3FA9]  }
0x2a: {  	p0 =	seq.s32 s5, $0x0;
	s5 =	sld [smem:$0x3FAA]  }
0x2b: {  	s6 =	sld [smem:$0x3FAB]  }
0x2c: {  	s7 =	sld [smem:$0x3FAC]  }
0x2d: {  	s3 =	simm.s32 $0x108;
	s8 =	sld [smem:$0x3FAD]  }
0x2e: {  	s3 =	simm.s32 @!p0 $0x1082;
	s9 =	sld [smem:$0x3FAE]  }
0x2f: {  	lr =	sadd.s32 s0, s3;
	s0 =	sld [smem:$0x3FA5]  }
0x30: {  	s3 =	sld [smem:$0x3FA8]  }
0x31: {  	[smem:$0x3FB1] =	sst s10  }
0x32: {  	s10 =	sld [smem:$0x3FAF];
	_ =	sdelay $0x3  }
0x33: {  	p0 =	seq.s32 s10, $0x1;
	s10 =	sld [smem:$0x3FB1];
	_ =	sdelay $0x3  }
0x34: {  	[smem:$0x3FB1] =	sst s10  }
0x35: {  	s10 =	sld [smem:$0x3FB0];
	_ =	sdelay $0x3  }
0x36: {  	p1 =	seq.s32 s10, $0x1;
	s10 =	sld [smem:$0x3FB1];
	_ =	sdelay $0x3  }
0x37: {  	[smem:$0x3FB1] =	sst s10  }
0x38: {  	s10 =	sld [smem:$0x3FB2]  }
0x39: {  	_ = 	snop;
	(pc) =	sbr.ind lr, $3  }
0x3a: {  	_ = 	snop  }
0x3b: {  	_ = 	snop  }
0x3c: {  	p2 =	seq.s32 s10, $0x1;
	s10 =	sld [smem:$0x3FB1]  }
0x3d: {  	_ =	shalt  }
0x3e: {  	_ =	shalt  }
0x3f: {  	_ =	shalt  }
0x40: {  	_ =	shalt  }
0x41: {  	_ =	shalt  }
0x42: {  	_ =	shalt  }
0x43: {  	_ =	shalt  }
0x44: {  	_ =	shalt  }
0x45: {  	_ =	shalt  }
0x46: {  	_ =	shalt  }
0x47: {  	_ =	shalt  }
0x48: {  	_ =	shalt  }
0x49: {  	_ =	shalt  }
0x4a: {  	_ =	shalt  }
0x4b: {  	_ =	shalt  }
0x4c: {  	_ =	shalt  }
0x4d: {  	_ =	shalt  }
0x4e: {  	_ =	shalt  }
0x4f: {  	_ =	shalt  }
0x50: {  	_ =	shalt  }
0x51: {  	_ =	shalt  }
0x52: {  	_ =	shalt  }
0x53: {  	_ =	shalt  }
0x54: {  	_ =	shalt  }
0x55: {  	_ =	shalt  }
0x56: {  	_ =	shalt  }
0x57: {  	_ =	shalt  }
0x58: {  	_ =	shalt  }
0x59: {  	_ =	shalt  }
0x5a: {  	_ =	shalt  }
0x5b: {  	_ =	shalt  }
0x5c: {  	_ =	shalt  }
0x5d: {  	_ =	shalt  }
0x5e: {  	_ =	shalt  }
0x5f: {  	_ =	shalt  }
0x60: {  	_ =	shalt  }
0x61: {  	_ =	shalt  }
0x62: {  	_ =	shalt  }
0x63: {  	_ =	shalt  }
0x64: {  	_ =	shalt  }
0x65: {  	_ =	shalt  }
0x66: {  	_ =	shalt  }
0x67: {  	_ =	shalt  }
0x68: {  	_ =	shalt  }
0x69: {  	_ =	shalt  }
0x6a: {  	_ =	shalt  }
0x6b: {  	_ =	shalt  }
0x6c: {  	_ =	shalt  }
0x6d: {  	_ =	shalt  }
0x6e: {  	_ =	shalt  }
0x6f: {  	_ =	shalt  }
0x70: {  	_ =	shalt  }
0x71: {  	_ =	shalt  }
0x72: {  	_ =	shalt  }
0x73: {  	_ =	shalt  }
0x74: {  	_ =	shalt  }
0x75: {  	_ =	shalt  }
0x76: {  	_ =	shalt  }
0x77: {  	_ =	shalt  }
0x78: {  	_ =	shalt  }
0x79: {  	_ =	shalt  }
0x7a: {  	_ =	shalt  }
0x7b: {  	_ =	shalt  }
0x7c: {  	_ =	shalt  }
0x7d: {  	_ =	shalt  }
0x7e: {  	_ =	shalt  }
0x7f: {  	_ =	shalt  }
0x80: {  	_ =	shalt  }
0x81: {  	_ =	shalt  }
0x82: {  	_ =	shalt  }
0x83: {  	_ =	shalt  }
0x84: {  	_ =	shalt  }
0x85: {  	_ =	shalt  }
0x86: {  	_ =	shalt  }
0x87: {  	_ =	shalt  }
.Lfunc_end0:
.L_simem_size_0:
called_computation_lowered:
.L_overlay_start_0:
0x88: {  	s2 =	sld [smem:$0x3FD9]  }
0x89: {  	s3 =	sld [smem:$0x3FFE];
	_ =	sdelay $0x1  }
0x8a: {  	s1 =	srdreg.scid  }
0x8b: {  	s0 =	sand.u32 $0x1, s1  }
0x8c: {  	s17 =	sshll.u32 s0, $0xA;
	s2 =	sadd.s32 s3, s2  }
0x8d: {  	s2 =	sadd.s32 s2, s17  }
0x8e: {  	[smem:$0x3FBD] =	sst s2  }
0x8f: {  	_ = 	snop  }
0x90: {  	s2 =	sld [smem:$0x3FC6];
	(tm) =	ssettm $0x1  }
0x91: {  	s18 =	sld [smem:$0x3FFB];
	_ =	sdelay $0x3  }
0x92: {  	_ =	strace s18  }
0x93: {  	s3 =	sld [smem:$0x3FFC];
	_ =	sdelay $0x3  }
0x94: {  	_ =	strace s3  }
0x95: {  	s3 =	sld [smem:$0x3FFD];
	_ =	sdelay $0x3  }
0x96: {  	_ =	strace s3  }
0x97: {  	_ =	strace $0x8FFFFFFF  }
0x98: {  	s19 =	sld [smem:$0x3FDB];
	_ =	sdelay $0x1  }
0x99: {  	s4 =	simm.s32 $_scs_section_size  }
0x9a: {  	s5 =	simm.s32 $_size__tile_overlayer_lowered;
	s6 =	simm.s32 $_tile_overlayer_lowered  }
0x9b: {  	s22 =	simm.s32 $0x1BFF;
	s21 =	sshll.u32 s6, $0x1;
	s3 =	sadd.s32 s4, s19  }
0x9c: {  	s7 =	simm.s32 $0x0;
	s20 =	sshll.u32 s5, $0x1;
	s5 =	sadd.s32 s21, s3  }
0x9d: {  	[timem:s7], [sflag:s22] =	dma.local [hbm:s5], s20  }
0x9e: {  	_ =	swait.ge [sflag:s22], s20  }
0x9f: {  	s4 =	ssub.s32 $0x0, s20;
	[sflag:s22] =	ssyncset.done $0x0  }
0xa0: {  	[sflag:s22] =	ssyncadd.s32 s4;
	_ =	sdelay $0x1  }
0xa1: {  	s23 =	simm.s32 $0x1B8B  }
0xa2: {  	_ =	swait.ge [sflag:s23], $0x1  }
0xa3: {  	[sflag:s23] =	ssyncset.done $0x0  }
0xa4: {  	s25 =	simm.s32 $0x1B8E;
	s24 =	sld [smem:$0x3FFE];
	[sflag:s23] =	ssyncadd.s32 $0xFFFFFFFF  }
0xa5: {  	s26 =	simm.s32 $execute0_lowered;
	[smem:$0x3FD2] =	sst s25  }
0xa6: {  	s5 =	sshll.u32 s26, $0x1;
	_ =	strace $0x80000046;
	[dreg:$0x1] =	wrdreg $0xFFFFFFFF  }
0xa7: {  	s28 =	simm.s32 $_size_execute0_lowered;
	s3 =	sadd.s32 s3, s5;
	[dreg:$0x0] =	wrdreg $0x0  }
0xa8: {  	s5 =	sshll.u32 s28, $0x1;
	[dreg:$0x2] =	wrdreg s3  }
0xa9: {  	[dreg:$0x3] =	wrdreg s5  }
0xaa: {  	[dreg:$0x4] =	wrdreg $0xC0  }
0xab: {  	_ =	task [dreg:s7], $0x5FFFF  }
0xac: {  	[dreg:$0x1] =	wrdreg $0xFFFFFFFF  }
0xad: {  	[dreg:$0x0] =	wrdreg $0x60  }
0xae: {  	[dreg:$0x2] =	wrdreg s2  }
0xaf: {  	[dreg:$0x3] =	wrdreg s24  }
0xb0: {  	[dreg:$0x4] =	wrdreg $0x94000  }
0xb1: {  	[dreg:$0x5] =	wrdreg $0x9  }
0xb2: {  	_ =	task.clear_ibuf [dreg:s7], $0x6FFFF;
	_ =	strace $0x90000046  }
0xb3: {  	s29 =	simm.s32 $0x9;
	_ =	strace $0x80000048  }
0xb4: {  	_ =	swait.ge [sflag:s29], $0x1  }
0xb5: {  	[sflag:s29] =	ssyncadd.s32 $0xFFFFFFFF  }
0xb6: {  	_ =	strace $0x90000048  }
0xb7: {  	_ =	sfence  }
0xb8: {  	s30 =	sld [smem:$0x0];
	_ =	sdelay $0x2  }
0xb9: {  	s31 =	sshll.u32 s1, $0xD;
	s1 =	sshrl.u32 s1, $0x2  }
0xba: {  	s3 =	sand.u32 $0x4000, s31;
	s1 =	sadd.s32 s1, s30  }
0xbb: {  	s0 =	sor.u32 s3, s0;
	s1 =	sshll.u32 s1, $0x11  }
0xbc: {  	s0 =	sor.u32 s1, s0  }
0xbd: {  	s0 =	sadd.s32 $0x8F2B, s0  }
0xbe: {  	[sflag:s0] =	ssyncadd.remote.s32 $0x1  }
0xbf: {  	_ =	sfence.sel $0xFFFF  }
0xc0: {  	[dreg:$0x0] =	wrdreg $0xFFFFFFFF;
	(pc) =	sbr.abs _section_cstart, $3  }
0xc1: {  	[dreg:$0x1] =	wrdreg $0xFFFFFFFF  }
0xc2: {  	_ =	task.clear_ibuf [dreg:s7], $0x2FFFF;
	_ =	strace $0x9FFFFFFF  }
0xc3: {  	(tm) =	ssettm $0x7FFFFFFF  }
tec
execute0_lowered:
.L_overlay_start_1:
0x0: {  	(tag) =	ssettag $0x1  }
0x1: {  	s31 =	rddreg [dreg:$0x0]  }
0x2: {  	s0 =	rddreg [dreg:$0x1];
	s11 =	stileid.u32  }
0x3: {  	s3 =	rddreg [dreg:$0x2];
	s7 =	smul.u32 $0x2800, s11  }
0x4: {  	s2 =	srdreg.scid;
	s4 =	simm.s32 $0x0;
	s8 =	smul.u32 $0x280, s11  }
0x5: {  	s2 =	sand.u32 $0x1, s2;
	[smem:$0x7FF] =	sst s4;
	s17 =	smul.u32 $0x50000, s11  }
0x6: {  	s10 =	sadd.s32 $0x18600, s0;
	s5 =	smul.u32 $0x28000, s2;
	s6 =	sshll.u32 s2, $0x4  }
0x7: {  	s30 =	smul.u32 $0x2800, s2;
	_ =	strace $0x80000047;
	s2 =	ssub.s32 $0x2, s2  }
0x8: {  	s6 =	sor.u32 s11, s6;
	s12 =	sshrl.u32 s2, $0x1;
	s11 =	simm.s32 $0x2E00  }
0x9: {  	s9 =	sshll.u32 s6, $0x7;
	s5 =	sadd.s32 s7, s5;
	s1 =	smul.u32 $0x14000, s6  }
0xa: {  	s7 =	sadd.s32 s8, s30;
	s6 =	smul.u32 $0x2800, s6;
	s2 =	ssub.s32 s2, s12  }
0xb: {  	s12 =	simm.s32 $0x2E80;
	s9 =	sadd.s32 s9, s0;
	s5 =	sshrl.u32 s5, $0x3  }
0xc: {  	s7 =	sshll.u32 s7, $0x4;
	s30 =	smax.u32 s2, $0x1;
	s2 =	simm.s32 $0x2C00  }
0xd: {  	s5 =	sadd.s32 s5, s0;
	s13 =	sadd.s32 $0x3600, s9;
	[dreg:$0x14] =	wrdreg s30  }
0xe: {  	s0 =	sadd.s32 s7, s0;
	s15 =	sadd.s32 s10, s6;
	[dreg:$0x4] =	wrdreg s13  }
0xf: {  	s14 =	sshrl.u32 s1, $0x3;
	[dreg:$0x5] =	wrdreg s15;
	s8 =	sadd.s32 $0x500, s15  }
0x10: {  	s7 =	sshrl.u32 s17, $0x2;
	s29 =	sadd.s32 $0x68600, s0;
	[dreg:$0x6] =	wrdreg s8  }
0x11: {  	s9 =	simm.s32 $0x2D00;
	s0 =	sadd.s32 $0xB8600, s0;
	[dreg:$0x12] =	wrdreg s29  }
0x12: {  	s16 =	sadd.s32 s10, s14;
	s28 =	sadd.s32 s7, s3;
	[dreg:$0x13] =	wrdreg s0  }
0x13: {  	s17 =	simm.s32 $0x3280;
	s18 =	sadd.s32 $0xA00, s16;
	[dreg:$0xd] =	wrdreg s28  }
0x14: {  	s1 =	simm.s32 $0x0;
	s19 =	sadd.s32 $0xF00, s16;
	[dreg:$0x7] =	wrdreg s18  }
0x15: {  	s7 =	simm.s32 $0x3400;
	s20 =	sadd.s32 $0x1400, s16;
	[dreg:$0x8] =	wrdreg s19  }
0x16: {  	s10 =	simm.s32 $0x2D80;
	s21 =	sadd.s32 $0x1900, s16;
	[dreg:$0x9] =	wrdreg s20  }
0x17: {  	s13 =	simm.s32 $0x2F00;
	s22 =	sadd.s32 $0x1E00, s16;
	[dreg:$0xa] =	wrdreg s21  }
0x18: {  	s15 =	simm.s32 $0x3180;
	s6 =	sadd.s32 $0x2300, s16;
	[dreg:$0xb] =	wrdreg s22  }
0x19: {  	s14 =	simm.s32 $0x3380;
	s23 =	sadd.s32 $0x8000, s28;
	[dreg:$0xc] =	wrdreg s6  }
0x1a: {  	s25 =	sadd.s32 $0x4000, s28;
	s24 =	sadd.s32 $0xC000, s28;
	[dreg:$0xf] =	wrdreg s23  }
0x1b: {  	s26 =	sadd.s32 $0x10000, s28;
	s8 =	simm.s32 $0x2C80;
	[dreg:$0x10] =	wrdreg s24  }
0x1c: {  	s16 =	simm.s32 $0x3200;
	[dreg:$0x11] =	wrdreg s26;
	s22 =	sadd.s32 $0x4600, s5  }
0x1d: {  	v0 =	vimm.f32 $1.000000000e+00;
	v4 =	vlaneseq.u32;
	s23 =	sadd.s32 $0xE600, s5;
	s24 =	simm.s32 $0x2;
	s5 =	simm.s32 $0x40  }
0x1e: {  	v1 =	vimm.f32 $0.0e+00;
	vm0 =	vmmov $0xffff;
	v3 =	vshrl.u32 v4, $0x3;
	s19 =	simm.s32 $0x2F80;
	s20 =	simm.s32 $0x3000;
	s21 =	simm.s32 $0x3080  }
0x1f: {  	v2 =	vand.u32 $0x7, v4;
	v4 =	vor.u32 $0x8, v4;
	v3 =	vmul.u32 $0x8, v3;
	s6 =	simm.s32 $0x3100;
	s18 =	simm.s32 $0x3300;
	[dreg:$0xe] =	wrdreg s25  }
.LBB2_1:
0x20: {  	s0 =	simm.s32 $0x0  }
.LBB2_2:
0x21: {  	p0 =	sne.s32 s0, $0x7E00  }
.Ltmp0:
0x22: {  	_ = 	snop;
	(pc) =	sbr.rel @p0 .LBB2_2-.Ltmp0, $3  }
0x23: {  	_ =	sdelay $0x1  }
0x24: {  	s26 =	sshra.s32 s0, $0x2  }
0x25: {  	s0 =	sadd.s32 $0x200, s0;
	[tilespmem:s26+$0x3400] =	vst v0  }
0x26: {  	[dreg:$0x15] =	wrdreg s1;
	s0 =	simm.s32 $0x200;
	s26 =	simm.s32 $0x0  }
.LBB2_4:
0x27: {  	p0 =	sne.s32 s0, $0xFE00;
	[tilespmem:s26+$0x5400] =	vst v1;
	s26 =	smov.u32 s0;
	s0 =	sadd.s32 $0x200, s0  }
.Ltmp1:
0x28: {  	(pc) =	sbr.rel @p0 .LBB2_4-.Ltmp1, $2  }
0x29: {  	_ =	sdelay $0x2  }
0x2a: {  	s26 =	sshra.s32 s26, $0x2  }
0x2b: {  	[tilespmem:s26+$0x5400] =	vst v1;
	s28 =	simm.s32 $0x0;
	s0 =	rddreg [dreg:$0x4]  }
0x2c: {  	[tilespmem:s28], [sflag:$0x2] =	stream.linear.gather [hbm4b:s0+s28], $0x400, $0x38;
	[tilespmem:$0xBC00] =	vst v63  }
0x2d: {  	_ =	swait.ge [sflag:s24], $0x400  }
0x2e: {  	[sflag:s24] =	ssyncset.done $0x0  }
0x2f: {  	[sflag:s24] =	ssyncadd.s32 $0xFFFFFC00  }
0x30: {  	v5 =	vld [tilespmem:$0x0];
	_ =	sdelay $0x4  }
0x31: {  	v6 =	vshll.u32 v5, $0x1  }
0x32: {  	v5 =	vand.u32 $0x7, v5;
	v6 =	vand.u32 $0xFFFFFFF0, v6  }
0x33: {  	v5 =	vor.u32 v5, v6  }
0x34: {  	v6 =	vperm.xlane v5, v2;
	_ =	sdelay $0x1  }
0x35: {  	v5 =	vperm.xlane v5, v4;
	v6 =	vadd.s32 v3, v6;
	_ =	sdelay $0x1  }
0x36: {  	v5 =	vadd.s32 v3, v5;
	_ =	sdelay $0x1  }
0x37: {  	s26 =	simm.s32 $0x400  }
0x38: {  	[tilespmem:s26], [sflag:$0x1] =	stream.indirect_vreg.gather [hbm4b:s31+s28], $0x80, v6, vm0, $0xb8;
	[tilespmem:$0xBC00] =	vst v63  }
0x39: {  	s29 =	simm.s32 $0xC00  }
0x3a: {  	[tilespmem:s29], [sflag:$0x1] =	stream.indirect_vreg.gather [hbm4b:s31+s28], $0x80, v5, vm0, $0xb8;
	[tilespmem:$0xBC00] =	vst v63  }
0x3b: {  	v5 =	vld [tilespmem:$0x10];
	_ =	sdelay $0x4  }
0x3c: {  	v6 =	vshll.u32 v5, $0x1  }
0x3d: {  	v5 =	vand.u32 $0x7, v5;
	v6 =	vand.u32 $0xFFFFFFF0, v6  }
0x3e: {  	v5 =	vor.u32 v5, v6  }
0x3f: {  	v6 =	vperm.xlane v5, v2;
	_ =	sdelay $0x1  }
0x40: {  	v5 =	vperm.xlane v5, v4;
	v6 =	vadd.s32 v3, v6;
	_ =	sdelay $0x1  }
0x41: {  	v5 =	vadd.s32 v3, v5;
	_ =	sdelay $0x1  }
0x42: {  	s1 =	simm.s32 $0x1400  }
0x43: {  	[tilespmem:s1], [sflag:$0x1] =	stream.indirect_vreg.gather [hbm4b:s31+s28], $0x80, v6, vm0, $0xb8;
	[tilespmem:$0xBC00] =	vst v63  }
0x44: {  	s25 =	simm.s32 $0x1C00  }
0x45: {  	[tilespmem:s25], [sflag:$0x1] =	stream.indirect_vreg.gather [hbm4b:s31+s28], $0x80, v5, vm0, $0xb8;
	[tilespmem:$0xBC00] =	vst v63  }
0x46: {  	v5 =	vld.msk [tilespmem:$0x20], $0xff;
	_ =	sdelay $0x4  }
0x47: {  	v6 =	vshll.u32 v5, $0x1  }
0x48: {  	v5 =	vand.u32 $0x7, v5;
	v6 =	vand.u32 $0xFFFFFFF0, v6  }
0x49: {  	v5 =	vor.u32 v5, v6  }
0x4a: {  	v5 =	vperm.xlane v5, v2;
	_ =	sdelay $0x1  }
0x4b: {  	v5 =	vadd.s32 v3, v5;
	_ =	sdelay $0x3  }
0x4c: {  	s1 =	simm.s32 $0x2400  }
0x4d: {  	[tilespmem:s1], [sflag:$0x1] =	stream.indirect_vreg.gather [hbm4b:s31+s28], $0x80, v5, vm0, $0xb8;
	[tilespmem:$0xBC00] =	vst v63  }
0x4e: {  	s1 =	simm.s32 $0x1  }
0x4f: {  	_ =	swait.ge [sflag:s1], $0x2800  }
0x50: {  	[sflag:s1] =	ssyncset.done $0x0  }
0x51: {  	s0 =	rddreg [dreg:$0x5];
	[sflag:s1] =	ssyncadd.s32 $0xFFFFD800  }
0x52: {  	[hbm4b:s0+s28] =	stream.linear.scatter [tilespmem:s26], [sflag:$0x2], $0x2800, $0x38;
	[tilespmem:$0xBC00] =	vst v63  }
0x53: {  	_ =	swait.ge [sflag:s24], $0x2800  }
0x54: {  	[sflag:s24] =	ssyncset.done $0x0  }
0x55: {  	[sflag:s24] =	ssyncadd.s32 $0xFFFFD800  }
0x56: {  	v5 =	vld [tilespmem:$0x80];
	_ =	sdelay $0x4  }
0x57: {  	v6 =	vshll.u32 v5, $0x1  }
0x58: {  	v5 =	vand.u32 $0x7, v5;
	v6 =	vand.u32 $0xFFFFFFF0, v6  }
0x59: {  	v5 =	vor.u32 v5, v6  }
0x5a: {  	v6 =	vperm.xlane v5, v2;
	_ =	sdelay $0x1  }
0x5b: {  	v5 =	vperm.xlane v5, v4;
	v6 =	vadd.s32 v3, v6;
	_ =	sdelay $0x1  }
0x5c: {  	v5 =	vadd.s32 v3, v5;
	_ =	sdelay $0x2  }
0x5d: {  	[tilespmem:s26], [sflag:$0x1] =	stream.indirect_vreg.gather [hbm4b:s31+s28], $0x80, v6, vm0, $0xb8;
	[tilespmem:$0xBC00] =	vst v63  }
0x5e: {  	s29 =	simm.s32 $0xC00  }
0x5f: {  	[tilespmem:s29], [sflag:$0x1] =	stream.indirect_vreg.gather [hbm4b:s31+s28], $0x80, v5, vm0, $0xb8;
	[tilespmem:$0xBC00] =	vst v63  }
0x60: {  	v5 =	vld [tilespmem:$0x90];
	_ =	sdelay $0x4  }
0x61: {  	v6 =	vshll.u32 v5, $0x1  }
0x62: {  	v5 =	vand.u32 $0x7, v5;
	v6 =	vand.u32 $0xFFFFFFF0, v6  }
0x63: {  	v5 =	vor.u32 v5, v6  }
0x64: {  	v6 =	vperm.xlane v5, v2;
	_ =	sdelay $0x1  }
0x65: {  	v5 =	vperm.xlane v5, v4;
	v6 =	vadd.s32 v3, v6;
	_ =	sdelay $0x1  }
0x66: {  	v5 =	vadd.s32 v3, v5;
	_ =	sdelay $0x1  }
0x67: {  	s29 =	simm.s32 $0x1400  }
0x68: {  	[tilespmem:s29], [sflag:$0x1] =	stream.indirect_vreg.gather [hbm4b:s31+s28], $0x80, v6, vm0, $0xb8;
	[tilespmem:$0xBC00] =	vst v63  }
0x69: {  	s25 =	simm.s32 $0x1C00  }
0x6a: {  	[tilespmem:s25], [sflag:$0x1] =	stream.indirect_vreg.gather [hbm4b:s31+s28], $0x80, v5, vm0, $0xb8;
	[tilespmem:$0xBC00] =	vst v63  }
0x6b: {  	v5 =	vld.msk [tilespmem:$0xA0], $0xff;
	_ =	sdelay $0x4  }
0x6c: {  	v6 =	vshll.u32 v5, $0x1  }
0x6d: {  	v5 =	vand.u32 $0x7, v5;
	v6 =	vand.u32 $0xFFFFFFF0, v6  }
0x6e: {  	v5 =	vor.u32 v5, v6  }
0x6f: {  	v5 =	vperm.xlane v5, v2;
	_ =	sdelay $0x1  }
0x70: {  	v5 =	vadd.s32 v3, v5;
	_ =	sdelay $0x3  }
0x71: {  	s29 =	simm.s32 $0x2400  }
0x72: {  	[tilespmem:s29], [sflag:$0x1] =	stream.indirect_vreg.gather [hbm4b:s31+s28], $0x80, v5, vm0, $0xb8;
	[tilespmem:$0xBC00] =	vst v63  }
0x73: {  	_ =	swait.ge [sflag:s1], $0x2800  }
0x74: {  	[sflag:s1] =	ssyncset.done $0x0  }
0x75: {  	s0 =	rddreg [dreg:$0x6];
	[sflag:s1] =	ssyncadd.s32 $0xFFFFD800  }
0x76: {  	[hbm4b:s0+s28] =	stream.linear.scatter [tilespmem:s26], [sflag:$0x2], $0x2800, $0x38;
	[tilespmem:$0xBC00] =	vst v63  }
0x77: {  	_ =	swait.ge [sflag:s24], $0x2800  }
0x78: {  	[sflag:s24] =	ssyncset.done $0x0  }
0x79: {  	[sflag:s24] =	ssyncadd.s32 $0xFFFFD800  }
0x7a: {  	v5 =	vld [tilespmem:$0x100];
	_ =	sdelay $0x4  }
0x7b: {  	v6 =	vshll.u32 v5, $0x1  }
0x7c: {  	v5 =	vand.u32 $0x7, v5;
	v6 =	vand.u32 $0xFFFFFFF0, v6  }
0x7d: {  	v5 =	vor.u32 v5, v6  }
0x7e: {  	v6 =	vperm.xlane v5, v2;
	_ =	sdelay $0x1  }
0x7f: {  	v5 =	vperm.xlane v5, v4;
	v6 =	vadd.s32 v3, v6;
	_ =	sdelay $0x1  }
0x80: {  	v5 =	vadd.s32 v3, v5;
	_ =	sdelay $0x2  }
0x81: {  	[tilespmem:s26], [sflag:$0x1] =	stream.indirect_vreg.gather [hbm4b:s31+s28], $0x80, v6, vm0, $0xb8;
	[tilespmem:$0xBC00] =	vst v63  }
0x82: {  	s30 =	simm.s32 $0xC00  }
0x83: {  	[tilespmem:s30], [sflag:$0x1] =	stream.indirect_vreg.gather [hbm4b:s31+s28], $0x80, v5, vm0, $0xb8;
	[tilespmem:$0xBC00] =	vst v63  }
0x84: {  	v5 =	vld [tilespmem:$0x110];
	_ =	sdelay $0x4  }
0x85: {  	v6 =	vshll.u32 v5, $0x1  }
0x86: {  	v5 =	vand.u32 $0x7, v5;
	v6 =	vand.u32 $0xFFFFFFF0, v6  }
0x87: {  	v5 =	vor.u32 v5, v6  }
0x88: {  	v6 =	vperm.xlane v5, v2;
	_ =	sdelay $0x1  }
0x89: {  	v5 =	vperm.xlane v5, v4;
	v6 =	vadd.s32 v3, v6;
	_ =	sdelay $0x1  }
0x8a: {  	v5 =	vadd.s32 v3, v5;
	_ =	sdelay $0x1  }
0x8b: {  	s0 =	simm.s32 $0x1400  }
0x8c: {  	[tilespmem:s0], [sflag:$0x1] =	stream.indirect_vreg.gather [hbm4b:s31+s28], $0x80, v6, vm0, $0xb8;
	[tilespmem:$0xBC00] =	vst v63  }
0x8d: {  	s25 =	simm.s32 $0x1C00  }
0x8e: {  	[tilespmem:s25], [sflag:$0x1] =	stream.indirect_vreg.gather [hbm4b:s31+s28], $0x80, v5, vm0, $0xb8;
	[tilespmem:$0xBC00] =	vst v63  }
0x8f: {  	v5 =	vld.msk [tilespmem:$0x120], $0xff;
	_ =	sdelay $0x4  }
0x90: {  	v6 =	vshll.u32 v5, $0x1  }
0x91: {  	v5 =	vand.u32 $0x7, v5;
	v6 =	vand.u32 $0xFFFFFFF0, v6  }
0x92: {  	v5 =	vor.u32 v5, v6  }
0x93: {  	v5 =	vperm.xlane v5, v2;
	_ =	sdelay $0x1  }
0x94: {  	v5 =	vadd.s32 v3, v5;
	_ =	sdelay $0x3  }
0x95: {  	s29 =	simm.s32 $0x2400  }
0x96: {  	[tilespmem:s29], [sflag:$0x1] =	stream.indirect_vreg.gather [hbm4b:s31+s28], $0x80, v5, vm0, $0xb8;
	[tilespmem:$0xBC00] =	vst v63  }
0x97: {  	_ =	swait.ge [sflag:s1], $0x2800  }
0x98: {  	[sflag:s1] =	ssyncset.done $0x0  }
0x99: {  	s0 =	rddreg [dreg:$0x7];
	[sflag:s1] =	ssyncadd.s32 $0xFFFFD800  }
0x9a: {  	[hbm4b:s0+s28] =	stream.linear.scatter [tilespmem:s26], [sflag:$0x2], $0x2800, $0x38;
	[tilespmem:$0xBC00] =	vst v63  }
0x9b: {  	_ =	swait.ge [sflag:s24], $0x2800  }
0x9c: {  	[sflag:s24] =	ssyncset.done $0x0  }
0x9d: {  	[sflag:s24] =	ssyncadd.s32 $0xFFFFD800  }
0x9e: {  	v5 =	vld [tilespmem:$0x180];
	_ =	sdelay $0x4  }
0x9f: {  	v6 =	vshll.u32 v5, $0x1  }
0xa0: {  	v5 =	vand.u32 $0x7, v5;
	v6 =	vand.u32 $0xFFFFFFF0, v6  }
0xa1: {  	v5 =	vor.u32 v5, v6  }
0xa2: {  	v6 =	vperm.xlane v5, v2;
	_ =	sdelay $0x1  }
0xa3: {  	v5 =	vperm.xlane v5, v4;
	v6 =	vadd.s32 v3, v6;
	_ =	sdelay $0x1  }
0xa4: {  	v5 =	vadd.s32 v3, v5;
	_ =	sdelay $0x2  }
0xa5: {  	[tilespmem:s26], [sflag:$0x1] =	stream.indirect_vreg.gather [hbm4b:s31+s28], $0x80, v6, vm0, $0xb8;
	[tilespmem:$0xBC00] =	vst v63  }
0xa6: {  	s30 =	simm.s32 $0xC00  }
0xa7: {  	[tilespmem:s30], [sflag:$0x1] =	stream.indirect_vreg.gather [hbm4b:s31+s28], $0x80, v5, vm0, $0xb8;
	[tilespmem:$0xBC00] =	vst v63  }
0xa8: {  	v5 =	vld [tilespmem:$0x190];
	_ =	sdelay $0x4  }
0xa9: {  	v6 =	vshll.u32 v5, $0x1  }
0xaa: {  	v5 =	vand.u32 $0x7, v5;
	v6 =	vand.u32 $0xFFFFFFF0, v6  }
0xab: {  	v5 =	vor.u32 v5, v6  }
0xac: {  	v6 =	vperm.xlane v5, v2;
	_ =	sdelay $0x1  }
0xad: {  	v5 =	vperm.xlane v5, v4;
	v6 =	vadd.s32 v3, v6;
	_ =	sdelay $0x1  }
0xae: {  	v5 =	vadd.s32 v3, v5;
	_ =	sdelay $0x1  }
0xaf: {  	s0 =	simm.s32 $0x1400  }
0xb0: {  	[tilespmem:s0], [sflag:$0x1] =	stream.indirect_vreg.gather [hbm4b:s31+s28], $0x80, v6, vm0, $0xb8;
	[tilespmem:$0xBC00] =	vst v63  }
0xb1: {  	s25 =	simm.s32 $0x1C00  }
0xb2: {  	[tilespmem:s25], [sflag:$0x1] =	stream.indirect_vreg.gather [hbm4b:s31+s28], $0x80, v5, vm0, $0xb8;
	[tilespmem:$0xBC00] =	vst v63  }
0xb3: {  	v5 =	vld.msk [tilespmem:$0x1A0], $0xff;
	_ =	sdelay $0x4  }
0xb4: {  	v6 =	vshll.u32 v5, $0x1  }
0xb5: {  	v5 =	vand.u32 $0x7, v5;
	v6 =	vand.u32 $0xFFFFFFF0, v6  }
0xb6: {  	v5 =	vor.u32 v5, v6  }
0xb7: {  	v5 =	vperm.xlane v5, v2;
	_ =	sdelay $0x1  }
0xb8: {  	v5 =	vadd.s32 v3, v5;
	_ =	sdelay $0x3  }
0xb9: {  	s29 =	simm.s32 $0x2400  }
0xba: {  	[tilespmem:s29], [sflag:$0x1] =	stream.indirect_vreg.gather [hbm4b:s31+s28], $0x80, v5, vm0, $0xb8;
	[tilespmem:$0xBC00] =	vst v63  }
0xbb: {  	_ =	swait.ge [sflag:s1], $0x2800  }
0xbc: {  	[sflag:s1] =	ssyncset.done $0x0  }
0xbd: {  	s0 =	rddreg [dreg:$0x8];
	[sflag:s1] =	ssyncadd.s32 $0xFFFFD800  }
0xbe: {  	[hbm4b:s0+s28] =	stream.linear.scatter [tilespmem:s26], [sflag:$0x2], $0x2800, $0x38;
	[tilespmem:$0xBC00] =	vst v63  }
0xbf: {  	_ =	swait.ge [sflag:s24], $0x2800  }
0xc0: {  	[sflag:s24] =	ssyncset.done $0x0  }
0xc1: {  	[sflag:s24] =	ssyncadd.s32 $0xFFFFD800  }
0xc2: {  	v5 =	vld [tilespmem:$0x200];
	_ =	sdelay $0x4  }
0xc3: {  	v6 =	vshll.u32 v5, $0x1  }
0xc4: {  	v5 =	vand.u32 $0x7, v5;
	v6 =	vand.u32 $0xFFFFFFF0, v6  }
0xc5: {  	v5 =	vor.u32 v5, v6  }
0xc6: {  	v6 =	vperm.xlane v5, v2;
	_ =	sdelay $0x1  }
0xc7: {  	v5 =	vperm.xlane v5, v4;
	v6 =	vadd.s32 v3, v6;
	_ =	sdelay $0x1  }
0xc8: {  	v5 =	vadd.s32 v3, v5;
	_ =	sdelay $0x2  }
0xc9: {  	[tilespmem:s26], [sflag:$0x1] =	stream.indirect_vreg.gather [hbm4b:s31+s28], $0x80, v6, vm0, $0xb8;
	[tilespmem:$0xBC00] =	vst v63  }
0xca: {  	s30 =	simm.s32 $0xC00  }
0xcb: {  	[tilespmem:s30], [sflag:$0x1] =	stream.indirect_vreg.gather [hbm4b:s31+s28], $0x80, v5, vm0, $0xb8;
	[tilespmem:$0xBC00] =	vst v63  }
0xcc: {  	v5 =	vld [tilespmem:$0x210];
	_ =	sdelay $0x4  }
0xcd: {  	v6 =	vshll.u32 v5, $0x1  }
0xce: {  	v5 =	vand.u32 $0x7, v5;
	v6 =	vand.u32 $0xFFFFFFF0, v6  }
0xcf: {  	v5 =	vor.u32 v5, v6  }
0xd0: {  	v6 =	vperm.xlane v5, v2;
	_ =	sdelay $0x1  }
0xd1: {  	v5 =	vperm.xlane v5, v4;
	v6 =	vadd.s32 v3, v6;
	_ =	sdelay $0x1  }
0xd2: {  	v5 =	vadd.s32 v3, v5;
	_ =	sdelay $0x1  }
0xd3: {  	s0 =	simm.s32 $0x1400  }
0xd4: {  	[tilespmem:s0], [sflag:$0x1] =	stream.indirect_vreg.gather [hbm4b:s31+s28], $0x80, v6, vm0, $0xb8;
	[tilespmem:$0xBC00] =	vst v63  }
0xd5: {  	s25 =	simm.s32 $0x1C00  }
0xd6: {  	[tilespmem:s25], [sflag:$0x1] =	stream.indirect_vreg.gather [hbm4b:s31+s28], $0x80, v5, vm0, $0xb8;
	[tilespmem:$0xBC00] =	vst v63  }
0xd7: {  	v5 =	vld.msk [tilespmem:$0x220], $0xff;
	_ =	sdelay $0x4  }
0xd8: {  	v6 =	vshll.u32 v5, $0x1  }
0xd9: {  	v5 =	vand.u32 $0x7, v5;
	v6 =	vand.u32 $0xFFFFFFF0, v6  }
0xda: {  	v5 =	vor.u32 v5, v6  }
0xdb: {  	v5 =	vperm.xlane v5, v2;
	_ =	sdelay $0x1  }
0xdc: {  	v5 =	vadd.s32 v3, v5;
	_ =	sdelay $0x3  }
0xdd: {  	s29 =	simm.s32 $0x2400  }
0xde: {  	[tilespmem:s29], [sflag:$0x1] =	stream.indirect_vreg.gather [hbm4b:s31+s28], $0x80, v5, vm0, $0xb8;
	[tilespmem:$0xBC00] =	vst v63  }
0xdf: {  	_ =	swait.ge [sflag:s1], $0x2800  }
0xe0: {  	[sflag:s1] =	ssyncset.done $0x0  }
0xe1: {  	s0 =	rddreg [dreg:$0x9];
	[sflag:s1] =	ssyncadd.s32 $0xFFFFD800  }
0xe2: {  	[hbm4b:s0+s28] =	stream.linear.scatter [tilespmem:s26], [sflag:$0x2], $0x2800, $0x38;
	[tilespmem:$0xBC00] =	vst v63  }
0xe3: {  	_ =	swait.ge [sflag:s24], $0x2800  }
0xe4: {  	[sflag:s24] =	ssyncset.done $0x0  }
0xe5: {  	[sflag:s24] =	ssyncadd.s32 $0xFFFFD800  }
0xe6: {  	v5 =	vld [tilespmem:$0x280];
	_ =	sdelay $0x4  }
0xe7: {  	v6 =	vshll.u32 v5, $0x1  }
0xe8: {  	v5 =	vand.u32 $0x7, v5;
	v6 =	vand.u32 $0xFFFFFFF0, v6  }
0xe9: {  	v5 =	vor.u32 v5, v6  }
0xea: {  	v6 =	vperm.xlane v5, v2;
	_ =	sdelay $0x1  }
0xeb: {  	v5 =	vperm.xlane v5, v4;
	v6 =	vadd.s32 v3, v6;
	_ =	sdelay $0x1  }
0xec: {  	v5 =	vadd.s32 v3, v5;
	_ =	sdelay $0x2  }
0xed: {  	[tilespmem:s26], [sflag:$0x1] =	stream.indirect_vreg.gather [hbm4b:s31+s28], $0x80, v6, vm0, $0xb8;
	[tilespmem:$0xBC00] =	vst v63  }
0xee: {  	s30 =	simm.s32 $0xC00  }
0xef: {  	[tilespmem:s30], [sflag:$0x1] =	stream.indirect_vreg.gather [hbm4b:s31+s28], $0x80, v5, vm0, $0xb8;
	[tilespmem:$0xBC00] =	vst v63  }
0xf0: {  	v5 =	vld [tilespmem:$0x290];
	_ =	sdelay $0x4  }
0xf1: {  	v6 =	vshll.u32 v5, $0x1  }
0xf2: {  	v5 =	vand.u32 $0x7, v5;
	v6 =	vand.u32 $0xFFFFFFF0, v6  }
0xf3: {  	v5 =	vor.u32 v5, v6  }
0xf4: {  	v6 =	vperm.xlane v5, v2;
	_ =	sdelay $0x1  }
0xf5: {  	v5 =	vperm.xlane v5, v4;
	v6 =	vadd.s32 v3, v6;
	_ =	sdelay $0x1  }
0xf6: {  	v5 =	vadd.s32 v3, v5;
	_ =	sdelay $0x1  }
0xf7: {  	s0 =	simm.s32 $0x1400  }
0xf8: {  	[tilespmem:s0], [sflag:$0x1] =	stream.indirect_vreg.gather [hbm4b:s31+s28], $0x80, v6, vm0, $0xb8;
	[tilespmem:$0xBC00] =	vst v63  }
0xf9: {  	s25 =	simm.s32 $0x1C00  }
0xfa: {  	[tilespmem:s25], [sflag:$0x1] =	stream.indirect_vreg.gather [hbm4b:s31+s28], $0x80, v5, vm0, $0xb8;
	[tilespmem:$0xBC00] =	vst v63  }
0xfb: {  	v5 =	vld.msk [tilespmem:$0x2A0], $0xff;
	_ =	sdelay $0x4  }
0xfc: {  	v6 =	vshll.u32 v5, $0x1  }
0xfd: {  	v5 =	vand.u32 $0x7, v5;
	v6 =	vand.u32 $0xFFFFFFF0, v6  }
0xfe: {  	v5 =	vor.u32 v5, v6  }
0xff: {  	v5 =	vperm.xlane v5, v2;
	_ =	sdelay $0x1  }
0x100: {  	v5 =	vadd.s32 v3, v5;
	_ =	sdelay $0x3  }
0x101: {  	s29 =	simm.s32 $0x2400  }
0x102: {  	[tilespmem:s29], [sflag:$0x1] =	stream.indirect_vreg.gather [hbm4b:s31+s28], $0x80, v5, vm0, $0xb8;
	[tilespmem:$0xBC00] =	vst v63  }
0x103: {  	_ =	swait.ge [sflag:s1], $0x2800  }
0x104: {  	[sflag:s1] =	ssyncset.done $0x0  }
0x105: {  	s29 =	rddreg [dreg:$0xa];
	[sflag:s1] =	ssyncadd.s32 $0xFFFFD800  }
0x106: {  	[hbm4b:s29+s28] =	stream.linear.scatter [tilespmem:s26], [sflag:$0x2], $0x2800, $0x38;
	[tilespmem:$0xBC00] =	vst v63  }
0x107: {  	_ =	swait.ge [sflag:s24], $0x2800  }
0x108: {  	[sflag:s24] =	ssyncset.done $0x0  }
0x109: {  	[sflag:s24] =	ssyncadd.s32 $0xFFFFD800  }
0x10a: {  	v5 =	vld [tilespmem:$0x300];
	_ =	sdelay $0x4  }
0x10b: {  	v6 =	vshll.u32 v5, $0x1  }
0x10c: {  	v5 =	vand.u32 $0x7, v5;
	v6 =	vand.u32 $0xFFFFFFF0, v6  }
0x10d: {  	v5 =	vor.u32 v5, v6  }
0x10e: {  	v6 =	vperm.xlane v5, v2;
	_ =	sdelay $0x1  }
0x10f: {  	v5 =	vperm.xlane v5, v4;
	v6 =	vadd.s32 v3, v6;
	_ =	sdelay $0x1  }
0x110: {  	v5 =	vadd.s32 v3, v5;
	_ =	sdelay $0x2  }
0x111: {  	[tilespmem:s26], [sflag:$0x1] =	stream.indirect_vreg.gather [hbm4b:s31+s28], $0x80, v6, vm0, $0xb8;
	[tilespmem:$0xBC00] =	vst v63  }
0x112: {  	s30 =	simm.s32 $0xC00  }
0x113: {  	[tilespmem:s30], [sflag:$0x1] =	stream.indirect_vreg.gather [hbm4b:s31+s28], $0x80, v5, vm0, $0xb8;
	[tilespmem:$0xBC00] =	vst v63  }
0x114: {  	v5 =	vld [tilespmem:$0x310];
	_ =	sdelay $0x4  }
0x115: {  	v6 =	vshll.u32 v5, $0x1  }
0x116: {  	v5 =	vand.u32 $0x7, v5;
	v6 =	vand.u32 $0xFFFFFFF0, v6  }
0x117: {  	v5 =	vor.u32 v5, v6  }
0x118: {  	v6 =	vperm.xlane v5, v2;
	_ =	sdelay $0x1  }
0x119: {  	v5 =	vperm.xlane v5, v4;
	v6 =	vadd.s32 v3, v6;
	_ =	sdelay $0x1  }
0x11a: {  	v5 =	vadd.s32 v3, v5;
	_ =	sdelay $0x1  }
0x11b: {  	s0 =	simm.s32 $0x1400  }
0x11c: {  	[tilespmem:s0], [sflag:$0x1] =	stream.indirect_vreg.gather [hbm4b:s31+s28], $0x80, v6, vm0, $0xb8;
	[tilespmem:$0xBC00] =	vst v63  }
0x11d: {  	s25 =	simm.s32 $0x1C00  }
0x11e: {  	[tilespmem:s25], [sflag:$0x1] =	stream.indirect_vreg.gather [hbm4b:s31+s28], $0x80, v5, vm0, $0xb8;
	[tilespmem:$0xBC00] =	vst v63  }
0x11f: {  	v5 =	vld.msk [tilespmem:$0x320], $0xff;
	_ =	sdelay $0x4  }
0x120: {  	v6 =	vshll.u32 v5, $0x1  }
0x121: {  	v5 =	vand.u32 $0x7, v5;
	v6 =	vand.u32 $0xFFFFFFF0, v6  }
0x122: {  	v5 =	vor.u32 v5, v6  }
0x123: {  	v5 =	vperm.xlane v5, v2;
	_ =	sdelay $0x1  }
0x124: {  	v5 =	vadd.s32 v3, v5;
	_ =	sdelay $0x3  }
0x125: {  	s0 =	simm.s32 $0x2400  }
0x126: {  	[tilespmem:s0], [sflag:$0x1] =	stream.indirect_vreg.gather [hbm4b:s31+s28], $0x80, v5, vm0, $0xb8;
	[tilespmem:$0xBC00] =	vst v63  }
0x127: {  	_ =	swait.ge [sflag:s1], $0x2800  }
0x128: {  	[sflag:s1] =	ssyncset.done $0x0  }
0x129: {  	s0 =	rddreg [dreg:$0xb];
	[sflag:s1] =	ssyncadd.s32 $0xFFFFD800  }
0x12a: {  	[hbm4b:s0+s28] =	stream.linear.scatter [tilespmem:s26], [sflag:$0x2], $0x2800, $0x38;
	[tilespmem:$0xBC00] =	vst v63  }
0x12b: {  	_ =	swait.ge [sflag:s24], $0x2800  }
0x12c: {  	[sflag:s24] =	ssyncset.done $0x0  }
0x12d: {  	[sflag:s24] =	ssyncadd.s32 $0xFFFFD800  }
0x12e: {  	v5 =	vld [tilespmem:$0x380];
	_ =	sdelay $0x4  }
0x12f: {  	v6 =	vshll.u32 v5, $0x1  }
0x130: {  	v5 =	vand.u32 $0x7, v5;
	v6 =	vand.u32 $0xFFFFFFF0, v6  }
0x131: {  	v5 =	vor.u32 v5, v6  }
0x132: {  	v6 =	vperm.xlane v5, v2;
	_ =	sdelay $0x1  }
0x133: {  	v5 =	vperm.xlane v5, v4;
	v6 =	vadd.s32 v3, v6;
	_ =	sdelay $0x1  }
0x134: {  	v5 =	vadd.s32 v3, v5;
	_ =	sdelay $0x2  }
0x135: {  	[tilespmem:s26], [sflag:$0x1] =	stream.indirect_vreg.gather [hbm4b:s31+s28], $0x80, v6, vm0, $0xb8;
	[tilespmem:$0xBC00] =	vst v63  }
0x136: {  	s29 =	simm.s32 $0xC00  }
0x137: {  	[tilespmem:s29], [sflag:$0x1] =	stream.indirect_vreg.gather [hbm4b:s31+s28], $0x80, v5, vm0, $0xb8;
	[tilespmem:$0xBC00] =	vst v63  }
0x138: {  	v5 =	vld [tilespmem:$0x390];
	_ =	sdelay $0x4  }
0x139: {  	v6 =	vshll.u32 v5, $0x1  }
0x13a: {  	v5 =	vand.u32 $0x7, v5;
	v6 =	vand.u32 $0xFFFFFFF0, v6  }
0x13b: {  	v5 =	vor.u32 v5, v6  }
0x13c: {  	v6 =	vperm.xlane v5, v2;
	_ =	sdelay $0x1  }
0x13d: {  	v5 =	vperm.xlane v5, v4;
	v6 =	vadd.s32 v3, v6;
	_ =	sdelay $0x1  }
0x13e: {  	v5 =	vadd.s32 v3, v5;
	_ =	sdelay $0x1  }
0x13f: {  	s29 =	simm.s32 $0x1400  }
0x140: {  	[tilespmem:s29], [sflag:$0x1] =	stream.indirect_vreg.gather [hbm4b:s31+s28], $0x80, v6, vm0, $0xb8;
	[tilespmem:$0xBC00] =	vst v63  }
0x141: {  	s25 =	simm.s32 $0x1C00  }
0x142: {  	[tilespmem:s25], [sflag:$0x1] =	stream.indirect_vreg.gather [hbm4b:s31+s28], $0x80, v5, vm0, $0xb8;
	[tilespmem:$0xBC00] =	vst v63  }
0x143: {  	v5 =	vld.msk [tilespmem:$0x3A0], $0xff;
	_ =	sdelay $0x4  }
0x144: {  	v6 =	vshll.u32 v5, $0x1  }
0x145: {  	v5 =	vand.u32 $0x7, v5;
	v6 =	vand.u32 $0xFFFFFFF0, v6  }
0x146: {  	v5 =	vor.u32 v5, v6  }
0x147: {  	v5 =	vperm.xlane v5, v2;
	_ =	sdelay $0x1  }
0x148: {  	v5 =	vadd.s32 v3, v5;
	_ =	sdelay $0x3  }
0x149: {  	s30 =	simm.s32 $0x2400  }
0x14a: {  	[tilespmem:s30], [sflag:$0x1] =	stream.indirect_vreg.gather [hbm4b:s31+s28], $0x80, v5, vm0, $0xb8;
	[tilespmem:$0xBC00] =	vst v63  }
0x14b: {  	_ =	swait.ge [sflag:s1], $0x2800  }
0x14c: {  	[sflag:s1] =	ssyncset.done $0x0  }
0x14d: {  	s25 =	rddreg [dreg:$0xc];
	[sflag:s1] =	ssyncadd.s32 $0xFFFFD800  }
0x14e: {  	[hbm4b:s25+s28] =	stream.linear.scatter [tilespmem:s26], [sflag:$0x2], $0x2800, $0x38;
	[tilespmem:$0xBC00] =	vst v63  }
0x14f: {  	_ =	swait.ge [sflag:s24], $0x2800  }
0x150: {  	[sflag:s24] =	ssyncset.done $0x0  }
0x151: {  	s1 =	simm.s32 $0x5400;
	s30 =	rddreg [dreg:$0xd];
	[sflag:s24] =	ssyncadd.s32 $0xFFFFD800  }
0x152: {  	[spmem:s30] =	stream.linear.scatter [tilespmem:s1], [sflag:$0x2], $0x4000, $0x38;
	[tilespmem:$0xBC00] =	vst v63  }
0x153: {  	_ =	swait.ge [sflag:s24], $0x4000  }
0x154: {  	[sflag:s24] =	ssyncset.done $0x0  }
0x155: {  	s25 =	rddreg [dreg:$0xe];
	[sflag:s24] =	ssyncadd.s32 $0xFFFFC000  }
0x156: {  	[spmem:s25] =	stream.linear.scatter [tilespmem:s1], [sflag:$0x2], $0x4000, $0x38;
	[tilespmem:$0xBC00] =	vst v63  }
0x157: {  	_ =	swait.ge [sflag:s24], $0x4000  }
0x158: {  	[sflag:s24] =	ssyncset.done $0x0  }
0x159: {  	s26 =	rddreg [dreg:$0xf];
	[sflag:s24] =	ssyncadd.s32 $0xFFFFC000  }
0x15a: {  	[spmem:s26] =	stream.linear.scatter [tilespmem:s1], [sflag:$0x2], $0x4000, $0x38;
	[tilespmem:$0xBC00] =	vst v63  }
0x15b: {  	_ =	swait.ge [sflag:s24], $0x4000  }
0x15c: {  	[sflag:s24] =	ssyncset.done $0x0  }
0x15d: {  	s29 =	rddreg [dreg:$0x10];
	[sflag:s24] =	ssyncadd.s32 $0xFFFFC000  }
0x15e: {  	[spmem:s29] =	stream.linear.scatter [tilespmem:s1], [sflag:$0x2], $0x4000, $0x38;
	[tilespmem:$0xBC00] =	vst v63  }
0x15f: {  	_ =	swait.ge [sflag:s24], $0x4000  }
0x160: {  	[sflag:s24] =	ssyncset.done $0x0  }
0x161: {  	s26 =	rddreg [dreg:$0x11];
	[sflag:s24] =	ssyncadd.s32 $0xFFFFC000  }
0x162: {  	[spmem:s26] =	stream.linear.scatter [tilespmem:s1], [sflag:$0x2], $0x4000, $0x38;
	[tilespmem:$0xBC00] =	vst v63  }
0x163: {  	_ =	swait.ge [sflag:s24], $0x4000  }
0x164: {  	[sflag:s24] =	ssyncset.done $0x0  }
0x165: {  	[sflag:s24] =	ssyncadd.s32 $0xFFFFC000  }
0x166: {  	s29 =	sadd.s32 $0x0, s22;
	[bflag:$0x0] =	sbarrier.arrive $0xFFFF  }
0x167: {  	[tilespmem:s2], [sflag:$0x2] =	stream.linear.gather [hbm4b:s29+s4], $0x800, $0x38;
	[tilespmem:$0xBC00] =	vst v63  }
0x168: {  	_ =	swait.ge [sflag:s24], $0x800  }
0x169: {  	[sflag:s24] =	ssyncset.done $0x0  }
0x16a: {  	[sflag:s24] =	ssyncadd.s32 $0xFFFFF800  }
0x16b: {  	[spmem:s3] =	stream.indirect.scatter.add.f32 [tilespmem:s7], [sflag:$0x2], $0x10, s2, s5, $0xb8;
	[tilespmem:$0xBC00] =	vst v63  }
0x16c: {  	_ =	swait.ge [sflag:s24], $0x400  }
0x16d: {  	[sflag:s24] =	ssyncset.done $0x0  }
0x16e: {  	[sflag:s24] =	ssyncadd.s32 $0xFFFFFC00  }
0x16f: {  	[spmem:s3] =	stream.indirect.scatter.add.f32 [tilespmem:s7], [sflag:$0x2], $0x10, s8, s5, $0xb8;
	[tilespmem:$0xBC00] =	vst v63  }
0x170: {  	_ =	swait.ge [sflag:s24], $0x400  }
0x171: {  	[sflag:s24] =	ssyncset.done $0x0  }
0x172: {  	[sflag:s24] =	ssyncadd.s32 $0xFFFFFC00  }
0x173: {  	[spmem:s3] =	stream.indirect.scatter.add.f32 [tilespmem:s7], [sflag:$0x2], $0x10, s9, s5, $0xb8;
	[tilespmem:$0xBC00] =	vst v63  }
0x174: {  	_ =	swait.ge [sflag:s24], $0x400  }
0x175: {  	[sflag:s24] =	ssyncset.done $0x0  }
0x176: {  	[sflag:s24] =	ssyncadd.s32 $0xFFFFFC00  }
0x177: {  	[spmem:s3] =	stream.indirect.scatter.add.f32 [tilespmem:s7], [sflag:$0x2], $0x10, s10, s5, $0xb8;
	[tilespmem:$0xBC00] =	vst v63  }
0x178: {  	_ =	swait.ge [sflag:s24], $0x400  }
0x179: {  	[sflag:s24] =	ssyncset.done $0x0  }
0x17a: {  	[sflag:s24] =	ssyncadd.s32 $0xFFFFFC00  }
0x17b: {  	[spmem:s3] =	stream.indirect.scatter.add.f32 [tilespmem:s7], [sflag:$0x2], $0x10, s11, s5, $0xb8;
	[tilespmem:$0xBC00] =	vst v63  }
0x17c: {  	_ =	swait.ge [sflag:s24], $0x400  }
0x17d: {  	[sflag:s24] =	ssyncset.done $0x0  }
0x17e: {  	[sflag:s24] =	ssyncadd.s32 $0xFFFFFC00  }
0x17f: {  	[spmem:s3] =	stream.indirect.scatter.add.f32 [tilespmem:s7], [sflag:$0x2], $0x10, s12, s5, $0xb8;
	[tilespmem:$0xBC00] =	vst v63  }
0x180: {  	_ =	swait.ge [sflag:s24], $0x400  }
0x181: {  	[sflag:s24] =	ssyncset.done $0x0  }
0x182: {  	[sflag:s24] =	ssyncadd.s32 $0xFFFFFC00  }
0x183: {  	[spmem:s3] =	stream.indirect.scatter.add.f32 [tilespmem:s7], [sflag:$0x2], $0x10, s13, s5, $0xb8;
	[tilespmem:$0xBC00] =	vst v63  }
0x184: {  	_ =	swait.ge [sflag:s24], $0x400  }
0x185: {  	[sflag:s24] =	ssyncset.done $0x0  }
0x186: {  	[sflag:s24] =	ssyncadd.s32 $0xFFFFFC00  }
0x187: {  	[spmem:s3] =	stream.indirect.scatter.add.f32 [tilespmem:s7], [sflag:$0x2], $0x10, s19, s5, $0xb8;
	[tilespmem:$0xBC00] =	vst v63  }
0x188: {  	_ =	swait.ge [sflag:s24], $0x400  }
0x189: {  	[sflag:s24] =	ssyncset.done $0x0  }
0x18a: {  	[sflag:s24] =	ssyncadd.s32 $0xFFFFFC00  }
0x18b: {  	[spmem:s3] =	stream.indirect.scatter.add.f32 [tilespmem:s7], [sflag:$0x2], $0x10, s20, s5, $0xb8;
	[tilespmem:$0xBC00] =	vst v63  }
0x18c: {  	_ =	swait.ge [sflag:s24], $0x400  }
0x18d: {  	[sflag:s24] =	ssyncset.done $0x0  }
0x18e: {  	[sflag:s24] =	ssyncadd.s32 $0xFFFFFC00  }
0x18f: {  	[spmem:s3] =	stream.indirect.scatter.add.f32 [tilespmem:s7], [sflag:$0x2], $0x10, s21, s5, $0xb8;
	[tilespmem:$0xBC00] =	vst v63  }
0x190: {  	_ =	swait.ge [sflag:s24], $0x400  }
0x191: {  	[sflag:s24] =	ssyncset.done $0x0  }
0x192: {  	[sflag:s24] =	ssyncadd.s32 $0xFFFFFC00  }
0x193: {  	[spmem:s3] =	stream.indirect.scatter.add.f32 [tilespmem:s7], [sflag:$0x2], $0x10, s6, s5, $0xb8;
	[tilespmem:$0xBC00] =	vst v63  }
0x194: {  	_ =	swait.ge [sflag:s24], $0x400  }
0x195: {  	[sflag:s24] =	ssyncset.done $0x0  }
0x196: {  	[sflag:s24] =	ssyncadd.s32 $0xFFFFFC00  }
0x197: {  	[spmem:s3] =	stream.indirect.scatter.add.f32 [tilespmem:s7], [sflag:$0x2], $0x10, s15, s5, $0xb8;
	[tilespmem:$0xBC00] =	vst v63  }
0x198: {  	_ =	swait.ge [sflag:s24], $0x400  }
0x199: {  	[sflag:s24] =	ssyncset.done $0x0  }
0x19a: {  	[sflag:s24] =	ssyncadd.s32 $0xFFFFFC00  }
0x19b: {  	[spmem:s3] =	stream.indirect.scatter.add.f32 [tilespmem:s7], [sflag:$0x2], $0x10, s16, s5, $0xb8;
	[tilespmem:$0xBC00] =	vst v63  }
0x19c: {  	_ =	swait.ge [sflag:s24], $0x400  }
0x19d: {  	[sflag:s24] =	ssyncset.done $0x0  }
0x19e: {  	[sflag:s24] =	ssyncadd.s32 $0xFFFFFC00  }
0x19f: {  	[spmem:s3] =	stream.indirect.scatter.add.f32 [tilespmem:s7], [sflag:$0x2], $0x10, s17, s5, $0xb8;
	[tilespmem:$0xBC00] =	vst v63  }
0x1a0: {  	_ =	swait.ge [sflag:s24], $0x400  }
0x1a1: {  	[sflag:s24] =	ssyncset.done $0x0  }
0x1a2: {  	[sflag:s24] =	ssyncadd.s32 $0xFFFFFC00  }
0x1a3: {  	[spmem:s3] =	stream.indirect.scatter.add.f32 [tilespmem:s7], [sflag:$0x2], $0x10, s18, s5, $0xb8;
	[tilespmem:$0xBC00] =	vst v63  }
0x1a4: {  	_ =	swait.ge [sflag:s24], $0x400  }
0x1a5: {  	[sflag:s24] =	ssyncset.done $0x0  }
0x1a6: {  	[sflag:s24] =	ssyncadd.s32 $0xFFFFFC00  }
0x1a7: {  	[spmem:s3] =	stream.indirect.scatter.add.f32 [tilespmem:s7], [sflag:$0x2], $0x10, s14, s5, $0xb8;
	[tilespmem:$0xBC00] =	vst v63  }
0x1a8: {  	_ =	swait.ge [sflag:s24], $0x400  }
0x1a9: {  	s0 =	simm.s32 $0x200;
	s28 =	simm.s32 $0x100;
	[sflag:s24] =	ssyncset.done $0x0  }
.LBB2_6:
0x1aa: {  	s26 =	sadd.s32 s28, s22  }
0x1ab: {  	[sflag:s24] =	ssyncadd.s32 $0xFFFFFC00;
	s28 =	smov.u32 s0;
	s29 =	sadd.s32 $0x100, s0  }
0x1ac: {  	[tilespmem:s2], [sflag:$0x2] =	stream.linear.gather [hbm4b:s26+s4], $0x800, $0x38;
	[tilespmem:$0xBC00] =	vst v63  }
0x1ad: {  	p0 =	sne.s32 s0, $0x400;
	_ =	swait.ge [sflag:s24], $0x800  }
0x1ae: {  	[sflag:s24] =	ssyncset.done $0x0  }
0x1af: {  	[sflag:s24] =	ssyncadd.s32 $0xFFFFF800  }
0x1b0: {  	[spmem:s3] =	stream.indirect.scatter.add.f32 [tilespmem:s7], [sflag:$0x2], $0x10, s2, s5, $0xb8;
	[tilespmem:$0xBC00] =	vst v63  }
0x1b1: {  	_ =	swait.ge [sflag:s24], $0x400  }
0x1b2: {  	[sflag:s24] =	ssyncset.done $0x0  }
0x1b3: {  	[sflag:s24] =	ssyncadd.s32 $0xFFFFFC00  }
0x1b4: {  	[spmem:s3] =	stream.indirect.scatter.add.f32 [tilespmem:s7], [sflag:$0x2], $0x10, s8, s5, $0xb8;
	[tilespmem:$0xBC00] =	vst v63  }
0x1b5: {  	_ =	swait.ge [sflag:s24], $0x400  }
0x1b6: {  	[sflag:s24] =	ssyncset.done $0x0  }
0x1b7: {  	[sflag:s24] =	ssyncadd.s32 $0xFFFFFC00  }
0x1b8: {  	[spmem:s3] =	stream.indirect.scatter.add.f32 [tilespmem:s7], [sflag:$0x2], $0x10, s9, s5, $0xb8;
	[tilespmem:$0xBC00] =	vst v63  }
0x1b9: {  	_ =	swait.ge [sflag:s24], $0x400  }
0x1ba: {  	[sflag:s24] =	ssyncset.done $0x0  }
0x1bb: {  	[sflag:s24] =	ssyncadd.s32 $0xFFFFFC00  }
0x1bc: {  	[spmem:s3] =	stream.indirect.scatter.add.f32 [tilespmem:s7], [sflag:$0x2], $0x10, s10, s5, $0xb8;
	[tilespmem:$0xBC00] =	vst v63  }
0x1bd: {  	_ =	swait.ge [sflag:s24], $0x400  }
0x1be: {  	[sflag:s24] =	ssyncset.done $0x0  }
0x1bf: {  	[sflag:s24] =	ssyncadd.s32 $0xFFFFFC00  }
0x1c0: {  	[spmem:s3] =	stream.indirect.scatter.add.f32 [tilespmem:s7], [sflag:$0x2], $0x10, s11, s5, $0xb8;
	[tilespmem:$0xBC00] =	vst v63  }
0x1c1: {  	_ =	swait.ge [sflag:s24], $0x400  }
0x1c2: {  	[sflag:s24] =	ssyncset.done $0x0  }
0x1c3: {  	[sflag:s24] =	ssyncadd.s32 $0xFFFFFC00  }
0x1c4: {  	[spmem:s3] =	stream.indirect.scatter.add.f32 [tilespmem:s7], [sflag:$0x2], $0x10, s12, s5, $0xb8;
	[tilespmem:$0xBC00] =	vst v63  }
0x1c5: {  	_ =	swait.ge [sflag:s24], $0x400  }
0x1c6: {  	[sflag:s24] =	ssyncset.done $0x0  }
0x1c7: {  	[sflag:s24] =	ssyncadd.s32 $0xFFFFFC00  }
0x1c8: {  	[spmem:s3] =	stream.indirect.scatter.add.f32 [tilespmem:s7], [sflag:$0x2], $0x10, s13, s5, $0xb8;
	[tilespmem:$0xBC00] =	vst v63  }
0x1c9: {  	_ =	swait.ge [sflag:s24], $0x400  }
0x1ca: {  	[sflag:s24] =	ssyncset.done $0x0  }
0x1cb: {  	[sflag:s24] =	ssyncadd.s32 $0xFFFFFC00  }
0x1cc: {  	[spmem:s3] =	stream.indirect.scatter.add.f32 [tilespmem:s7], [sflag:$0x2], $0x10, s19, s5, $0xb8;
	[tilespmem:$0xBC00] =	vst v63  }
0x1cd: {  	_ =	swait.ge [sflag:s24], $0x400  }
0x1ce: {  	[sflag:s24] =	ssyncset.done $0x0  }
0x1cf: {  	[sflag:s24] =	ssyncadd.s32 $0xFFFFFC00  }
0x1d0: {  	[spmem:s3] =	stream.indirect.scatter.add.f32 [tilespmem:s7], [sflag:$0x2], $0x10, s20, s5, $0xb8;
	[tilespmem:$0xBC00] =	vst v63  }
0x1d1: {  	_ =	swait.ge [sflag:s24], $0x400  }
0x1d2: {  	[sflag:s24] =	ssyncset.done $0x0  }
0x1d3: {  	[sflag:s24] =	ssyncadd.s32 $0xFFFFFC00  }
0x1d4: {  	[spmem:s3] =	stream.indirect.scatter.add.f32 [tilespmem:s7], [sflag:$0x2], $0x10, s21, s5, $0xb8;
	[tilespmem:$0xBC00] =	vst v63  }
0x1d5: {  	_ =	swait.ge [sflag:s24], $0x400  }
0x1d6: {  	[sflag:s24] =	ssyncset.done $0x0  }
0x1d7: {  	[sflag:s24] =	ssyncadd.s32 $0xFFFFFC00  }
0x1d8: {  	[spmem:s3] =	stream.indirect.scatter.add.f32 [tilespmem:s7], [sflag:$0x2], $0x10, s6, s5, $0xb8;
	[tilespmem:$0xBC00] =	vst v63  }
0x1d9: {  	_ =	swait.ge [sflag:s24], $0x400  }
0x1da: {  	[sflag:s24] =	ssyncset.done $0x0  }
0x1db: {  	[sflag:s24] =	ssyncadd.s32 $0xFFFFFC00  }
0x1dc: {  	[spmem:s3] =	stream.indirect.scatter.add.f32 [tilespmem:s7], [sflag:$0x2], $0x10, s15, s5, $0xb8;
	[tilespmem:$0xBC00] =	vst v63  }
0x1dd: {  	_ =	swait.ge [sflag:s24], $0x400  }
0x1de: {  	[sflag:s24] =	ssyncset.done $0x0  }
0x1df: {  	[sflag:s24] =	ssyncadd.s32 $0xFFFFFC00  }
0x1e0: {  	[spmem:s3] =	stream.indirect.scatter.add.f32 [tilespmem:s7], [sflag:$0x2], $0x10, s16, s5, $0xb8;
	[tilespmem:$0xBC00] =	vst v63  }
0x1e1: {  	_ =	swait.ge [sflag:s24], $0x400  }
0x1e2: {  	[sflag:s24] =	ssyncset.done $0x0  }
0x1e3: {  	[sflag:s24] =	ssyncadd.s32 $0xFFFFFC00  }
0x1e4: {  	[spmem:s3] =	stream.indirect.scatter.add.f32 [tilespmem:s7], [sflag:$0x2], $0x10, s17, s5, $0xb8;
	[tilespmem:$0xBC00] =	vst v63  }
0x1e5: {  	_ =	swait.ge [sflag:s24], $0x400  }
0x1e6: {  	[sflag:s24] =	ssyncset.done $0x0  }
0x1e7: {  	[sflag:s24] =	ssyncadd.s32 $0xFFFFFC00  }
0x1e8: {  	[spmem:s3] =	stream.indirect.scatter.add.f32 [tilespmem:s7], [sflag:$0x2], $0x10, s18, s5, $0xb8;
	[tilespmem:$0xBC00] =	vst v63  }
0x1e9: {  	_ =	swait.ge [sflag:s24], $0x400  }
.Ltmp2:
0x1ea: {  	[sflag:s24] =	ssyncset.done $0x0;
	(pc) =	sbr.rel @p0 .LBB2_6-.Ltmp2, $4  }
0x1eb: {  	[sflag:s24] =	ssyncadd.s32 $0xFFFFFC00  }
0x1ec: {  	[spmem:s3] =	stream.indirect.scatter.add.f32 [tilespmem:s7], [sflag:$0x2], $0x10, s14, s5, $0xb8;
	[tilespmem:$0xBC00] =	vst v63  }
0x1ed: {  	_ =	swait.ge [sflag:s24], $0x400  }
0x1ee: {  	s0 =	smov.u32 s29;
	[sflag:s24] =	ssyncset.done $0x0  }
0x1ef: {  	s0 =	sadd.s32 s28, s22;
	[sflag:s24] =	ssyncadd.s32 $0xFFFFFC00  }
0x1f0: {  	[tilespmem:s2], [sflag:$0x2] =	stream.linear.gather [hbm4b:s0+s4], $0x800, $0x38;
	[tilespmem:$0xBC00] =	vst v63  }
0x1f1: {  	_ =	swait.ge [sflag:s24], $0x800  }
0x1f2: {  	[sflag:s24] =	ssyncset.done $0x0  }
0x1f3: {  	[sflag:s24] =	ssyncadd.s32 $0xFFFFF800  }
0x1f4: {  	[spmem:s3] =	stream.indirect.scatter.add.f32 [tilespmem:s7], [sflag:$0x2], $0x10, s2, s5, $0xb8;
	[tilespmem:$0xBC00] =	vst v63  }
0x1f5: {  	_ =	swait.ge [sflag:s24], $0x400  }
0x1f6: {  	[sflag:s24] =	ssyncset.done $0x0  }
0x1f7: {  	[sflag:s24] =	ssyncadd.s32 $0xFFFFFC00  }
0x1f8: {  	[spmem:s3] =	stream.indirect.scatter.add.f32 [tilespmem:s7], [sflag:$0x2], $0x10, s8, s5, $0xb8;
	[tilespmem:$0xBC00] =	vst v63  }
0x1f9: {  	_ =	swait.ge [sflag:s24], $0x400  }
0x1fa: {  	[sflag:s24] =	ssyncset.done $0x0  }
0x1fb: {  	[sflag:s24] =	ssyncadd.s32 $0xFFFFFC00  }
0x1fc: {  	[spmem:s3] =	stream.indirect.scatter.add.f32 [tilespmem:s7], [sflag:$0x2], $0x10, s9, s5, $0xb8;
	[tilespmem:$0xBC00] =	vst v63  }
0x1fd: {  	_ =	swait.ge [sflag:s24], $0x400  }
0x1fe: {  	[sflag:s24] =	ssyncset.done $0x0  }
0x1ff: {  	[sflag:s24] =	ssyncadd.s32 $0xFFFFFC00  }
0x200: {  	[spmem:s3] =	stream.indirect.scatter.add.f32 [tilespmem:s7], [sflag:$0x2], $0x10, s10, s5, $0xb8;
	[tilespmem:$0xBC00] =	vst v63  }
0x201: {  	_ =	swait.ge [sflag:s24], $0x400  }
0x202: {  	[sflag:s24] =	ssyncset.done $0x0  }
0x203: {  	[sflag:s24] =	ssyncadd.s32 $0xFFFFFC00  }
0x204: {  	[spmem:s3] =	stream.indirect.scatter.add.f32 [tilespmem:s7], [sflag:$0x2], $0x10, s11, s5, $0xb8;
	[tilespmem:$0xBC00] =	vst v63  }
0x205: {  	_ =	swait.ge [sflag:s24], $0x400  }
0x206: {  	[sflag:s24] =	ssyncset.done $0x0  }
0x207: {  	[sflag:s24] =	ssyncadd.s32 $0xFFFFFC00  }
0x208: {  	[spmem:s3] =	stream.indirect.scatter.add.f32 [tilespmem:s7], [sflag:$0x2], $0x10, s12, s5, $0xb8;
	[tilespmem:$0xBC00] =	vst v63  }
0x209: {  	_ =	swait.ge [sflag:s24], $0x400  }
0x20a: {  	[sflag:s24] =	ssyncset.done $0x0  }
0x20b: {  	[sflag:s24] =	ssyncadd.s32 $0xFFFFFC00  }
0x20c: {  	[spmem:s3] =	stream.indirect.scatter.add.f32 [tilespmem:s7], [sflag:$0x2], $0x10, s13, s5, $0xb8;
	[tilespmem:$0xBC00] =	vst v63  }
0x20d: {  	_ =	swait.ge [sflag:s24], $0x400  }
0x20e: {  	[sflag:s24] =	ssyncset.done $0x0  }
0x20f: {  	[sflag:s24] =	ssyncadd.s32 $0xFFFFFC00  }
0x210: {  	[spmem:s3] =	stream.indirect.scatter.add.f32 [tilespmem:s7], [sflag:$0x2], $0x10, s19, s5, $0xb8;
	[tilespmem:$0xBC00] =	vst v63  }
0x211: {  	_ =	swait.ge [sflag:s24], $0x400  }
0x212: {  	[sflag:s24] =	ssyncset.done $0x0  }
0x213: {  	[sflag:s24] =	ssyncadd.s32 $0xFFFFFC00  }
0x214: {  	[spmem:s3] =	stream.indirect.scatter.add.f32 [tilespmem:s7], [sflag:$0x2], $0x10, s20, s5, $0xb8;
	[tilespmem:$0xBC00] =	vst v63  }
0x215: {  	_ =	swait.ge [sflag:s24], $0x400  }
0x216: {  	[sflag:s24] =	ssyncset.done $0x0  }
0x217: {  	[sflag:s24] =	ssyncadd.s32 $0xFFFFFC00  }
0x218: {  	[spmem:s3] =	stream.indirect.scatter.add.f32 [tilespmem:s7], [sflag:$0x2], $0x10, s21, s5, $0xb8;
	[tilespmem:$0xBC00] =	vst v63  }
0x219: {  	_ =	swait.ge [sflag:s24], $0x400  }
0x21a: {  	[sflag:s24] =	ssyncset.done $0x0  }
0x21b: {  	[sflag:s24] =	ssyncadd.s32 $0xFFFFFC00  }
0x21c: {  	[spmem:s3] =	stream.indirect.scatter.add.f32 [tilespmem:s7], [sflag:$0x2], $0x10, s6, s5, $0xb8;
	[tilespmem:$0xBC00] =	vst v63  }
0x21d: {  	_ =	swait.ge [sflag:s24], $0x400  }
0x21e: {  	[sflag:s24] =	ssyncset.done $0x0  }
0x21f: {  	[sflag:s24] =	ssyncadd.s32 $0xFFFFFC00  }
0x220: {  	[spmem:s3] =	stream.indirect.scatter.add.f32 [tilespmem:s7], [sflag:$0x2], $0x10, s15, s5, $0xb8;
	[tilespmem:$0xBC00] =	vst v63  }
0x221: {  	_ =	swait.ge [sflag:s24], $0x400  }
0x222: {  	[sflag:s24] =	ssyncset.done $0x0  }
0x223: {  	[sflag:s24] =	ssyncadd.s32 $0xFFFFFC00  }
0x224: {  	[spmem:s3] =	stream.indirect.scatter.add.f32 [tilespmem:s7], [sflag:$0x2], $0x10, s16, s5, $0xb8;
	[tilespmem:$0xBC00] =	vst v63  }
0x225: {  	_ =	swait.ge [sflag:s24], $0x400  }
0x226: {  	[sflag:s24] =	ssyncset.done $0x0  }
0x227: {  	[sflag:s24] =	ssyncadd.s32 $0xFFFFFC00  }
0x228: {  	[spmem:s3] =	stream.indirect.scatter.add.f32 [tilespmem:s7], [sflag:$0x2], $0x10, s17, s5, $0xb8;
	[tilespmem:$0xBC00] =	vst v63  }
0x229: {  	_ =	swait.ge [sflag:s24], $0x400  }
0x22a: {  	[sflag:s24] =	ssyncset.done $0x0  }
0x22b: {  	[sflag:s24] =	ssyncadd.s32 $0xFFFFFC00  }
0x22c: {  	[spmem:s3] =	stream.indirect.scatter.add.f32 [tilespmem:s7], [sflag:$0x2], $0x10, s18, s5, $0xb8;
	[tilespmem:$0xBC00] =	vst v63  }
0x22d: {  	_ =	swait.ge [sflag:s24], $0x400  }
0x22e: {  	[sflag:s24] =	ssyncset.done $0x0  }
0x22f: {  	[sflag:s24] =	ssyncadd.s32 $0xFFFFFC00  }
0x230: {  	[spmem:s3] =	stream.indirect.scatter.add.f32 [tilespmem:s7], [sflag:$0x2], $0x10, s14, s5, $0xb8;
	[tilespmem:$0xBC00] =	vst v63  }
0x231: {  	_ =	swait.ge [sflag:s24], $0x400  }
0x232: {  	[sflag:s24] =	ssyncset.done $0x0  }
0x233: {  	s26 =	stileid.u32;
	[sflag:s24] =	ssyncadd.s32 $0xFFFFFC00  }
0x234: {  	s0 =	sshll.u32 s26, $0x6;
	[bflag:$0x0] =	sbarrier.arrive $0xFFFF  }
0x235: {  	s29 =	sshrl.u32 s30, $0x3;
	s28 =	sor.u32 $0x1C02, s0;
	s26 =	rddreg [dreg:$0x12]  }
0x236: {  	[hbm:s26], [sflag:s28] =	dma.local [spmem:s29], $0x2800  }
0x237: {  	_ =	swait.ge [sflag:s24], $0x2800  }
0x238: {  	[sflag:s24] =	ssyncset.done $0x0  }
0x239: {  	[sflag:s24] =	ssyncadd.s32 $0xFFFFD800  }
0x23a: {  	[bflag:$0x0] =	sbarrier.arrive $0xFFFF  }
0x23b: {  	[spmem:s30] =	stream.linear.scatter [tilespmem:s1], [sflag:$0x2], $0x4000, $0x38;
	[tilespmem:$0xBC00] =	vst v63  }
0x23c: {  	_ =	swait.ge [sflag:s24], $0x4000  }
0x23d: {  	[sflag:s24] =	ssyncset.done $0x0  }
0x23e: {  	[sflag:s24] =	ssyncadd.s32 $0xFFFFC000  }
0x23f: {  	[spmem:s25] =	stream.linear.scatter [tilespmem:s1], [sflag:$0x2], $0x4000, $0x38;
	[tilespmem:$0xBC00] =	vst v63  }
0x240: {  	_ =	swait.ge [sflag:s24], $0x4000  }
0x241: {  	[sflag:s24] =	ssyncset.done $0x0  }
0x242: {  	s25 =	rddreg [dreg:$0xf];
	[sflag:s24] =	ssyncadd.s32 $0xFFFFC000  }
0x243: {  	[spmem:s25] =	stream.linear.scatter [tilespmem:s1], [sflag:$0x2], $0x4000, $0x38;
	[tilespmem:$0xBC00] =	vst v63  }
0x244: {  	_ =	swait.ge [sflag:s24], $0x4000  }
0x245: {  	[sflag:s24] =	ssyncset.done $0x0  }
0x246: {  	s26 =	rddreg [dreg:$0x10];
	[sflag:s24] =	ssyncadd.s32 $0xFFFFC000  }
0x247: {  	[spmem:s26] =	stream.linear.scatter [tilespmem:s1], [sflag:$0x2], $0x4000, $0x38;
	[tilespmem:$0xBC00] =	vst v63  }
0x248: {  	_ =	swait.ge [sflag:s24], $0x4000  }
0x249: {  	[sflag:s24] =	ssyncset.done $0x0  }
0x24a: {  	s25 =	rddreg [dreg:$0x11];
	[sflag:s24] =	ssyncadd.s32 $0xFFFFC000  }
0x24b: {  	[spmem:s25] =	stream.linear.scatter [tilespmem:s1], [sflag:$0x2], $0x4000, $0x38;
	[tilespmem:$0xBC00] =	vst v63  }
0x24c: {  	_ =	swait.ge [sflag:s24], $0x4000  }
0x24d: {  	[sflag:s24] =	ssyncset.done $0x0  }
0x24e: {  	[sflag:s24] =	ssyncadd.s32 $0xFFFFC000  }
0x24f: {  	s26 =	sadd.s32 $0x0, s23;
	[bflag:$0x0] =	sbarrier.arrive $0xFFFF  }
0x250: {  	[tilespmem:s2], [sflag:$0x2] =	stream.linear.gather [hbm4b:s26+s4], $0x800, $0x38;
	[tilespmem:$0xBC00] =	vst v63  }
0x251: {  	_ =	swait.ge [sflag:s24], $0x800  }
0x252: {  	[sflag:s24] =	ssyncset.done $0x0  }
0x253: {  	[sflag:s24] =	ssyncadd.s32 $0xFFFFF800  }
0x254: {  	[spmem:s3] =	stream.indirect.scatter.add.f32 [tilespmem:s7], [sflag:$0x2], $0x10, s2, s5, $0xb8;
	[tilespmem:$0xBC00] =	vst v63  }
0x255: {  	_ =	swait.ge [sflag:s24], $0x400  }
0x256: {  	[sflag:s24] =	ssyncset.done $0x0  }
0x257: {  	[sflag:s24] =	ssyncadd.s32 $0xFFFFFC00  }
0x258: {  	[spmem:s3] =	stream.indirect.scatter.add.f32 [tilespmem:s7], [sflag:$0x2], $0x10, s8, s5, $0xb8;
	[tilespmem:$0xBC00] =	vst v63  }
0x259: {  	_ =	swait.ge [sflag:s24], $0x400  }
0x25a: {  	[sflag:s24] =	ssyncset.done $0x0  }
0x25b: {  	[sflag:s24] =	ssyncadd.s32 $0xFFFFFC00  }
0x25c: {  	[spmem:s3] =	stream.indirect.scatter.add.f32 [tilespmem:s7], [sflag:$0x2], $0x10, s9, s5, $0xb8;
	[tilespmem:$0xBC00] =	vst v63  }
0x25d: {  	_ =	swait.ge [sflag:s24], $0x400  }
0x25e: {  	[sflag:s24] =	ssyncset.done $0x0  }
0x25f: {  	[sflag:s24] =	ssyncadd.s32 $0xFFFFFC00  }
0x260: {  	[spmem:s3] =	stream.indirect.scatter.add.f32 [tilespmem:s7], [sflag:$0x2], $0x10, s10, s5, $0xb8;
	[tilespmem:$0xBC00] =	vst v63  }
0x261: {  	_ =	swait.ge [sflag:s24], $0x400  }
0x262: {  	[sflag:s24] =	ssyncset.done $0x0  }
0x263: {  	[sflag:s24] =	ssyncadd.s32 $0xFFFFFC00  }
0x264: {  	[spmem:s3] =	stream.indirect.scatter.add.f32 [tilespmem:s7], [sflag:$0x2], $0x10, s11, s5, $0xb8;
	[tilespmem:$0xBC00] =	vst v63  }
0x265: {  	_ =	swait.ge [sflag:s24], $0x400  }
0x266: {  	[sflag:s24] =	ssyncset.done $0x0  }
0x267: {  	[sflag:s24] =	ssyncadd.s32 $0xFFFFFC00  }
0x268: {  	[spmem:s3] =	stream.indirect.scatter.add.f32 [tilespmem:s7], [sflag:$0x2], $0x10, s12, s5, $0xb8;
	[tilespmem:$0xBC00] =	vst v63  }
0x269: {  	_ =	swait.ge [sflag:s24], $0x400  }
0x26a: {  	[sflag:s24] =	ssyncset.done $0x0  }
0x26b: {  	[sflag:s24] =	ssyncadd.s32 $0xFFFFFC00  }
0x26c: {  	[spmem:s3] =	stream.indirect.scatter.add.f32 [tilespmem:s7], [sflag:$0x2], $0x10, s13, s5, $0xb8;
	[tilespmem:$0xBC00] =	vst v63  }
0x26d: {  	_ =	swait.ge [sflag:s24], $0x400  }
0x26e: {  	[sflag:s24] =	ssyncset.done $0x0  }
0x26f: {  	[sflag:s24] =	ssyncadd.s32 $0xFFFFFC00  }
0x270: {  	[spmem:s3] =	stream.indirect.scatter.add.f32 [tilespmem:s7], [sflag:$0x2], $0x10, s19, s5, $0xb8;
	[tilespmem:$0xBC00] =	vst v63  }
0x271: {  	_ =	swait.ge [sflag:s24], $0x400  }
0x272: {  	[sflag:s24] =	ssyncset.done $0x0  }
0x273: {  	[sflag:s24] =	ssyncadd.s32 $0xFFFFFC00  }
0x274: {  	[spmem:s3] =	stream.indirect.scatter.add.f32 [tilespmem:s7], [sflag:$0x2], $0x10, s20, s5, $0xb8;
	[tilespmem:$0xBC00] =	vst v63  }
0x275: {  	_ =	swait.ge [sflag:s24], $0x400  }
0x276: {  	[sflag:s24] =	ssyncset.done $0x0  }
0x277: {  	[sflag:s24] =	ssyncadd.s32 $0xFFFFFC00  }
0x278: {  	[spmem:s3] =	stream.indirect.scatter.add.f32 [tilespmem:s7], [sflag:$0x2], $0x10, s21, s5, $0xb8;
	[tilespmem:$0xBC00] =	vst v63  }
0x279: {  	_ =	swait.ge [sflag:s24], $0x400  }
0x27a: {  	[sflag:s24] =	ssyncset.done $0x0  }
0x27b: {  	[sflag:s24] =	ssyncadd.s32 $0xFFFFFC00  }
0x27c: {  	[spmem:s3] =	stream.indirect.scatter.add.f32 [tilespmem:s7], [sflag:$0x2], $0x10, s6, s5, $0xb8;
	[tilespmem:$0xBC00] =	vst v63  }
0x27d: {  	_ =	swait.ge [sflag:s24], $0x400  }
0x27e: {  	[sflag:s24] =	ssyncset.done $0x0  }
0x27f: {  	[sflag:s24] =	ssyncadd.s32 $0xFFFFFC00  }
0x280: {  	[spmem:s3] =	stream.indirect.scatter.add.f32 [tilespmem:s7], [sflag:$0x2], $0x10, s15, s5, $0xb8;
	[tilespmem:$0xBC00] =	vst v63  }
0x281: {  	_ =	swait.ge [sflag:s24], $0x400  }
0x282: {  	[sflag:s24] =	ssyncset.done $0x0  }
0x283: {  	[sflag:s24] =	ssyncadd.s32 $0xFFFFFC00  }
0x284: {  	[spmem:s3] =	stream.indirect.scatter.add.f32 [tilespmem:s7], [sflag:$0x2], $0x10, s16, s5, $0xb8;
	[tilespmem:$0xBC00] =	vst v63  }
0x285: {  	_ =	swait.ge [sflag:s24], $0x400  }
0x286: {  	[sflag:s24] =	ssyncset.done $0x0  }
0x287: {  	[sflag:s24] =	ssyncadd.s32 $0xFFFFFC00  }
0x288: {  	[spmem:s3] =	stream.indirect.scatter.add.f32 [tilespmem:s7], [sflag:$0x2], $0x10, s17, s5, $0xb8;
	[tilespmem:$0xBC00] =	vst v63  }
0x289: {  	_ =	swait.ge [sflag:s24], $0x400  }
0x28a: {  	[sflag:s24] =	ssyncset.done $0x0  }
0x28b: {  	[sflag:s24] =	ssyncadd.s32 $0xFFFFFC00  }
0x28c: {  	[spmem:s3] =	stream.indirect.scatter.add.f32 [tilespmem:s7], [sflag:$0x2], $0x10, s18, s5, $0xb8;
	[tilespmem:$0xBC00] =	vst v63  }
0x28d: {  	_ =	swait.ge [sflag:s24], $0x400  }
0x28e: {  	[sflag:s24] =	ssyncset.done $0x0  }
0x28f: {  	[sflag:s24] =	ssyncadd.s32 $0xFFFFFC00  }
0x290: {  	[spmem:s3] =	stream.indirect.scatter.add.f32 [tilespmem:s7], [sflag:$0x2], $0x10, s14, s5, $0xb8;
	[tilespmem:$0xBC00] =	vst v63  }
0x291: {  	_ =	swait.ge [sflag:s24], $0x400  }
0x292: {  	s0 =	simm.s32 $0x200;
	s30 =	simm.s32 $0x100;
	[sflag:s24] =	ssyncset.done $0x0  }
.LBB2_8:
0x293: {  	s25 =	sadd.s32 s30, s23  }
0x294: {  	[sflag:s24] =	ssyncadd.s32 $0xFFFFFC00;
	s30 =	smov.u32 s0;
	s26 =	sadd.s32 $0x100, s0  }
0x295: {  	[tilespmem:s2], [sflag:$0x2] =	stream.linear.gather [hbm4b:s25+s4], $0x800, $0x38;
	[tilespmem:$0xBC00] =	vst v63  }
0x296: {  	p0 =	sne.s32 s0, $0x400;
	_ =	swait.ge [sflag:s24], $0x800  }
0x297: {  	[sflag:s24] =	ssyncset.done $0x0  }
0x298: {  	[sflag:s24] =	ssyncadd.s32 $0xFFFFF800  }
0x299: {  	[spmem:s3] =	stream.indirect.scatter.add.f32 [tilespmem:s7], [sflag:$0x2], $0x10, s2, s5, $0xb8;
	[tilespmem:$0xBC00] =	vst v63  }
0x29a: {  	_ =	swait.ge [sflag:s24], $0x400  }
0x29b: {  	[sflag:s24] =	ssyncset.done $0x0  }
0x29c: {  	[sflag:s24] =	ssyncadd.s32 $0xFFFFFC00  }
0x29d: {  	[spmem:s3] =	stream.indirect.scatter.add.f32 [tilespmem:s7], [sflag:$0x2], $0x10, s8, s5, $0xb8;
	[tilespmem:$0xBC00] =	vst v63  }
0x29e: {  	_ =	swait.ge [sflag:s24], $0x400  }
0x29f: {  	[sflag:s24] =	ssyncset.done $0x0  }
0x2a0: {  	[sflag:s24] =	ssyncadd.s32 $0xFFFFFC00  }
0x2a1: {  	[spmem:s3] =	stream.indirect.scatter.add.f32 [tilespmem:s7], [sflag:$0x2], $0x10, s9, s5, $0xb8;
	[tilespmem:$0xBC00] =	vst v63  }
0x2a2: {  	_ =	swait.ge [sflag:s24], $0x400  }
0x2a3: {  	[sflag:s24] =	ssyncset.done $0x0  }
0x2a4: {  	[sflag:s24] =	ssyncadd.s32 $0xFFFFFC00  }
0x2a5: {  	[spmem:s3] =	stream.indirect.scatter.add.f32 [tilespmem:s7], [sflag:$0x2], $0x10, s10, s5, $0xb8;
	[tilespmem:$0xBC00] =	vst v63  }
0x2a6: {  	_ =	swait.ge [sflag:s24], $0x400  }
0x2a7: {  	[sflag:s24] =	ssyncset.done $0x0  }
0x2a8: {  	[sflag:s24] =	ssyncadd.s32 $0xFFFFFC00  }
0x2a9: {  	[spmem:s3] =	stream.indirect.scatter.add.f32 [tilespmem:s7], [sflag:$0x2], $0x10, s11, s5, $0xb8;
	[tilespmem:$0xBC00] =	vst v63  }
0x2aa: {  	_ =	swait.ge [sflag:s24], $0x400  }
0x2ab: {  	[sflag:s24] =	ssyncset.done $0x0  }
0x2ac: {  	[sflag:s24] =	ssyncadd.s32 $0xFFFFFC00  }
0x2ad: {  	[spmem:s3] =	stream.indirect.scatter.add.f32 [tilespmem:s7], [sflag:$0x2], $0x10, s12, s5, $0xb8;
	[tilespmem:$0xBC00] =	vst v63  }
0x2ae: {  	_ =	swait.ge [sflag:s24], $0x400  }
0x2af: {  	[sflag:s24] =	ssyncset.done $0x0  }
0x2b0: {  	[sflag:s24] =	ssyncadd.s32 $0xFFFFFC00  }
0x2b1: {  	[spmem:s3] =	stream.indirect.scatter.add.f32 [tilespmem:s7], [sflag:$0x2], $0x10, s13, s5, $0xb8;
	[tilespmem:$0xBC00] =	vst v63  }
0x2b2: {  	_ =	swait.ge [sflag:s24], $0x400  }
0x2b3: {  	[sflag:s24] =	ssyncset.done $0x0  }
0x2b4: {  	[sflag:s24] =	ssyncadd.s32 $0xFFFFFC00  }
0x2b5: {  	[spmem:s3] =	stream.indirect.scatter.add.f32 [tilespmem:s7], [sflag:$0x2], $0x10, s19, s5, $0xb8;
	[tilespmem:$0xBC00] =	vst v63  }
0x2b6: {  	_ =	swait.ge [sflag:s24], $0x400  }
0x2b7: {  	[sflag:s24] =	ssyncset.done $0x0  }
0x2b8: {  	[sflag:s24] =	ssyncadd.s32 $0xFFFFFC00  }
0x2b9: {  	[spmem:s3] =	stream.indirect.scatter.add.f32 [tilespmem:s7], [sflag:$0x2], $0x10, s20, s5, $0xb8;
	[tilespmem:$0xBC00] =	vst v63  }
0x2ba: {  	_ =	swait.ge [sflag:s24], $0x400  }
0x2bb: {  	[sflag:s24] =	ssyncset.done $0x0  }
0x2bc: {  	[sflag:s24] =	ssyncadd.s32 $0xFFFFFC00  }
0x2bd: {  	[spmem:s3] =	stream.indirect.scatter.add.f32 [tilespmem:s7], [sflag:$0x2], $0x10, s21, s5, $0xb8;
	[tilespmem:$0xBC00] =	vst v63  }
0x2be: {  	_ =	swait.ge [sflag:s24], $0x400  }
0x2bf: {  	[sflag:s24] =	ssyncset.done $0x0  }
0x2c0: {  	[sflag:s24] =	ssyncadd.s32 $0xFFFFFC00  }
0x2c1: {  	[spmem:s3] =	stream.indirect.scatter.add.f32 [tilespmem:s7], [sflag:$0x2], $0x10, s6, s5, $0xb8;
	[tilespmem:$0xBC00] =	vst v63  }
0x2c2: {  	_ =	swait.ge [sflag:s24], $0x400  }
0x2c3: {  	[sflag:s24] =	ssyncset.done $0x0  }
0x2c4: {  	[sflag:s24] =	ssyncadd.s32 $0xFFFFFC00  }
0x2c5: {  	[spmem:s3] =	stream.indirect.scatter.add.f32 [tilespmem:s7], [sflag:$0x2], $0x10, s15, s5, $0xb8;
	[tilespmem:$0xBC00] =	vst v63  }
0x2c6: {  	_ =	swait.ge [sflag:s24], $0x400  }
0x2c7: {  	[sflag:s24] =	ssyncset.done $0x0  }
0x2c8: {  	[sflag:s24] =	ssyncadd.s32 $0xFFFFFC00  }
0x2c9: {  	[spmem:s3] =	stream.indirect.scatter.add.f32 [tilespmem:s7], [sflag:$0x2], $0x10, s16, s5, $0xb8;
	[tilespmem:$0xBC00] =	vst v63  }
0x2ca: {  	_ =	swait.ge [sflag:s24], $0x400  }
0x2cb: {  	[sflag:s24] =	ssyncset.done $0x0  }
0x2cc: {  	[sflag:s24] =	ssyncadd.s32 $0xFFFFFC00  }
0x2cd: {  	[spmem:s3] =	stream.indirect.scatter.add.f32 [tilespmem:s7], [sflag:$0x2], $0x10, s17, s5, $0xb8;
	[tilespmem:$0xBC00] =	vst v63  }
0x2ce: {  	_ =	swait.ge [sflag:s24], $0x400  }
0x2cf: {  	[sflag:s24] =	ssyncset.done $0x0  }
0x2d0: {  	[sflag:s24] =	ssyncadd.s32 $0xFFFFFC00  }
0x2d1: {  	[spmem:s3] =	stream.indirect.scatter.add.f32 [tilespmem:s7], [sflag:$0x2], $0x10, s18, s5, $0xb8;
	[tilespmem:$0xBC00] =	vst v63  }
0x2d2: {  	_ =	swait.ge [sflag:s24], $0x400  }
.Ltmp3:
0x2d3: {  	[sflag:s24] =	ssyncset.done $0x0;
	(pc) =	sbr.rel @p0 .LBB2_8-.Ltmp3, $4  }
0x2d4: {  	[sflag:s24] =	ssyncadd.s32 $0xFFFFFC00  }
0x2d5: {  	[spmem:s3] =	stream.indirect.scatter.add.f32 [tilespmem:s7], [sflag:$0x2], $0x10, s14, s5, $0xb8;
	[tilespmem:$0xBC00] =	vst v63  }
0x2d6: {  	_ =	swait.ge [sflag:s24], $0x400  }
0x2d7: {  	s0 =	smov.u32 s26;
	[sflag:s24] =	ssyncset.done $0x0  }
0x2d8: {  	s0 =	sadd.s32 s30, s23;
	[sflag:s24] =	ssyncadd.s32 $0xFFFFFC00  }
0x2d9: {  	[tilespmem:s2], [sflag:$0x2] =	stream.linear.gather [hbm4b:s0+s4], $0x800, $0x38;
	[tilespmem:$0xBC00] =	vst v63  }
0x2da: {  	_ =	swait.ge [sflag:s24], $0x800  }
0x2db: {  	[sflag:s24] =	ssyncset.done $0x0  }
0x2dc: {  	[sflag:s24] =	ssyncadd.s32 $0xFFFFF800  }
0x2dd: {  	[spmem:s3] =	stream.indirect.scatter.add.f32 [tilespmem:s7], [sflag:$0x2], $0x10, s2, s5, $0xb8;
	[tilespmem:$0xBC00] =	vst v63  }
0x2de: {  	_ =	swait.ge [sflag:s24], $0x400  }
0x2df: {  	[sflag:s24] =	ssyncset.done $0x0  }
0x2e0: {  	[sflag:s24] =	ssyncadd.s32 $0xFFFFFC00  }
0x2e1: {  	[spmem:s3] =	stream.indirect.scatter.add.f32 [tilespmem:s7], [sflag:$0x2], $0x10, s8, s5, $0xb8;
	[tilespmem:$0xBC00] =	vst v63  }
0x2e2: {  	_ =	swait.ge [sflag:s24], $0x400  }
0x2e3: {  	[sflag:s24] =	ssyncset.done $0x0  }
0x2e4: {  	[sflag:s24] =	ssyncadd.s32 $0xFFFFFC00  }
0x2e5: {  	[spmem:s3] =	stream.indirect.scatter.add.f32 [tilespmem:s7], [sflag:$0x2], $0x10, s9, s5, $0xb8;
	[tilespmem:$0xBC00] =	vst v63  }
0x2e6: {  	_ =	swait.ge [sflag:s24], $0x400  }
0x2e7: {  	[sflag:s24] =	ssyncset.done $0x0  }
0x2e8: {  	[sflag:s24] =	ssyncadd.s32 $0xFFFFFC00  }
0x2e9: {  	[spmem:s3] =	stream.indirect.scatter.add.f32 [tilespmem:s7], [sflag:$0x2], $0x10, s10, s5, $0xb8;
	[tilespmem:$0xBC00] =	vst v63  }
0x2ea: {  	_ =	swait.ge [sflag:s24], $0x400  }
0x2eb: {  	[sflag:s24] =	ssyncset.done $0x0  }
0x2ec: {  	[sflag:s24] =	ssyncadd.s32 $0xFFFFFC00  }
0x2ed: {  	[spmem:s3] =	stream.indirect.scatter.add.f32 [tilespmem:s7], [sflag:$0x2], $0x10, s11, s5, $0xb8;
	[tilespmem:$0xBC00] =	vst v63  }
0x2ee: {  	_ =	swait.ge [sflag:s24], $0x400  }
0x2ef: {  	[sflag:s24] =	ssyncset.done $0x0  }
0x2f0: {  	[sflag:s24] =	ssyncadd.s32 $0xFFFFFC00  }
0x2f1: {  	[spmem:s3] =	stream.indirect.scatter.add.f32 [tilespmem:s7], [sflag:$0x2], $0x10, s12, s5, $0xb8;
	[tilespmem:$0xBC00] =	vst v63  }
0x2f2: {  	_ =	swait.ge [sflag:s24], $0x400  }
0x2f3: {  	[sflag:s24] =	ssyncset.done $0x0  }
0x2f4: {  	[sflag:s24] =	ssyncadd.s32 $0xFFFFFC00  }
0x2f5: {  	[spmem:s3] =	stream.indirect.scatter.add.f32 [tilespmem:s7], [sflag:$0x2], $0x10, s13, s5, $0xb8;
	[tilespmem:$0xBC00] =	vst v63  }
0x2f6: {  	_ =	swait.ge [sflag:s24], $0x400  }
0x2f7: {  	[sflag:s24] =	ssyncset.done $0x0  }
0x2f8: {  	[sflag:s24] =	ssyncadd.s32 $0xFFFFFC00  }
0x2f9: {  	[spmem:s3] =	stream.indirect.scatter.add.f32 [tilespmem:s7], [sflag:$0x2], $0x10, s19, s5, $0xb8;
	[tilespmem:$0xBC00] =	vst v63  }
0x2fa: {  	_ =	swait.ge [sflag:s24], $0x400  }
0x2fb: {  	[sflag:s24] =	ssyncset.done $0x0  }
0x2fc: {  	[sflag:s24] =	ssyncadd.s32 $0xFFFFFC00  }
0x2fd: {  	[spmem:s3] =	stream.indirect.scatter.add.f32 [tilespmem:s7], [sflag:$0x2], $0x10, s20, s5, $0xb8;
	[tilespmem:$0xBC00] =	vst v63  }
0x2fe: {  	_ =	swait.ge [sflag:s24], $0x400  }
0x2ff: {  	[sflag:s24] =	ssyncset.done $0x0  }
0x300: {  	[sflag:s24] =	ssyncadd.s32 $0xFFFFFC00  }
0x301: {  	[spmem:s3] =	stream.indirect.scatter.add.f32 [tilespmem:s7], [sflag:$0x2], $0x10, s21, s5, $0xb8;
	[tilespmem:$0xBC00] =	vst v63  }
0x302: {  	_ =	swait.ge [sflag:s24], $0x400  }
0x303: {  	[sflag:s24] =	ssyncset.done $0x0  }
0x304: {  	[sflag:s24] =	ssyncadd.s32 $0xFFFFFC00  }
0x305: {  	[spmem:s3] =	stream.indirect.scatter.add.f32 [tilespmem:s7], [sflag:$0x2], $0x10, s6, s5, $0xb8;
	[tilespmem:$0xBC00] =	vst v63  }
0x306: {  	_ =	swait.ge [sflag:s24], $0x400  }
0x307: {  	[sflag:s24] =	ssyncset.done $0x0  }
0x308: {  	[sflag:s24] =	ssyncadd.s32 $0xFFFFFC00  }
0x309: {  	[spmem:s3] =	stream.indirect.scatter.add.f32 [tilespmem:s7], [sflag:$0x2], $0x10, s15, s5, $0xb8;
	[tilespmem:$0xBC00] =	vst v63  }
0x30a: {  	_ =	swait.ge [sflag:s24], $0x400  }
0x30b: {  	[sflag:s24] =	ssyncset.done $0x0  }
0x30c: {  	[sflag:s24] =	ssyncadd.s32 $0xFFFFFC00  }
0x30d: {  	[spmem:s3] =	stream.indirect.scatter.add.f32 [tilespmem:s7], [sflag:$0x2], $0x10, s16, s5, $0xb8;
	[tilespmem:$0xBC00] =	vst v63  }
0x30e: {  	_ =	swait.ge [sflag:s24], $0x400  }
0x30f: {  	[sflag:s24] =	ssyncset.done $0x0  }
0x310: {  	[sflag:s24] =	ssyncadd.s32 $0xFFFFFC00  }
0x311: {  	[spmem:s3] =	stream.indirect.scatter.add.f32 [tilespmem:s7], [sflag:$0x2], $0x10, s17, s5, $0xb8;
	[tilespmem:$0xBC00] =	vst v63  }
0x312: {  	_ =	swait.ge [sflag:s24], $0x400  }
0x313: {  	[sflag:s24] =	ssyncset.done $0x0  }
0x314: {  	[sflag:s24] =	ssyncadd.s32 $0xFFFFFC00  }
0x315: {  	[spmem:s3] =	stream.indirect.scatter.add.f32 [tilespmem:s7], [sflag:$0x2], $0x10, s18, s5, $0xb8;
	[tilespmem:$0xBC00] =	vst v63  }
0x316: {  	_ =	swait.ge [sflag:s24], $0x400  }
0x317: {  	[sflag:s24] =	ssyncset.done $0x0  }
0x318: {  	[sflag:s24] =	ssyncadd.s32 $0xFFFFFC00  }
0x319: {  	[spmem:s3] =	stream.indirect.scatter.add.f32 [tilespmem:s7], [sflag:$0x2], $0x10, s14, s5, $0xb8;
	[tilespmem:$0xBC00] =	vst v63  }
0x31a: {  	_ =	swait.ge [sflag:s24], $0x400  }
0x31b: {  	[sflag:s24] =	ssyncset.done $0x0  }
0x31c: {  	[sflag:s24] =	ssyncadd.s32 $0xFFFFFC00  }
0x31d: {  	[bflag:$0x0] =	sbarrier.arrive $0xFFFF  }
0x31e: {  	s26 =	rddreg [dreg:$0x13]  }
0x31f: {  	[hbm:s26], [sflag:s28] =	dma.local [spmem:s29], $0x2800  }
0x320: {  	_ =	swait.ge [sflag:s24], $0x2800  }
0x321: {  	s1 =	rddreg [dreg:$0x15]  }
0x322: {  	s30 =	rddreg [dreg:$0x14];
	s1 =	sadd.s32 $0x1, s1  }
0x323: {  	p0 =	sne.s32 s1, s30  }
.Ltmp4:
0x324: {  	_ = 	snop;
	(pc) =	sbr.rel @p0 .LBB2_1-.Ltmp4, $3  }
0x325: {  	[sflag:s24] =	ssyncset.done $0x0  }
0x326: {  	[sflag:s24] =	ssyncadd.s32 $0xFFFFD800  }
0x327: {  	[bflag:$0x0] =	sbarrier.arrive $0xFFFF;
	_ =	sdelay $0x1  }
0x328: {  	_ =	sfence.sel $0x180000  }
0x329: {  	[bflag:$0x0] =	sbarrier.arrive $0xFFFF  }
0x32a: {  	_ =	strace $0x90000047  }
0x32b: {  	s0 =	stileid.u32;
	[bflag:$0x2] =	sbarrier.arrive $0xFFFF  }
0x32c: {  	p0 =	sne.s32 s0, $0x0;
	s0 =	rddreg [dreg:$0x3]  }
0x32d: {  	s0 =	sadd.s32 @!p0 $0x100000, s0  }
0x32e: {  	[sflag:s0] =	ssyncadd.tile.s32 @!p0 $0x1;
	_ =	shalt  }
.Lfunc_end2:
_tile_overlayer_lowered:
.L_overlay_start_2:
0x32f: {  	(tag) =	ssettag $0x2  }
0x330: {  	s0 =	rddreg [dreg:$0x0];
	s2 =	stileid.u32  }
0x331: {  	s1 =	rddreg [dreg:$0x1];
	p0 =	sne.s32 s2, $0x0  }
0x332: {  	s3 =	rddreg [dreg:$0x2];
	[bflag:$0x3] =	sbarrier.arrive $0xFFFF;
	s2 =	simm.s32 @!p0 $0x1C02  }
0x333: {  	[timem:s3], [sflag:s2] =	dma.local @!p0 [hbm:s0], s1  }
0x334: {  	s0 =	simm.s32 @!p0 $0x2  }
0x335: {  	_ =	swait.ge @!p0 [sflag:s0], s1  }
0x336: {  	s1 =	ssub.s32 @!p0 $0x0, s1;
	[sflag:s0] =	ssyncset.done @!p0 $0x0  }
0x337: {  	[sflag:s0] =	ssyncadd.s32 @!p0 s1  }
0x338: {  	[bflag:$0x3] =	sbarrier.arrive $0xFFFF  }
0x339: {  	_ =	shalt  }

// kernel: kernel.13.cloned.1.call-start
scs
__scs_entry_jumppad:
0x0: {  	(pc) =	sbr.rel $0x88, $3  }
0x1: {  	(tag) =	ssettag $0x0;
	lr =	simm.s32 $0x1  }
0x2: {  	[smem:$0x3F96] =	sst lr;
	_ =	strace $0xD0000000  }
0x3: {  	_ = 	snop  }
0x4: {  	_ = 	snop  }
0x5: {  	_ = 	snop  }
0x6: {  	_ = 	snop  }
0x7: {  	_ = 	snop  }
__scs_overlays_trampoline_lowered:
0x8: {  	[smem:$0x3FA5] =	sst s0  }
0x9: {  	[smem:$0x3FA6] =	sst s1  }
0xa: {  	[smem:$0x3FA7] =	sst s2  }
0xb: {  	[smem:$0x3FA8] =	sst s3  }
0xc: {  	[smem:$0x3FA9] =	sst s4  }
0xd: {  	[smem:$0x3FAA] =	sst s5  }
0xe: {  	[smem:$0x3FAB] =	sst s6  }
0xf: {  	[smem:$0x3FAC] =	sst s7  }
0x10: {  	[smem:$0x3FAD] =	sst s8  }
0x11: {  	[smem:$0x3FAE] =	sst s9;
	s0 =	simm.s32 @!p0 $0x0  }
0x12: {  	s1 =	sld [smem:$0x3F94];
	s0 =	simm.s32 @p0 $0x1  }
0x13: {  	[smem:$0x3FAF] =	sst s0;
	s0 =	simm.s32 @!p1 $0x0  }
0x14: {  	s2 =	sld [smem:$0x3F93];
	s0 =	simm.s32 @p1 $0x1  }
0x15: {  	[smem:$0x3FB0] =	sst s0;
	s0 =	simm.s32 @!p2 $0x0  }
0x16: {  	s3 =	sld [smem:$0x3FDB];
	s0 =	simm.s32 @p2 $0x1  }
0x17: {  	s4 =	simm.s32 $0x1BF5;
	[smem:$0x3FB2] =	sst s0  }
0x18: {  	s0 =	sld [smem:$0x3F95];
	_ =	swait.ge [sflag:s4], $0x0  }
0x19: {  	s7 =	sld [smem:$0x3F96]  }
0x1a: {  	s8 =	sadd.s32 $0xFFFFE003, lr  }
0x1b: {  	s9 =	sadd.s32 $0xFFFFFEF7, lr;
	s5 =	simm.s32 $0xFFFFFFFF;
	p2 =	slt.u32 s8, $0xFFFFF086  }
0x1c: {  	p1 =	slt.u32 s9, $0xF7A;
	s5 =	simm.s32 @!p2 $0x0  }
0x1d: {  	s5 =	simm.s32 @p1 $0x1;
	p0 =	seq.s32 s7, s2  }
0x1e: {  	s7 =	smul.u32 @!p0 $0xF7A, s2;
	p2 =	seq.s32 @!p0 s5, $0x0  }
0x1f: {  	s9 =	smul.u32 $0xF7A, s1;
	s8 =	simm.s32 @!p0 $0x1BF5;
	p2 =	por !p2, p0  }
0x20: {  	[sflag:s8] =	ssyncset.s32 @!p0 $0xFFFFF086;
	s6 =	sadd.s32 @!p0 s3, s7;
	s7 =	simm.s32 @!p0 $0x108  }
0x21: {  	s3 =	sadd.s32 s3, s9;
	s6 =	sadd.s32 @!p0 $0x88, s6;
	s7 =	simm.s32 @p2 $0x1082  }
0x22: {  	[simem:s7], [sflag:s8] =	dma.local @!p0 [hbm:s6], $0xF7A  }
0x23: {  	s9 =	sor.u32 $0xD0000000, s2;
	s6 =	simm.s32 $0x108;
	_ =	swait.ge @!p0 [sflag:s8], $0x0  }
0x24: {  	s3 =	sadd.s32 $0x88, s3;
	s6 =	simm.s32 @!p1 $0x1082;
	[sflag:s4] =	ssyncset.s32 $0xFFFFF086  }
0x25: {  	[simem:s6], [sflag:s4] =	dma.local [hbm:s3], $0xF7A  }
0x26: {  	[smem:$0x3F96] =	sst s1;
	(tag) =	ssettag s2;
	_ =	strace s9  }
0x27: {  	s1 =	sld [smem:$0x3FA6]  }
0x28: {  	s2 =	sld [smem:$0x3FA7]  }
0x29: {  	s4 =	sld [smem:$0x3FA9]  }
0x2a: {  	p0 =	seq.s32 s5, $0x0;
	s5 =	sld [smem:$0x3FAA]  }
0x2b: {  	s6 =	sld [smem:$0x3FAB]  }
0x2c: {  	s7 =	sld [smem:$0x3FAC]  }
0x2d: {  	s3 =	simm.s32 $0x108;
	s8 =	sld [smem:$0x3FAD]  }
0x2e: {  	s3 =	simm.s32 @!p0 $0x1082;
	s9 =	sld [smem:$0x3FAE]  }
0x2f: {  	lr =	sadd.s32 s0, s3;
	s0 =	sld [smem:$0x3FA5]  }
0x30: {  	s3 =	sld [smem:$0x3FA8]  }
0x31: {  	[smem:$0x3FB1] =	sst s10  }
0x32: {  	s10 =	sld [smem:$0x3FAF];
	_ =	sdelay $0x3  }
0x33: {  	p0 =	seq.s32 s10, $0x1;
	s10 =	sld [smem:$0x3FB1];
	_ =	sdelay $0x3  }
0x34: {  	[smem:$0x3FB1] =	sst s10  }
0x35: {  	s10 =	sld [smem:$0x3FB0];
	_ =	sdelay $0x3  }
0x36: {  	p1 =	seq.s32 s10, $0x1;
	s10 =	sld [smem:$0x3FB1];
	_ =	sdelay $0x3  }
0x37: {  	[smem:$0x3FB1] =	sst s10  }
0x38: {  	s10 =	sld [smem:$0x3FB2]  }
0x39: {  	_ = 	snop;
	(pc) =	sbr.ind lr, $3  }
0x3a: {  	_ = 	snop  }
0x3b: {  	_ = 	snop  }
0x3c: {  	p2 =	seq.s32 s10, $0x1;
	s10 =	sld [smem:$0x3FB1]  }
0x3d: {  	_ =	shalt  }
0x3e: {  	_ =	shalt  }
0x3f: {  	_ =	shalt  }
0x40: {  	_ =	shalt  }
0x41: {  	_ =	shalt  }
0x42: {  	_ =	shalt  }
0x43: {  	_ =	shalt  }
0x44: {  	_ =	shalt  }
0x45: {  	_ =	shalt  }
0x46: {  	_ =	shalt  }
0x47: {  	_ =	shalt  }
0x48: {  	_ =	shalt  }
0x49: {  	_ =	shalt  }
0x4a: {  	_ =	shalt  }
0x4b: {  	_ =	shalt  }
0x4c: {  	_ =	shalt  }
0x4d: {  	_ =	shalt  }
0x4e: {  	_ =	shalt  }
0x4f: {  	_ =	shalt  }
0x50: {  	_ =	shalt  }
0x51: {  	_ =	shalt  }
0x52: {  	_ =	shalt  }
0x53: {  	_ =	shalt  }
0x54: {  	_ =	shalt  }
0x55: {  	_ =	shalt  }
0x56: {  	_ =	shalt  }
0x57: {  	_ =	shalt  }
0x58: {  	_ =	shalt  }
0x59: {  	_ =	shalt  }
0x5a: {  	_ =	shalt  }
0x5b: {  	_ =	shalt  }
0x5c: {  	_ =	shalt  }
0x5d: {  	_ =	shalt  }
0x5e: {  	_ =	shalt  }
0x5f: {  	_ =	shalt  }
0x60: {  	_ =	shalt  }
0x61: {  	_ =	shalt  }
0x62: {  	_ =	shalt  }
0x63: {  	_ =	shalt  }
0x64: {  	_ =	shalt  }
0x65: {  	_ =	shalt  }
0x66: {  	_ =	shalt  }
0x67: {  	_ =	shalt  }
0x68: {  	_ =	shalt  }
0x69: {  	_ =	shalt  }
0x6a: {  	_ =	shalt  }
0x6b: {  	_ =	shalt  }
0x6c: {  	_ =	shalt  }
0x6d: {  	_ =	shalt  }
0x6e: {  	_ =	shalt  }
0x6f: {  	_ =	shalt  }
0x70: {  	_ =	shalt  }
0x71: {  	_ =	shalt  }
0x72: {  	_ =	shalt  }
0x73: {  	_ =	shalt  }
0x74: {  	_ =	shalt  }
0x75: {  	_ =	shalt  }
0x76: {  	_ =	shalt  }
0x77: {  	_ =	shalt  }
0x78: {  	_ =	shalt  }
0x79: {  	_ =	shalt  }
0x7a: {  	_ =	shalt  }
0x7b: {  	_ =	shalt  }
0x7c: {  	_ =	shalt  }
0x7d: {  	_ =	shalt  }
0x7e: {  	_ =	shalt  }
0x7f: {  	_ =	shalt  }
0x80: {  	_ =	shalt  }
0x81: {  	_ =	shalt  }
0x82: {  	_ =	shalt  }
0x83: {  	_ =	shalt  }
0x84: {  	_ =	shalt  }
0x85: {  	_ =	shalt  }
0x86: {  	_ =	shalt  }
0x87: {  	_ =	shalt  }
.Lfunc_end0:
.L_simem_size_0:
called_computation.1_lowered:
.L_overlay_start_0:
0x88: {  	s2 =	sld [smem:$0x3FD9]  }
0x89: {  	s3 =	sld [smem:$0x3FFE];
	_ =	sdelay $0x1  }
0x8a: {  	s1 =	srdreg.scid  }
0x8b: {  	s0 =	sand.u32 $0x1, s1  }
0x8c: {  	s14 =	sshll.u32 s0, $0xA;
	s2 =	sadd.s32 s3, s2  }
0x8d: {  	s2 =	sadd.s32 s2, s14  }
0x8e: {  	[smem:$0x3FBD] =	sst s2  }
0x8f: {  	_ = 	snop  }
0x90: {  	s2 =	sld [smem:$0x3FD0];
	_ =	sdelay $0x2  }
0x91: {  	s15 =	simm.s32 $0xA;
	s4 =	simm.s32 $0x10  }
0x92: {  	[smem:s4], [sflag:s15] =	dma.local [hbm:s2], $0x1  }
0x93: {  	_ =	swait.eq [sflag:s15], $0x1  }
0x94: {  	[sflag:s15] =	ssyncset.done $0x0  }
0x95: {  	[sflag:s15] =	ssyncadd.s32 $0xFFFFFFFF  }
0x96: {  	s16 =	sld [smem:$0x10];
	(tm) =	ssettm $0x1  }
0x97: {  	s17 =	sld [smem:$0x3FFB];
	_ =	sdelay $0x3  }
0x98: {  	_ =	strace s17  }
0x99: {  	s3 =	sld [smem:$0x3FFC];
	_ =	sdelay $0x3  }
0x9a: {  	_ =	strace s3  }
0x9b: {  	s3 =	sld [smem:$0x3FFD];
	_ =	sdelay $0x3  }
0x9c: {  	_ =	strace s3  }
0x9d: {  	_ =	strace $0x8FFFFFFF  }
0x9e: {  	s18 =	sld [smem:$0x3FDB];
	_ =	sdelay $0x1  }
0x9f: {  	s19 =	simm.s32 $_scs_section_size  }
0xa0: {  	s5 =	simm.s32 $_size__tile_overlayer_lowered;
	s6 =	simm.s32 $_tile_overlayer_lowered  }
0xa1: {  	s22 =	simm.s32 $0x1BFF;
	s21 =	sshll.u32 s6, $0x1;
	s3 =	sadd.s32 s19, s18  }
0xa2: {  	s7 =	simm.s32 $0x0;
	s20 =	sshll.u32 s5, $0x1;
	s5 =	sadd.s32 s21, s3  }
0xa3: {  	[timem:s7], [sflag:s22] =	dma.local [hbm:s5], s20  }
0xa4: {  	_ =	swait.ge [sflag:s22], s20  }
0xa5: {  	s4 =	ssub.s32 $0x0, s20;
	[sflag:s22] =	ssyncset.done $0x0  }
0xa6: {  	[sflag:s22] =	ssyncadd.s32 s4;
	_ =	sdelay $0x1  }
0xa7: {  	s23 =	simm.s32 $0x1B8B  }
0xa8: {  	_ =	swait.ge [sflag:s23], $0x1  }
0xa9: {  	[sflag:s23] =	ssyncset.done $0x0  }
0xaa: {  	s25 =	simm.s32 $0x1B8E;
	s24 =	sld [smem:$0x3FFE];
	[sflag:s23] =	ssyncadd.s32 $0xFFFFFFFF  }
0xab: {  	s26 =	simm.s32 $execute0_lowered;
	[smem:$0x3FD2] =	sst s25  }
0xac: {  	s5 =	sshll.u32 s26, $0x1;
	_ =	strace $0x80000049;
	[dreg:$0x1] =	wrdreg $0xFFFFFFFF  }
0xad: {  	s28 =	simm.s32 $_size_execute0_lowered;
	s3 =	sadd.s32 s3, s5;
	[dreg:$0x0] =	wrdreg $0x0  }
0xae: {  	s5 =	sshll.u32 s28, $0x1;
	[dreg:$0x2] =	wrdreg s3  }
0xaf: {  	[dreg:$0x3] =	wrdreg s5  }
0xb0: {  	[dreg:$0x4] =	wrdreg $0xC0  }
0xb1: {  	_ =	task [dreg:s7], $0x5FFFF  }
0xb2: {  	[dreg:$0x1] =	wrdreg $0xFFFFFFFF  }
0xb3: {  	[dreg:$0x0] =	wrdreg $0x60  }
0xb4: {  	[dreg:$0x2] =	wrdreg s24  }
0xb5: {  	[dreg:$0x3] =	wrdreg s16  }
0xb6: {  	[dreg:$0x4] =	wrdreg $0x50000  }
0xb7: {  	[dreg:$0x5] =	wrdreg $0x9  }
0xb8: {  	_ =	task.clear_ibuf [dreg:s7], $0x6FFFF;
	_ =	strace $0x90000049  }
0xb9: {  	s29 =	simm.s32 $0x9;
	_ =	strace $0x8000004B  }
0xba: {  	_ =	swait.ge [sflag:s29], $0x1  }
0xbb: {  	[sflag:s29] =	ssyncadd.s32 $0xFFFFFFFF  }
0xbc: {  	_ =	strace $0x9000004B  }
0xbd: {  	_ =	sfence  }
0xbe: {  	s30 =	sld [smem:$0x0];
	_ =	sdelay $0x2  }
0xbf: {  	s31 =	sshll.u32 s1, $0xD;
	s1 =	sshrl.u32 s1, $0x2  }
0xc0: {  	s3 =	sand.u32 $0x4000, s31;
	s1 =	sadd.s32 s1, s30  }
0xc1: {  	s0 =	sor.u32 s3, s0;
	s1 =	sshll.u32 s1, $0x11  }
0xc2: {  	s0 =	sor.u32 s1, s0  }
0xc3: {  	s0 =	sadd.s32 $0x8F2B, s0  }
0xc4: {  	[sflag:s0] =	ssyncadd.remote.s32 $0x1  }
0xc5: {  	_ =	sfence.sel $0xFFFF  }
0xc6: {  	[dreg:$0x0] =	wrdreg $0xFFFFFFFF;
	(pc) =	sbr.abs _section_cstart, $3  }
0xc7: {  	[dreg:$0x1] =	wrdreg $0xFFFFFFFF  }
0xc8: {  	_ =	task.clear_ibuf [dreg:s7], $0x2FFFF;
	_ =	strace $0x9FFFFFFF  }
0xc9: {  	(tm) =	ssettm $0x7FFFFFFF  }
tec
execute0_lowered:
.L_overlay_start_1:
0x0: {  	(tag) =	ssettag $0x1  }
0x1: {  	s0 =	rddreg [dreg:$0x0]  }
0x2: {  	s1 =	rddreg [dreg:$0x1]  }
0x3: {  	s2 =	rddreg [dreg:$0x2]  }
0x4: {  	s13 =	stileid.u32;
	s4 =	srdreg.scid  }
0x5: {  	s3 =	simm.s32 $0x0;
	s14 =	simm.s32 $0x800;
	s15 =	simm.s32 $0x40  }
0x6: {  	s16 =	simm.s32 $0x1000;
	s28 =	simm.s32 $0x400;
	s29 =	simm.s32 $0x480  }
0x7: {  	s30 =	simm.s32 $0xC00;
	s6 =	smul.u32 $0xA00, s13;
	s7 =	sand.u32 $0x1, s4  }
0x8: {  	[smem:$0x7FF] =	sst s3;
	s9 =	smul.u32 $0x280, s13;
	s4 =	sadd.s32 $0x18600, s0  }
0x9: {  	s5 =	sadd.s32 $0x11C600, s0;
	s11 =	smul.u32 $0x50000, s13;
	s18 =	sshll.u32 s13, $0x6  }
0xa: {  	s13 =	simm.s32 $0x3;
	s8 =	smul.u32 $0x2800, s7;
	_ =	strace $0x8000004A  }
0xb: {  	s17 =	ssub.s32 $0x2, s7;
	s7 =	smul.u32 $0xA000, s7;
	s31 =	sor.u32 $0x1C03, s18  }
0xc: {  	s18 =	simm.s32 $0x3000;
	s10 =	sadd.s32 s6, s0;
	s12 =	sshrl.u32 s17, $0x1  }
0xd: {  	s11 =	sshrl.u32 s11, $0x2;
	[dreg:$0x9] =	wrdreg s31;
	s8 =	sadd.s32 s9, s8  }
0xe: {  	s9 =	ssub.s32 s17, s12;
	s11 =	sadd.s32 s11, s2;
	s1 =	sadd.s32 s7, s1  }
0xf: {  	s20 =	sadd.s32 $0x4600, s10;
	s21 =	sadd.s32 s7, s10;
	s25 =	sadd.s32 $0xE600, s10  }
0x10: {  	s10 =	simm.s32 $0xD00;
	s7 =	simm.s32 $0x600;
	s12 =	simm.s32 $0x680  }
0x11: {  	s17 =	simm.s32 $0xE00;
	s8 =	sshll.u32 s8, $0x4;
	s1 =	sadd.s32 s6, s1  }
0x12: {  	[dreg:$0x5] =	wrdreg s20;
	s23 =	sadd.s32 $0x108600, s21;
	s26 =	smax.u32 s9, $0x1  }
0x13: {  	[dreg:$0x7] =	wrdreg s25;
	s20 =	simm.s32 $0x2;
	s6 =	simm.s32 $0x0  }
0x14: {  	s9 =	simm.s32 $0x580;
	s21 =	simm.s32 $0xE80;
	[dreg:$0x4] =	wrdreg s1  }
0x15: {  	s25 =	simm.s32 $0xF80;
	s0 =	sadd.s32 s8, s0;
	[dreg:$0x6] =	wrdreg s23  }
0x16: {  	s19 =	sadd.s32 s4, s8;
	s24 =	sadd.s32 s5, s8;
	[dreg:$0xd] =	wrdreg s26  }
0x17: {  	s1 =	sshrl.u32 s11, $0x3;
	s26 =	simm.s32 $0xB80;
	[dreg:$0x8] =	wrdreg s19  }
0x18: {  	s8 =	simm.s32 $0x500;
	s11 =	simm.s32 $0xD80;
	[dreg:$0xb] =	wrdreg s24  }
0x19: {  	s23 =	simm.s32 $0x780;
	s22 =	sadd.s32 $0x16C600, s0;
	[dreg:$0xe] =	wrdreg s1  }
0x1a: {  	s0 =	sadd.s32 $0x1BC600, s0;
	s19 =	simm.s32 $0x1;
	[dreg:$0xa] =	wrdreg s22  }
0x1b: {  	s24 =	simm.s32 $0xF00;
	[dreg:$0xc] =	wrdreg s0;
	s22 =	simm.s32 $0x700  }
.LBB2_1:
0x1c: {  	[dreg:$0xf] =	wrdreg s6  }
0x1d: {  	s0 =	rddreg [dreg:$0x8]  }
0x1e: {  	[spmem:s1], [sflag:s31] =	dma.local [hbm:s0], $0x2800  }
0x1f: {  	_ =	swait.ge [sflag:s13], $0x2800  }
0x20: {  	[sflag:s13] =	ssyncset.done $0x0  }
0x21: {  	[sflag:s13] =	ssyncadd.s32 $0xFFFFD800  }
0x22: {  	[bflag:$0x0] =	sbarrier.arrive $0xFFFF  }
0x23: {  	s31 =	rddreg [dreg:$0x4]  }
0x24: {  	s31 =	sadd.s32 $0x0, s31  }
0x25: {  	[tilespmem:s3], [sflag:$0x3] =	stream.linear.gather [hbm4b:s31+s3], $0x800, $0x38;
	[tilespmem:$0x19000] =	vst v63  }
0x26: {  	_ =	swait.ge [sflag:s13], $0x800  }
0x27: {  	s31 =	rddreg [dreg:$0x5];
	[sflag:s13] =	ssyncset.done $0x0  }
0x28: {  	[sflag:s13] =	ssyncadd.s32 $0xFFFFF800;
	s31 =	sadd.s32 $0x0, s31  }
0x29: {  	[tilespmem:s14], [sflag:$0x3] =	stream.linear.gather [hbm4b:s31+s3], $0x800, $0x38;
	[tilespmem:$0x19000] =	vst v63  }
0x2a: {  	_ =	swait.ge [sflag:s13], $0x800  }
0x2b: {  	[sflag:s13] =	ssyncset.done $0x0  }
0x2c: {  	[sflag:s13] =	ssyncadd.s32 $0xFFFFF800  }
0x2d: {  	[tilespmem:s16], [sflag:$0x1] =	stream.indirect.gather [hbm4b:s4+s15], $0x80, s3, s15, $0xb8;
	[tilespmem:$0x19000] =	vst v63  }
0x2e: {  	s6 =	simm.s32 $0x80  }
0x2f: {  	[tilespmem:s18], [sflag:$0x2] =	stream.indirect.gather [hbm4b:s4+s15], $0x80, s6, s15, $0xb8;
	[tilespmem:$0x19000] =	vst v63  }
0x30: {  	_ =	swait.ge [sflag:s19], $0x2000  }
0x31: {  	[sflag:s19] =	ssyncset.done $0x0  }
0x32: {  	[sflag:s19] =	ssyncadd.s32 $0xFFFFE000  }
0x33: {  	[spmem:s2] =	stream.indirect.scatter.add.f32 [tilespmem:s16], [sflag:$0x3], $0x80, s14, s15, $0xb8;
	[tilespmem:$0x19000] =	vst v63  }
0x34: {  	_ =	swait.ge [sflag:s13], $0x2000  }
0x35: {  	[sflag:s13] =	ssyncset.done $0x0  }
0x36: {  	[sflag:s13] =	ssyncadd.s32 $0xFFFFE000  }
0x37: {  	_ =	swait.ge [sflag:s20], $0x2000  }
0x38: {  	[sflag:s20] =	ssyncset.done $0x0  }
0x39: {  	s1 =	simm.s32 $0x880;
	[sflag:s20] =	ssyncadd.s32 $0xFFFFE000  }
0x3a: {  	[spmem:s2] =	stream.indirect.scatter.add.f32 [tilespmem:s18], [sflag:$0x3], $0x80, s1, s15, $0xb8;
	[tilespmem:$0x19000] =	vst v63  }
0x3b: {  	_ =	swait.ge [sflag:s13], $0x2000  }
0x3c: {  	[sflag:s13] =	ssyncset.done $0x0  }
0x3d: {  	s6 =	simm.s32 $0x100;
	[sflag:s13] =	ssyncadd.s32 $0xFFFFE000  }
0x3e: {  	[tilespmem:s16], [sflag:$0x1] =	stream.indirect.gather [hbm4b:s4+s15], $0x80, s6, s15, $0xb8;
	[tilespmem:$0x19000] =	vst v63  }
0x3f: {  	s1 =	simm.s32 $0x180  }
0x40: {  	[tilespmem:s18], [sflag:$0x2] =	stream.indirect.gather [hbm4b:s4+s15], $0x80, s1, s15, $0xb8;
	[tilespmem:$0x19000] =	vst v63  }
0x41: {  	_ =	swait.ge [sflag:s19], $0x2000  }
0x42: {  	[sflag:s19] =	ssyncset.done $0x0  }
0x43: {  	s6 =	simm.s32 $0x900;
	[sflag:s19] =	ssyncadd.s32 $0xFFFFE000  }
0x44: {  	[spmem:s2] =	stream.indirect.scatter.add.f32 [tilespmem:s16], [sflag:$0x3], $0x80, s6, s15, $0xb8;
	[tilespmem:$0x19000] =	vst v63  }
0x45: {  	_ =	swait.ge [sflag:s13], $0x2000  }
0x46: {  	[sflag:s13] =	ssyncset.done $0x0  }
0x47: {  	[sflag:s13] =	ssyncadd.s32 $0xFFFFE000  }
0x48: {  	_ =	swait.ge [sflag:s20], $0x2000  }
0x49: {  	[sflag:s20] =	ssyncset.done $0x0  }
0x4a: {  	s1 =	simm.s32 $0x980;
	[sflag:s20] =	ssyncadd.s32 $0xFFFFE000  }
0x4b: {  	[spmem:s2] =	stream.indirect.scatter.add.f32 [tilespmem:s18], [sflag:$0x3], $0x80, s1, s15, $0xb8;
	[tilespmem:$0x19000] =	vst v63  }
0x4c: {  	_ =	swait.ge [sflag:s13], $0x2000  }
0x4d: {  	[sflag:s13] =	ssyncset.done $0x0  }
0x4e: {  	s6 =	simm.s32 $0x200;
	[sflag:s13] =	ssyncadd.s32 $0xFFFFE000  }
0x4f: {  	[tilespmem:s16], [sflag:$0x1] =	stream.indirect.gather [hbm4b:s4+s15], $0x80, s6, s15, $0xb8;
	[tilespmem:$0x19000] =	vst v63  }
0x50: {  	s1 =	simm.s32 $0x280  }
0x51: {  	[tilespmem:s18], [sflag:$0x2] =	stream.indirect.gather [hbm4b:s4+s15], $0x80, s1, s15, $0xb8;
	[tilespmem:$0x19000] =	vst v63  }
0x52: {  	_ =	swait.ge [sflag:s19], $0x2000  }
0x53: {  	[sflag:s19] =	ssyncset.done $0x0  }
0x54: {  	s6 =	simm.s32 $0xA00;
	[sflag:s19] =	ssyncadd.s32 $0xFFFFE000  }
0x55: {  	[spmem:s2] =	stream.indirect.scatter.add.f32 [tilespmem:s16], [sflag:$0x3], $0x80, s6, s15, $0xb8;
	[tilespmem:$0x19000] =	vst v63  }
0x56: {  	_ =	swait.ge [sflag:s13], $0x2000  }
0x57: {  	[sflag:s13] =	ssyncset.done $0x0  }
0x58: {  	[sflag:s13] =	ssyncadd.s32 $0xFFFFE000  }
0x59: {  	_ =	swait.ge [sflag:s20], $0x2000  }
0x5a: {  	[sflag:s20] =	ssyncset.done $0x0  }
0x5b: {  	s1 =	simm.s32 $0xA80;
	[sflag:s20] =	ssyncadd.s32 $0xFFFFE000  }
0x5c: {  	[spmem:s2] =	stream.indirect.scatter.add.f32 [tilespmem:s18], [sflag:$0x3], $0x80, s1, s15, $0xb8;
	[tilespmem:$0x19000] =	vst v63  }
0x5d: {  	_ =	swait.ge [sflag:s13], $0x2000  }
0x5e: {  	[sflag:s13] =	ssyncset.done $0x0  }
0x5f: {  	s6 =	simm.s32 $0x300;
	[sflag:s13] =	ssyncadd.s32 $0xFFFFE000  }
0x60: {  	[tilespmem:s16], [sflag:$0x1] =	stream.indirect.gather [hbm4b:s4+s15], $0x80, s6, s15, $0xb8;
	[tilespmem:$0x19000] =	vst v63  }
0x61: {  	s1 =	simm.s32 $0x380  }
0x62: {  	[tilespmem:s18], [sflag:$0x2] =	stream.indirect.gather [hbm4b:s4+s15], $0x80, s1, s15, $0xb8;
	[tilespmem:$0x19000] =	vst v63  }
0x63: {  	_ =	swait.ge [sflag:s19], $0x2000  }
0x64: {  	[sflag:s19] =	ssyncset.done $0x0  }
0x65: {  	s6 =	simm.s32 $0xB00;
	[sflag:s19] =	ssyncadd.s32 $0xFFFFE000  }
0x66: {  	[spmem:s2] =	stream.indirect.scatter.add.f32 [tilespmem:s16], [sflag:$0x3], $0x80, s6, s15, $0xb8;
	[tilespmem:$0x19000] =	vst v63  }
0x67: {  	_ =	swait.ge [sflag:s13], $0x2000  }
0x68: {  	[sflag:s13] =	ssyncset.done $0x0  }
0x69: {  	[sflag:s13] =	ssyncadd.s32 $0xFFFFE000  }
0x6a: {  	_ =	swait.ge [sflag:s20], $0x2000  }
0x6b: {  	[sflag:s20] =	ssyncset.done $0x0  }
0x6c: {  	[sflag:s20] =	ssyncadd.s32 $0xFFFFE000  }
0x6d: {  	[spmem:s2] =	stream.indirect.scatter.add.f32 [tilespmem:s18], [sflag:$0x3], $0x80, s26, s15, $0xb8;
	[tilespmem:$0x19000] =	vst v63  }
0x6e: {  	_ =	swait.ge [sflag:s13], $0x2000  }
0x6f: {  	[sflag:s13] =	ssyncset.done $0x0  }
0x70: {  	[sflag:s13] =	ssyncadd.s32 $0xFFFFE000  }
0x71: {  	[tilespmem:s16], [sflag:$0x1] =	stream.indirect.gather [hbm4b:s4+s15], $0x80, s28, s15, $0xb8;
	[tilespmem:$0x19000] =	vst v63  }
0x72: {  	_ = 	snop  }
0x73: {  	[tilespmem:s18], [sflag:$0x2] =	stream.indirect.gather [hbm4b:s4+s15], $0x80, s29, s15, $0xb8;
	[tilespmem:$0x19000] =	vst v63  }
0x74: {  	_ =	swait.ge [sflag:s19], $0x2000  }
0x75: {  	[sflag:s19] =	ssyncset.done $0x0  }
0x76: {  	[sflag:s19] =	ssyncadd.s32 $0xFFFFE000  }
0x77: {  	[spmem:s2] =	stream.indirect.scatter.add.f32 [tilespmem:s16], [sflag:$0x3], $0x80, s30, s15, $0xb8;
	[tilespmem:$0x19000] =	vst v63  }
0x78: {  	_ =	swait.ge [sflag:s13], $0x2000  }
0x79: {  	[sflag:s13] =	ssyncset.done $0x0  }
0x7a: {  	[sflag:s13] =	ssyncadd.s32 $0xFFFFE000  }
0x7b: {  	_ =	swait.ge [sflag:s20], $0x2000  }
0x7c: {  	[sflag:s20] =	ssyncset.done $0x0  }
0x7d: {  	s6 =	simm.s32 $0xC80;
	[sflag:s20] =	ssyncadd.s32 $0xFFFFE000  }
0x7e: {  	[spmem:s2] =	stream.indirect.scatter.add.f32 [tilespmem:s18], [sflag:$0x3], $0x80, s6, s15, $0xb8;
	[tilespmem:$0x19000] =	vst v63  }
0x7f: {  	_ =	swait.ge [sflag:s13], $0x2000  }
0x80: {  	[sflag:s13] =	ssyncset.done $0x0  }
0x81: {  	[sflag:s13] =	ssyncadd.s32 $0xFFFFE000  }
0x82: {  	[tilespmem:s16], [sflag:$0x1] =	stream.indirect.gather [hbm4b:s4+s15], $0x80, s8, s15, $0xb8;
	[tilespmem:$0x19000] =	vst v63  }
0x83: {  	_ = 	snop  }
0x84: {  	[tilespmem:s18], [sflag:$0x2] =	stream.indirect.gather [hbm4b:s4+s15], $0x80, s9, s15, $0xb8;
	[tilespmem:$0x19000] =	vst v63  }
0x85: {  	_ =	swait.ge [sflag:s19], $0x2000  }
0x86: {  	[sflag:s19] =	ssyncset.done $0x0  }
0x87: {  	[sflag:s19] =	ssyncadd.s32 $0xFFFFE000  }
0x88: {  	[spmem:s2] =	stream.indirect.scatter.add.f32 [tilespmem:s16], [sflag:$0x3], $0x80, s10, s15, $0xb8;
	[tilespmem:$0x19000] =	vst v63  }
0x89: {  	_ =	swait.ge [sflag:s13], $0x2000  }
0x8a: {  	[sflag:s13] =	ssyncset.done $0x0  }
0x8b: {  	[sflag:s13] =	ssyncadd.s32 $0xFFFFE000  }
0x8c: {  	_ =	swait.ge [sflag:s20], $0x2000  }
0x8d: {  	[sflag:s20] =	ssyncset.done $0x0  }
0x8e: {  	[sflag:s20] =	ssyncadd.s32 $0xFFFFE000  }
0x8f: {  	[spmem:s2] =	stream.indirect.scatter.add.f32 [tilespmem:s18], [sflag:$0x3], $0x80, s11, s15, $0xb8;
	[tilespmem:$0x19000] =	vst v63  }
0x90: {  	_ =	swait.ge [sflag:s13], $0x2000  }
0x91: {  	[sflag:s13] =	ssyncset.done $0x0  }
0x92: {  	[sflag:s13] =	ssyncadd.s32 $0xFFFFE000  }
0x93: {  	[tilespmem:s16], [sflag:$0x1] =	stream.indirect.gather [hbm4b:s4+s15], $0x80, s7, s15, $0xb8;
	[tilespmem:$0x19000] =	vst v63  }
0x94: {  	_ = 	snop  }
0x95: {  	[tilespmem:s18], [sflag:$0x2] =	stream.indirect.gather [hbm4b:s4+s15], $0x80, s12, s15, $0xb8;
	[tilespmem:$0x19000] =	vst v63  }
0x96: {  	_ =	swait.ge [sflag:s19], $0x2000  }
0x97: {  	[sflag:s19] =	ssyncset.done $0x0  }
0x98: {  	[sflag:s19] =	ssyncadd.s32 $0xFFFFE000  }
0x99: {  	[spmem:s2] =	stream.indirect.scatter.add.f32 [tilespmem:s16], [sflag:$0x3], $0x80, s17, s15, $0xb8;
	[tilespmem:$0x19000] =	vst v63  }
0x9a: {  	_ =	swait.ge [sflag:s13], $0x2000  }
0x9b: {  	[sflag:s13] =	ssyncset.done $0x0  }
0x9c: {  	[sflag:s13] =	ssyncadd.s32 $0xFFFFE000  }
0x9d: {  	_ =	swait.ge [sflag:s20], $0x2000  }
0x9e: {  	[sflag:s20] =	ssyncset.done $0x0  }
0x9f: {  	[sflag:s20] =	ssyncadd.s32 $0xFFFFE000  }
0xa0: {  	[spmem:s2] =	stream.indirect.scatter.add.f32 [tilespmem:s18], [sflag:$0x3], $0x80, s21, s15, $0xb8;
	[tilespmem:$0x19000] =	vst v63  }
0xa1: {  	_ =	swait.ge [sflag:s13], $0x2000  }
0xa2: {  	[sflag:s13] =	ssyncset.done $0x0  }
0xa3: {  	[sflag:s13] =	ssyncadd.s32 $0xFFFFE000  }
0xa4: {  	[tilespmem:s16], [sflag:$0x1] =	stream.indirect.gather [hbm4b:s4+s15], $0x80, s22, s15, $0xb8;
	[tilespmem:$0x19000] =	vst v63  }
0xa5: {  	_ = 	snop  }
0xa6: {  	[tilespmem:s18], [sflag:$0x2] =	stream.indirect.gather [hbm4b:s4+s15], $0x80, s23, s15, $0xb8;
	[tilespmem:$0x19000] =	vst v63  }
0xa7: {  	_ =	swait.ge [sflag:s19], $0x2000  }
0xa8: {  	[sflag:s19] =	ssyncset.done $0x0  }
0xa9: {  	[sflag:s19] =	ssyncadd.s32 $0xFFFFE000  }
0xaa: {  	[spmem:s2] =	stream.indirect.scatter.add.f32 [tilespmem:s16], [sflag:$0x3], $0x80, s24, s15, $0xb8;
	[tilespmem:$0x19000] =	vst v63  }
0xab: {  	_ =	swait.ge [sflag:s13], $0x2000  }
0xac: {  	[sflag:s13] =	ssyncset.done $0x0  }
0xad: {  	[sflag:s13] =	ssyncadd.s32 $0xFFFFE000  }
0xae: {  	_ =	swait.ge [sflag:s20], $0x2000  }
0xaf: {  	[sflag:s20] =	ssyncset.done $0x0  }
0xb0: {  	[sflag:s20] =	ssyncadd.s32 $0xFFFFE000  }
0xb1: {  	[spmem:s2] =	stream.indirect.scatter.add.f32 [tilespmem:s18], [sflag:$0x3], $0x80, s25, s15, $0xb8;
	[tilespmem:$0x19000] =	vst v63  }
0xb2: {  	s31 =	simm.s32 $0x100;
	_ =	swait.ge [sflag:s13], $0x2000  }
.LBB2_2:
0xb3: {  	s0 =	rddreg [dreg:$0x4];
	s1 =	smov.u32 s31;
	[sflag:s13] =	ssyncset.done $0x0  }
0xb4: {  	s0 =	sadd.s32 s1, s0;
	[sflag:s13] =	ssyncadd.s32 $0xFFFFE000  }
0xb5: {  	[tilespmem:s3], [sflag:$0x3] =	stream.linear.gather [hbm4b:s0+s3], $0x800, $0x38;
	[tilespmem:$0x19000] =	vst v63  }
0xb6: {  	_ =	swait.ge [sflag:s13], $0x800  }
0xb7: {  	s0 =	rddreg [dreg:$0x5];
	[sflag:s13] =	ssyncset.done $0x0  }
0xb8: {  	[sflag:s13] =	ssyncadd.s32 $0xFFFFF800;
	s0 =	sadd.s32 s1, s0  }
0xb9: {  	[tilespmem:s14], [sflag:$0x3] =	stream.linear.gather [hbm4b:s0+s3], $0x800, $0x38;
	[tilespmem:$0x19000] =	vst v63  }
0xba: {  	_ =	swait.ge [sflag:s13], $0x800  }
0xbb: {  	[sflag:s13] =	ssyncset.done $0x0  }
0xbc: {  	[sflag:s13] =	ssyncadd.s32 $0xFFFFF800  }
0xbd: {  	[tilespmem:s16], [sflag:$0x1] =	stream.indirect.gather [hbm4b:s4+s15], $0x80, s3, s15, $0xb8;
	[tilespmem:$0x19000] =	vst v63  }
0xbe: {  	s1 =	simm.s32 $0x80  }
0xbf: {  	[tilespmem:s18], [sflag:$0x2] =	stream.indirect.gather [hbm4b:s4+s15], $0x80, s1, s15, $0xb8;
	[tilespmem:$0x19000] =	vst v63  }
0xc0: {  	_ =	swait.ge [sflag:s19], $0x2000  }
0xc1: {  	[sflag:s19] =	ssyncset.done $0x0  }
0xc2: {  	[sflag:s19] =	ssyncadd.s32 $0xFFFFE000  }
0xc3: {  	[spmem:s2] =	stream.indirect.scatter.add.f32 [tilespmem:s16], [sflag:$0x3], $0x80, s14, s15, $0xb8;
	[tilespmem:$0x19000] =	vst v63  }
0xc4: {  	_ =	swait.ge [sflag:s13], $0x2000  }
0xc5: {  	[sflag:s13] =	ssyncset.done $0x0  }
0xc6: {  	[sflag:s13] =	ssyncadd.s32 $0xFFFFE000  }
0xc7: {  	_ =	swait.ge [sflag:s20], $0x2000  }
0xc8: {  	[sflag:s20] =	ssyncset.done $0x0  }
0xc9: {  	s1 =	simm.s32 $0x880;
	[sflag:s20] =	ssyncadd.s32 $0xFFFFE000  }
0xca: {  	[spmem:s2] =	stream.indirect.scatter.add.f32 [tilespmem:s18], [sflag:$0x3], $0x80, s1, s15, $0xb8;
	[tilespmem:$0x19000] =	vst v63  }
0xcb: {  	_ =	swait.ge [sflag:s13], $0x2000  }
0xcc: {  	[sflag:s13] =	ssyncset.done $0x0  }
0xcd: {  	s1 =	simm.s32 $0x100;
	[sflag:s13] =	ssyncadd.s32 $0xFFFFE000  }
0xce: {  	[tilespmem:s16], [sflag:$0x1] =	stream.indirect.gather [hbm4b:s4+s15], $0x80, s1, s15, $0xb8;
	[tilespmem:$0x19000] =	vst v63  }
0xcf: {  	s1 =	simm.s32 $0x180  }
0xd0: {  	[tilespmem:s18], [sflag:$0x2] =	stream.indirect.gather [hbm4b:s4+s15], $0x80, s1, s15, $0xb8;
	[tilespmem:$0x19000] =	vst v63  }
0xd1: {  	_ =	swait.ge [sflag:s19], $0x2000  }
0xd2: {  	[sflag:s19] =	ssyncset.done $0x0  }
0xd3: {  	s1 =	simm.s32 $0x900;
	[sflag:s19] =	ssyncadd.s32 $0xFFFFE000  }
0xd4: {  	[spmem:s2] =	stream.indirect.scatter.add.f32 [tilespmem:s16], [sflag:$0x3], $0x80, s1, s15, $0xb8;
	[tilespmem:$0x19000] =	vst v63  }
0xd5: {  	_ =	swait.ge [sflag:s13], $0x2000  }
0xd6: {  	[sflag:s13] =	ssyncset.done $0x0  }
0xd7: {  	[sflag:s13] =	ssyncadd.s32 $0xFFFFE000  }
0xd8: {  	_ =	swait.ge [sflag:s20], $0x2000  }
0xd9: {  	[sflag:s20] =	ssyncset.done $0x0  }
0xda: {  	s1 =	simm.s32 $0x980;
	[sflag:s20] =	ssyncadd.s32 $0xFFFFE000  }
0xdb: {  	[spmem:s2] =	stream.indirect.scatter.add.f32 [tilespmem:s18], [sflag:$0x3], $0x80, s1, s15, $0xb8;
	[tilespmem:$0x19000] =	vst v63  }
0xdc: {  	_ =	swait.ge [sflag:s13], $0x2000  }
0xdd: {  	[sflag:s13] =	ssyncset.done $0x0  }
0xde: {  	s1 =	simm.s32 $0x200;
	[sflag:s13] =	ssyncadd.s32 $0xFFFFE000  }
0xdf: {  	[tilespmem:s16], [sflag:$0x1] =	stream.indirect.gather [hbm4b:s4+s15], $0x80, s1, s15, $0xb8;
	[tilespmem:$0x19000] =	vst v63  }
0xe0: {  	s1 =	simm.s32 $0x280  }
0xe1: {  	[tilespmem:s18], [sflag:$0x2] =	stream.indirect.gather [hbm4b:s4+s15], $0x80, s1, s15, $0xb8;
	[tilespmem:$0x19000] =	vst v63  }
0xe2: {  	_ =	swait.ge [sflag:s19], $0x2000  }
0xe3: {  	[sflag:s19] =	ssyncset.done $0x0  }
0xe4: {  	s1 =	simm.s32 $0xA00;
	[sflag:s19] =	ssyncadd.s32 $0xFFFFE000  }
0xe5: {  	[spmem:s2] =	stream.indirect.scatter.add.f32 [tilespmem:s16], [sflag:$0x3], $0x80, s1, s15, $0xb8;
	[tilespmem:$0x19000] =	vst v63  }
0xe6: {  	_ =	swait.ge [sflag:s13], $0x2000  }
0xe7: {  	[sflag:s13] =	ssyncset.done $0x0  }
0xe8: {  	[sflag:s13] =	ssyncadd.s32 $0xFFFFE000  }
0xe9: {  	_ =	swait.ge [sflag:s20], $0x2000  }
0xea: {  	[sflag:s20] =	ssyncset.done $0x0  }
0xeb: {  	s1 =	simm.s32 $0xA80;
	[sflag:s20] =	ssyncadd.s32 $0xFFFFE000  }
0xec: {  	[spmem:s2] =	stream.indirect.scatter.add.f32 [tilespmem:s18], [sflag:$0x3], $0x80, s1, s15, $0xb8;
	[tilespmem:$0x19000] =	vst v63  }
0xed: {  	_ =	swait.ge [sflag:s13], $0x2000  }
0xee: {  	[sflag:s13] =	ssyncset.done $0x0  }
0xef: {  	s1 =	simm.s32 $0x300;
	[sflag:s13] =	ssyncadd.s32 $0xFFFFE000  }
0xf0: {  	[tilespmem:s16], [sflag:$0x1] =	stream.indirect.gather [hbm4b:s4+s15], $0x80, s1, s15, $0xb8;
	[tilespmem:$0x19000] =	vst v63  }
0xf1: {  	s1 =	simm.s32 $0x380  }
0xf2: {  	[tilespmem:s18], [sflag:$0x2] =	stream.indirect.gather [hbm4b:s4+s15], $0x80, s1, s15, $0xb8;
	[tilespmem:$0x19000] =	vst v63  }
0xf3: {  	_ =	swait.ge [sflag:s19], $0x2000  }
0xf4: {  	[sflag:s19] =	ssyncset.done $0x0  }
0xf5: {  	s1 =	simm.s32 $0xB00;
	[sflag:s19] =	ssyncadd.s32 $0xFFFFE000  }
0xf6: {  	[spmem:s2] =	stream.indirect.scatter.add.f32 [tilespmem:s16], [sflag:$0x3], $0x80, s1, s15, $0xb8;
	[tilespmem:$0x19000] =	vst v63  }
0xf7: {  	_ =	swait.ge [sflag:s13], $0x2000  }
0xf8: {  	[sflag:s13] =	ssyncset.done $0x0  }
0xf9: {  	[sflag:s13] =	ssyncadd.s32 $0xFFFFE000  }
0xfa: {  	_ =	swait.ge [sflag:s20], $0x2000  }
0xfb: {  	[sflag:s20] =	ssyncset.done $0x0  }
0xfc: {  	[sflag:s20] =	ssyncadd.s32 $0xFFFFE000  }
0xfd: {  	[spmem:s2] =	stream.indirect.scatter.add.f32 [tilespmem:s18], [sflag:$0x3], $0x80, s26, s15, $0xb8;
	[tilespmem:$0x19000] =	vst v63  }
0xfe: {  	_ =	swait.ge [sflag:s13], $0x2000  }
0xff: {  	[sflag:s13] =	ssyncset.done $0x0  }
0x100: {  	[sflag:s13] =	ssyncadd.s32 $0xFFFFE000  }
0x101: {  	[tilespmem:s16], [sflag:$0x1] =	stream.indirect.gather [hbm4b:s4+s15], $0x80, s28, s15, $0xb8;
	[tilespmem:$0x19000] =	vst v63  }
0x102: {  	_ = 	snop  }
0x103: {  	[tilespmem:s18], [sflag:$0x2] =	stream.indirect.gather [hbm4b:s4+s15], $0x80, s29, s15, $0xb8;
	[tilespmem:$0x19000] =	vst v63  }
0x104: {  	_ =	swait.ge [sflag:s19], $0x2000  }
0x105: {  	[sflag:s19] =	ssyncset.done $0x0  }
0x106: {  	[sflag:s19] =	ssyncadd.s32 $0xFFFFE000  }
0x107: {  	[spmem:s2] =	stream.indirect.scatter.add.f32 [tilespmem:s16], [sflag:$0x3], $0x80, s30, s15, $0xb8;
	[tilespmem:$0x19000] =	vst v63  }
0x108: {  	_ =	swait.ge [sflag:s13], $0x2000  }
0x109: {  	[sflag:s13] =	ssyncset.done $0x0  }
0x10a: {  	[sflag:s13] =	ssyncadd.s32 $0xFFFFE000  }
0x10b: {  	_ =	swait.ge [sflag:s20], $0x2000  }
0x10c: {  	[sflag:s20] =	ssyncset.done $0x0  }
0x10d: {  	[sflag:s20] =	ssyncadd.s32 $0xFFFFE000  }
0x10e: {  	[spmem:s2] =	stream.indirect.scatter.add.f32 [tilespmem:s18], [sflag:$0x3], $0x80, s6, s15, $0xb8;
	[tilespmem:$0x19000] =	vst v63  }
0x10f: {  	_ =	swait.ge [sflag:s13], $0x2000  }
0x110: {  	[sflag:s13] =	ssyncset.done $0x0  }
0x111: {  	[sflag:s13] =	ssyncadd.s32 $0xFFFFE000  }
0x112: {  	[tilespmem:s16], [sflag:$0x1] =	stream.indirect.gather [hbm4b:s4+s15], $0x80, s8, s15, $0xb8;
	[tilespmem:$0x19000] =	vst v63  }
0x113: {  	_ = 	snop  }
0x114: {  	[tilespmem:s18], [sflag:$0x2] =	stream.indirect.gather [hbm4b:s4+s15], $0x80, s9, s15, $0xb8;
	[tilespmem:$0x19000] =	vst v63  }
0x115: {  	_ =	swait.ge [sflag:s19], $0x2000  }
0x116: {  	[sflag:s19] =	ssyncset.done $0x0  }
0x117: {  	[sflag:s19] =	ssyncadd.s32 $0xFFFFE000  }
0x118: {  	[spmem:s2] =	stream.indirect.scatter.add.f32 [tilespmem:s16], [sflag:$0x3], $0x80, s10, s15, $0xb8;
	[tilespmem:$0x19000] =	vst v63  }
0x119: {  	_ =	swait.ge [sflag:s13], $0x2000  }
0x11a: {  	[sflag:s13] =	ssyncset.done $0x0  }
0x11b: {  	[sflag:s13] =	ssyncadd.s32 $0xFFFFE000  }
0x11c: {  	_ =	swait.ge [sflag:s20], $0x2000  }
0x11d: {  	[sflag:s20] =	ssyncset.done $0x0  }
0x11e: {  	[sflag:s20] =	ssyncadd.s32 $0xFFFFE000  }
0x11f: {  	[spmem:s2] =	stream.indirect.scatter.add.f32 [tilespmem:s18], [sflag:$0x3], $0x80, s11, s15, $0xb8;
	[tilespmem:$0x19000] =	vst v63  }
0x120: {  	_ =	swait.ge [sflag:s13], $0x2000  }
0x121: {  	[sflag:s13] =	ssyncset.done $0x0  }
0x122: {  	[sflag:s13] =	ssyncadd.s32 $0xFFFFE000  }
0x123: {  	[tilespmem:s16], [sflag:$0x1] =	stream.indirect.gather [hbm4b:s4+s15], $0x80, s7, s15, $0xb8;
	[tilespmem:$0x19000] =	vst v63  }
0x124: {  	_ = 	snop  }
0x125: {  	[tilespmem:s18], [sflag:$0x2] =	stream.indirect.gather [hbm4b:s4+s15], $0x80, s12, s15, $0xb8;
	[tilespmem:$0x19000] =	vst v63  }
0x126: {  	_ =	swait.ge [sflag:s19], $0x2000  }
0x127: {  	[sflag:s19] =	ssyncset.done $0x0  }
0x128: {  	[sflag:s19] =	ssyncadd.s32 $0xFFFFE000  }
0x129: {  	[spmem:s2] =	stream.indirect.scatter.add.f32 [tilespmem:s16], [sflag:$0x3], $0x80, s17, s15, $0xb8;
	[tilespmem:$0x19000] =	vst v63  }
0x12a: {  	_ =	swait.ge [sflag:s13], $0x2000  }
0x12b: {  	[sflag:s13] =	ssyncset.done $0x0  }
0x12c: {  	[sflag:s13] =	ssyncadd.s32 $0xFFFFE000  }
0x12d: {  	_ =	swait.ge [sflag:s20], $0x2000  }
0x12e: {  	[sflag:s20] =	ssyncset.done $0x0  }
0x12f: {  	[sflag:s20] =	ssyncadd.s32 $0xFFFFE000  }
0x130: {  	[spmem:s2] =	stream.indirect.scatter.add.f32 [tilespmem:s18], [sflag:$0x3], $0x80, s21, s15, $0xb8;
	[tilespmem:$0x19000] =	vst v63  }
0x131: {  	_ =	swait.ge [sflag:s13], $0x2000  }
0x132: {  	[sflag:s13] =	ssyncset.done $0x0  }
0x133: {  	[sflag:s13] =	ssyncadd.s32 $0xFFFFE000  }
0x134: {  	[tilespmem:s16], [sflag:$0x1] =	stream.indirect.gather [hbm4b:s4+s15], $0x80, s22, s15, $0xb8;
	[tilespmem:$0x19000] =	vst v63  }
0x135: {  	_ = 	snop  }
0x136: {  	[tilespmem:s18], [sflag:$0x2] =	stream.indirect.gather [hbm4b:s4+s15], $0x80, s23, s15, $0xb8;
	[tilespmem:$0x19000] =	vst v63  }
0x137: {  	_ =	swait.ge [sflag:s19], $0x2000  }
0x138: {  	[sflag:s19] =	ssyncset.done $0x0  }
0x139: {  	[sflag:s19] =	ssyncadd.s32 $0xFFFFE000  }
0x13a: {  	[spmem:s2] =	stream.indirect.scatter.add.f32 [tilespmem:s16], [sflag:$0x3], $0x80, s24, s15, $0xb8;
	[tilespmem:$0x19000] =	vst v63  }
0x13b: {  	_ =	swait.ge [sflag:s13], $0x2000  }
0x13c: {  	[sflag:s13] =	ssyncset.done $0x0  }
0x13d: {  	p0 =	sne.s32 s31, $0x900;
	[sflag:s13] =	ssyncadd.s32 $0xFFFFE000  }
.Ltmp0:
0x13e: {  	_ =	swait.ge [sflag:s20], $0x2000;
	(pc) =	sbr.rel @p0 .LBB2_2-.Ltmp0, $4  }
0x13f: {  	[sflag:s20] =	ssyncset.done $0x0  }
0x140: {  	[sflag:s20] =	ssyncadd.s32 $0xFFFFE000  }
0x141: {  	[spmem:s2] =	stream.indirect.scatter.add.f32 [tilespmem:s18], [sflag:$0x3], $0x80, s25, s15, $0xb8;
	[tilespmem:$0x19000] =	vst v63  }
0x142: {  	s31 =	sadd.s32 $0x100, s31;
	_ =	swait.ge [sflag:s13], $0x2000  }
0x143: {  	[sflag:s13] =	ssyncset.done $0x0  }
0x144: {  	[sflag:s13] =	ssyncadd.s32 $0xFFFFE000  }
0x145: {  	[bflag:$0x0] =	sbarrier.arrive $0xFFFF  }
0x146: {  	s0 =	rddreg [dreg:$0x9]  }
0x147: {  	s1 =	rddreg [dreg:$0xa]  }
0x148: {  	s31 =	rddreg [dreg:$0xe]  }
0x149: {  	[hbm:s1], [sflag:s0] =	dma.local [spmem:s31], $0x2800  }
0x14a: {  	_ =	swait.ge [sflag:s13], $0x2800  }
0x14b: {  	[sflag:s13] =	ssyncset.done $0x0  }
0x14c: {  	[sflag:s13] =	ssyncadd.s32 $0xFFFFD800  }
0x14d: {  	[bflag:$0x0] =	sbarrier.arrive $0xFFFF  }
0x14e: {  	s1 =	rddreg [dreg:$0xb]  }
0x14f: {  	[spmem:s31], [sflag:s0] =	dma.local [hbm:s1], $0x2800  }
0x150: {  	_ =	swait.ge [sflag:s13], $0x2800  }
0x151: {  	[sflag:s13] =	ssyncset.done $0x0  }
0x152: {  	[sflag:s13] =	ssyncadd.s32 $0xFFFFD800  }
0x153: {  	[bflag:$0x0] =	sbarrier.arrive $0xFFFF  }
0x154: {  	s1 =	rddreg [dreg:$0x6]  }
0x155: {  	s0 =	sadd.s32 $0x0, s1  }
0x156: {  	[tilespmem:s3], [sflag:$0x3] =	stream.linear.gather [hbm4b:s0+s3], $0x800, $0x38;
	[tilespmem:$0x19000] =	vst v63  }
0x157: {  	_ =	swait.ge [sflag:s13], $0x800  }
0x158: {  	s1 =	rddreg [dreg:$0x7];
	[sflag:s13] =	ssyncset.done $0x0  }
0x159: {  	[sflag:s13] =	ssyncadd.s32 $0xFFFFF800;
	s0 =	sadd.s32 $0x0, s1  }
0x15a: {  	[tilespmem:s14], [sflag:$0x3] =	stream.linear.gather [hbm4b:s0+s3], $0x800, $0x38;
	[tilespmem:$0x19000] =	vst v63  }
0x15b: {  	_ =	swait.ge [sflag:s13], $0x800  }
0x15c: {  	[sflag:s13] =	ssyncset.done $0x0  }
0x15d: {  	[sflag:s13] =	ssyncadd.s32 $0xFFFFF800  }
0x15e: {  	[tilespmem:s16], [sflag:$0x1] =	stream.indirect.gather [hbm4b:s5+s15], $0x80, s3, s15, $0xb8;
	[tilespmem:$0x19000] =	vst v63  }
0x15f: {  	s1 =	simm.s32 $0x80  }
0x160: {  	[tilespmem:s18], [sflag:$0x2] =	stream.indirect.gather [hbm4b:s5+s15], $0x80, s1, s15, $0xb8;
	[tilespmem:$0x19000] =	vst v63  }
0x161: {  	_ =	swait.ge [sflag:s19], $0x2000  }
0x162: {  	[sflag:s19] =	ssyncset.done $0x0  }
0x163: {  	[sflag:s19] =	ssyncadd.s32 $0xFFFFE000  }
0x164: {  	[spmem:s2] =	stream.indirect.scatter.add.f32 [tilespmem:s16], [sflag:$0x3], $0x80, s14, s15, $0xb8;
	[tilespmem:$0x19000] =	vst v63  }
0x165: {  	_ =	swait.ge [sflag:s13], $0x2000  }
0x166: {  	[sflag:s13] =	ssyncset.done $0x0  }
0x167: {  	[sflag:s13] =	ssyncadd.s32 $0xFFFFE000  }
0x168: {  	_ =	swait.ge [sflag:s20], $0x2000  }
0x169: {  	[sflag:s20] =	ssyncset.done $0x0  }
0x16a: {  	s1 =	simm.s32 $0x880;
	[sflag:s20] =	ssyncadd.s32 $0xFFFFE000  }
0x16b: {  	[spmem:s2] =	stream.indirect.scatter.add.f32 [tilespmem:s18], [sflag:$0x3], $0x80, s1, s15, $0xb8;
	[tilespmem:$0x19000] =	vst v63  }
0x16c: {  	_ =	swait.ge [sflag:s13], $0x2000  }
0x16d: {  	[sflag:s13] =	ssyncset.done $0x0  }
0x16e: {  	s1 =	simm.s32 $0x100;
	[sflag:s13] =	ssyncadd.s32 $0xFFFFE000  }
0x16f: {  	[tilespmem:s16], [sflag:$0x1] =	stream.indirect.gather [hbm4b:s5+s15], $0x80, s1, s15, $0xb8;
	[tilespmem:$0x19000] =	vst v63  }
0x170: {  	s1 =	simm.s32 $0x180  }
0x171: {  	[tilespmem:s18], [sflag:$0x2] =	stream.indirect.gather [hbm4b:s5+s15], $0x80, s1, s15, $0xb8;
	[tilespmem:$0x19000] =	vst v63  }
0x172: {  	_ =	swait.ge [sflag:s19], $0x2000  }
0x173: {  	[sflag:s19] =	ssyncset.done $0x0  }
0x174: {  	s1 =	simm.s32 $0x900;
	[sflag:s19] =	ssyncadd.s32 $0xFFFFE000  }
0x175: {  	[spmem:s2] =	stream.indirect.scatter.add.f32 [tilespmem:s16], [sflag:$0x3], $0x80, s1, s15, $0xb8;
	[tilespmem:$0x19000] =	vst v63  }
0x176: {  	_ =	swait.ge [sflag:s13], $0x2000  }
0x177: {  	[sflag:s13] =	ssyncset.done $0x0  }
0x178: {  	[sflag:s13] =	ssyncadd.s32 $0xFFFFE000  }
0x179: {  	_ =	swait.ge [sflag:s20], $0x2000  }
0x17a: {  	[sflag:s20] =	ssyncset.done $0x0  }
0x17b: {  	s1 =	simm.s32 $0x980;
	[sflag:s20] =	ssyncadd.s32 $0xFFFFE000  }
0x17c: {  	[spmem:s2] =	stream.indirect.scatter.add.f32 [tilespmem:s18], [sflag:$0x3], $0x80, s1, s15, $0xb8;
	[tilespmem:$0x19000] =	vst v63  }
0x17d: {  	_ =	swait.ge [sflag:s13], $0x2000  }
0x17e: {  	[sflag:s13] =	ssyncset.done $0x0  }
0x17f: {  	s1 =	simm.s32 $0x200;
	[sflag:s13] =	ssyncadd.s32 $0xFFFFE000  }
0x180: {  	[tilespmem:s16], [sflag:$0x1] =	stream.indirect.gather [hbm4b:s5+s15], $0x80, s1, s15, $0xb8;
	[tilespmem:$0x19000] =	vst v63  }
0x181: {  	s1 =	simm.s32 $0x280  }
0x182: {  	[tilespmem:s18], [sflag:$0x2] =	stream.indirect.gather [hbm4b:s5+s15], $0x80, s1, s15, $0xb8;
	[tilespmem:$0x19000] =	vst v63  }
0x183: {  	_ =	swait.ge [sflag:s19], $0x2000  }
0x184: {  	[sflag:s19] =	ssyncset.done $0x0  }
0x185: {  	s1 =	simm.s32 $0xA00;
	[sflag:s19] =	ssyncadd.s32 $0xFFFFE000  }
0x186: {  	[spmem:s2] =	stream.indirect.scatter.add.f32 [tilespmem:s16], [sflag:$0x3], $0x80, s1, s15, $0xb8;
	[tilespmem:$0x19000] =	vst v63  }
0x187: {  	_ =	swait.ge [sflag:s13], $0x2000  }
0x188: {  	[sflag:s13] =	ssyncset.done $0x0  }
0x189: {  	[sflag:s13] =	ssyncadd.s32 $0xFFFFE000  }
0x18a: {  	_ =	swait.ge [sflag:s20], $0x2000  }
0x18b: {  	[sflag:s20] =	ssyncset.done $0x0  }
0x18c: {  	s1 =	simm.s32 $0xA80;
	[sflag:s20] =	ssyncadd.s32 $0xFFFFE000  }
0x18d: {  	[spmem:s2] =	stream.indirect.scatter.add.f32 [tilespmem:s18], [sflag:$0x3], $0x80, s1, s15, $0xb8;
	[tilespmem:$0x19000] =	vst v63  }
0x18e: {  	_ =	swait.ge [sflag:s13], $0x2000  }
0x18f: {  	[sflag:s13] =	ssyncset.done $0x0  }
0x190: {  	s1 =	simm.s32 $0x300;
	[sflag:s13] =	ssyncadd.s32 $0xFFFFE000  }
0x191: {  	[tilespmem:s16], [sflag:$0x1] =	stream.indirect.gather [hbm4b:s5+s15], $0x80, s1, s15, $0xb8;
	[tilespmem:$0x19000] =	vst v63  }
0x192: {  	s1 =	simm.s32 $0x380  }
0x193: {  	[tilespmem:s18], [sflag:$0x2] =	stream.indirect.gather [hbm4b:s5+s15], $0x80, s1, s15, $0xb8;
	[tilespmem:$0x19000] =	vst v63  }
0x194: {  	_ =	swait.ge [sflag:s19], $0x2000  }
0x195: {  	[sflag:s19] =	ssyncset.done $0x0  }
0x196: {  	s1 =	simm.s32 $0xB00;
	[sflag:s19] =	ssyncadd.s32 $0xFFFFE000  }
0x197: {  	[spmem:s2] =	stream.indirect.scatter.add.f32 [tilespmem:s16], [sflag:$0x3], $0x80, s1, s15, $0xb8;
	[tilespmem:$0x19000] =	vst v63  }
0x198: {  	_ =	swait.ge [sflag:s13], $0x2000  }
0x199: {  	[sflag:s13] =	ssyncset.done $0x0  }
0x19a: {  	[sflag:s13] =	ssyncadd.s32 $0xFFFFE000  }
0x19b: {  	_ =	swait.ge [sflag:s20], $0x2000  }
0x19c: {  	[sflag:s20] =	ssyncset.done $0x0  }
0x19d: {  	[sflag:s20] =	ssyncadd.s32 $0xFFFFE000  }
0x19e: {  	[spmem:s2] =	stream.indirect.scatter.add.f32 [tilespmem:s18], [sflag:$0x3], $0x80, s26, s15, $0xb8;
	[tilespmem:$0x19000] =	vst v63  }
0x19f: {  	_ =	swait.ge [sflag:s13], $0x2000  }
0x1a0: {  	[sflag:s13] =	ssyncset.done $0x0  }
0x1a1: {  	[sflag:s13] =	ssyncadd.s32 $0xFFFFE000  }
0x1a2: {  	[tilespmem:s16], [sflag:$0x1] =	stream.indirect.gather [hbm4b:s5+s15], $0x80, s28, s15, $0xb8;
	[tilespmem:$0x19000] =	vst v63  }
0x1a3: {  	_ = 	snop  }
0x1a4: {  	[tilespmem:s18], [sflag:$0x2] =	stream.indirect.gather [hbm4b:s5+s15], $0x80, s29, s15, $0xb8;
	[tilespmem:$0x19000] =	vst v63  }
0x1a5: {  	_ =	swait.ge [sflag:s19], $0x2000  }
0x1a6: {  	[sflag:s19] =	ssyncset.done $0x0  }
0x1a7: {  	[sflag:s19] =	ssyncadd.s32 $0xFFFFE000  }
0x1a8: {  	[spmem:s2] =	stream.indirect.scatter.add.f32 [tilespmem:s16], [sflag:$0x3], $0x80, s30, s15, $0xb8;
	[tilespmem:$0x19000] =	vst v63  }
0x1a9: {  	_ =	swait.ge [sflag:s13], $0x2000  }
0x1aa: {  	[sflag:s13] =	ssyncset.done $0x0  }
0x1ab: {  	[sflag:s13] =	ssyncadd.s32 $0xFFFFE000  }
0x1ac: {  	_ =	swait.ge [sflag:s20], $0x2000  }
0x1ad: {  	[sflag:s20] =	ssyncset.done $0x0  }
0x1ae: {  	[sflag:s20] =	ssyncadd.s32 $0xFFFFE000  }
0x1af: {  	[spmem:s2] =	stream.indirect.scatter.add.f32 [tilespmem:s18], [sflag:$0x3], $0x80, s6, s15, $0xb8;
	[tilespmem:$0x19000] =	vst v63  }
0x1b0: {  	_ =	swait.ge [sflag:s13], $0x2000  }
0x1b1: {  	[sflag:s13] =	ssyncset.done $0x0  }
0x1b2: {  	[sflag:s13] =	ssyncadd.s32 $0xFFFFE000  }
0x1b3: {  	[tilespmem:s16], [sflag:$0x1] =	stream.indirect.gather [hbm4b:s5+s15], $0x80, s8, s15, $0xb8;
	[tilespmem:$0x19000] =	vst v63  }
0x1b4: {  	_ = 	snop  }
0x1b5: {  	[tilespmem:s18], [sflag:$0x2] =	stream.indirect.gather [hbm4b:s5+s15], $0x80, s9, s15, $0xb8;
	[tilespmem:$0x19000] =	vst v63  }
0x1b6: {  	_ =	swait.ge [sflag:s19], $0x2000  }
0x1b7: {  	[sflag:s19] =	ssyncset.done $0x0  }
0x1b8: {  	[sflag:s19] =	ssyncadd.s32 $0xFFFFE000  }
0x1b9: {  	[spmem:s2] =	stream.indirect.scatter.add.f32 [tilespmem:s16], [sflag:$0x3], $0x80, s10, s15, $0xb8;
	[tilespmem:$0x19000] =	vst v63  }
0x1ba: {  	_ =	swait.ge [sflag:s13], $0x2000  }
0x1bb: {  	[sflag:s13] =	ssyncset.done $0x0  }
0x1bc: {  	[sflag:s13] =	ssyncadd.s32 $0xFFFFE000  }
0x1bd: {  	_ =	swait.ge [sflag:s20], $0x2000  }
0x1be: {  	[sflag:s20] =	ssyncset.done $0x0  }
0x1bf: {  	[sflag:s20] =	ssyncadd.s32 $0xFFFFE000  }
0x1c0: {  	[spmem:s2] =	stream.indirect.scatter.add.f32 [tilespmem:s18], [sflag:$0x3], $0x80, s11, s15, $0xb8;
	[tilespmem:$0x19000] =	vst v63  }
0x1c1: {  	_ =	swait.ge [sflag:s13], $0x2000  }
0x1c2: {  	[sflag:s13] =	ssyncset.done $0x0  }
0x1c3: {  	[sflag:s13] =	ssyncadd.s32 $0xFFFFE000  }
0x1c4: {  	[tilespmem:s16], [sflag:$0x1] =	stream.indirect.gather [hbm4b:s5+s15], $0x80, s7, s15, $0xb8;
	[tilespmem:$0x19000] =	vst v63  }
0x1c5: {  	_ = 	snop  }
0x1c6: {  	[tilespmem:s18], [sflag:$0x2] =	stream.indirect.gather [hbm4b:s5+s15], $0x80, s12, s15, $0xb8;
	[tilespmem:$0x19000] =	vst v63  }
0x1c7: {  	_ =	swait.ge [sflag:s19], $0x2000  }
0x1c8: {  	[sflag:s19] =	ssyncset.done $0x0  }
0x1c9: {  	[sflag:s19] =	ssyncadd.s32 $0xFFFFE000  }
0x1ca: {  	[spmem:s2] =	stream.indirect.scatter.add.f32 [tilespmem:s16], [sflag:$0x3], $0x80, s17, s15, $0xb8;
	[tilespmem:$0x19000] =	vst v63  }
0x1cb: {  	_ =	swait.ge [sflag:s13], $0x2000  }
0x1cc: {  	[sflag:s13] =	ssyncset.done $0x0  }
0x1cd: {  	[sflag:s13] =	ssyncadd.s32 $0xFFFFE000  }
0x1ce: {  	_ =	swait.ge [sflag:s20], $0x2000  }
0x1cf: {  	[sflag:s20] =	ssyncset.done $0x0  }
0x1d0: {  	[sflag:s20] =	ssyncadd.s32 $0xFFFFE000  }
0x1d1: {  	[spmem:s2] =	stream.indirect.scatter.add.f32 [tilespmem:s18], [sflag:$0x3], $0x80, s21, s15, $0xb8;
	[tilespmem:$0x19000] =	vst v63  }
0x1d2: {  	_ =	swait.ge [sflag:s13], $0x2000  }
0x1d3: {  	[sflag:s13] =	ssyncset.done $0x0  }
0x1d4: {  	[sflag:s13] =	ssyncadd.s32 $0xFFFFE000  }
0x1d5: {  	[tilespmem:s16], [sflag:$0x1] =	stream.indirect.gather [hbm4b:s5+s15], $0x80, s22, s15, $0xb8;
	[tilespmem:$0x19000] =	vst v63  }
0x1d6: {  	_ = 	snop  }
0x1d7: {  	[tilespmem:s18], [sflag:$0x2] =	stream.indirect.gather [hbm4b:s5+s15], $0x80, s23, s15, $0xb8;
	[tilespmem:$0x19000] =	vst v63  }
0x1d8: {  	_ =	swait.ge [sflag:s19], $0x2000  }
0x1d9: {  	[sflag:s19] =	ssyncset.done $0x0  }
0x1da: {  	[sflag:s19] =	ssyncadd.s32 $0xFFFFE000  }
0x1db: {  	[spmem:s2] =	stream.indirect.scatter.add.f32 [tilespmem:s16], [sflag:$0x3], $0x80, s24, s15, $0xb8;
	[tilespmem:$0x19000] =	vst v63  }
0x1dc: {  	_ =	swait.ge [sflag:s13], $0x2000  }
0x1dd: {  	[sflag:s13] =	ssyncset.done $0x0  }
0x1de: {  	[sflag:s13] =	ssyncadd.s32 $0xFFFFE000  }
0x1df: {  	_ =	swait.ge [sflag:s20], $0x2000  }
0x1e0: {  	[sflag:s20] =	ssyncset.done $0x0  }
0x1e1: {  	[sflag:s20] =	ssyncadd.s32 $0xFFFFE000  }
0x1e2: {  	[spmem:s2] =	stream.indirect.scatter.add.f32 [tilespmem:s18], [sflag:$0x3], $0x80, s25, s15, $0xb8;
	[tilespmem:$0x19000] =	vst v63  }
0x1e3: {  	s31 =	simm.s32 $0x100;
	_ =	swait.ge [sflag:s13], $0x2000  }
.LBB2_4:
0x1e4: {  	s0 =	rddreg [dreg:$0x6];
	s1 =	smov.u32 s31;
	[sflag:s13] =	ssyncset.done $0x0  }
0x1e5: {  	s0 =	sadd.s32 s1, s0;
	[sflag:s13] =	ssyncadd.s32 $0xFFFFE000  }
0x1e6: {  	[tilespmem:s3], [sflag:$0x3] =	stream.linear.gather [hbm4b:s0+s3], $0x800, $0x38;
	[tilespmem:$0x19000] =	vst v63  }
0x1e7: {  	_ =	swait.ge [sflag:s13], $0x800  }
0x1e8: {  	s0 =	rddreg [dreg:$0x7];
	[sflag:s13] =	ssyncset.done $0x0  }
0x1e9: {  	[sflag:s13] =	ssyncadd.s32 $0xFFFFF800;
	s0 =	sadd.s32 s1, s0  }
0x1ea: {  	[tilespmem:s14], [sflag:$0x3] =	stream.linear.gather [hbm4b:s0+s3], $0x800, $0x38;
	[tilespmem:$0x19000] =	vst v63  }
0x1eb: {  	_ =	swait.ge [sflag:s13], $0x800  }
0x1ec: {  	[sflag:s13] =	ssyncset.done $0x0  }
0x1ed: {  	[sflag:s13] =	ssyncadd.s32 $0xFFFFF800  }
0x1ee: {  	[tilespmem:s16], [sflag:$0x1] =	stream.indirect.gather [hbm4b:s5+s15], $0x80, s3, s15, $0xb8;
	[tilespmem:$0x19000] =	vst v63  }
0x1ef: {  	s1 =	simm.s32 $0x80  }
0x1f0: {  	[tilespmem:s18], [sflag:$0x2] =	stream.indirect.gather [hbm4b:s5+s15], $0x80, s1, s15, $0xb8;
	[tilespmem:$0x19000] =	vst v63  }
0x1f1: {  	_ =	swait.ge [sflag:s19], $0x2000  }
0x1f2: {  	[sflag:s19] =	ssyncset.done $0x0  }
0x1f3: {  	[sflag:s19] =	ssyncadd.s32 $0xFFFFE000  }
0x1f4: {  	[spmem:s2] =	stream.indirect.scatter.add.f32 [tilespmem:s16], [sflag:$0x3], $0x80, s14, s15, $0xb8;
	[tilespmem:$0x19000] =	vst v63  }
0x1f5: {  	_ =	swait.ge [sflag:s13], $0x2000  }
0x1f6: {  	[sflag:s13] =	ssyncset.done $0x0  }
0x1f7: {  	[sflag:s13] =	ssyncadd.s32 $0xFFFFE000  }
0x1f8: {  	_ =	swait.ge [sflag:s20], $0x2000  }
0x1f9: {  	[sflag:s20] =	ssyncset.done $0x0  }
0x1fa: {  	s1 =	simm.s32 $0x880;
	[sflag:s20] =	ssyncadd.s32 $0xFFFFE000  }
0x1fb: {  	[spmem:s2] =	stream.indirect.scatter.add.f32 [tilespmem:s18], [sflag:$0x3], $0x80, s1, s15, $0xb8;
	[tilespmem:$0x19000] =	vst v63  }
0x1fc: {  	_ =	swait.ge [sflag:s13], $0x2000  }
0x1fd: {  	[sflag:s13] =	ssyncset.done $0x0  }
0x1fe: {  	s1 =	simm.s32 $0x100;
	[sflag:s13] =	ssyncadd.s32 $0xFFFFE000  }
0x1ff: {  	[tilespmem:s16], [sflag:$0x1] =	stream.indirect.gather [hbm4b:s5+s15], $0x80, s1, s15, $0xb8;
	[tilespmem:$0x19000] =	vst v63  }
0x200: {  	s1 =	simm.s32 $0x180  }
0x201: {  	[tilespmem:s18], [sflag:$0x2] =	stream.indirect.gather [hbm4b:s5+s15], $0x80, s1, s15, $0xb8;
	[tilespmem:$0x19000] =	vst v63  }
0x202: {  	_ =	swait.ge [sflag:s19], $0x2000  }
0x203: {  	[sflag:s19] =	ssyncset.done $0x0  }
0x204: {  	s1 =	simm.s32 $0x900;
	[sflag:s19] =	ssyncadd.s32 $0xFFFFE000  }
0x205: {  	[spmem:s2] =	stream.indirect.scatter.add.f32 [tilespmem:s16], [sflag:$0x3], $0x80, s1, s15, $0xb8;
	[tilespmem:$0x19000] =	vst v63  }
0x206: {  	_ =	swait.ge [sflag:s13], $0x2000  }
0x207: {  	[sflag:s13] =	ssyncset.done $0x0  }
0x208: {  	[sflag:s13] =	ssyncadd.s32 $0xFFFFE000  }
0x209: {  	_ =	swait.ge [sflag:s20], $0x2000  }
0x20a: {  	[sflag:s20] =	ssyncset.done $0x0  }
0x20b: {  	s1 =	simm.s32 $0x980;
	[sflag:s20] =	ssyncadd.s32 $0xFFFFE000  }
0x20c: {  	[spmem:s2] =	stream.indirect.scatter.add.f32 [tilespmem:s18], [sflag:$0x3], $0x80, s1, s15, $0xb8;
	[tilespmem:$0x19000] =	vst v63  }
0x20d: {  	_ =	swait.ge [sflag:s13], $0x2000  }
0x20e: {  	[sflag:s13] =	ssyncset.done $0x0  }
0x20f: {  	s1 =	simm.s32 $0x200;
	[sflag:s13] =	ssyncadd.s32 $0xFFFFE000  }
0x210: {  	[tilespmem:s16], [sflag:$0x1] =	stream.indirect.gather [hbm4b:s5+s15], $0x80, s1, s15, $0xb8;
	[tilespmem:$0x19000] =	vst v63  }
0x211: {  	s1 =	simm.s32 $0x280  }
0x212: {  	[tilespmem:s18], [sflag:$0x2] =	stream.indirect.gather [hbm4b:s5+s15], $0x80, s1, s15, $0xb8;
	[tilespmem:$0x19000] =	vst v63  }
0x213: {  	_ =	swait.ge [sflag:s19], $0x2000  }
0x214: {  	[sflag:s19] =	ssyncset.done $0x0  }
0x215: {  	s1 =	simm.s32 $0xA00;
	[sflag:s19] =	ssyncadd.s32 $0xFFFFE000  }
0x216: {  	[spmem:s2] =	stream.indirect.scatter.add.f32 [tilespmem:s16], [sflag:$0x3], $0x80, s1, s15, $0xb8;
	[tilespmem:$0x19000] =	vst v63  }
0x217: {  	_ =	swait.ge [sflag:s13], $0x2000  }
0x218: {  	[sflag:s13] =	ssyncset.done $0x0  }
0x219: {  	[sflag:s13] =	ssyncadd.s32 $0xFFFFE000  }
0x21a: {  	_ =	swait.ge [sflag:s20], $0x2000  }
0x21b: {  	[sflag:s20] =	ssyncset.done $0x0  }
0x21c: {  	s1 =	simm.s32 $0xA80;
	[sflag:s20] =	ssyncadd.s32 $0xFFFFE000  }
0x21d: {  	[spmem:s2] =	stream.indirect.scatter.add.f32 [tilespmem:s18], [sflag:$0x3], $0x80, s1, s15, $0xb8;
	[tilespmem:$0x19000] =	vst v63  }
0x21e: {  	_ =	swait.ge [sflag:s13], $0x2000  }
0x21f: {  	[sflag:s13] =	ssyncset.done $0x0  }
0x220: {  	s1 =	simm.s32 $0x300;
	[sflag:s13] =	ssyncadd.s32 $0xFFFFE000  }
0x221: {  	[tilespmem:s16], [sflag:$0x1] =	stream.indirect.gather [hbm4b:s5+s15], $0x80, s1, s15, $0xb8;
	[tilespmem:$0x19000] =	vst v63  }
0x222: {  	s1 =	simm.s32 $0x380  }
0x223: {  	[tilespmem:s18], [sflag:$0x2] =	stream.indirect.gather [hbm4b:s5+s15], $0x80, s1, s15, $0xb8;
	[tilespmem:$0x19000] =	vst v63  }
0x224: {  	_ =	swait.ge [sflag:s19], $0x2000  }
0x225: {  	[sflag:s19] =	ssyncset.done $0x0  }
0x226: {  	s1 =	simm.s32 $0xB00;
	[sflag:s19] =	ssyncadd.s32 $0xFFFFE000  }
0x227: {  	[spmem:s2] =	stream.indirect.scatter.add.f32 [tilespmem:s16], [sflag:$0x3], $0x80, s1, s15, $0xb8;
	[tilespmem:$0x19000] =	vst v63  }
0x228: {  	_ =	swait.ge [sflag:s13], $0x2000  }
0x229: {  	[sflag:s13] =	ssyncset.done $0x0  }
0x22a: {  	[sflag:s13] =	ssyncadd.s32 $0xFFFFE000  }
0x22b: {  	_ =	swait.ge [sflag:s20], $0x2000  }
0x22c: {  	[sflag:s20] =	ssyncset.done $0x0  }
0x22d: {  	[sflag:s20] =	ssyncadd.s32 $0xFFFFE000  }
0x22e: {  	[spmem:s2] =	stream.indirect.scatter.add.f32 [tilespmem:s18], [sflag:$0x3], $0x80, s26, s15, $0xb8;
	[tilespmem:$0x19000] =	vst v63  }
0x22f: {  	_ =	swait.ge [sflag:s13], $0x2000  }
0x230: {  	[sflag:s13] =	ssyncset.done $0x0  }
0x231: {  	[sflag:s13] =	ssyncadd.s32 $0xFFFFE000  }
0x232: {  	[tilespmem:s16], [sflag:$0x1] =	stream.indirect.gather [hbm4b:s5+s15], $0x80, s28, s15, $0xb8;
	[tilespmem:$0x19000] =	vst v63  }
0x233: {  	_ = 	snop  }
0x234: {  	[tilespmem:s18], [sflag:$0x2] =	stream.indirect.gather [hbm4b:s5+s15], $0x80, s29, s15, $0xb8;
	[tilespmem:$0x19000] =	vst v63  }
0x235: {  	_ =	swait.ge [sflag:s19], $0x2000  }
0x236: {  	[sflag:s19] =	ssyncset.done $0x0  }
0x237: {  	[sflag:s19] =	ssyncadd.s32 $0xFFFFE000  }
0x238: {  	[spmem:s2] =	stream.indirect.scatter.add.f32 [tilespmem:s16], [sflag:$0x3], $0x80, s30, s15, $0xb8;
	[tilespmem:$0x19000] =	vst v63  }
0x239: {  	_ =	swait.ge [sflag:s13], $0x2000  }
0x23a: {  	[sflag:s13] =	ssyncset.done $0x0  }
0x23b: {  	[sflag:s13] =	ssyncadd.s32 $0xFFFFE000  }
0x23c: {  	_ =	swait.ge [sflag:s20], $0x2000  }
0x23d: {  	[sflag:s20] =	ssyncset.done $0x0  }
0x23e: {  	[sflag:s20] =	ssyncadd.s32 $0xFFFFE000  }
0x23f: {  	[spmem:s2] =	stream.indirect.scatter.add.f32 [tilespmem:s18], [sflag:$0x3], $0x80, s6, s15, $0xb8;
	[tilespmem:$0x19000] =	vst v63  }
0x240: {  	_ =	swait.ge [sflag:s13], $0x2000  }
0x241: {  	[sflag:s13] =	ssyncset.done $0x0  }
0x242: {  	[sflag:s13] =	ssyncadd.s32 $0xFFFFE000  }
0x243: {  	[tilespmem:s16], [sflag:$0x1] =	stream.indirect.gather [hbm4b:s5+s15], $0x80, s8, s15, $0xb8;
	[tilespmem:$0x19000] =	vst v63  }
0x244: {  	_ = 	snop  }
0x245: {  	[tilespmem:s18], [sflag:$0x2] =	stream.indirect.gather [hbm4b:s5+s15], $0x80, s9, s15, $0xb8;
	[tilespmem:$0x19000] =	vst v63  }
0x246: {  	_ =	swait.ge [sflag:s19], $0x2000  }
0x247: {  	[sflag:s19] =	ssyncset.done $0x0  }
0x248: {  	[sflag:s19] =	ssyncadd.s32 $0xFFFFE000  }
0x249: {  	[spmem:s2] =	stream.indirect.scatter.add.f32 [tilespmem:s16], [sflag:$0x3], $0x80, s10, s15, $0xb8;
	[tilespmem:$0x19000] =	vst v63  }
0x24a: {  	_ =	swait.ge [sflag:s13], $0x2000  }
0x24b: {  	[sflag:s13] =	ssyncset.done $0x0  }
0x24c: {  	[sflag:s13] =	ssyncadd.s32 $0xFFFFE000  }
0x24d: {  	_ =	swait.ge [sflag:s20], $0x2000  }
0x24e: {  	[sflag:s20] =	ssyncset.done $0x0  }
0x24f: {  	[sflag:s20] =	ssyncadd.s32 $0xFFFFE000  }
0x250: {  	[spmem:s2] =	stream.indirect.scatter.add.f32 [tilespmem:s18], [sflag:$0x3], $0x80, s11, s15, $0xb8;
	[tilespmem:$0x19000] =	vst v63  }
0x251: {  	_ =	swait.ge [sflag:s13], $0x2000  }
0x252: {  	[sflag:s13] =	ssyncset.done $0x0  }
0x253: {  	[sflag:s13] =	ssyncadd.s32 $0xFFFFE000  }
0x254: {  	[tilespmem:s16], [sflag:$0x1] =	stream.indirect.gather [hbm4b:s5+s15], $0x80, s7, s15, $0xb8;
	[tilespmem:$0x19000] =	vst v63  }
0x255: {  	_ = 	snop  }
0x256: {  	[tilespmem:s18], [sflag:$0x2] =	stream.indirect.gather [hbm4b:s5+s15], $0x80, s12, s15, $0xb8;
	[tilespmem:$0x19000] =	vst v63  }
0x257: {  	_ =	swait.ge [sflag:s19], $0x2000  }
0x258: {  	[sflag:s19] =	ssyncset.done $0x0  }
0x259: {  	[sflag:s19] =	ssyncadd.s32 $0xFFFFE000  }
0x25a: {  	[spmem:s2] =	stream.indirect.scatter.add.f32 [tilespmem:s16], [sflag:$0x3], $0x80, s17, s15, $0xb8;
	[tilespmem:$0x19000] =	vst v63  }
0x25b: {  	_ =	swait.ge [sflag:s13], $0x2000  }
0x25c: {  	[sflag:s13] =	ssyncset.done $0x0  }
0x25d: {  	[sflag:s13] =	ssyncadd.s32 $0xFFFFE000  }
0x25e: {  	_ =	swait.ge [sflag:s20], $0x2000  }
0x25f: {  	[sflag:s20] =	ssyncset.done $0x0  }
0x260: {  	[sflag:s20] =	ssyncadd.s32 $0xFFFFE000  }
0x261: {  	[spmem:s2] =	stream.indirect.scatter.add.f32 [tilespmem:s18], [sflag:$0x3], $0x80, s21, s15, $0xb8;
	[tilespmem:$0x19000] =	vst v63  }
0x262: {  	_ =	swait.ge [sflag:s13], $0x2000  }
0x263: {  	[sflag:s13] =	ssyncset.done $0x0  }
0x264: {  	[sflag:s13] =	ssyncadd.s32 $0xFFFFE000  }
0x265: {  	[tilespmem:s16], [sflag:$0x1] =	stream.indirect.gather [hbm4b:s5+s15], $0x80, s22, s15, $0xb8;
	[tilespmem:$0x19000] =	vst v63  }
0x266: {  	_ = 	snop  }
0x267: {  	[tilespmem:s18], [sflag:$0x2] =	stream.indirect.gather [hbm4b:s5+s15], $0x80, s23, s15, $0xb8;
	[tilespmem:$0x19000] =	vst v63  }
0x268: {  	_ =	swait.ge [sflag:s19], $0x2000  }
0x269: {  	[sflag:s19] =	ssyncset.done $0x0  }
0x26a: {  	[sflag:s19] =	ssyncadd.s32 $0xFFFFE000  }
0x26b: {  	[spmem:s2] =	stream.indirect.scatter.add.f32 [tilespmem:s16], [sflag:$0x3], $0x80, s24, s15, $0xb8;
	[tilespmem:$0x19000] =	vst v63  }
0x26c: {  	_ =	swait.ge [sflag:s13], $0x2000  }
0x26d: {  	[sflag:s13] =	ssyncset.done $0x0  }
0x26e: {  	p0 =	sne.s32 s31, $0x900;
	[sflag:s13] =	ssyncadd.s32 $0xFFFFE000  }
.Ltmp1:
0x26f: {  	_ =	swait.ge [sflag:s20], $0x2000;
	(pc) =	sbr.rel @p0 .LBB2_4-.Ltmp1, $4  }
0x270: {  	[sflag:s20] =	ssyncset.done $0x0  }
0x271: {  	[sflag:s20] =	ssyncadd.s32 $0xFFFFE000  }
0x272: {  	[spmem:s2] =	stream.indirect.scatter.add.f32 [tilespmem:s18], [sflag:$0x3], $0x80, s25, s15, $0xb8;
	[tilespmem:$0x19000] =	vst v63  }
0x273: {  	s31 =	sadd.s32 $0x100, s31;
	_ =	swait.ge [sflag:s13], $0x2000  }
0x274: {  	[sflag:s13] =	ssyncset.done $0x0  }
0x275: {  	[sflag:s13] =	ssyncadd.s32 $0xFFFFE000  }
0x276: {  	[bflag:$0x0] =	sbarrier.arrive $0xFFFF  }
0x277: {  	s31 =	rddreg [dreg:$0x9]  }
0x278: {  	s0 =	rddreg [dreg:$0xc]  }
0x279: {  	s1 =	rddreg [dreg:$0xe]  }
0x27a: {  	[hbm:s0], [sflag:s31] =	dma.local [spmem:s1], $0x2800  }
0x27b: {  	_ =	swait.ge [sflag:s13], $0x2800  }
0x27c: {  	s6 =	rddreg [dreg:$0xf]  }
0x27d: {  	s0 =	rddreg [dreg:$0xd];
	s6 =	sadd.s32 $0x1, s6  }
0x27e: {  	p0 =	sne.s32 s6, s0  }
.Ltmp2:
0x27f: {  	_ = 	snop;
	(pc) =	sbr.rel @p0 .LBB2_1-.Ltmp2, $3  }
0x280: {  	[sflag:s13] =	ssyncset.done $0x0  }
0x281: {  	[sflag:s13] =	ssyncadd.s32 $0xFFFFD800  }
0x282: {  	[bflag:$0x0] =	sbarrier.arrive $0xFFFF;
	_ =	sdelay $0x1  }
0x283: {  	_ =	sfence.sel $0x180000  }
0x284: {  	[bflag:$0x0] =	sbarrier.arrive $0xFFFF  }
0x285: {  	_ =	strace $0x9000004A  }
0x286: {  	s0 =	stileid.u32;
	[bflag:$0x2] =	sbarrier.arrive $0xFFFF  }
0x287: {  	p0 =	sne.s32 s0, $0x0;
	s0 =	rddreg [dreg:$0x3]  }
0x288: {  	s0 =	sadd.s32 @!p0 $0x100000, s0  }
0x289: {  	[sflag:s0] =	ssyncadd.tile.s32 @!p0 $0x1;
	_ =	shalt  }
.Lfunc_end2:
_tile_overlayer_lowered:
.L_overlay_start_2:
0x28a: {  	(tag) =	ssettag $0x2  }
0x28b: {  	s0 =	rddreg [dreg:$0x0];
	s2 =	stileid.u32  }
0x28c: {  	s1 =	rddreg [dreg:$0x1];
	p0 =	sne.s32 s2, $0x0  }
0x28d: {  	s3 =	rddreg [dreg:$0x2];
	[bflag:$0x3] =	sbarrier.arrive $0xFFFF;
	s2 =	simm.s32 @!p0 $0x1C03  }
0x28e: {  	[timem:s3], [sflag:s2] =	dma.local @!p0 [hbm:s0], s1  }
0x28f: {  	s0 =	simm.s32 @!p0 $0x3  }
0x290: {  	_ =	swait.ge @!p0 [sflag:s0], s1  }
0x291: {  	s1 =	ssub.s32 @!p0 $0x0, s1;
	[sflag:s0] =	ssyncset.done @!p0 $0x0  }
0x292: {  	[sflag:s0] =	ssyncadd.s32 @!p0 s1  }
0x293: {  	[bflag:$0x3] =	sbarrier.arrive $0xFFFF  }
0x294: {  	_ =	shalt  }

// kernel: kernel.16.cloned.1.call-start
scs
__scs_entry_jumppad:
0x0: {  	(pc) =	sbr.rel $0x88, $3  }
0x1: {  	(tag) =	ssettag $0x0;
	lr =	simm.s32 $0x1  }
0x2: {  	[smem:$0x3F96] =	sst lr;
	_ =	strace $0xD0000000  }
0x3: {  	_ = 	snop  }
0x4: {  	_ = 	snop  }
0x5: {  	_ = 	snop  }
0x6: {  	_ = 	snop  }
0x7: {  	_ = 	snop  }
__scs_overlays_trampoline_lowered:
0x8: {  	[smem:$0x3FA5] =	sst s0  }
0x9: {  	[smem:$0x3FA6] =	sst s1  }
0xa: {  	[smem:$0x3FA7] =	sst s2  }
0xb: {  	[smem:$0x3FA8] =	sst s3  }
0xc: {  	[smem:$0x3FA9] =	sst s4  }
0xd: {  	[smem:$0x3FAA] =	sst s5  }
0xe: {  	[smem:$0x3FAB] =	sst s6  }
0xf: {  	[smem:$0x3FAC] =	sst s7  }
0x10: {  	[smem:$0x3FAD] =	sst s8  }
0x11: {  	[smem:$0x3FAE] =	sst s9;
	s0 =	simm.s32 @!p0 $0x0  }
0x12: {  	s1 =	sld [smem:$0x3F94];
	s0 =	simm.s32 @p0 $0x1  }
0x13: {  	[smem:$0x3FAF] =	sst s0;
	s0 =	simm.s32 @!p1 $0x0  }
0x14: {  	s2 =	sld [smem:$0x3F93];
	s0 =	simm.s32 @p1 $0x1  }
0x15: {  	[smem:$0x3FB0] =	sst s0;
	s0 =	simm.s32 @!p2 $0x0  }
0x16: {  	s3 =	sld [smem:$0x3FDB];
	s0 =	simm.s32 @p2 $0x1  }
0x17: {  	s4 =	simm.s32 $0x1BF5;
	[smem:$0x3FB2] =	sst s0  }
0x18: {  	s0 =	sld [smem:$0x3F95];
	_ =	swait.ge [sflag:s4], $0x0  }
0x19: {  	s7 =	sld [smem:$0x3F96]  }
0x1a: {  	s8 =	sadd.s32 $0xFFFFE003, lr  }
0x1b: {  	s9 =	sadd.s32 $0xFFFFFEF7, lr;
	s5 =	simm.s32 $0xFFFFFFFF;
	p2 =	slt.u32 s8, $0xFFFFF086  }
0x1c: {  	p1 =	slt.u32 s9, $0xF7A;
	s5 =	simm.s32 @!p2 $0x0  }
0x1d: {  	s5 =	simm.s32 @p1 $0x1;
	p0 =	seq.s32 s7, s2  }
0x1e: {  	s7 =	smul.u32 @!p0 $0xF7A, s2;
	p2 =	seq.s32 @!p0 s5, $0x0  }
0x1f: {  	s9 =	smul.u32 $0xF7A, s1;
	s8 =	simm.s32 @!p0 $0x1BF5;
	p2 =	por !p2, p0  }
0x20: {  	[sflag:s8] =	ssyncset.s32 @!p0 $0xFFFFF086;
	s6 =	sadd.s32 @!p0 s3, s7;
	s7 =	simm.s32 @!p0 $0x108  }
0x21: {  	s3 =	sadd.s32 s3, s9;
	s6 =	sadd.s32 @!p0 $0x88, s6;
	s7 =	simm.s32 @p2 $0x1082  }
0x22: {  	[simem:s7], [sflag:s8] =	dma.local @!p0 [hbm:s6], $0xF7A  }
0x23: {  	s9 =	sor.u32 $0xD0000000, s2;
	s6 =	simm.s32 $0x108;
	_ =	swait.ge @!p0 [sflag:s8], $0x0  }
0x24: {  	s3 =	sadd.s32 $0x88, s3;
	s6 =	simm.s32 @!p1 $0x1082;
	[sflag:s4] =	ssyncset.s32 $0xFFFFF086  }
0x25: {  	[simem:s6], [sflag:s4] =	dma.local [hbm:s3], $0xF7A  }
0x26: {  	[smem:$0x3F96] =	sst s1;
	(tag) =	ssettag s2;
	_ =	strace s9  }
0x27: {  	s1 =	sld [smem:$0x3FA6]  }
0x28: {  	s2 =	sld [smem:$0x3FA7]  }
0x29: {  	s4 =	sld [smem:$0x3FA9]  }
0x2a: {  	p0 =	seq.s32 s5, $0x0;
	s5 =	sld [smem:$0x3FAA]  }
0x2b: {  	s6 =	sld [smem:$0x3FAB]  }
0x2c: {  	s7 =	sld [smem:$0x3FAC]  }
0x2d: {  	s3 =	simm.s32 $0x108;
	s8 =	sld [smem:$0x3FAD]  }
0x2e: {  	s3 =	simm.s32 @!p0 $0x1082;
	s9 =	sld [smem:$0x3FAE]  }
0x2f: {  	lr =	sadd.s32 s0, s3;
	s0 =	sld [smem:$0x3FA5]  }
0x30: {  	s3 =	sld [smem:$0x3FA8]  }
0x31: {  	[smem:$0x3FB1] =	sst s10  }
0x32: {  	s10 =	sld [smem:$0x3FAF];
	_ =	sdelay $0x3  }
0x33: {  	p0 =	seq.s32 s10, $0x1;
	s10 =	sld [smem:$0x3FB1];
	_ =	sdelay $0x3  }
0x34: {  	[smem:$0x3FB1] =	sst s10  }
0x35: {  	s10 =	sld [smem:$0x3FB0];
	_ =	sdelay $0x3  }
0x36: {  	p1 =	seq.s32 s10, $0x1;
	s10 =	sld [smem:$0x3FB1];
	_ =	sdelay $0x3  }
0x37: {  	[smem:$0x3FB1] =	sst s10  }
0x38: {  	s10 =	sld [smem:$0x3FB2]  }
0x39: {  	_ = 	snop;
	(pc) =	sbr.ind lr, $3  }
0x3a: {  	_ = 	snop  }
0x3b: {  	_ = 	snop  }
0x3c: {  	p2 =	seq.s32 s10, $0x1;
	s10 =	sld [smem:$0x3FB1]  }
0x3d: {  	_ =	shalt  }
0x3e: {  	_ =	shalt  }
0x3f: {  	_ =	shalt  }
0x40: {  	_ =	shalt  }
0x41: {  	_ =	shalt  }
0x42: {  	_ =	shalt  }
0x43: {  	_ =	shalt  }
0x44: {  	_ =	shalt  }
0x45: {  	_ =	shalt  }
0x46: {  	_ =	shalt  }
0x47: {  	_ =	shalt  }
0x48: {  	_ =	shalt  }
0x49: {  	_ =	shalt  }
0x4a: {  	_ =	shalt  }
0x4b: {  	_ =	shalt  }
0x4c: {  	_ =	shalt  }
0x4d: {  	_ =	shalt  }
0x4e: {  	_ =	shalt  }
0x4f: {  	_ =	shalt  }
0x50: {  	_ =	shalt  }
0x51: {  	_ =	shalt  }
0x52: {  	_ =	shalt  }
0x53: {  	_ =	shalt  }
0x54: {  	_ =	shalt  }
0x55: {  	_ =	shalt  }
0x56: {  	_ =	shalt  }
0x57: {  	_ =	shalt  }
0x58: {  	_ =	shalt  }
0x59: {  	_ =	shalt  }
0x5a: {  	_ =	shalt  }
0x5b: {  	_ =	shalt  }
0x5c: {  	_ =	shalt  }
0x5d: {  	_ =	shalt  }
0x5e: {  	_ =	shalt  }
0x5f: {  	_ =	shalt  }
0x60: {  	_ =	shalt  }
0x61: {  	_ =	shalt  }
0x62: {  	_ =	shalt  }
0x63: {  	_ =	shalt  }
0x64: {  	_ =	shalt  }
0x65: {  	_ =	shalt  }
0x66: {  	_ =	shalt  }
0x67: {  	_ =	shalt  }
0x68: {  	_ =	shalt  }
0x69: {  	_ =	shalt  }
0x6a: {  	_ =	shalt  }
0x6b: {  	_ =	shalt  }
0x6c: {  	_ =	shalt  }
0x6d: {  	_ =	shalt  }
0x6e: {  	_ =	shalt  }
0x6f: {  	_ =	shalt  }
0x70: {  	_ =	shalt  }
0x71: {  	_ =	shalt  }
0x72: {  	_ =	shalt  }
0x73: {  	_ =	shalt  }
0x74: {  	_ =	shalt  }
0x75: {  	_ =	shalt  }
0x76: {  	_ =	shalt  }
0x77: {  	_ =	shalt  }
0x78: {  	_ =	shalt  }
0x79: {  	_ =	shalt  }
0x7a: {  	_ =	shalt  }
0x7b: {  	_ =	shalt  }
0x7c: {  	_ =	shalt  }
0x7d: {  	_ =	shalt  }
0x7e: {  	_ =	shalt  }
0x7f: {  	_ =	shalt  }
0x80: {  	_ =	shalt  }
0x81: {  	_ =	shalt  }
0x82: {  	_ =	shalt  }
0x83: {  	_ =	shalt  }
0x84: {  	_ =	shalt  }
0x85: {  	_ =	shalt  }
0x86: {  	_ =	shalt  }
0x87: {  	_ =	shalt  }
.Lfunc_end0:
.L_simem_size_0:
called_computation.2_lowered:
.L_overlay_start_0:
0x88: {  	s2 =	sld [smem:$0x3FD9]  }
0x89: {  	s3 =	sld [smem:$0x3FFE];
	_ =	sdelay $0x1  }
0x8a: {  	s1 =	srdreg.scid  }
0x8b: {  	s0 =	sand.u32 $0x1, s1  }
0x8c: {  	s14 =	sshll.u32 s0, $0xA;
	s2 =	sadd.s32 s3, s2  }
0x8d: {  	s2 =	sadd.s32 s2, s14  }
0x8e: {  	[smem:$0x3FBD] =	sst s2  }
0x8f: {  	_ = 	snop  }
0x90: {  	s2 =	sld [smem:$0x3FD0];
	_ =	sdelay $0x2  }
0x91: {  	s15 =	simm.s32 $0xA;
	s4 =	simm.s32 $0x10  }
0x92: {  	[smem:s4], [sflag:s15] =	dma.local [hbm:s2], $0x1  }
0x93: {  	_ =	swait.eq [sflag:s15], $0x1  }
0x94: {  	[sflag:s15] =	ssyncset.done $0x0  }
0x95: {  	[sflag:s15] =	ssyncadd.s32 $0xFFFFFFFF  }
0x96: {  	s16 =	sld [smem:$0x10];
	(tm) =	ssettm $0x1  }
0x97: {  	s17 =	sld [smem:$0x3FFB];
	_ =	sdelay $0x3  }
0x98: {  	_ =	strace s17  }
0x99: {  	s3 =	sld [smem:$0x3FFC];
	_ =	sdelay $0x3  }
0x9a: {  	_ =	strace s3  }
0x9b: {  	s3 =	sld [smem:$0x3FFD];
	_ =	sdelay $0x3  }
0x9c: {  	_ =	strace s3  }
0x9d: {  	_ =	strace $0x8FFFFFFF  }
0x9e: {  	s18 =	sld [smem:$0x3FDB];
	_ =	sdelay $0x1  }
0x9f: {  	s19 =	simm.s32 $_scs_section_size  }
0xa0: {  	s5 =	simm.s32 $_size__tile_overlayer_lowered;
	s6 =	simm.s32 $_tile_overlayer_lowered  }
0xa1: {  	s22 =	simm.s32 $0x1BFF;
	s21 =	sshll.u32 s6, $0x1;
	s3 =	sadd.s32 s19, s18  }
0xa2: {  	s7 =	simm.s32 $0x0;
	s20 =	sshll.u32 s5, $0x1;
	s5 =	sadd.s32 s21, s3  }
0xa3: {  	[timem:s7], [sflag:s22] =	dma.local [hbm:s5], s20  }
0xa4: {  	_ =	swait.ge [sflag:s22], s20  }
0xa5: {  	s4 =	ssub.s32 $0x0, s20;
	[sflag:s22] =	ssyncset.done $0x0  }
0xa6: {  	[sflag:s22] =	ssyncadd.s32 s4;
	_ =	sdelay $0x1  }
0xa7: {  	s23 =	simm.s32 $0x1B8B  }
0xa8: {  	_ =	swait.ge [sflag:s23], $0x1  }
0xa9: {  	[sflag:s23] =	ssyncset.done $0x0  }
0xaa: {  	s25 =	simm.s32 $0x1B8E;
	s24 =	sld [smem:$0x3FFE];
	[sflag:s23] =	ssyncadd.s32 $0xFFFFFFFF  }
0xab: {  	s26 =	simm.s32 $execute0_lowered;
	[smem:$0x3FD2] =	sst s25  }
0xac: {  	s5 =	sshll.u32 s26, $0x1;
	_ =	strace $0x8000004C;
	[dreg:$0x1] =	wrdreg $0xFFFFFFFF  }
0xad: {  	s28 =	simm.s32 $_size_execute0_lowered;
	s3 =	sadd.s32 s3, s5;
	[dreg:$0x0] =	wrdreg $0x0  }
0xae: {  	s5 =	sshll.u32 s28, $0x1;
	[dreg:$0x2] =	wrdreg s3  }
0xaf: {  	[dreg:$0x3] =	wrdreg s5  }
0xb0: {  	[dreg:$0x4] =	wrdreg $0xC0  }
0xb1: {  	_ =	task [dreg:s7], $0x5FFFF  }
0xb2: {  	[dreg:$0x1] =	wrdreg $0xFFFFFFFF  }
0xb3: {  	[dreg:$0x0] =	wrdreg $0x60  }
0xb4: {  	[dreg:$0x2] =	wrdreg s24  }
0xb5: {  	[dreg:$0x3] =	wrdreg s16  }
0xb6: {  	[dreg:$0x4] =	wrdreg $0x50000  }
0xb7: {  	[dreg:$0x5] =	wrdreg $0x9  }
0xb8: {  	_ =	task.clear_ibuf [dreg:s7], $0x6FFFF;
	_ =	strace $0x9000004C  }
0xb9: {  	s29 =	simm.s32 $0x9;
	_ =	strace $0x8000004E  }
0xba: {  	_ =	swait.ge [sflag:s29], $0x1  }
0xbb: {  	[sflag:s29] =	ssyncadd.s32 $0xFFFFFFFF  }
0xbc: {  	_ =	strace $0x9000004E  }
0xbd: {  	_ =	sfence  }
0xbe: {  	s30 =	sld [smem:$0x0];
	_ =	sdelay $0x2  }
0xbf: {  	s31 =	sshll.u32 s1, $0xD;
	s1 =	sshrl.u32 s1, $0x2  }
0xc0: {  	s3 =	sand.u32 $0x4000, s31;
	s1 =	sadd.s32 s1, s30  }
0xc1: {  	s0 =	sor.u32 s3, s0;
	s1 =	sshll.u32 s1, $0x11  }
0xc2: {  	s0 =	sor.u32 s1, s0  }
0xc3: {  	s0 =	sadd.s32 $0x8F2B, s0  }
0xc4: {  	[sflag:s0] =	ssyncadd.remote.s32 $0x1  }
0xc5: {  	_ =	sfence.sel $0xFFFF  }
0xc6: {  	[dreg:$0x0] =	wrdreg $0xFFFFFFFF;
	(pc) =	sbr.abs _section_cstart, $3  }
0xc7: {  	[dreg:$0x1] =	wrdreg $0xFFFFFFFF  }
0xc8: {  	_ =	task.clear_ibuf [dreg:s7], $0x2FFFF;
	_ =	strace $0x9FFFFFFF  }
0xc9: {  	(tm) =	ssettm $0x7FFFFFFF  }
tec
execute0_lowered:
.L_overlay_start_1:
0x0: {  	(tag) =	ssettag $0x1  }
0x1: {  	s0 =	rddreg [dreg:$0x0]  }
0x2: {  	s1 =	rddreg [dreg:$0x1]  }
0x3: {  	s2 =	rddreg [dreg:$0x2]  }
0x4: {  	s13 =	stileid.u32;
	s4 =	srdreg.scid  }
0x5: {  	s3 =	simm.s32 $0x0;
	s14 =	simm.s32 $0x800;
	s15 =	simm.s32 $0x40  }
0x6: {  	s16 =	simm.s32 $0x1000;
	s28 =	simm.s32 $0x400;
	s29 =	simm.s32 $0x480  }
0x7: {  	s30 =	simm.s32 $0xC00;
	s6 =	smul.u32 $0xA00, s13;
	s7 =	sand.u32 $0x1, s4  }
0x8: {  	[smem:$0x7FF] =	sst s3;
	s9 =	smul.u32 $0x280, s13;
	s4 =	sadd.s32 $0x18600, s0  }
0x9: {  	s5 =	sadd.s32 $0x11C600, s0;
	s11 =	smul.u32 $0x50000, s13;
	s18 =	sshll.u32 s13, $0x6  }
0xa: {  	s13 =	simm.s32 $0x3;
	s8 =	smul.u32 $0x2800, s7;
	_ =	strace $0x8000004D  }
0xb: {  	s17 =	ssub.s32 $0x2, s7;
	s7 =	smul.u32 $0xA000, s7;
	s31 =	sor.u32 $0x1C03, s18  }
0xc: {  	s18 =	simm.s32 $0x3000;
	s10 =	sadd.s32 s6, s0;
	s12 =	sshrl.u32 s17, $0x1  }
0xd: {  	s11 =	sshrl.u32 s11, $0x2;
	[dreg:$0x9] =	wrdreg s31;
	s8 =	sadd.s32 s9, s8  }
0xe: {  	s9 =	ssub.s32 s17, s12;
	s11 =	sadd.s32 s11, s2;
	s1 =	sadd.s32 s7, s1  }
0xf: {  	s20 =	sadd.s32 $0x4600, s10;
	s21 =	sadd.s32 s7, s10;
	s25 =	sadd.s32 $0xE600, s10  }
0x10: {  	s10 =	simm.s32 $0xD00;
	s7 =	simm.s32 $0x600;
	s12 =	simm.s32 $0x680  }
0x11: {  	s17 =	simm.s32 $0xE00;
	s8 =	sshll.u32 s8, $0x4;
	s1 =	sadd.s32 s6, s1  }
0x12: {  	[dreg:$0x5] =	wrdreg s20;
	s23 =	sadd.s32 $0x108600, s21;
	s26 =	smax.u32 s9, $0x1  }
0x13: {  	[dreg:$0x7] =	wrdreg s25;
	s20 =	simm.s32 $0x2;
	s6 =	simm.s32 $0x0  }
0x14: {  	s9 =	simm.s32 $0x580;
	s21 =	simm.s32 $0xE80;
	[dreg:$0x4] =	wrdreg s1  }
0x15: {  	s25 =	simm.s32 $0xF80;
	s0 =	sadd.s32 s8, s0;
	[dreg:$0x6] =	wrdreg s23  }
0x16: {  	s19 =	sadd.s32 s4, s8;
	s24 =	sadd.s32 s5, s8;
	[dreg:$0xd] =	wrdreg s26  }
0x17: {  	s1 =	sshrl.u32 s11, $0x3;
	s26 =	simm.s32 $0xB80;
	[dreg:$0x8] =	wrdreg s19  }
0x18: {  	s8 =	simm.s32 $0x500;
	s11 =	simm.s32 $0xD80;
	[dreg:$0xb] =	wrdreg s24  }
0x19: {  	s23 =	simm.s32 $0x780;
	s22 =	sadd.s32 $0x16C600, s0;
	[dreg:$0xe] =	wrdreg s1  }
0x1a: {  	s0 =	sadd.s32 $0x1BC600, s0;
	s19 =	simm.s32 $0x1;
	[dreg:$0xa] =	wrdreg s22  }
0x1b: {  	s24 =	simm.s32 $0xF00;
	[dreg:$0xc] =	wrdreg s0;
	s22 =	simm.s32 $0x700  }
.LBB2_1:
0x1c: {  	[dreg:$0xf] =	wrdreg s6  }
0x1d: {  	s0 =	rddreg [dreg:$0x8]  }
0x1e: {  	[spmem:s1], [sflag:s31] =	dma.local [hbm:s0], $0x2800  }
0x1f: {  	_ =	swait.ge [sflag:s13], $0x2800  }
0x20: {  	[sflag:s13] =	ssyncset.done $0x0  }
0x21: {  	[sflag:s13] =	ssyncadd.s32 $0xFFFFD800  }
0x22: {  	[bflag:$0x0] =	sbarrier.arrive $0xFFFF  }
0x23: {  	s31 =	rddreg [dreg:$0x4]  }
0x24: {  	s31 =	sadd.s32 $0x0, s31  }
0x25: {  	[tilespmem:s3], [sflag:$0x3] =	stream.linear.gather [hbm4b:s31+s3], $0x800, $0x38;
	[tilespmem:$0x19000] =	vst v63  }
0x26: {  	_ =	swait.ge [sflag:s13], $0x800  }
0x27: {  	s31 =	rddreg [dreg:$0x5];
	[sflag:s13] =	ssyncset.done $0x0  }
0x28: {  	[sflag:s13] =	ssyncadd.s32 $0xFFFFF800;
	s31 =	sadd.s32 $0x0, s31  }
0x29: {  	[tilespmem:s14], [sflag:$0x3] =	stream.linear.gather [hbm4b:s31+s3], $0x800, $0x38;
	[tilespmem:$0x19000] =	vst v63  }
0x2a: {  	_ =	swait.ge [sflag:s13], $0x800  }
0x2b: {  	[sflag:s13] =	ssyncset.done $0x0  }
0x2c: {  	[sflag:s13] =	ssyncadd.s32 $0xFFFFF800  }
0x2d: {  	[tilespmem:s16], [sflag:$0x1] =	stream.indirect.gather [hbm4b:s4+s15], $0x80, s3, s15, $0xb8;
	[tilespmem:$0x19000] =	vst v63  }
0x2e: {  	s6 =	simm.s32 $0x80  }
0x2f: {  	[tilespmem:s18], [sflag:$0x2] =	stream.indirect.gather [hbm4b:s4+s15], $0x80, s6, s15, $0xb8;
	[tilespmem:$0x19000] =	vst v63  }
0x30: {  	_ =	swait.ge [sflag:s19], $0x2000  }
0x31: {  	[sflag:s19] =	ssyncset.done $0x0  }
0x32: {  	[sflag:s19] =	ssyncadd.s32 $0xFFFFE000  }
0x33: {  	[spmem:s2] =	stream.indirect.scatter.add.f32 [tilespmem:s16], [sflag:$0x3], $0x80, s14, s15, $0xb8;
	[tilespmem:$0x19000] =	vst v63  }
0x34: {  	_ =	swait.ge [sflag:s13], $0x2000  }
0x35: {  	[sflag:s13] =	ssyncset.done $0x0  }
0x36: {  	[sflag:s13] =	ssyncadd.s32 $0xFFFFE000  }
0x37: {  	_ =	swait.ge [sflag:s20], $0x2000  }
0x38: {  	[sflag:s20] =	ssyncset.done $0x0  }
0x39: {  	s1 =	simm.s32 $0x880;
	[sflag:s20] =	ssyncadd.s32 $0xFFFFE000  }
0x3a: {  	[spmem:s2] =	stream.indirect.scatter.add.f32 [tilespmem:s18], [sflag:$0x3], $0x80, s1, s15, $0xb8;
	[tilespmem:$0x19000] =	vst v63  }
0x3b: {  	_ =	swait.ge [sflag:s13], $0x2000  }
0x3c: {  	[sflag:s13] =	ssyncset.done $0x0  }
0x3d: {  	s6 =	simm.s32 $0x100;
	[sflag:s13] =	ssyncadd.s32 $0xFFFFE000  }
0x3e: {  	[tilespmem:s16], [sflag:$0x1] =	stream.indirect.gather [hbm4b:s4+s15], $0x80, s6, s15, $0xb8;
	[tilespmem:$0x19000] =	vst v63  }
0x3f: {  	s1 =	simm.s32 $0x180  }
0x40: {  	[tilespmem:s18], [sflag:$0x2] =	stream.indirect.gather [hbm4b:s4+s15], $0x80, s1, s15, $0xb8;
	[tilespmem:$0x19000] =	vst v63  }
0x41: {  	_ =	swait.ge [sflag:s19], $0x2000  }
0x42: {  	[sflag:s19] =	ssyncset.done $0x0  }
0x43: {  	s6 =	simm.s32 $0x900;
	[sflag:s19] =	ssyncadd.s32 $0xFFFFE000  }
0x44: {  	[spmem:s2] =	stream.indirect.scatter.add.f32 [tilespmem:s16], [sflag:$0x3], $0x80, s6, s15, $0xb8;
	[tilespmem:$0x19000] =	vst v63  }
0x45: {  	_ =	swait.ge [sflag:s13], $0x2000  }
0x46: {  	[sflag:s13] =	ssyncset.done $0x0  }
0x47: {  	[sflag:s13] =	ssyncadd.s32 $0xFFFFE000  }
0x48: {  	_ =	swait.ge [sflag:s20], $0x2000  }
0x49: {  	[sflag:s20] =	ssyncset.done $0x0  }
0x4a: {  	s1 =	simm.s32 $0x980;
	[sflag:s20] =	ssyncadd.s32 $0xFFFFE000  }
0x4b: {  	[spmem:s2] =	stream.indirect.scatter.add.f32 [tilespmem:s18], [sflag:$0x3], $0x80, s1, s15, $0xb8;
	[tilespmem:$0x19000] =	vst v63  }
0x4c: {  	_ =	swait.ge [sflag:s13], $0x2000  }
0x4d: {  	[sflag:s13] =	ssyncset.done $0x0  }
0x4e: {  	s6 =	simm.s32 $0x200;
	[sflag:s13] =	ssyncadd.s32 $0xFFFFE000  }
0x4f: {  	[tilespmem:s16], [sflag:$0x1] =	stream.indirect.gather [hbm4b:s4+s15], $0x80, s6, s15, $0xb8;
	[tilespmem:$0x19000] =	vst v63  }
0x50: {  	s1 =	simm.s32 $0x280  }
0x51: {  	[tilespmem:s18], [sflag:$0x2] =	stream.indirect.gather [hbm4b:s4+s15], $0x80, s1, s15, $0xb8;
	[tilespmem:$0x19000] =	vst v63  }
0x52: {  	_ =	swait.ge [sflag:s19], $0x2000  }
0x53: {  	[sflag:s19] =	ssyncset.done $0x0  }
0x54: {  	s6 =	simm.s32 $0xA00;
	[sflag:s19] =	ssyncadd.s32 $0xFFFFE000  }
0x55: {  	[spmem:s2] =	stream.indirect.scatter.add.f32 [tilespmem:s16], [sflag:$0x3], $0x80, s6, s15, $0xb8;
	[tilespmem:$0x19000] =	vst v63  }
0x56: {  	_ =	swait.ge [sflag:s13], $0x2000  }
0x57: {  	[sflag:s13] =	ssyncset.done $0x0  }
0x58: {  	[sflag:s13] =	ssyncadd.s32 $0xFFFFE000  }
0x59: {  	_ =	swait.ge [sflag:s20], $0x2000  }
0x5a: {  	[sflag:s20] =	ssyncset.done $0x0  }
0x5b: {  	s1 =	simm.s32 $0xA80;
	[sflag:s20] =	ssyncadd.s32 $0xFFFFE000  }
0x5c: {  	[spmem:s2] =	stream.indirect.scatter.add.f32 [tilespmem:s18], [sflag:$0x3], $0x80, s1, s15, $0xb8;
	[tilespmem:$0x19000] =	vst v63  }
0x5d: {  	_ =	swait.ge [sflag:s13], $0x2000  }
0x5e: {  	[sflag:s13] =	ssyncset.done $0x0  }
0x5f: {  	s6 =	simm.s32 $0x300;
	[sflag:s13] =	ssyncadd.s32 $0xFFFFE000  }
0x60: {  	[tilespmem:s16], [sflag:$0x1] =	stream.indirect.gather [hbm4b:s4+s15], $0x80, s6, s15, $0xb8;
	[tilespmem:$0x19000] =	vst v63  }
0x61: {  	s1 =	simm.s32 $0x380  }
0x62: {  	[tilespmem:s18], [sflag:$0x2] =	stream.indirect.gather [hbm4b:s4+s15], $0x80, s1, s15, $0xb8;
	[tilespmem:$0x19000] =	vst v63  }
0x63: {  	_ =	swait.ge [sflag:s19], $0x2000  }
0x64: {  	[sflag:s19] =	ssyncset.done $0x0  }
0x65: {  	s6 =	simm.s32 $0xB00;
	[sflag:s19] =	ssyncadd.s32 $0xFFFFE000  }
0x66: {  	[spmem:s2] =	stream.indirect.scatter.add.f32 [tilespmem:s16], [sflag:$0x3], $0x80, s6, s15, $0xb8;
	[tilespmem:$0x19000] =	vst v63  }
0x67: {  	_ =	swait.ge [sflag:s13], $0x2000  }
0x68: {  	[sflag:s13] =	ssyncset.done $0x0  }
0x69: {  	[sflag:s13] =	ssyncadd.s32 $0xFFFFE000  }
0x6a: {  	_ =	swait.ge [sflag:s20], $0x2000  }
0x6b: {  	[sflag:s20] =	ssyncset.done $0x0  }
0x6c: {  	[sflag:s20] =	ssyncadd.s32 $0xFFFFE000  }
0x6d: {  	[spmem:s2] =	stream.indirect.scatter.add.f32 [tilespmem:s18], [sflag:$0x3], $0x80, s26, s15, $0xb8;
	[tilespmem:$0x19000] =	vst v63  }
0x6e: {  	_ =	swait.ge [sflag:s13], $0x2000  }
0x6f: {  	[sflag:s13] =	ssyncset.done $0x0  }
0x70: {  	[sflag:s13] =	ssyncadd.s32 $0xFFFFE000  }
0x71: {  	[tilespmem:s16], [sflag:$0x1] =	stream.indirect.gather [hbm4b:s4+s15], $0x80, s28, s15, $0xb8;
	[tilespmem:$0x19000] =	vst v63  }
0x72: {  	_ = 	snop  }
0x73: {  	[tilespmem:s18], [sflag:$0x2] =	stream.indirect.gather [hbm4b:s4+s15], $0x80, s29, s15, $0xb8;
	[tilespmem:$0x19000] =	vst v63  }
0x74: {  	_ =	swait.ge [sflag:s19], $0x2000  }
0x75: {  	[sflag:s19] =	ssyncset.done $0x0  }
0x76: {  	[sflag:s19] =	ssyncadd.s32 $0xFFFFE000  }
0x77: {  	[spmem:s2] =	stream.indirect.scatter.add.f32 [tilespmem:s16], [sflag:$0x3], $0x80, s30, s15, $0xb8;
	[tilespmem:$0x19000] =	vst v63  }
0x78: {  	_ =	swait.ge [sflag:s13], $0x2000  }
0x79: {  	[sflag:s13] =	ssyncset.done $0x0  }
0x7a: {  	[sflag:s13] =	ssyncadd.s32 $0xFFFFE000  }
0x7b: {  	_ =	swait.ge [sflag:s20], $0x2000  }
0x7c: {  	[sflag:s20] =	ssyncset.done $0x0  }
0x7d: {  	s6 =	simm.s32 $0xC80;
	[sflag:s20] =	ssyncadd.s32 $0xFFFFE000  }
0x7e: {  	[spmem:s2] =	stream.indirect.scatter.add.f32 [tilespmem:s18], [sflag:$0x3], $0x80, s6, s15, $0xb8;
	[tilespmem:$0x19000] =	vst v63  }
0x7f: {  	_ =	swait.ge [sflag:s13], $0x2000  }
0x80: {  	[sflag:s13] =	ssyncset.done $0x0  }
0x81: {  	[sflag:s13] =	ssyncadd.s32 $0xFFFFE000  }
0x82: {  	[tilespmem:s16], [sflag:$0x1] =	stream.indirect.gather [hbm4b:s4+s15], $0x80, s8, s15, $0xb8;
	[tilespmem:$0x19000] =	vst v63  }
0x83: {  	_ = 	snop  }
0x84: {  	[tilespmem:s18], [sflag:$0x2] =	stream.indirect.gather [hbm4b:s4+s15], $0x80, s9, s15, $0xb8;
	[tilespmem:$0x19000] =	vst v63  }
0x85: {  	_ =	swait.ge [sflag:s19], $0x2000  }
0x86: {  	[sflag:s19] =	ssyncset.done $0x0  }
0x87: {  	[sflag:s19] =	ssyncadd.s32 $0xFFFFE000  }
0x88: {  	[spmem:s2] =	stream.indirect.scatter.add.f32 [tilespmem:s16], [sflag:$0x3], $0x80, s10, s15, $0xb8;
	[tilespmem:$0x19000] =	vst v63  }
0x89: {  	_ =	swait.ge [sflag:s13], $0x2000  }
0x8a: {  	[sflag:s13] =	ssyncset.done $0x0  }
0x8b: {  	[sflag:s13] =	ssyncadd.s32 $0xFFFFE000  }
0x8c: {  	_ =	swait.ge [sflag:s20], $0x2000  }
0x8d: {  	[sflag:s20] =	ssyncset.done $0x0  }
0x8e: {  	[sflag:s20] =	ssyncadd.s32 $0xFFFFE000  }
0x8f: {  	[spmem:s2] =	stream.indirect.scatter.add.f32 [tilespmem:s18], [sflag:$0x3], $0x80, s11, s15, $0xb8;
	[tilespmem:$0x19000] =	vst v63  }
0x90: {  	_ =	swait.ge [sflag:s13], $0x2000  }
0x91: {  	[sflag:s13] =	ssyncset.done $0x0  }
0x92: {  	[sflag:s13] =	ssyncadd.s32 $0xFFFFE000  }
0x93: {  	[tilespmem:s16], [sflag:$0x1] =	stream.indirect.gather [hbm4b:s4+s15], $0x80, s7, s15, $0xb8;
	[tilespmem:$0x19000] =	vst v63  }
0x94: {  	_ = 	snop  }
0x95: {  	[tilespmem:s18], [sflag:$0x2] =	stream.indirect.gather [hbm4b:s4+s15], $0x80, s12, s15, $0xb8;
	[tilespmem:$0x19000] =	vst v63  }
0x96: {  	_ =	swait.ge [sflag:s19], $0x2000  }
0x97: {  	[sflag:s19] =	ssyncset.done $0x0  }
0x98: {  	[sflag:s19] =	ssyncadd.s32 $0xFFFFE000  }
0x99: {  	[spmem:s2] =	stream.indirect.scatter.add.f32 [tilespmem:s16], [sflag:$0x3], $0x80, s17, s15, $0xb8;
	[tilespmem:$0x19000] =	vst v63  }
0x9a: {  	_ =	swait.ge [sflag:s13], $0x2000  }
0x9b: {  	[sflag:s13] =	ssyncset.done $0x0  }
0x9c: {  	[sflag:s13] =	ssyncadd.s32 $0xFFFFE000  }
0x9d: {  	_ =	swait.ge [sflag:s20], $0x2000  }
0x9e: {  	[sflag:s20] =	ssyncset.done $0x0  }
0x9f: {  	[sflag:s20] =	ssyncadd.s32 $0xFFFFE000  }
0xa0: {  	[spmem:s2] =	stream.indirect.scatter.add.f32 [tilespmem:s18], [sflag:$0x3], $0x80, s21, s15, $0xb8;
	[tilespmem:$0x19000] =	vst v63  }
0xa1: {  	_ =	swait.ge [sflag:s13], $0x2000  }
0xa2: {  	[sflag:s13] =	ssyncset.done $0x0  }
0xa3: {  	[sflag:s13] =	ssyncadd.s32 $0xFFFFE000  }
0xa4: {  	[tilespmem:s16], [sflag:$0x1] =	stream.indirect.gather [hbm4b:s4+s15], $0x80, s22, s15, $0xb8;
	[tilespmem:$0x19000] =	vst v63  }
0xa5: {  	_ = 	snop  }
0xa6: {  	[tilespmem:s18], [sflag:$0x2] =	stream.indirect.gather [hbm4b:s4+s15], $0x80, s23, s15, $0xb8;
	[tilespmem:$0x19000] =	vst v63  }
0xa7: {  	_ =	swait.ge [sflag:s19], $0x2000  }
0xa8: {  	[sflag:s19] =	ssyncset.done $0x0  }
0xa9: {  	[sflag:s19] =	ssyncadd.s32 $0xFFFFE000  }
0xaa: {  	[spmem:s2] =	stream.indirect.scatter.add.f32 [tilespmem:s16], [sflag:$0x3], $0x80, s24, s15, $0xb8;
	[tilespmem:$0x19000] =	vst v63  }
0xab: {  	_ =	swait.ge [sflag:s13], $0x2000  }
0xac: {  	[sflag:s13] =	ssyncset.done $0x0  }
0xad: {  	[sflag:s13] =	ssyncadd.s32 $0xFFFFE000  }
0xae: {  	_ =	swait.ge [sflag:s20], $0x2000  }
0xaf: {  	[sflag:s20] =	ssyncset.done $0x0  }
0xb0: {  	[sflag:s20] =	ssyncadd.s32 $0xFFFFE000  }
0xb1: {  	[spmem:s2] =	stream.indirect.scatter.add.f32 [tilespmem:s18], [sflag:$0x3], $0x80, s25, s15, $0xb8;
	[tilespmem:$0x19000] =	vst v63  }
0xb2: {  	s31 =	simm.s32 $0x100;
	_ =	swait.ge [sflag:s13], $0x2000  }
.LBB2_2:
0xb3: {  	s0 =	rddreg [dreg:$0x4];
	s1 =	smov.u32 s31;
	[sflag:s13] =	ssyncset.done $0x0  }
0xb4: {  	s0 =	sadd.s32 s1, s0;
	[sflag:s13] =	ssyncadd.s32 $0xFFFFE000  }
0xb5: {  	[tilespmem:s3], [sflag:$0x3] =	stream.linear.gather [hbm4b:s0+s3], $0x800, $0x38;
	[tilespmem:$0x19000] =	vst v63  }
0xb6: {  	_ =	swait.ge [sflag:s13], $0x800  }
0xb7: {  	s0 =	rddreg [dreg:$0x5];
	[sflag:s13] =	ssyncset.done $0x0  }
0xb8: {  	[sflag:s13] =	ssyncadd.s32 $0xFFFFF800;
	s0 =	sadd.s32 s1, s0  }
0xb9: {  	[tilespmem:s14], [sflag:$0x3] =	stream.linear.gather [hbm4b:s0+s3], $0x800, $0x38;
	[tilespmem:$0x19000] =	vst v63  }
0xba: {  	_ =	swait.ge [sflag:s13], $0x800  }
0xbb: {  	[sflag:s13] =	ssyncset.done $0x0  }
0xbc: {  	[sflag:s13] =	ssyncadd.s32 $0xFFFFF800  }
0xbd: {  	[tilespmem:s16], [sflag:$0x1] =	stream.indirect.gather [hbm4b:s4+s15], $0x80, s3, s15, $0xb8;
	[tilespmem:$0x19000] =	vst v63  }
0xbe: {  	s1 =	simm.s32 $0x80  }
0xbf: {  	[tilespmem:s18], [sflag:$0x2] =	stream.indirect.gather [hbm4b:s4+s15], $0x80, s1, s15, $0xb8;
	[tilespmem:$0x19000] =	vst v63  }
0xc0: {  	_ =	swait.ge [sflag:s19], $0x2000  }
0xc1: {  	[sflag:s19] =	ssyncset.done $0x0  }
0xc2: {  	[sflag:s19] =	ssyncadd.s32 $0xFFFFE000  }
0xc3: {  	[spmem:s2] =	stream.indirect.scatter.add.f32 [tilespmem:s16], [sflag:$0x3], $0x80, s14, s15, $0xb8;
	[tilespmem:$0x19000] =	vst v63  }
0xc4: {  	_ =	swait.ge [sflag:s13], $0x2000  }
0xc5: {  	[sflag:s13] =	ssyncset.done $0x0  }
0xc6: {  	[sflag:s13] =	ssyncadd.s32 $0xFFFFE000  }
0xc7: {  	_ =	swait.ge [sflag:s20], $0x2000  }
0xc8: {  	[sflag:s20] =	ssyncset.done $0x0  }
0xc9: {  	s1 =	simm.s32 $0x880;
	[sflag:s20] =	ssyncadd.s32 $0xFFFFE000  }
0xca: {  	[spmem:s2] =	stream.indirect.scatter.add.f32 [tilespmem:s18], [sflag:$0x3], $0x80, s1, s15, $0xb8;
	[tilespmem:$0x19000] =	vst v63  }
0xcb: {  	_ =	swait.ge [sflag:s13], $0x2000  }
0xcc: {  	[sflag:s13] =	ssyncset.done $0x0  }
0xcd: {  	s1 =	simm.s32 $0x100;
	[sflag:s13] =	ssyncadd.s32 $0xFFFFE000  }
0xce: {  	[tilespmem:s16], [sflag:$0x1] =	stream.indirect.gather [hbm4b:s4+s15], $0x80, s1, s15, $0xb8;
	[tilespmem:$0x19000] =	vst v63  }
0xcf: {  	s1 =	simm.s32 $0x180  }
0xd0: {  	[tilespmem:s18], [sflag:$0x2] =	stream.indirect.gather [hbm4b:s4+s15], $0x80, s1, s15, $0xb8;
	[tilespmem:$0x19000] =	vst v63  }
0xd1: {  	_ =	swait.ge [sflag:s19], $0x2000  }
0xd2: {  	[sflag:s19] =	ssyncset.done $0x0  }
0xd3: {  	s1 =	simm.s32 $0x900;
	[sflag:s19] =	ssyncadd.s32 $0xFFFFE000  }
0xd4: {  	[spmem:s2] =	stream.indirect.scatter.add.f32 [tilespmem:s16], [sflag:$0x3], $0x80, s1, s15, $0xb8;
	[tilespmem:$0x19000] =	vst v63  }
0xd5: {  	_ =	swait.ge [sflag:s13], $0x2000  }
0xd6: {  	[sflag:s13] =	ssyncset.done $0x0  }
0xd7: {  	[sflag:s13] =	ssyncadd.s32 $0xFFFFE000  }
0xd8: {  	_ =	swait.ge [sflag:s20], $0x2000  }
0xd9: {  	[sflag:s20] =	ssyncset.done $0x0  }
0xda: {  	s1 =	simm.s32 $0x980;
	[sflag:s20] =	ssyncadd.s32 $0xFFFFE000  }
0xdb: {  	[spmem:s2] =	stream.indirect.scatter.add.f32 [tilespmem:s18], [sflag:$0x3], $0x80, s1, s15, $0xb8;
	[tilespmem:$0x19000] =	vst v63  }
0xdc: {  	_ =	swait.ge [sflag:s13], $0x2000  }
0xdd: {  	[sflag:s13] =	ssyncset.done $0x0  }
0xde: {  	s1 =	simm.s32 $0x200;
	[sflag:s13] =	ssyncadd.s32 $0xFFFFE000  }
0xdf: {  	[tilespmem:s16], [sflag:$0x1] =	stream.indirect.gather [hbm4b:s4+s15], $0x80, s1, s15, $0xb8;
	[tilespmem:$0x19000] =	vst v63  }
0xe0: {  	s1 =	simm.s32 $0x280  }
0xe1: {  	[tilespmem:s18], [sflag:$0x2] =	stream.indirect.gather [hbm4b:s4+s15], $0x80, s1, s15, $0xb8;
	[tilespmem:$0x19000] =	vst v63  }
0xe2: {  	_ =	swait.ge [sflag:s19], $0x2000  }
0xe3: {  	[sflag:s19] =	ssyncset.done $0x0  }
0xe4: {  	s1 =	simm.s32 $0xA00;
	[sflag:s19] =	ssyncadd.s32 $0xFFFFE000  }
0xe5: {  	[spmem:s2] =	stream.indirect.scatter.add.f32 [tilespmem:s16], [sflag:$0x3], $0x80, s1, s15, $0xb8;
	[tilespmem:$0x19000] =	vst v63  }
0xe6: {  	_ =	swait.ge [sflag:s13], $0x2000  }
0xe7: {  	[sflag:s13] =	ssyncset.done $0x0  }
0xe8: {  	[sflag:s13] =	ssyncadd.s32 $0xFFFFE000  }
0xe9: {  	_ =	swait.ge [sflag:s20], $0x2000  }
0xea: {  	[sflag:s20] =	ssyncset.done $0x0  }
0xeb: {  	s1 =	simm.s32 $0xA80;
	[sflag:s20] =	ssyncadd.s32 $0xFFFFE000  }
0xec: {  	[spmem:s2] =	stream.indirect.scatter.add.f32 [tilespmem:s18], [sflag:$0x3], $0x80, s1, s15, $0xb8;
	[tilespmem:$0x19000] =	vst v63  }
0xed: {  	_ =	swait.ge [sflag:s13], $0x2000  }
0xee: {  	[sflag:s13] =	ssyncset.done $0x0  }
0xef: {  	s1 =	simm.s32 $0x300;
	[sflag:s13] =	ssyncadd.s32 $0xFFFFE000  }
0xf0: {  	[tilespmem:s16], [sflag:$0x1] =	stream.indirect.gather [hbm4b:s4+s15], $0x80, s1, s15, $0xb8;
	[tilespmem:$0x19000] =	vst v63  }
0xf1: {  	s1 =	simm.s32 $0x380  }
0xf2: {  	[tilespmem:s18], [sflag:$0x2] =	stream.indirect.gather [hbm4b:s4+s15], $0x80, s1, s15, $0xb8;
	[tilespmem:$0x19000] =	vst v63  }
0xf3: {  	_ =	swait.ge [sflag:s19], $0x2000  }
0xf4: {  	[sflag:s19] =	ssyncset.done $0x0  }
0xf5: {  	s1 =	simm.s32 $0xB00;
	[sflag:s19] =	ssyncadd.s32 $0xFFFFE000  }
0xf6: {  	[spmem:s2] =	stream.indirect.scatter.add.f32 [tilespmem:s16], [sflag:$0x3], $0x80, s1, s15, $0xb8;
	[tilespmem:$0x19000] =	vst v63  }
0xf7: {  	_ =	swait.ge [sflag:s13], $0x2000  }
0xf8: {  	[sflag:s13] =	ssyncset.done $0x0  }
0xf9: {  	[sflag:s13] =	ssyncadd.s32 $0xFFFFE000  }
0xfa: {  	_ =	swait.ge [sflag:s20], $0x2000  }
0xfb: {  	[sflag:s20] =	ssyncset.done $0x0  }
0xfc: {  	[sflag:s20] =	ssyncadd.s32 $0xFFFFE000  }
0xfd: {  	[spmem:s2] =	stream.indirect.scatter.add.f32 [tilespmem:s18], [sflag:$0x3], $0x80, s26, s15, $0xb8;
	[tilespmem:$0x19000] =	vst v63  }
0xfe: {  	_ =	swait.ge [sflag:s13], $0x2000  }
0xff: {  	[sflag:s13] =	ssyncset.done $0x0  }
0x100: {  	[sflag:s13] =	ssyncadd.s32 $0xFFFFE000  }
0x101: {  	[tilespmem:s16], [sflag:$0x1] =	stream.indirect.gather [hbm4b:s4+s15], $0x80, s28, s15, $0xb8;
	[tilespmem:$0x19000] =	vst v63  }
0x102: {  	_ = 	snop  }
0x103: {  	[tilespmem:s18], [sflag:$0x2] =	stream.indirect.gather [hbm4b:s4+s15], $0x80, s29, s15, $0xb8;
	[tilespmem:$0x19000] =	vst v63  }
0x104: {  	_ =	swait.ge [sflag:s19], $0x2000  }
0x105: {  	[sflag:s19] =	ssyncset.done $0x0  }
0x106: {  	[sflag:s19] =	ssyncadd.s32 $0xFFFFE000  }
0x107: {  	[spmem:s2] =	stream.indirect.scatter.add.f32 [tilespmem:s16], [sflag:$0x3], $0x80, s30, s15, $0xb8;
	[tilespmem:$0x19000] =	vst v63  }
0x108: {  	_ =	swait.ge [sflag:s13], $0x2000  }
0x109: {  	[sflag:s13] =	ssyncset.done $0x0  }
0x10a: {  	[sflag:s13] =	ssyncadd.s32 $0xFFFFE000  }
0x10b: {  	_ =	swait.ge [sflag:s20], $0x2000  }
0x10c: {  	[sflag:s20] =	ssyncset.done $0x0  }
0x10d: {  	[sflag:s20] =	ssyncadd.s32 $0xFFFFE000  }
0x10e: {  	[spmem:s2] =	stream.indirect.scatter.add.f32 [tilespmem:s18], [sflag:$0x3], $0x80, s6, s15, $0xb8;
	[tilespmem:$0x19000] =	vst v63  }
0x10f: {  	_ =	swait.ge [sflag:s13], $0x2000  }
0x110: {  	[sflag:s13] =	ssyncset.done $0x0  }
0x111: {  	[sflag:s13] =	ssyncadd.s32 $0xFFFFE000  }
0x112: {  	[tilespmem:s16], [sflag:$0x1] =	stream.indirect.gather [hbm4b:s4+s15], $0x80, s8, s15, $0xb8;
	[tilespmem:$0x19000] =	vst v63  }
0x113: {  	_ = 	snop  }
0x114: {  	[tilespmem:s18], [sflag:$0x2] =	stream.indirect.gather [hbm4b:s4+s15], $0x80, s9, s15, $0xb8;
	[tilespmem:$0x19000] =	vst v63  }
0x115: {  	_ =	swait.ge [sflag:s19], $0x2000  }
0x116: {  	[sflag:s19] =	ssyncset.done $0x0  }
0x117: {  	[sflag:s19] =	ssyncadd.s32 $0xFFFFE000  }
0x118: {  	[spmem:s2] =	stream.indirect.scatter.add.f32 [tilespmem:s16], [sflag:$0x3], $0x80, s10, s15, $0xb8;
	[tilespmem:$0x19000] =	vst v63  }
0x119: {  	_ =	swait.ge [sflag:s13], $0x2000  }
0x11a: {  	[sflag:s13] =	ssyncset.done $0x0  }
0x11b: {  	[sflag:s13] =	ssyncadd.s32 $0xFFFFE000  }
0x11c: {  	_ =	swait.ge [sflag:s20], $0x2000  }
0x11d: {  	[sflag:s20] =	ssyncset.done $0x0  }
0x11e: {  	[sflag:s20] =	ssyncadd.s32 $0xFFFFE000  }
0x11f: {  	[spmem:s2] =	stream.indirect.scatter.add.f32 [tilespmem:s18], [sflag:$0x3], $0x80, s11, s15, $0xb8;
	[tilespmem:$0x19000] =	vst v63  }
0x120: {  	_ =	swait.ge [sflag:s13], $0x2000  }
0x121: {  	[sflag:s13] =	ssyncset.done $0x0  }
0x122: {  	[sflag:s13] =	ssyncadd.s32 $0xFFFFE000  }
0x123: {  	[tilespmem:s16], [sflag:$0x1] =	stream.indirect.gather [hbm4b:s4+s15], $0x80, s7, s15, $0xb8;
	[tilespmem:$0x19000] =	vst v63  }
0x124: {  	_ = 	snop  }
0x125: {  	[tilespmem:s18], [sflag:$0x2] =	stream.indirect.gather [hbm4b:s4+s15], $0x80, s12, s15, $0xb8;
	[tilespmem:$0x19000] =	vst v63  }
0x126: {  	_ =	swait.ge [sflag:s19], $0x2000  }
0x127: {  	[sflag:s19] =	ssyncset.done $0x0  }
0x128: {  	[sflag:s19] =	ssyncadd.s32 $0xFFFFE000  }
0x129: {  	[spmem:s2] =	stream.indirect.scatter.add.f32 [tilespmem:s16], [sflag:$0x3], $0x80, s17, s15, $0xb8;
	[tilespmem:$0x19000] =	vst v63  }
0x12a: {  	_ =	swait.ge [sflag:s13], $0x2000  }
0x12b: {  	[sflag:s13] =	ssyncset.done $0x0  }
0x12c: {  	[sflag:s13] =	ssyncadd.s32 $0xFFFFE000  }
0x12d: {  	_ =	swait.ge [sflag:s20], $0x2000  }
0x12e: {  	[sflag:s20] =	ssyncset.done $0x0  }
0x12f: {  	[sflag:s20] =	ssyncadd.s32 $0xFFFFE000  }
0x130: {  	[spmem:s2] =	stream.indirect.scatter.add.f32 [tilespmem:s18], [sflag:$0x3], $0x80, s21, s15, $0xb8;
	[tilespmem:$0x19000] =	vst v63  }
0x131: {  	_ =	swait.ge [sflag:s13], $0x2000  }
0x132: {  	[sflag:s13] =	ssyncset.done $0x0  }
0x133: {  	[sflag:s13] =	ssyncadd.s32 $0xFFFFE000  }
0x134: {  	[tilespmem:s16], [sflag:$0x1] =	stream.indirect.gather [hbm4b:s4+s15], $0x80, s22, s15, $0xb8;
	[tilespmem:$0x19000] =	vst v63  }
0x135: {  	_ = 	snop  }
0x136: {  	[tilespmem:s18], [sflag:$0x2] =	stream.indirect.gather [hbm4b:s4+s15], $0x80, s23, s15, $0xb8;
	[tilespmem:$0x19000] =	vst v63  }
0x137: {  	_ =	swait.ge [sflag:s19], $0x2000  }
0x138: {  	[sflag:s19] =	ssyncset.done $0x0  }
0x139: {  	[sflag:s19] =	ssyncadd.s32 $0xFFFFE000  }
0x13a: {  	[spmem:s2] =	stream.indirect.scatter.add.f32 [tilespmem:s16], [sflag:$0x3], $0x80, s24, s15, $0xb8;
	[tilespmem:$0x19000] =	vst v63  }
0x13b: {  	_ =	swait.ge [sflag:s13], $0x2000  }
0x13c: {  	[sflag:s13] =	ssyncset.done $0x0  }
0x13d: {  	p0 =	sne.s32 s31, $0x900;
	[sflag:s13] =	ssyncadd.s32 $0xFFFFE000  }
.Ltmp0:
0x13e: {  	_ =	swait.ge [sflag:s20], $0x2000;
	(pc) =	sbr.rel @p0 .LBB2_2-.Ltmp0, $4  }
0x13f: {  	[sflag:s20] =	ssyncset.done $0x0  }
0x140: {  	[sflag:s20] =	ssyncadd.s32 $0xFFFFE000  }
0x141: {  	[spmem:s2] =	stream.indirect.scatter.add.f32 [tilespmem:s18], [sflag:$0x3], $0x80, s25, s15, $0xb8;
	[tilespmem:$0x19000] =	vst v63  }
0x142: {  	s31 =	sadd.s32 $0x100, s31;
	_ =	swait.ge [sflag:s13], $0x2000  }
0x143: {  	[sflag:s13] =	ssyncset.done $0x0  }
0x144: {  	[sflag:s13] =	ssyncadd.s32 $0xFFFFE000  }
0x145: {  	[bflag:$0x0] =	sbarrier.arrive $0xFFFF  }
0x146: {  	s0 =	rddreg [dreg:$0x9]  }
0x147: {  	s1 =	rddreg [dreg:$0xa]  }
0x148: {  	s31 =	rddreg [dreg:$0xe]  }
0x149: {  	[hbm:s1], [sflag:s0] =	dma.local [spmem:s31], $0x2800  }
0x14a: {  	_ =	swait.ge [sflag:s13], $0x2800  }
0x14b: {  	[sflag:s13] =	ssyncset.done $0x0  }
0x14c: {  	[sflag:s13] =	ssyncadd.s32 $0xFFFFD800  }
0x14d: {  	[bflag:$0x0] =	sbarrier.arrive $0xFFFF  }
0x14e: {  	s1 =	rddreg [dreg:$0xb]  }
0x14f: {  	[spmem:s31], [sflag:s0] =	dma.local [hbm:s1], $0x2800  }
0x150: {  	_ =	swait.ge [sflag:s13], $0x2800  }
0x151: {  	[sflag:s13] =	ssyncset.done $0x0  }
0x152: {  	[sflag:s13] =	ssyncadd.s32 $0xFFFFD800  }
0x153: {  	[bflag:$0x0] =	sbarrier.arrive $0xFFFF  }
0x154: {  	s1 =	rddreg [dreg:$0x6]  }
0x155: {  	s0 =	sadd.s32 $0x0, s1  }
0x156: {  	[tilespmem:s3], [sflag:$0x3] =	stream.linear.gather [hbm4b:s0+s3], $0x800, $0x38;
	[tilespmem:$0x19000] =	vst v63  }
0x157: {  	_ =	swait.ge [sflag:s13], $0x800  }
0x158: {  	s1 =	rddreg [dreg:$0x7];
	[sflag:s13] =	ssyncset.done $0x0  }
0x159: {  	[sflag:s13] =	ssyncadd.s32 $0xFFFFF800;
	s0 =	sadd.s32 $0x0, s1  }
0x15a: {  	[tilespmem:s14], [sflag:$0x3] =	stream.linear.gather [hbm4b:s0+s3], $0x800, $0x38;
	[tilespmem:$0x19000] =	vst v63  }
0x15b: {  	_ =	swait.ge [sflag:s13], $0x800  }
0x15c: {  	[sflag:s13] =	ssyncset.done $0x0  }
0x15d: {  	[sflag:s13] =	ssyncadd.s32 $0xFFFFF800  }
0x15e: {  	[tilespmem:s16], [sflag:$0x1] =	stream.indirect.gather [hbm4b:s5+s15], $0x80, s3, s15, $0xb8;
	[tilespmem:$0x19000] =	vst v63  }
0x15f: {  	s1 =	simm.s32 $0x80  }
0x160: {  	[tilespmem:s18], [sflag:$0x2] =	stream.indirect.gather [hbm4b:s5+s15], $0x80, s1, s15, $0xb8;
	[tilespmem:$0x19000] =	vst v63  }
0x161: {  	_ =	swait.ge [sflag:s19], $0x2000  }
0x162: {  	[sflag:s19] =	ssyncset.done $0x0  }
0x163: {  	[sflag:s19] =	ssyncadd.s32 $0xFFFFE000  }
0x164: {  	[spmem:s2] =	stream.indirect.scatter.add.f32 [tilespmem:s16], [sflag:$0x3], $0x80, s14, s15, $0xb8;
	[tilespmem:$0x19000] =	vst v63  }
0x165: {  	_ =	swait.ge [sflag:s13], $0x2000  }
0x166: {  	[sflag:s13] =	ssyncset.done $0x0  }
0x167: {  	[sflag:s13] =	ssyncadd.s32 $0xFFFFE000  }
0x168: {  	_ =	swait.ge [sflag:s20], $0x2000  }
0x169: {  	[sflag:s20] =	ssyncset.done $0x0  }
0x16a: {  	s1 =	simm.s32 $0x880;
	[sflag:s20] =	ssyncadd.s32 $0xFFFFE000  }
0x16b: {  	[spmem:s2] =	stream.indirect.scatter.add.f32 [tilespmem:s18], [sflag:$0x3], $0x80, s1, s15, $0xb8;
	[tilespmem:$0x19000] =	vst v63  }
0x16c: {  	_ =	swait.ge [sflag:s13], $0x2000  }
0x16d: {  	[sflag:s13] =	ssyncset.done $0x0  }
0x16e: {  	s1 =	simm.s32 $0x100;
	[sflag:s13] =	ssyncadd.s32 $0xFFFFE000  }
0x16f: {  	[tilespmem:s16], [sflag:$0x1] =	stream.indirect.gather [hbm4b:s5+s15], $0x80, s1, s15, $0xb8;
	[tilespmem:$0x19000] =	vst v63  }
0x170: {  	s1 =	simm.s32 $0x180  }
0x171: {  	[tilespmem:s18], [sflag:$0x2] =	stream.indirect.gather [hbm4b:s5+s15], $0x80, s1, s15, $0xb8;
	[tilespmem:$0x19000] =	vst v63  }
0x172: {  	_ =	swait.ge [sflag:s19], $0x2000  }
0x173: {  	[sflag:s19] =	ssyncset.done $0x0  }
0x174: {  	s1 =	simm.s32 $0x900;
	[sflag:s19] =	ssyncadd.s32 $0xFFFFE000  }
0x175: {  	[spmem:s2] =	stream.indirect.scatter.add.f32 [tilespmem:s16], [sflag:$0x3], $0x80, s1, s15, $0xb8;
	[tilespmem:$0x19000] =	vst v63  }
0x176: {  	_ =	swait.ge [sflag:s13], $0x2000  }
0x177: {  	[sflag:s13] =	ssyncset.done $0x0  }
0x178: {  	[sflag:s13] =	ssyncadd.s32 $0xFFFFE000  }
0x179: {  	_ =	swait.ge [sflag:s20], $0x2000  }
0x17a: {  	[sflag:s20] =	ssyncset.done $0x0  }
0x17b: {  	s1 =	simm.s32 $0x980;
	[sflag:s20] =	ssyncadd.s32 $0xFFFFE000  }
0x17c: {  	[spmem:s2] =	stream.indirect.scatter.add.f32 [tilespmem:s18], [sflag:$0x3], $0x80, s1, s15, $0xb8;
	[tilespmem:$0x19000] =	vst v63  }
0x17d: {  	_ =	swait.ge [sflag:s13], $0x2000  }
0x17e: {  	[sflag:s13] =	ssyncset.done $0x0  }
0x17f: {  	s1 =	simm.s32 $0x200;
	[sflag:s13] =	ssyncadd.s32 $0xFFFFE000  }
0x180: {  	[tilespmem:s16], [sflag:$0x1] =	stream.indirect.gather [hbm4b:s5+s15], $0x80, s1, s15, $0xb8;
	[tilespmem:$0x19000] =	vst v63  }
0x181: {  	s1 =	simm.s32 $0x280  }
0x182: {  	[tilespmem:s18], [sflag:$0x2] =	stream.indirect.gather [hbm4b:s5+s15], $0x80, s1, s15, $0xb8;
	[tilespmem:$0x19000] =	vst v63  }
0x183: {  	_ =	swait.ge [sflag:s19], $0x2000  }
0x184: {  	[sflag:s19] =	ssyncset.done $0x0  }
0x185: {  	s1 =	simm.s32 $0xA00;
	[sflag:s19] =	ssyncadd.s32 $0xFFFFE000  }
0x186: {  	[spmem:s2] =	stream.indirect.scatter.add.f32 [tilespmem:s16], [sflag:$0x3], $0x80, s1, s15, $0xb8;
	[tilespmem:$0x19000] =	vst v63  }
0x187: {  	_ =	swait.ge [sflag:s13], $0x2000  }
0x188: {  	[sflag:s13] =	ssyncset.done $0x0  }
0x189: {  	[sflag:s13] =	ssyncadd.s32 $0xFFFFE000  }
0x18a: {  	_ =	swait.ge [sflag:s20], $0x2000  }
0x18b: {  	[sflag:s20] =	ssyncset.done $0x0  }
0x18c: {  	s1 =	simm.s32 $0xA80;
	[sflag:s20] =	ssyncadd.s32 $0xFFFFE000  }
0x18d: {  	[spmem:s2] =	stream.indirect.scatter.add.f32 [tilespmem:s18], [sflag:$0x3], $0x80, s1, s15, $0xb8;
	[tilespmem:$0x19000] =	vst v63  }
0x18e: {  	_ =	swait.ge [sflag:s13], $0x2000  }
0x18f: {  	[sflag:s13] =	ssyncset.done $0x0  }
0x190: {  	s1 =	simm.s32 $0x300;
	[sflag:s13] =	ssyncadd.s32 $0xFFFFE000  }
0x191: {  	[tilespmem:s16], [sflag:$0x1] =	stream.indirect.gather [hbm4b:s5+s15], $0x80, s1, s15, $0xb8;
	[tilespmem:$0x19000] =	vst v63  }
0x192: {  	s1 =	simm.s32 $0x380  }
0x193: {  	[tilespmem:s18], [sflag:$0x2] =	stream.indirect.gather [hbm4b:s5+s15], $0x80, s1, s15, $0xb8;
	[tilespmem:$0x19000] =	vst v63  }
0x194: {  	_ =	swait.ge [sflag:s19], $0x2000  }
0x195: {  	[sflag:s19] =	ssyncset.done $0x0  }
0x196: {  	s1 =	simm.s32 $0xB00;
	[sflag:s19] =	ssyncadd.s32 $0xFFFFE000  }
0x197: {  	[spmem:s2] =	stream.indirect.scatter.add.f32 [tilespmem:s16], [sflag:$0x3], $0x80, s1, s15, $0xb8;
	[tilespmem:$0x19000] =	vst v63  }
0x198: {  	_ =	swait.ge [sflag:s13], $0x2000  }
0x199: {  	[sflag:s13] =	ssyncset.done $0x0  }
0x19a: {  	[sflag:s13] =	ssyncadd.s32 $0xFFFFE000  }
0x19b: {  	_ =	swait.ge [sflag:s20], $0x2000  }
0x19c: {  	[sflag:s20] =	ssyncset.done $0x0  }
0x19d: {  	[sflag:s20] =	ssyncadd.s32 $0xFFFFE000  }
0x19e: {  	[spmem:s2] =	stream.indirect.scatter.add.f32 [tilespmem:s18], [sflag:$0x3], $0x80, s26, s15, $0xb8;
	[tilespmem:$0x19000] =	vst v63  }
0x19f: {  	_ =	swait.ge [sflag:s13], $0x2000  }
0x1a0: {  	[sflag:s13] =	ssyncset.done $0x0  }
0x1a1: {  	[sflag:s13] =	ssyncadd.s32 $0xFFFFE000  }
0x1a2: {  	[tilespmem:s16], [sflag:$0x1] =	stream.indirect.gather [hbm4b:s5+s15], $0x80, s28, s15, $0xb8;
	[tilespmem:$0x19000] =	vst v63  }
0x1a3: {  	_ = 	snop  }
0x1a4: {  	[tilespmem:s18], [sflag:$0x2] =	stream.indirect.gather [hbm4b:s5+s15], $0x80, s29, s15, $0xb8;
	[tilespmem:$0x19000] =	vst v63  }
0x1a5: {  	_ =	swait.ge [sflag:s19], $0x2000  }
0x1a6: {  	[sflag:s19] =	ssyncset.done $0x0  }
0x1a7: {  	[sflag:s19] =	ssyncadd.s32 $0xFFFFE000  }
0x1a8: {  	[spmem:s2] =	stream.indirect.scatter.add.f32 [tilespmem:s16], [sflag:$0x3], $0x80, s30, s15, $0xb8;
	[tilespmem:$0x19000] =	vst v63  }
0x1a9: {  	_ =	swait.ge [sflag:s13], $0x2000  }
0x1aa: {  	[sflag:s13] =	ssyncset.done $0x0  }
0x1ab: {  	[sflag:s13] =	ssyncadd.s32 $0xFFFFE000  }
0x1ac: {  	_ =	swait.ge [sflag:s20], $0x2000  }
0x1ad: {  	[sflag:s20] =	ssyncset.done $0x0  }
0x1ae: {  	[sflag:s20] =	ssyncadd.s32 $0xFFFFE000  }
0x1af: {  	[spmem:s2] =	stream.indirect.scatter.add.f32 [tilespmem:s18], [sflag:$0x3], $0x80, s6, s15, $0xb8;
	[tilespmem:$0x19000] =	vst v63  }
0x1b0: {  	_ =	swait.ge [sflag:s13], $0x2000  }
0x1b1: {  	[sflag:s13] =	ssyncset.done $0x0  }
0x1b2: {  	[sflag:s13] =	ssyncadd.s32 $0xFFFFE000  }
0x1b3: {  	[tilespmem:s16], [sflag:$0x1] =	stream.indirect.gather [hbm4b:s5+s15], $0x80, s8, s15, $0xb8;
	[tilespmem:$0x19000] =	vst v63  }
0x1b4: {  	_ = 	snop  }
0x1b5: {  	[tilespmem:s18], [sflag:$0x2] =	stream.indirect.gather [hbm4b:s5+s15], $0x80, s9, s15, $0xb8;
	[tilespmem:$0x19000] =	vst v63  }
0x1b6: {  	_ =	swait.ge [sflag:s19], $0x2000  }
0x1b7: {  	[sflag:s19] =	ssyncset.done $0x0  }
0x1b8: {  	[sflag:s19] =	ssyncadd.s32 $0xFFFFE000  }
0x1b9: {  	[spmem:s2] =	stream.indirect.scatter.add.f32 [tilespmem:s16], [sflag:$0x3], $0x80, s10, s15, $0xb8;
	[tilespmem:$0x19000] =	vst v63  }
0x1ba: {  	_ =	swait.ge [sflag:s13], $0x2000  }
0x1bb: {  	[sflag:s13] =	ssyncset.done $0x0  }
0x1bc: {  	[sflag:s13] =	ssyncadd.s32 $0xFFFFE000  }
0x1bd: {  	_ =	swait.ge [sflag:s20], $0x2000  }
0x1be: {  	[sflag:s20] =	ssyncset.done $0x0  }
0x1bf: {  	[sflag:s20] =	ssyncadd.s32 $0xFFFFE000  }
0x1c0: {  	[spmem:s2] =	stream.indirect.scatter.add.f32 [tilespmem:s18], [sflag:$0x3], $0x80, s11, s15, $0xb8;
	[tilespmem:$0x19000] =	vst v63  }
0x1c1: {  	_ =	swait.ge [sflag:s13], $0x2000  }
0x1c2: {  	[sflag:s13] =	ssyncset.done $0x0  }
0x1c3: {  	[sflag:s13] =	ssyncadd.s32 $0xFFFFE000  }
0x1c4: {  	[tilespmem:s16], [sflag:$0x1] =	stream.indirect.gather [hbm4b:s5+s15], $0x80, s7, s15, $0xb8;
	[tilespmem:$0x19000] =	vst v63  }
0x1c5: {  	_ = 	snop  }
0x1c6: {  	[tilespmem:s18], [sflag:$0x2] =	stream.indirect.gather [hbm4b:s5+s15], $0x80, s12, s15, $0xb8;
	[tilespmem:$0x19000] =	vst v63  }
0x1c7: {  	_ =	swait.ge [sflag:s19], $0x2000  }
0x1c8: {  	[sflag:s19] =	ssyncset.done $0x0  }
0x1c9: {  	[sflag:s19] =	ssyncadd.s32 $0xFFFFE000  }
0x1ca: {  	[spmem:s2] =	stream.indirect.scatter.add.f32 [tilespmem:s16], [sflag:$0x3], $0x80, s17, s15, $0xb8;
	[tilespmem:$0x19000] =	vst v63  }
0x1cb: {  	_ =	swait.ge [sflag:s13], $0x2000  }
0x1cc: {  	[sflag:s13] =	ssyncset.done $0x0  }
0x1cd: {  	[sflag:s13] =	ssyncadd.s32 $0xFFFFE000  }
0x1ce: {  	_ =	swait.ge [sflag:s20], $0x2000  }
0x1cf: {  	[sflag:s20] =	ssyncset.done $0x0  }
0x1d0: {  	[sflag:s20] =	ssyncadd.s32 $0xFFFFE000  }
0x1d1: {  	[spmem:s2] =	stream.indirect.scatter.add.f32 [tilespmem:s18], [sflag:$0x3], $0x80, s21, s15, $0xb8;
	[tilespmem:$0x19000] =	vst v63  }
0x1d2: {  	_ =	swait.ge [sflag:s13], $0x2000  }
0x1d3: {  	[sflag:s13] =	ssyncset.done $0x0  }
0x1d4: {  	[sflag:s13] =	ssyncadd.s32 $0xFFFFE000  }
0x1d5: {  	[tilespmem:s16], [sflag:$0x1] =	stream.indirect.gather [hbm4b:s5+s15], $0x80, s22, s15, $0xb8;
	[tilespmem:$0x19000] =	vst v63  }
0x1d6: {  	_ = 	snop  }
0x1d7: {  	[tilespmem:s18], [sflag:$0x2] =	stream.indirect.gather [hbm4b:s5+s15], $0x80, s23, s15, $0xb8;
	[tilespmem:$0x19000] =	vst v63  }
0x1d8: {  	_ =	swait.ge [sflag:s19], $0x2000  }
0x1d9: {  	[sflag:s19] =	ssyncset.done $0x0  }
0x1da: {  	[sflag:s19] =	ssyncadd.s32 $0xFFFFE000  }
0x1db: {  	[spmem:s2] =	stream.indirect.scatter.add.f32 [tilespmem:s16], [sflag:$0x3], $0x80, s24, s15, $0xb8;
	[tilespmem:$0x19000] =	vst v63  }
0x1dc: {  	_ =	swait.ge [sflag:s13], $0x2000  }
0x1dd: {  	[sflag:s13] =	ssyncset.done $0x0  }
0x1de: {  	[sflag:s13] =	ssyncadd.s32 $0xFFFFE000  }
0x1df: {  	_ =	swait.ge [sflag:s20], $0x2000  }
0x1e0: {  	[sflag:s20] =	ssyncset.done $0x0  }
0x1e1: {  	[sflag:s20] =	ssyncadd.s32 $0xFFFFE000  }
0x1e2: {  	[spmem:s2] =	stream.indirect.scatter.add.f32 [tilespmem:s18], [sflag:$0x3], $0x80, s25, s15, $0xb8;
	[tilespmem:$0x19000] =	vst v63  }
0x1e3: {  	s31 =	simm.s32 $0x100;
	_ =	swait.ge [sflag:s13], $0x2000  }
.LBB2_4:
0x1e4: {  	s0 =	rddreg [dreg:$0x6];
	s1 =	smov.u32 s31;
	[sflag:s13] =	ssyncset.done $0x0  }
0x1e5: {  	s0 =	sadd.s32 s1, s0;
	[sflag:s13] =	ssyncadd.s32 $0xFFFFE000  }
0x1e6: {  	[tilespmem:s3], [sflag:$0x3] =	stream.linear.gather [hbm4b:s0+s3], $0x800, $0x38;
	[tilespmem:$0x19000] =	vst v63  }
0x1e7: {  	_ =	swait.ge [sflag:s13], $0x800  }
0x1e8: {  	s0 =	rddreg [dreg:$0x7];
	[sflag:s13] =	ssyncset.done $0x0  }
0x1e9: {  	[sflag:s13] =	ssyncadd.s32 $0xFFFFF800;
	s0 =	sadd.s32 s1, s0  }
0x1ea: {  	[tilespmem:s14], [sflag:$0x3] =	stream.linear.gather [hbm4b:s0+s3], $0x800, $0x38;
	[tilespmem:$0x19000] =	vst v63  }
0x1eb: {  	_ =	swait.ge [sflag:s13], $0x800  }
0x1ec: {  	[sflag:s13] =	ssyncset.done $0x0  }
0x1ed: {  	[sflag:s13] =	ssyncadd.s32 $0xFFFFF800  }
0x1ee: {  	[tilespmem:s16], [sflag:$0x1] =	stream.indirect.gather [hbm4b:s5+s15], $0x80, s3, s15, $0xb8;
	[tilespmem:$0x19000] =	vst v63  }
0x1ef: {  	s1 =	simm.s32 $0x80  }
0x1f0: {  	[tilespmem:s18], [sflag:$0x2] =	stream.indirect.gather [hbm4b:s5+s15], $0x80, s1, s15, $0xb8;
	[tilespmem:$0x19000] =	vst v63  }
0x1f1: {  	_ =	swait.ge [sflag:s19], $0x2000  }
0x1f2: {  	[sflag:s19] =	ssyncset.done $0x0  }
0x1f3: {  	[sflag:s19] =	ssyncadd.s32 $0xFFFFE000  }
0x1f4: {  	[spmem:s2] =	stream.indirect.scatter.add.f32 [tilespmem:s16], [sflag:$0x3], $0x80, s14, s15, $0xb8;
	[tilespmem:$0x19000] =	vst v63  }
0x1f5: {  	_ =	swait.ge [sflag:s13], $0x2000  }
0x1f6: {  	[sflag:s13] =	ssyncset.done $0x0  }
0x1f7: {  	[sflag:s13] =	ssyncadd.s32 $0xFFFFE000  }
0x1f8: {  	_ =	swait.ge [sflag:s20], $0x2000  }
0x1f9: {  	[sflag:s20] =	ssyncset.done $0x0  }
0x1fa: {  	s1 =	simm.s32 $0x880;
	[sflag:s20] =	ssyncadd.s32 $0xFFFFE000  }
0x1fb: {  	[spmem:s2] =	stream.indirect.scatter.add.f32 [tilespmem:s18], [sflag:$0x3], $0x80, s1, s15, $0xb8;
	[tilespmem:$0x19000] =	vst v63  }
0x1fc: {  	_ =	swait.ge [sflag:s13], $0x2000  }
0x1fd: {  	[sflag:s13] =	ssyncset.done $0x0  }
0x1fe: {  	s1 =	simm.s32 $0x100;
	[sflag:s13] =	ssyncadd.s32 $0xFFFFE000  }
0x1ff: {  	[tilespmem:s16], [sflag:$0x1] =	stream.indirect.gather [hbm4b:s5+s15], $0x80, s1, s15, $0xb8;
	[tilespmem:$0x19000] =	vst v63  }
0x200: {  	s1 =	simm.s32 $0x180  }
0x201: {  	[tilespmem:s18], [sflag:$0x2] =	stream.indirect.gather [hbm4b:s5+s15], $0x80, s1, s15, $0xb8;
	[tilespmem:$0x19000] =	vst v63  }
0x202: {  	_ =	swait.ge [sflag:s19], $0x2000  }
0x203: {  	[sflag:s19] =	ssyncset.done $0x0  }
0x204: {  	s1 =	simm.s32 $0x900;
	[sflag:s19] =	ssyncadd.s32 $0xFFFFE000  }
0x205: {  	[spmem:s2] =	stream.indirect.scatter.add.f32 [tilespmem:s16], [sflag:$0x3], $0x80, s1, s15, $0xb8;
	[tilespmem:$0x19000] =	vst v63  }
0x206: {  	_ =	swait.ge [sflag:s13], $0x2000  }
0x207: {  	[sflag:s13] =	ssyncset.done $0x0  }
0x208: {  	[sflag:s13] =	ssyncadd.s32 $0xFFFFE000  }
0x209: {  	_ =	swait.ge [sflag:s20], $0x2000  }
0x20a: {  	[sflag:s20] =	ssyncset.done $0x0  }
0x20b: {  	s1 =	simm.s32 $0x980;
	[sflag:s20] =	ssyncadd.s32 $0xFFFFE000  }
0x20c: {  	[spmem:s2] =	stream.indirect.scatter.add.f32 [tilespmem:s18], [sflag:$0x3], $0x80, s1, s15, $0xb8;
	[tilespmem:$0x19000] =	vst v63  }
0x20d: {  	_ =	swait.ge [sflag:s13], $0x2000  }
0x20e: {  	[sflag:s13] =	ssyncset.done $0x0  }
0x20f: {  	s1 =	simm.s32 $0x200;
	[sflag:s13] =	ssyncadd.s32 $0xFFFFE000  }
0x210: {  	[tilespmem:s16], [sflag:$0x1] =	stream.indirect.gather [hbm4b:s5+s15], $0x80, s1, s15, $0xb8;
	[tilespmem:$0x19000] =	vst v63  }
0x211: {  	s1 =	simm.s32 $0x280  }
0x212: {  	[tilespmem:s18], [sflag:$0x2] =	stream.indirect.gather [hbm4b:s5+s15], $0x80, s1, s15, $0xb8;
	[tilespmem:$0x19000] =	vst v63  }
0x213: {  	_ =	swait.ge [sflag:s19], $0x2000  }
0x214: {  	[sflag:s19] =	ssyncset.done $0x0  }
0x215: {  	s1 =	simm.s32 $0xA00;
	[sflag:s19] =	ssyncadd.s32 $0xFFFFE000  }
0x216: {  	[spmem:s2] =	stream.indirect.scatter.add.f32 [tilespmem:s16], [sflag:$0x3], $0x80, s1, s15, $0xb8;
	[tilespmem:$0x19000] =	vst v63  }
0x217: {  	_ =	swait.ge [sflag:s13], $0x2000  }
0x218: {  	[sflag:s13] =	ssyncset.done $0x0  }
0x219: {  	[sflag:s13] =	ssyncadd.s32 $0xFFFFE000  }
0x21a: {  	_ =	swait.ge [sflag:s20], $0x2000  }
0x21b: {  	[sflag:s20] =	ssyncset.done $0x0  }
0x21c: {  	s1 =	simm.s32 $0xA80;
	[sflag:s20] =	ssyncadd.s32 $0xFFFFE000  }
0x21d: {  	[spmem:s2] =	stream.indirect.scatter.add.f32 [tilespmem:s18], [sflag:$0x3], $0x80, s1, s15, $0xb8;
	[tilespmem:$0x19000] =	vst v63  }
0x21e: {  	_ =	swait.ge [sflag:s13], $0x2000  }
0x21f: {  	[sflag:s13] =	ssyncset.done $0x0  }
0x220: {  	s1 =	simm.s32 $0x300;
	[sflag:s13] =	ssyncadd.s32 $0xFFFFE000  }
0x221: {  	[tilespmem:s16], [sflag:$0x1] =	stream.indirect.gather [hbm4b:s5+s15], $0x80, s1, s15, $0xb8;
	[tilespmem:$0x19000] =	vst v63  }
0x222: {  	s1 =	simm.s32 $0x380  }
0x223: {  	[tilespmem:s18], [sflag:$0x2] =	stream.indirect.gather [hbm4b:s5+s15], $0x80, s1, s15, $0xb8;
	[tilespmem:$0x19000] =	vst v63  }
0x224: {  	_ =	swait.ge [sflag:s19], $0x2000  }
0x225: {  	[sflag:s19] =	ssyncset.done $0x0  }
0x226: {  	s1 =	simm.s32 $0xB00;
	[sflag:s19] =	ssyncadd.s32 $0xFFFFE000  }
0x227: {  	[spmem:s2] =	stream.indirect.scatter.add.f32 [tilespmem:s16], [sflag:$0x3], $0x80, s1, s15, $0xb8;
	[tilespmem:$0x19000] =	vst v63  }
0x228: {  	_ =	swait.ge [sflag:s13], $0x2000  }
0x229: {  	[sflag:s13] =	ssyncset.done $0x0  }
0x22a: {  	[sflag:s13] =	ssyncadd.s32 $0xFFFFE000  }
0x22b: {  	_ =	swait.ge [sflag:s20], $0x2000  }
0x22c: {  	[sflag:s20] =	ssyncset.done $0x0  }
0x22d: {  	[sflag:s20] =	ssyncadd.s32 $0xFFFFE000  }
0x22e: {  	[spmem:s2] =	stream.indirect.scatter.add.f32 [tilespmem:s18], [sflag:$0x3], $0x80, s26, s15, $0xb8;
	[tilespmem:$0x19000] =	vst v63  }
0x22f: {  	_ =	swait.ge [sflag:s13], $0x2000  }
0x230: {  	[sflag:s13] =	ssyncset.done $0x0  }
0x231: {  	[sflag:s13] =	ssyncadd.s32 $0xFFFFE000  }
0x232: {  	[tilespmem:s16], [sflag:$0x1] =	stream.indirect.gather [hbm4b:s5+s15], $0x80, s28, s15, $0xb8;
	[tilespmem:$0x19000] =	vst v63  }
0x233: {  	_ = 	snop  }
0x234: {  	[tilespmem:s18], [sflag:$0x2] =	stream.indirect.gather [hbm4b:s5+s15], $0x80, s29, s15, $0xb8;
	[tilespmem:$0x19000] =	vst v63  }
0x235: {  	_ =	swait.ge [sflag:s19], $0x2000  }
0x236: {  	[sflag:s19] =	ssyncset.done $0x0  }
0x237: {  	[sflag:s19] =	ssyncadd.s32 $0xFFFFE000  }
0x238: {  	[spmem:s2] =	stream.indirect.scatter.add.f32 [tilespmem:s16], [sflag:$0x3], $0x80, s30, s15, $0xb8;
	[tilespmem:$0x19000] =	vst v63  }
0x239: {  	_ =	swait.ge [sflag:s13], $0x2000  }
0x23a: {  	[sflag:s13] =	ssyncset.done $0x0  }
0x23b: {  	[sflag:s13] =	ssyncadd.s32 $0xFFFFE000  }
0x23c: {  	_ =	swait.ge [sflag:s20], $0x2000  }
0x23d: {  	[sflag:s20] =	ssyncset.done $0x0  }
0x23e: {  	[sflag:s20] =	ssyncadd.s32 $0xFFFFE000  }
0x23f: {  	[spmem:s2] =	stream.indirect.scatter.add.f32 [tilespmem:s18], [sflag:$0x3], $0x80, s6, s15, $0xb8;
	[tilespmem:$0x19000] =	vst v63  }
0x240: {  	_ =	swait.ge [sflag:s13], $0x2000  }
0x241: {  	[sflag:s13] =	ssyncset.done $0x0  }
0x242: {  	[sflag:s13] =	ssyncadd.s32 $0xFFFFE000  }
0x243: {  	[tilespmem:s16], [sflag:$0x1] =	stream.indirect.gather [hbm4b:s5+s15], $0x80, s8, s15, $0xb8;
	[tilespmem:$0x19000] =	vst v63  }
0x244: {  	_ = 	snop  }
0x245: {  	[tilespmem:s18], [sflag:$0x2] =	stream.indirect.gather [hbm4b:s5+s15], $0x80, s9, s15, $0xb8;
	[tilespmem:$0x19000] =	vst v63  }
0x246: {  	_ =	swait.ge [sflag:s19], $0x2000  }
0x247: {  	[sflag:s19] =	ssyncset.done $0x0  }
0x248: {  	[sflag:s19] =	ssyncadd.s32 $0xFFFFE000  }
0x249: {  	[spmem:s2] =	stream.indirect.scatter.add.f32 [tilespmem:s16], [sflag:$0x3], $0x80, s10, s15, $0xb8;
	[tilespmem:$0x19000] =	vst v63  }
0x24a: {  	_ =	swait.ge [sflag:s13], $0x2000  }
0x24b: {  	[sflag:s13] =	ssyncset.done $0x0  }
0x24c: {  	[sflag:s13] =	ssyncadd.s32 $0xFFFFE000  }
0x24d: {  	_ =	swait.ge [sflag:s20], $0x2000  }
0x24e: {  	[sflag:s20] =	ssyncset.done $0x0  }
0x24f: {  	[sflag:s20] =	ssyncadd.s32 $0xFFFFE000  }
0x250: {  	[spmem:s2] =	stream.indirect.scatter.add.f32 [tilespmem:s18], [sflag:$0x3], $0x80, s11, s15, $0xb8;
	[tilespmem:$0x19000] =	vst v63  }
0x251: {  	_ =	swait.ge [sflag:s13], $0x2000  }
0x252: {  	[sflag:s13] =	ssyncset.done $0x0  }
0x253: {  	[sflag:s13] =	ssyncadd.s32 $0xFFFFE000  }
0x254: {  	[tilespmem:s16], [sflag:$0x1] =	stream.indirect.gather [hbm4b:s5+s15], $0x80, s7, s15, $0xb8;
	[tilespmem:$0x19000] =	vst v63  }
0x255: {  	_ = 	snop  }
0x256: {  	[tilespmem:s18], [sflag:$0x2] =	stream.indirect.gather [hbm4b:s5+s15], $0x80, s12, s15, $0xb8;
	[tilespmem:$0x19000] =	vst v63  }
0x257: {  	_ =	swait.ge [sflag:s19], $0x2000  }
0x258: {  	[sflag:s19] =	ssyncset.done $0x0  }
0x259: {  	[sflag:s19] =	ssyncadd.s32 $0xFFFFE000  }
0x25a: {  	[spmem:s2] =	stream.indirect.scatter.add.f32 [tilespmem:s16], [sflag:$0x3], $0x80, s17, s15, $0xb8;
	[tilespmem:$0x19000] =	vst v63  }
0x25b: {  	_ =	swait.ge [sflag:s13], $0x2000  }
0x25c: {  	[sflag:s13] =	ssyncset.done $0x0  }
0x25d: {  	[sflag:s13] =	ssyncadd.s32 $0xFFFFE000  }
0x25e: {  	_ =	swait.ge [sflag:s20], $0x2000  }
0x25f: {  	[sflag:s20] =	ssyncset.done $0x0  }
0x260: {  	[sflag:s20] =	ssyncadd.s32 $0xFFFFE000  }
0x261: {  	[spmem:s2] =	stream.indirect.scatter.add.f32 [tilespmem:s18], [sflag:$0x3], $0x80, s21, s15, $0xb8;
	[tilespmem:$0x19000] =	vst v63  }
0x262: {  	_ =	swait.ge [sflag:s13], $0x2000  }
0x263: {  	[sflag:s13] =	ssyncset.done $0x0  }
0x264: {  	[sflag:s13] =	ssyncadd.s32 $0xFFFFE000  }
0x265: {  	[tilespmem:s16], [sflag:$0x1] =	stream.indirect.gather [hbm4b:s5+s15], $0x80, s22, s15, $0xb8;
	[tilespmem:$0x19000] =	vst v63  }
0x266: {  	_ = 	snop  }
0x267: {  	[tilespmem:s18], [sflag:$0x2] =	stream.indirect.gather [hbm4b:s5+s15], $0x80, s23, s15, $0xb8;
	[tilespmem:$0x19000] =	vst v63  }
0x268: {  	_ =	swait.ge [sflag:s19], $0x2000  }
0x269: {  	[sflag:s19] =	ssyncset.done $0x0  }
0x26a: {  	[sflag:s19] =	ssyncadd.s32 $0xFFFFE000  }
0x26b: {  	[spmem:s2] =	stream.indirect.scatter.add.f32 [tilespmem:s16], [sflag:$0x3], $0x80, s24, s15, $0xb8;
	[tilespmem:$0x19000] =	vst v63  }
0x26c: {  	_ =	swait.ge [sflag:s13], $0x2000  }
0x26d: {  	[sflag:s13] =	ssyncset.done $0x0  }
0x26e: {  	p0 =	sne.s32 s31, $0x900;
	[sflag:s13] =	ssyncadd.s32 $0xFFFFE000  }
.Ltmp1:
0x26f: {  	_ =	swait.ge [sflag:s20], $0x2000;
	(pc) =	sbr.rel @p0 .LBB2_4-.Ltmp1, $4  }
0x270: {  	[sflag:s20] =	ssyncset.done $0x0  }
0x271: {  	[sflag:s20] =	ssyncadd.s32 $0xFFFFE000  }
0x272: {  	[spmem:s2] =	stream.indirect.scatter.add.f32 [tilespmem:s18], [sflag:$0x3], $0x80, s25, s15, $0xb8;
	[tilespmem:$0x19000] =	vst v63  }
0x273: {  	s31 =	sadd.s32 $0x100, s31;
	_ =	swait.ge [sflag:s13], $0x2000  }
0x274: {  	[sflag:s13] =	ssyncset.done $0x0  }
0x275: {  	[sflag:s13] =	ssyncadd.s32 $0xFFFFE000  }
0x276: {  	[bflag:$0x0] =	sbarrier.arrive $0xFFFF  }
0x277: {  	s31 =	rddreg [dreg:$0x9]  }
0x278: {  	s0 =	rddreg [dreg:$0xc]  }
0x279: {  	s1 =	rddreg [dreg:$0xe]  }
0x27a: {  	[hbm:s0], [sflag:s31] =	dma.local [spmem:s1], $0x2800  }
0x27b: {  	_ =	swait.ge [sflag:s13], $0x2800  }
0x27c: {  	s6 =	rddreg [dreg:$0xf]  }
0x27d: {  	s0 =	rddreg [dreg:$0xd];
	s6 =	sadd.s32 $0x1, s6  }
0x27e: {  	p0 =	sne.s32 s6, s0  }
.Ltmp2:
0x27f: {  	_ = 	snop;
	(pc) =	sbr.rel @p0 .LBB2_1-.Ltmp2, $3  }
0x280: {  	[sflag:s13] =	ssyncset.done $0x0  }
0x281: {  	[sflag:s13] =	ssyncadd.s32 $0xFFFFD800  }
0x282: {  	[bflag:$0x0] =	sbarrier.arrive $0xFFFF;
	_ =	sdelay $0x1  }
0x283: {  	_ =	sfence.sel $0x180000  }
0x284: {  	[bflag:$0x0] =	sbarrier.arrive $0xFFFF  }
0x285: {  	_ =	strace $0x9000004D  }
0x286: {  	s0 =	stileid.u32;
	[bflag:$0x2] =	sbarrier.arrive $0xFFFF  }
0x287: {  	p0 =	sne.s32 s0, $0x0;
	s0 =	rddreg [dreg:$0x3]  }
0x288: {  	s0 =	sadd.s32 @!p0 $0x100000, s0  }
0x289: {  	[sflag:s0] =	ssyncadd.tile.s32 @!p0 $0x1;
	_ =	shalt  }
.Lfunc_end2:
_tile_overlayer_lowered:
.L_overlay_start_2:
0x28a: {  	(tag) =	ssettag $0x2  }
0x28b: {  	s0 =	rddreg [dreg:$0x0];
	s2 =	stileid.u32  }
0x28c: {  	s1 =	rddreg [dreg:$0x1];
	p0 =	sne.s32 s2, $0x0  }
0x28d: {  	s3 =	rddreg [dreg:$0x2];
	[bflag:$0x3] =	sbarrier.arrive $0xFFFF;
	s2 =	simm.s32 @!p0 $0x1C03  }
0x28e: {  	[timem:s3], [sflag:s2] =	dma.local @!p0 [hbm:s0], s1  }
0x28f: {  	s0 =	simm.s32 @!p0 $0x3  }
0x290: {  	_ =	swait.ge @!p0 [sflag:s0], s1  }
0x291: {  	s1 =	ssub.s32 @!p0 $0x0, s1;
	[sflag:s0] =	ssyncset.done @!p0 $0x0  }
0x292: {  	[sflag:s0] =	ssyncadd.s32 @!p0 s1  }
0x293: {  	[bflag:$0x3] =	sbarrier.arrive $0xFFFF  }
0x294: {  	_ =	shalt  }

</sc_bundles>
